<compile_context>
chip_gen: v7x
topology: tpu7x:2x2x1
jax: 0.10.2.dev20260603
libtpu: 0.0.44.dev20260713+nightly
codegen_flags: <defaults>
</compile_context>

<pallas_src>
import functools

import jax
import jax.numpy as jnp
from jax import lax
from jax.experimental import pallas as pl
from jax.experimental.pallas import tpu as pltpu
from jax.experimental.pallas import tpu_sc as plsc

N = 10000
E = 320000
D = 128
NC, NS = 2, 16
EPT = E // (NC * NS)
K = 125
NCHUNK = EPT // K
CPG = 16
G = NCHUNK // CPG
AK = 50
ANCHUNK = EPT // AK
ACPG = 40
AG = ANCHUNK // ACPG
NBUF = 4
NACC = 10112
RPT = NACC // NS
NDEG = 10240
DPT = NDEG // NS
BM = 5000
GRID = N // BM

_mesh = plsc.VectorSubcoreMesh(core_axis_name="c", subcore_axis_name="s")



@functools.partial(
    pl.kernel,
    mesh=_mesh,
    out_type=jax.ShapeDtypeStruct((NC * NDEG,), jnp.float32),
    scratch_types=[
        pltpu.VMEM((NCHUNK, K), jnp.int32),
        pltpu.VMEM((128,), jnp.float32),
        pltpu.VMEM((DPT,), jnp.float32),
        pltpu.VMEM_SHARED((NDEG,), jnp.float32),
    ],
)
def _deg_kernel(dst_hbm, out_hbm, dst_v, ones_v, zbuf, acc):
    c = lax.axis_index("c")
    s = lax.axis_index("s")
    pltpu.sync_copy(dst_hbm.at[c, s], dst_v)

    @pl.loop(0, 8)
    def _fill_ones(i):
        ones_v[pl.ds(i * 16, 16)] = jnp.ones((16,), jnp.float32)

    @pl.loop(0, DPT // 16)
    def _fill_zero(i):
        zbuf[pl.ds(i * 16, 16)] = jnp.zeros((16,), jnp.float32)

    pltpu.sync_copy(zbuf, acc.at[pl.ds(s * DPT, DPT)])
    plsc.subcore_barrier()

    @pl.loop(0, NCHUNK)
    def _scatter(j):
        pltpu.sync_copy(ones_v.at[pl.ds(0, K)], acc.at[dst_v.at[j]], add=True)

    plsc.subcore_barrier()
    pltpu.sync_copy(acc.at[pl.ds(s * DPT, DPT)],
                    out_hbm.at[pl.ds(c * NDEG + s * DPT, DPT)])


@functools.partial(
    pl.kernel,
    mesh=_mesh,
    out_type=jax.ShapeDtypeStruct((NC, NACC, D), jnp.float32),
    scratch_types=(
        [pltpu.VMEM((ACPG, AK), jnp.int32)] * 4
        + [pltpu.VMEM((AK, D), jnp.float32)] * NBUF
        + [pltpu.VMEM_SHARED((NACC, D), jnp.float32)]
        + [pltpu.SemaphoreType.DMA] * (NBUF + 1)
    ),
)
def _agg_kernel(g_hbm, src_hbm, dst_hbm, out_hbm, *refs):
    src0, dst0, src1, dst1 = refs[0:4]
    rows = refs[4:4 + NBUF]
    acc = refs[4 + NBUF]
    sems = refs[5 + NBUF:5 + 2 * NBUF]
    isem = refs[5 + 2 * NBUF]
    c = lax.axis_index("c")
    s = lax.axis_index("s")

    pltpu.sync_copy(src_hbm.at[c, s, 0], src0)
    pltpu.sync_copy(dst_hbm.at[c, s, 0], dst0)
    for b in range(NBUF - 1):
        pltpu.async_copy(g_hbm.at[src0.at[b]], rows[b], sems[b])

    zbuf = rows[NBUF - 1]

    @pl.loop(0, AK)
    def _fill_zero(i):
        @pl.loop(0, D // 16)
        def _inner(k):
            zbuf[i, pl.ds(k * 16, 16)] = jnp.zeros((16,), jnp.float32)

    @pl.loop(0, RPT // AK)
    def _zero_acc(i):
        pltpu.sync_copy(zbuf, acc.at[pl.ds(s * RPT + i * AK, AK)])

    pltpu.sync_copy(zbuf.at[pl.ds(0, RPT - (RPT // AK) * AK)],
                    acc.at[pl.ds(s * RPT + (RPT // AK) * AK,
                                 RPT - (RPT // AK) * AK)])
    plsc.subcore_barrier()

    def _group(g, cs, cd, nsrc, ndst):
        @pl.when(g + 1 < AG)
        def _prefetch():
            pltpu.async_copy(src_hbm.at[c, s, g + 1], nsrc, isem)
            pltpu.async_copy(dst_hbm.at[c, s, g + 1], ndst, isem)

        @pl.loop(0, ACPG, step=NBUF)
        def _inner(j):
            @pl.when(jnp.logical_and(j == ACPG - NBUF, g + 1 < AG))
            def _wait_idx():
                pltpu.make_async_copy(src_hbm.at[c, s, g + 1], nsrc, isem).wait()
                pltpu.make_async_copy(dst_hbm.at[c, s, g + 1], ndst, isem).wait()

            for b in range(NBUF):
                pltpu.make_async_copy(
                    g_hbm.at[cs.at[j + b]], rows[b], sems[b]).wait()
                nb = (b + NBUF - 1) % NBUF

                @pl.when(j + b + NBUF - 1 < ACPG)
                def _issue_in():
                    pltpu.async_copy(
                        g_hbm.at[cs.at[j + b + NBUF - 1]], rows[nb], sems[nb])

                @pl.when(jnp.logical_and(j + b + NBUF - 1 >= ACPG,
                                         g + 1 < AG))
                def _issue_cross():
                    pltpu.async_copy(
                        g_hbm.at[nsrc.at[j + b + NBUF - 1 - ACPG]],
                        rows[nb], sems[nb])

                pltpu.sync_copy(rows[b], acc.at[cd.at[j + b]], add=True)

    @pl.loop(0, AG, step=2)
    def _gpair(g):
        _group(g, src0, dst0, src1, dst1)

        @pl.when(g + 1 < AG)
        def _second():
            _group(g + 1, src1, dst1, src0, dst0)

    plsc.subcore_barrier()
    pltpu.sync_copy(acc.at[pl.ds(s * RPT, RPT)], out_hbm.at[c, pl.ds(s * RPT, RPT)])



def _tc_first_body(x_ref, w_ref, p0_ref, p1_ref, g_ref, dinv_ref):
    d = lax.rsqrt(p0_ref[...] + p1_ref[...] + 1.0)
    xw = jnp.dot(x_ref[...], w_ref[...], preferred_element_type=jnp.float32)
    g_ref[...] = xw * d
    dinv_ref[...] = d


def _tc_mid_body(a_ref, g_ref, dinv_ref, b_ref, w_ref, gout_ref):
    d = dinv_ref[...]
    y = d * (a_ref[0] + a_ref[1] + g_ref[...]) + b_ref[...]
    h = jnp.maximum(y, 0.0)
    gout_ref[...] = jnp.dot(h, w_ref[...], preferred_element_type=jnp.float32) * d


def _tc_last_body(a_ref, g_ref, dinv_ref, b_ref, out_ref):
    d = dinv_ref[...]
    out_ref[...] = d * (a_ref[0] + a_ref[1] + g_ref[...]) + b_ref[...]


def _rows(i):
    return (i, 0)


def _same(i):
    return (0, 0)


_b_rows = pl.BlockSpec((BM, D), _rows)
_b_parts = pl.BlockSpec((NC, BM, D), lambda i: (0, i, 0))
_b_col = pl.BlockSpec((BM, 1), _rows)
_b_w = pl.BlockSpec((D, D), _same)
_b_bias = pl.BlockSpec((1, D), _same)

_tc_first = pl.pallas_call(
    _tc_first_body,
    grid=(GRID,),
    in_specs=[_b_rows, _b_w, _b_col, _b_col],
    out_specs=[_b_rows, _b_col],
    out_shape=[
        jax.ShapeDtypeStruct((N, D), jnp.float32),
        jax.ShapeDtypeStruct((N, 1), jnp.float32),
    ],
)

_tc_mid = pl.pallas_call(
    _tc_mid_body,
    grid=(GRID,),
    in_specs=[_b_parts, _b_rows, _b_col, _b_bias, _b_w],
    out_specs=_b_rows,
    out_shape=jax.ShapeDtypeStruct((N, D), jnp.float32),
)

_tc_last = pl.pallas_call(
    _tc_last_body,
    grid=(GRID,),
    in_specs=[_b_parts, _b_rows, _b_col, _b_bias],
    out_specs=_b_rows,
    out_shape=jax.ShapeDtypeStruct((N, D), jnp.float32),
)



@jax.jit
def kernel(x, edge_index, W1, b1, W2, b2, W3, b3):
    ei = edge_index.astype(jnp.int32)
    src = ei[0].reshape(NC, NS, NCHUNK, K)
    dst = ei[1].reshape(NC, NS, NCHUNK, K)
    src_a = ei[0].reshape(NC, NS, AG, ACPG, AK)
    dst_a = ei[1].reshape(NC, NS, AG, ACPG, AK)

    deg = _deg_kernel(dst)
    p0 = deg[:N].reshape(N, 1)
    p1 = deg[NDEG:NDEG + N].reshape(N, 1)

    g1, dinv = _tc_first(x, W1, p0, p1)
    a1 = _agg_kernel(g1, src_a, dst_a)
    g2 = _tc_mid(a1, g1, dinv, b1.reshape(1, D), W2)
    a2 = _agg_kernel(g2, src_a, dst_a)
    g3 = _tc_mid(a2, g2, dinv, b2.reshape(1, D), W3)
    a3 = _agg_kernel(g3, src_a, dst_a)
    out = _tc_last(a3, g3, dinv, b3.reshape(1, D))
    return out

# --- scband reference (transcript-rebuilt; emitter-appended) ---
"""Pipeline reference for scband-gnnmodel-68985764708523 (READ-ONLY COPY).

The authoritative reference and input builder live on the scoring server;
editing this copy changes nothing except your own understanding.
"""

import jax, jax.numpy as jnp
import numpy as np

N_NODES = 10000
N_EDGES = 320000
D_IN = 128
D_H = 128
D_OUT = 128


def setup_inputs(seed: int = 0) -> dict:
    key = jax.random.key(seed)
    k1, k2, k3, k4, k5 = jax.random.split(key, 5)
    x = jax.random.normal(k1, (N_NODES, D_IN), dtype=jnp.float32)
    edge_index = jax.random.randint(k2, (2, N_EDGES), 0, N_NODES, dtype=jnp.int64)
    s1 = 1.0 / np.sqrt(D_IN)
    s2 = 1.0 / np.sqrt(D_H)
    W1 = jax.random.uniform(k3, (D_IN, D_H), dtype=jnp.float32, minval=-s1, maxval=s1)
    b1 = jnp.zeros((D_H,), dtype=jnp.float32)
    W2 = jax.random.uniform(k4, (D_H, D_H), dtype=jnp.float32, minval=-s2, maxval=s2)
    b2 = jnp.zeros((D_H,), dtype=jnp.float32)
    W3 = jax.random.uniform(k5, (D_H, D_OUT), dtype=jnp.float32, minval=-s2, maxval=s2)
    b3 = jnp.zeros((D_OUT,), dtype=jnp.float32)
    return {"x": x, "edge_index": edge_index, "W1": W1, "b1": b1, "W2": W2, "b2": b2, "W3": W3, "b3": b3}


def _gcn_conv(x, src, dst, norm, W, b):
    # GCNConv: out = D^{-1/2} (A + I) D^{-1/2} X W + b
    xw = x @ W
    msg = jnp.take(xw, src, axis=0) * norm[:, None]
    out = jnp.zeros((x.shape[0], W.shape[1]), dtype=x.dtype).at[dst].add(msg)
    return out + b


def _prep_graph(edge_index, n_nodes):
    loop = jnp.arange(n_nodes, dtype=edge_index.dtype)
    src = jnp.concatenate([edge_index[0], loop])
    dst = jnp.concatenate([edge_index[1], loop])
    deg = jnp.zeros((n_nodes,), dtype=jnp.float32).at[dst].add(1.0)
    dinv = jnp.where(deg > 0, 1.0 / jnp.sqrt(deg), 0.0)
    norm = jnp.take(dinv, src) * jnp.take(dinv, dst)
    return src, dst, norm


def reference(x, edge_index, W1, b1, W2, b2, W3, b3):
    src, dst, norm = _prep_graph(edge_index, x.shape[0])
    h = _gcn_conv(x, src, dst, norm, W1, b1)
    h = jax.nn.relu(h)
    h = _gcn_conv(h, src, dst, norm, W2, b2)
    h = jax.nn.relu(h)
    out = _gcn_conv(h, src, dst, norm, W3, b3)
    return out

if __name__ == "__main__":
    import jax
    _d = setup_inputs()
    print(jax.jit(kernel)(*tuple(_d.values())))

</pallas_src>

<mosaic_0001>
#map = affine_map<(d0, d1) -> (0, 0)>
#map1 = affine_map<(d0, d1) -> (0, 0, 0, 0, 0)>
#map2 = affine_map<(d0, d1) -> (0, 0, 0)>
module attributes {stable_mosaic.version = 14 : i64} {
  func.func @_agg_kernel(%arg0: i32, %arg1: i32, %arg2: memref<10000x128xf32, #tpu.memory_space<hbm>>, %arg3: memref<2x16x5x40x50xi32, #tpu.memory_space<hbm>>, %arg4: memref<2x16x5x40x50xi32, #tpu.memory_space<hbm>>, %arg5: memref<2x10112x128xf32, #tpu.memory_space<hbm>>, %arg6: memref<40x50xi32, #tpu.memory_space<vmem>>, %arg7: memref<40x50xi32, #tpu.memory_space<vmem>>, %arg8: memref<40x50xi32, #tpu.memory_space<vmem>>, %arg9: memref<40x50xi32, #tpu.memory_space<vmem>>, %arg10: memref<50x128xf32, #tpu.memory_space<vmem>>, %arg11: memref<50x128xf32, #tpu.memory_space<vmem>>, %arg12: memref<50x128xf32, #tpu.memory_space<vmem>>, %arg13: memref<50x128xf32, #tpu.memory_space<vmem>>, %arg14: memref<10112x128xf32, #tpu.memory_space<vmem_shared>>, %arg15: memref<!tpu.dma_semaphore, #tpu.memory_space<semaphore_mem>>, %arg16: memref<!tpu.dma_semaphore, #tpu.memory_space<semaphore_mem>>, %arg17: memref<!tpu.dma_semaphore, #tpu.memory_space<semaphore_mem>>, %arg18: memref<!tpu.dma_semaphore, #tpu.memory_space<semaphore_mem>>, %arg19: memref<!tpu.dma_semaphore, #tpu.memory_space<semaphore_mem>>) attributes {dimension_semantics = [#tpu.dimension_semantics<core_parallel>, #tpu.dimension_semantics<subcore_parallel>], iteration_bounds = array<i64: 2, 16>, scalar_prefetch = 0 : i64, scratch_operands = 14 : i64, tpu.core_type = #tpu.core_type<sc_vector_subcore>, window_params = [{transform_indices = #map}, {transform_indices = #map1}, {transform_indices = #map1}, {transform_indices = #map2}]} {
    %run_scoped3A = arith.constant 0 : i32
    "tpu.region"() ({
      %run_scoped3A_42 = tpu.sem_alloc : memref<!tpu.dma_semaphore, #tpu.memory_space<semaphore_mem>>
      %dma_start3A_43 = arith.constant 0 : i32
      %dma_start3A_44 = arith.constant 0 : i32
      %dma_start3A_45 = tpu.memref_slice %arg3[%arg0, %arg1, %run_scoped3A, %dma_start3A_43, %dma_start3A_44] : memref<2x16x5x40x50xi32, #tpu.memory_space<hbm>> -> memref<1x1x1x40x50xi32, #tpu.memory_space<hbm>>
      %dma_start3A_46 = tpu.memref_squeeze %dma_start3A_45 : memref<1x1x1x40x50xi32, #tpu.memory_space<hbm>> -> memref<40x50xi32, #tpu.memory_space<hbm>>
      %dma_start3A_47 = arith.constant 0 : i32
      %dma_start3A_48 = arith.constant 0 : i32
      %dma_start3A_49 = tpu.memref_slice %arg3[%arg0, %arg1, %run_scoped3A, %dma_start3A_47, %dma_start3A_48] : memref<2x16x5x40x50xi32, #tpu.memory_space<hbm>> -> memref<1x1x1x40x50xi32, #tpu.memory_space<hbm>>
      %dma_start3A_50 = tpu.memref_squeeze %dma_start3A_49 : memref<1x1x1x40x50xi32, #tpu.memory_space<hbm>> -> memref<40x50xi32, #tpu.memory_space<hbm>>
      tpu.enqueue_dma source(%dma_start3A_50 : memref<40x50xi32, #tpu.memory_space<hbm>>) target(%arg6 : memref<40x50xi32, #tpu.memory_space<vmem>>) target_semaphore(%run_scoped3A_42 : memref<!tpu.dma_semaphore, #tpu.memory_space<semaphore_mem>>)
      %dma_wait3A = arith.constant 0 : i32
      %dma_wait3A_51 = arith.constant 0 : i32
      %dma_wait3A_52 = tpu.memref_slice %arg3[%arg0, %arg1, %run_scoped3A, %dma_wait3A, %dma_wait3A_51] : memref<2x16x5x40x50xi32, #tpu.memory_space<hbm>> -> memref<1x1x1x40x50xi32, #tpu.memory_space<hbm>>
      %dma_wait3A_53 = tpu.memref_squeeze %dma_wait3A_52 : memref<1x1x1x40x50xi32, #tpu.memory_space<hbm>> -> memref<40x50xi32, #tpu.memory_space<hbm>>
      %dma_wait3A_54 = arith.constant 0 : i32
      %dma_wait3A_55 = arith.constant 0 : i32
      %dma_wait3A_56 = tpu.memref_slice %arg3[%arg0, %arg1, %run_scoped3A, %dma_wait3A_54, %dma_wait3A_55] : memref<2x16x5x40x50xi32, #tpu.memory_space<hbm>> -> memref<1x1x1x40x50xi32, #tpu.memory_space<hbm>>
      %dma_wait3A_57 = tpu.memref_squeeze %dma_wait3A_56 : memref<1x1x1x40x50xi32, #tpu.memory_space<hbm>> -> memref<40x50xi32, #tpu.memory_space<hbm>>
      tpu.wait_dma2 semaphore(%run_scoped3A_42 : memref<!tpu.dma_semaphore, #tpu.memory_space<semaphore_mem>>) src(%dma_wait3A_57 : memref<40x50xi32, #tpu.memory_space<hbm>>) dst(%arg6 : memref<40x50xi32, #tpu.memory_space<vmem>>)
      tpu.yield
    }) : () -> ()
    %run_scoped3A_0 = arith.constant 0 : i32
    "tpu.region"() ({
      %run_scoped3A_42 = tpu.sem_alloc : memref<!tpu.dma_semaphore, #tpu.memory_space<semaphore_mem>>
      %dma_start3A_43 = arith.constant 0 : i32
      %dma_start3A_44 = arith.constant 0 : i32
      %dma_start3A_45 = tpu.memref_slice %arg4[%arg0, %arg1, %run_scoped3A_0, %dma_start3A_43, %dma_start3A_44] : memref<2x16x5x40x50xi32, #tpu.memory_space<hbm>> -> memref<1x1x1x40x50xi32, #tpu.memory_space<hbm>>
      %dma_start3A_46 = tpu.memref_squeeze %dma_start3A_45 : memref<1x1x1x40x50xi32, #tpu.memory_space<hbm>> -> memref<40x50xi32, #tpu.memory_space<hbm>>
      %dma_start3A_47 = arith.constant 0 : i32
      %dma_start3A_48 = arith.constant 0 : i32
      %dma_start3A_49 = tpu.memref_slice %arg4[%arg0, %arg1, %run_scoped3A_0, %dma_start3A_47, %dma_start3A_48] : memref<2x16x5x40x50xi32, #tpu.memory_space<hbm>> -> memref<1x1x1x40x50xi32, #tpu.memory_space<hbm>>
      %dma_start3A_50 = tpu.memref_squeeze %dma_start3A_49 : memref<1x1x1x40x50xi32, #tpu.memory_space<hbm>> -> memref<40x50xi32, #tpu.memory_space<hbm>>
      tpu.enqueue_dma source(%dma_start3A_50 : memref<40x50xi32, #tpu.memory_space<hbm>>) target(%arg7 : memref<40x50xi32, #tpu.memory_space<vmem>>) target_semaphore(%run_scoped3A_42 : memref<!tpu.dma_semaphore, #tpu.memory_space<semaphore_mem>>)
      %dma_wait3A = arith.constant 0 : i32
      %dma_wait3A_51 = arith.constant 0 : i32
      %dma_wait3A_52 = tpu.memref_slice %arg4[%arg0, %arg1, %run_scoped3A_0, %dma_wait3A, %dma_wait3A_51] : memref<2x16x5x40x50xi32, #tpu.memory_space<hbm>> -> memref<1x1x1x40x50xi32, #tpu.memory_space<hbm>>
      %dma_wait3A_53 = tpu.memref_squeeze %dma_wait3A_52 : memref<1x1x1x40x50xi32, #tpu.memory_space<hbm>> -> memref<40x50xi32, #tpu.memory_space<hbm>>
      %dma_wait3A_54 = arith.constant 0 : i32
      %dma_wait3A_55 = arith.constant 0 : i32
      %dma_wait3A_56 = tpu.memref_slice %arg4[%arg0, %arg1, %run_scoped3A_0, %dma_wait3A_54, %dma_wait3A_55] : memref<2x16x5x40x50xi32, #tpu.memory_space<hbm>> -> memref<1x1x1x40x50xi32, #tpu.memory_space<hbm>>
      %dma_wait3A_57 = tpu.memref_squeeze %dma_wait3A_56 : memref<1x1x1x40x50xi32, #tpu.memory_space<hbm>> -> memref<40x50xi32, #tpu.memory_space<hbm>>
      tpu.wait_dma2 semaphore(%run_scoped3A_42 : memref<!tpu.dma_semaphore, #tpu.memory_space<semaphore_mem>>) src(%dma_wait3A_57 : memref<40x50xi32, #tpu.memory_space<hbm>>) dst(%arg7 : memref<40x50xi32, #tpu.memory_space<vmem>>)
      tpu.yield
    }) : () -> ()
    %dma_start3A = arith.constant 0 : i32
    %dma_start3A_1 = arith.constant 0 : i32
    %dma_start3A_2 = tpu.memref_slice %arg6[%dma_start3A, %dma_start3A_1] : memref<40x50xi32, #tpu.memory_space<vmem>> -> memref<1x50xi32, #tpu.memory_space<vmem>>
    %dma_start3A_3 = tpu.memref_squeeze %dma_start3A_2 : memref<1x50xi32, #tpu.memory_space<vmem>> -> memref<50xi32, #tpu.memory_space<vmem>>
    %dma_start3A_4 = arith.constant 0 : i32
    %dma_start3A_5 = arith.constant 0 : i32
    %dma_start3A_6 = tpu.memref_slice %arg2[%dma_start3A_4, %dma_start3A_5] : memref<10000x128xf32, #tpu.memory_space<hbm>> -> memref<10000x128xf32, #tpu.memory_space<hbm>>
    tpu.enqueue_indirect_dma source(%dma_start3A_6 : memref<10000x128xf32, #tpu.memory_space<hbm>>) target(%arg10 : memref<50x128xf32, #tpu.memory_space<vmem>>) offsets(%dma_start3A_3 : memref<50xi32, #tpu.memory_space<vmem>>) semaphore(%arg15 : memref<!tpu.dma_semaphore, #tpu.memory_space<semaphore_mem>>)
    %dma_start3A_7 = arith.constant 1 : i32
    %dma_start3A_8 = arith.constant 0 : i32
    %dma_start3A_9 = tpu.memref_slice %arg6[%dma_start3A_7, %dma_start3A_8] : memref<40x50xi32, #tpu.memory_space<vmem>> -> memref<1x50xi32, #tpu.memory_space<vmem>>
    %dma_start3A_10 = tpu.memref_squeeze %dma_start3A_9 : memref<1x50xi32, #tpu.memory_space<vmem>> -> memref<50xi32, #tpu.memory_space<vmem>>
    %dma_start3A_11 = arith.constant 0 : i32
    %dma_start3A_12 = arith.constant 0 : i32
    %dma_start3A_13 = tpu.memref_slice %arg2[%dma_start3A_11, %dma_start3A_12] : memref<10000x128xf32, #tpu.memory_space<hbm>> -> memref<10000x128xf32, #tpu.memory_space<hbm>>
    tpu.enqueue_indirect_dma source(%dma_start3A_13 : memref<10000x128xf32, #tpu.memory_space<hbm>>) target(%arg11 : memref<50x128xf32, #tpu.memory_space<vmem>>) offsets(%dma_start3A_10 : memref<50xi32, #tpu.memory_space<vmem>>) semaphore(%arg16 : memref<!tpu.dma_semaphore, #tpu.memory_space<semaphore_mem>>)
    %dma_start3A_14 = arith.constant 2 : i32
    %dma_start3A_15 = arith.constant 0 : i32
    %dma_start3A_16 = tpu.memref_slice %arg6[%dma_start3A_14, %dma_start3A_15] : memref<40x50xi32, #tpu.memory_space<vmem>> -> memref<1x50xi32, #tpu.memory_space<vmem>>
    %dma_start3A_17 = tpu.memref_squeeze %dma_start3A_16 : memref<1x50xi32, #tpu.memory_space<vmem>> -> memref<50xi32, #tpu.memory_space<vmem>>
    %dma_start3A_18 = arith.constant 0 : i32
    %dma_start3A_19 = arith.constant 0 : i32
    %dma_start3A_20 = tpu.memref_slice %arg2[%dma_start3A_18, %dma_start3A_19] : memref<10000x128xf32, #tpu.memory_space<hbm>> -> memref<10000x128xf32, #tpu.memory_space<hbm>>
    tpu.enqueue_indirect_dma source(%dma_start3A_20 : memref<10000x128xf32, #tpu.memory_space<hbm>>) target(%arg12 : memref<50x128xf32, #tpu.memory_space<vmem>>) offsets(%dma_start3A_17 : memref<50xi32, #tpu.memory_space<vmem>>) semaphore(%arg17 : memref<!tpu.dma_semaphore, #tpu.memory_space<semaphore_mem>>)
    %scan3A = arith.constant 0 : i32
    %scan3A_21 = arith.constant 50 : i32
    %scan3A_22 = arith.addi %scan3A, %scan3A_21 : i32
    %scan3A_23 = arith.constant 1 : i32
    scf.for %scan3A_42 = %scan3A to %scan3A_22 step %scan3A_23  : i32 {
      %mul3A_43 = arith.constant 1 : i32
      %mul3A_44 = arith.muli %scan3A_42, %mul3A_43 : i32
      %add3A_45 = arith.constant 0 : i32
      %add3A_46 = arith.addi %add3A_45, %mul3A_44 : i32
      %scan3A_47 = arith.constant 0 : i32
      %scan3A_48 = arith.constant 8 : i32
      %scan3A_49 = arith.addi %scan3A_47, %scan3A_48 : i32
      %scan3A_50 = arith.constant 1 : i32
      scf.for %scan3A_52 = %scan3A_47 to %scan3A_49 step %scan3A_50  : i32 {
        %mul3A_53 = arith.constant 1 : i32
        %mul3A_54 = arith.muli %scan3A_52, %mul3A_53 : i32
        %add3A_55 = arith.constant 0 : i32
        %add3A_56 = arith.addi %add3A_55, %mul3A_54 : i32
        %broadcast_in_dim3A = arith.constant 0.000000e+00 : f32
        %broadcast_in_dim3A_57 = vector.broadcast %broadcast_in_dim3A : f32 to vector<16xf32>
        %mul3A_58 = arith.constant 16 : i32
        %mul3A_59 = arith.muli %add3A_56, %mul3A_58 : i32
        %swap3A = arith.index_cast %add3A_46 : i32 to index
        %swap3A_60 = arith.index_cast %mul3A_59 : i32 to index
        %swap3A_61 = tpu.vector_load %arg13[%swap3A, %swap3A_60] {strides = array<i32>} : memref<50x128xf32, #tpu.memory_space<vmem>>, vector<1x16xf32>,
        %swap3A_62 = vector.shape_cast %swap3A_61 : vector<1x16xf32> to vector<16xf32>
        %swap3A_63 = vector.shape_cast %broadcast_in_dim3A_57 : vector<16xf32> to vector<1x16xf32>
        tpu.vector_store %arg13[%swap3A, %swap3A_60], %swap3A_63 {strides = array<i32>} : memref<50x128xf32, #tpu.memory_space<vmem>>, vector<1x16xf32>,
      }
      %scan3A_51 = arith.constant 8 : i32
    }
    %scan3A_24 = arith.constant 50 : i32
    %scan3A_25 = arith.constant 0 : i32
    %scan3A_26 = arith.constant 12 : i32
    %scan3A_27 = arith.addi %scan3A_25, %scan3A_26 : i32
    %scan3A_28 = arith.constant 1 : i32
    scf.for %scan3A_42 = %scan3A_25 to %scan3A_27 step %scan3A_28  : i32 {
      %mul3A_43 = arith.constant 1 : i32
      %mul3A_44 = arith.muli %scan3A_42, %mul3A_43 : i32
      %add3A_45 = arith.constant 0 : i32
      %add3A_46 = arith.addi %add3A_45, %mul3A_44 : i32
      %mul3A_47 = arith.constant 632 : i32
      %mul3A_48 = arith.muli %arg1, %mul3A_47 : i32
      %mul3A_49 = arith.constant 50 : i32
      %mul3A_50 = arith.muli %add3A_46, %mul3A_49 : i32
      %add3A_51 = arith.addi %mul3A_48, %mul3A_50 : i32
      "tpu.region"() ({
        %run_scoped3A_52 = tpu.sem_alloc : memref<!tpu.dma_semaphore, #tpu.memory_space<semaphore_mem>>
        %dma_start3A_53 = arith.constant 0 : i32
        %dma_start3A_54 = tpu.memref_slice %arg14[%add3A_51, %dma_start3A_53] : memref<10112x128xf32, #tpu.memory_space<vmem_shared>> -> memref<50x128xf32, #tpu.memory_space<vmem_shared>>
        %dma_start3A_55 = arith.constant 0 : i32
        %dma_start3A_56 = tpu.memref_slice %arg14[%add3A_51, %dma_start3A_55] : memref<10112x128xf32, #tpu.memory_space<vmem_shared>> -> memref<50x128xf32, #tpu.memory_space<vmem_shared>>
        tpu.enqueue_dma source(%arg13 : memref<50x128xf32, #tpu.memory_space<vmem>>) target(%dma_start3A_56 : memref<50x128xf32, #tpu.memory_space<vmem_shared>>) target_semaphore(%run_scoped3A_52 : memref<!tpu.dma_semaphore, #tpu.memory_space<semaphore_mem>>)
        %dma_wait3A = arith.constant 0 : i32
        %dma_wait3A_57 = tpu.memref_slice %arg14[%add3A_51, %dma_wait3A] : memref<10112x128xf32, #tpu.memory_space<vmem_shared>> -> memref<50x128xf32, #tpu.memory_space<vmem_shared>>
        %dma_wait3A_58 = arith.constant 0 : i32
        %dma_wait3A_59 = tpu.memref_slice %arg14[%add3A_51, %dma_wait3A_58] : memref<10112x128xf32, #tpu.memory_space<vmem_shared>> -> memref<50x128xf32, #tpu.memory_space<vmem_shared>>
        tpu.wait_dma2 semaphore(%run_scoped3A_52 : memref<!tpu.dma_semaphore, #tpu.memory_space<semaphore_mem>>) src(%arg13 : memref<50x128xf32, #tpu.memory_space<vmem>>) dst(%dma_wait3A_59 : memref<50x128xf32, #tpu.memory_space<vmem_shared>>)
        tpu.yield
      }) : () -> ()
    }
    %scan3A_29 = arith.constant 12 : i32
    %mul3A = arith.constant 632 : i32
    %mul3A_30 = arith.muli %arg1, %mul3A : i32
    %add3A = arith.constant 600 : i32
    %add3A_31 = arith.addi %mul3A_30, %add3A : i32
    "tpu.region"() ({
      %run_scoped3A_42 = tpu.sem_alloc : memref<!tpu.dma_semaphore, #tpu.memory_space<semaphore_mem>>
      %dma_start3A_43 = arith.constant 0 : i32
      %dma_start3A_44 = arith.constant 0 : i32
      %dma_start3A_45 = tpu.memref_slice %arg13[%dma_start3A_43, %dma_start3A_44] : memref<50x128xf32, #tpu.memory_space<vmem>> -> memref<32x128xf32, #tpu.memory_space<vmem>>
      %dma_start3A_46 = arith.constant 0 : i32
      %dma_start3A_47 = tpu.memref_slice %arg14[%add3A_31, %dma_start3A_46] : memref<10112x128xf32, #tpu.memory_space<vmem_shared>> -> memref<32x128xf32, #tpu.memory_space<vmem_shared>>
      %dma_start3A_48 = arith.constant 0 : i32
      %dma_start3A_49 = tpu.memref_slice %arg14[%add3A_31, %dma_start3A_48] : memref<10112x128xf32, #tpu.memory_space<vmem_shared>> -> memref<32x128xf32, #tpu.memory_space<vmem_shared>>
      %dma_start3A_50 = arith.constant 0 : i32
      %dma_start3A_51 = arith.constant 0 : i32
      %dma_start3A_52 = tpu.memref_slice %arg13[%dma_start3A_50, %dma_start3A_51] : memref<50x128xf32, #tpu.memory_space<vmem>> -> memref<32x128xf32, #tpu.memory_space<vmem>>
      tpu.enqueue_dma source(%dma_start3A_52 : memref<32x128xf32, #tpu.memory_space<vmem>>) target(%dma_start3A_49 : memref<32x128xf32, #tpu.memory_space<vmem_shared>>) target_semaphore(%run_scoped3A_42 : memref<!tpu.dma_semaphore, #tpu.memory_space<semaphore_mem>>)
      %dma_wait3A = arith.constant 0 : i32
      %dma_wait3A_53 = arith.constant 0 : i32
      %dma_wait3A_54 = tpu.memref_slice %arg13[%dma_wait3A, %dma_wait3A_53] : memref<50x128xf32, #tpu.memory_space<vmem>> -> memref<32x128xf32, #tpu.memory_space<vmem>>
      %dma_wait3A_55 = arith.constant 0 : i32
      %dma_wait3A_56 = tpu.memref_slice %arg14[%add3A_31, %dma_wait3A_55] : memref<10112x128xf32, #tpu.memory_space<vmem_shared>> -> memref<32x128xf32, #tpu.memory_space<vmem_shared>>
      %dma_wait3A_57 = arith.constant 0 : i32
      %dma_wait3A_58 = tpu.memref_slice %arg14[%add3A_31, %dma_wait3A_57] : memref<10112x128xf32, #tpu.memory_space<vmem_shared>> -> memref<32x128xf32, #tpu.memory_space<vmem_shared>>
      %dma_wait3A_59 = arith.constant 0 : i32
      %dma_wait3A_60 = arith.constant 0 : i32
      %dma_wait3A_61 = tpu.memref_slice %arg13[%dma_wait3A_59, %dma_wait3A_60] : memref<50x128xf32, #tpu.memory_space<vmem>> -> memref<32x128xf32, #tpu.memory_space<vmem>>
      tpu.wait_dma2 semaphore(%run_scoped3A_42 : memref<!tpu.dma_semaphore, #tpu.memory_space<semaphore_mem>>) src(%dma_wait3A_61 : memref<32x128xf32, #tpu.memory_space<vmem>>) dst(%dma_wait3A_58 : memref<32x128xf32, #tpu.memory_space<vmem_shared>>)
      tpu.yield
    }) : () -> ()
    %barrier3A = arith.constant 0 : index
    tpu.barrier barrier_id(%barrier3A)
    %scan3A_32 = arith.constant 0 : i32
    %scan3A_33 = arith.constant 3 : i32
    %scan3A_34 = arith.addi %scan3A_32, %scan3A_33 : i32
    %scan3A_35 = arith.constant 1 : i32
    scf.for %scan3A_42 = %scan3A_32 to %scan3A_34 step %scan3A_35  : i32 {
      %mul3A_43 = arith.constant 2 : i32
      %mul3A_44 = arith.muli %scan3A_42, %mul3A_43 : i32
      %add3A_45 = arith.constant 0 : i32
      %add3A_46 = arith.addi %add3A_45, %mul3A_44 : i32
      %add3A_47 = arith.constant 1 : i32
      %add3A_48 = arith.addi %add3A_46, %add3A_47 : i32
      %lt3A = arith.constant 5 : i32
      %lt3A_49 = arith.cmpi slt, %add3A_48, %lt3A : i32
      %convert_element_type3A = arith.extui %lt3A_49 : i1 to i32
      %cond3A = arith.constant 0 : i32
      %cond3A_50 = arith.cmpi ne, %convert_element_type3A, %cond3A : i32
      scf.if %cond3A_50 {
        %add3A_63 = arith.constant 1 : i32
        %add3A_64 = arith.addi %add3A_46, %add3A_63 : i32
        %dma_start3A_65 = arith.constant 0 : i32
        %dma_start3A_66 = arith.constant 0 : i32
        %dma_start3A_67 = tpu.memref_slice %arg3[%arg0, %arg1, %add3A_64, %dma_start3A_65, %dma_start3A_66] : memref<2x16x5x40x50xi32, #tpu.memory_space<hbm>> -> memref<1x1x1x40x50xi32, #tpu.memory_space<hbm>>
        %dma_start3A_68 = tpu.memref_squeeze %dma_start3A_67 : memref<1x1x1x40x50xi32, #tpu.memory_space<hbm>> -> memref<40x50xi32, #tpu.memory_space<hbm>>
        %dma_start3A_69 = arith.constant 0 : i32
        %dma_start3A_70 = arith.constant 0 : i32
        %dma_start3A_71 = tpu.memref_slice %arg3[%arg0, %arg1, %add3A_64, %dma_start3A_69, %dma_start3A_70] : memref<2x16x5x40x50xi32, #tpu.memory_space<hbm>> -> memref<1x1x1x40x50xi32, #tpu.memory_space<hbm>>
        %dma_start3A_72 = tpu.memref_squeeze %dma_start3A_71 : memref<1x1x1x40x50xi32, #tpu.memory_space<hbm>> -> memref<40x50xi32, #tpu.memory_space<hbm>>
        tpu.enqueue_dma source(%dma_start3A_72 : memref<40x50xi32, #tpu.memory_space<hbm>>) target(%arg8 : memref<40x50xi32, #tpu.memory_space<vmem>>) target_semaphore(%arg19 : memref<!tpu.dma_semaphore, #tpu.memory_space<semaphore_mem>>)
        %add3A_73 = arith.constant 1 : i32
        %add3A_74 = arith.addi %add3A_46, %add3A_73 : i32
        %dma_start3A_75 = arith.constant 0 : i32
        %dma_start3A_76 = arith.constant 0 : i32
        %dma_start3A_77 = tpu.memref_slice %arg4[%arg0, %arg1, %add3A_74, %dma_start3A_75, %dma_start3A_76] : memref<2x16x5x40x50xi32, #tpu.memory_space<hbm>> -> memref<1x1x1x40x50xi32, #tpu.memory_space<hbm>>
        %dma_start3A_78 = tpu.memref_squeeze %dma_start3A_77 : memref<1x1x1x40x50xi32, #tpu.memory_space<hbm>> -> memref<40x50xi32, #tpu.memory_space<hbm>>
        %dma_start3A_79 = arith.constant 0 : i32
        %dma_start3A_80 = arith.constant 0 : i32
        %dma_start3A_81 = tpu.memref_slice %arg4[%arg0, %arg1, %add3A_74, %dma_start3A_79, %dma_start3A_80] : memref<2x16x5x40x50xi32, #tpu.memory_space<hbm>> -> memref<1x1x1x40x50xi32, #tpu.memory_space<hbm>>
        %dma_start3A_82 = tpu.memref_squeeze %dma_start3A_81 : memref<1x1x1x40x50xi32, #tpu.memory_space<hbm>> -> memref<40x50xi32, #tpu.memory_space<hbm>>
        tpu.enqueue_dma source(%dma_start3A_82 : memref<40x50xi32, #tpu.memory_space<hbm>>) target(%arg9 : memref<40x50xi32, #tpu.memory_space<vmem>>) target_semaphore(%arg19 : memref<!tpu.dma_semaphore, #tpu.memory_space<semaphore_mem>>)
      } else {
      }
      %scan3A_51 = arith.constant 0 : i32
      %scan3A_52 = arith.constant 10 : i32
      %scan3A_53 = arith.addi %scan3A_51, %scan3A_52 : i32
      %scan3A_54 = arith.constant 1 : i32
      scf.for %scan3A_63 = %scan3A_51 to %scan3A_53 step %scan3A_54  : i32 {
        %mul3A_64 = arith.constant 4 : i32
        %mul3A_65 = arith.muli %scan3A_63, %mul3A_64 : i32
        %add3A_66 = arith.constant 0 : i32
        %add3A_67 = arith.addi %add3A_66, %mul3A_65 : i32
        %eq3A = arith.constant 36 : i32
        %eq3A_68 = arith.cmpi eq, %add3A_67, %eq3A : i32
        %add3A_69 = arith.constant 1 : i32
        %add3A_70 = arith.addi %add3A_46, %add3A_69 : i32
        %lt3A_71 = arith.constant 5 : i32
        %lt3A_72 = arith.cmpi slt, %add3A_70, %lt3A_71 : i32
        %and3A = arith.andi %eq3A_68, %lt3A_72 : i1
        %convert_element_type3A_73 = arith.extui %and3A : i1 to i32
        %cond3A_74 = arith.constant 0 : i32
        %cond3A_75 = arith.cmpi ne, %convert_element_type3A_73, %cond3A_74 : i32
        scf.if %cond3A_75 {
          %add3A_221 = arith.constant 1 : i32
          %add3A_222 = arith.addi %add3A_46, %add3A_221 : i32
          %dma_wait3A_223 = arith.constant 0 : i32
          %dma_wait3A_224 = arith.constant 0 : i32
          %dma_wait3A_225 = tpu.memref_slice %arg3[%arg0, %arg1, %add3A_222, %dma_wait3A_223, %dma_wait3A_224] : memref<2x16x5x40x50xi32, #tpu.memory_space<hbm>> -> memref<1x1x1x40x50xi32, #tpu.memory_space<hbm>>
          %dma_wait3A_226 = tpu.memref_squeeze %dma_wait3A_225 : memref<1x1x1x40x50xi32, #tpu.memory_space<hbm>> -> memref<40x50xi32, #tpu.memory_space<hbm>>
          %dma_wait3A_227 = arith.constant 0 : i32
          %dma_wait3A_228 = arith.constant 0 : i32
          %dma_wait3A_229 = tpu.memref_slice %arg3[%arg0, %arg1, %add3A_222, %dma_wait3A_227, %dma_wait3A_228] : memref<2x16x5x40x50xi32, #tpu.memory_space<hbm>> -> memref<1x1x1x40x50xi32, #tpu.memory_space<hbm>>
          %dma_wait3A_230 = tpu.memref_squeeze %dma_wait3A_229 : memref<1x1x1x40x50xi32, #tpu.memory_space<hbm>> -> memref<40x50xi32, #tpu.memory_space<hbm>>
          tpu.wait_dma2 semaphore(%arg19 : memref<!tpu.dma_semaphore, #tpu.memory_space<semaphore_mem>>) src(%dma_wait3A_230 : memref<40x50xi32, #tpu.memory_space<hbm>>) dst(%arg8 : memref<40x50xi32, #tpu.memory_space<vmem>>)
          %add3A_231 = arith.constant 1 : i32
          %add3A_232 = arith.addi %add3A_46, %add3A_231 : i32
          %dma_wait3A_233 = arith.constant 0 : i32
          %dma_wait3A_234 = arith.constant 0 : i32
          %dma_wait3A_235 = tpu.memref_slice %arg4[%arg0, %arg1, %add3A_232, %dma_wait3A_233, %dma_wait3A_234] : memref<2x16x5x40x50xi32, #tpu.memory_space<hbm>> -> memref<1x1x1x40x50xi32, #tpu.memory_space<hbm>>
          %dma_wait3A_236 = tpu.memref_squeeze %dma_wait3A_235 : memref<1x1x1x40x50xi32, #tpu.memory_space<hbm>> -> memref<40x50xi32, #tpu.memory_space<hbm>>
          %dma_wait3A_237 = arith.constant 0 : i32
          %dma_wait3A_238 = arith.constant 0 : i32
          %dma_wait3A_239 = tpu.memref_slice %arg4[%arg0, %arg1, %add3A_232, %dma_wait3A_237, %dma_wait3A_238] : memref<2x16x5x40x50xi32, #tpu.memory_space<hbm>> -> memref<1x1x1x40x50xi32, #tpu.memory_space<hbm>>
          %dma_wait3A_240 = tpu.memref_squeeze %dma_wait3A_239 : memref<1x1x1x40x50xi32, #tpu.memory_space<hbm>> -> memref<40x50xi32, #tpu.memory_space<hbm>>
          tpu.wait_dma2 semaphore(%arg19 : memref<!tpu.dma_semaphore, #tpu.memory_space<semaphore_mem>>) src(%dma_wait3A_240 : memref<40x50xi32, #tpu.memory_space<hbm>>) dst(%arg9 : memref<40x50xi32, #tpu.memory_space<vmem>>)
        } else {
        }
        %add3A_76 = arith.constant 0 : i32
        %add3A_77 = arith.addi %add3A_67, %add3A_76 : i32
        %dma_wait3A = arith.constant 0 : i32
        %dma_wait3A_78 = tpu.memref_slice %arg6[%add3A_77, %dma_wait3A] : memref<40x50xi32, #tpu.memory_space<vmem>> -> memref<1x50xi32, #tpu.memory_space<vmem>>
        %dma_wait3A_79 = tpu.memref_squeeze %dma_wait3A_78 : memref<1x50xi32, #tpu.memory_space<vmem>> -> memref<50xi32, #tpu.memory_space<vmem>>
        %dma_wait3A_80 = arith.constant 0 : i32
        %dma_wait3A_81 = arith.constant 0 : i32
        %dma_wait3A_82 = tpu.memref_slice %arg2[%dma_wait3A_80, %dma_wait3A_81] : memref<10000x128xf32, #tpu.memory_space<hbm>> -> memref<10000x128xf32, #tpu.memory_space<hbm>>
        tpu.wait_indirect_dma semaphore(%arg15 : memref<!tpu.dma_semaphore, #tpu.memory_space<semaphore_mem>>) src(%dma_wait3A_82 : memref<10000x128xf32, #tpu.memory_space<hbm>>) dst(%arg10 : memref<50x128xf32, #tpu.memory_space<vmem>>)
        %add3A_83 = arith.constant 0 : i32
        %add3A_84 = arith.addi %add3A_67, %add3A_83 : i32
        %add3A_85 = arith.constant 4 : i32
        %add3A_86 = arith.addi %add3A_84, %add3A_85 : i32
        %sub3A = arith.constant 1 : i32
        %sub3A_87 = arith.subi %add3A_86, %sub3A : i32
        %lt3A_88 = arith.constant 40 : i32
        %lt3A_89 = arith.cmpi slt, %sub3A_87, %lt3A_88 : i32
        %convert_element_type3A_90 = arith.extui %lt3A_89 : i1 to i32
        %cond3A_91 = arith.constant 0 : i32
        %cond3A_92 = arith.cmpi ne, %convert_element_type3A_90, %cond3A_91 : i32
        scf.if %cond3A_92 {
          %add3A_221 = arith.constant 0 : i32
          %add3A_222 = arith.addi %add3A_67, %add3A_221 : i32
          %add3A_223 = arith.constant 4 : i32
          %add3A_224 = arith.addi %add3A_222, %add3A_223 : i32
          %sub3A_225 = arith.constant 1 : i32
          %sub3A_226 = arith.subi %add3A_224, %sub3A_225 : i32
          %dma_start3A_227 = arith.constant 0 : i32
          %dma_start3A_228 = tpu.memref_slice %arg6[%sub3A_226, %dma_start3A_227] : memref<40x50xi32, #tpu.memory_space<vmem>> -> memref<1x50xi32, #tpu.memory_space<vmem>>
          %dma_start3A_229 = tpu.memref_squeeze %dma_start3A_228 : memref<1x50xi32, #tpu.memory_space<vmem>> -> memref<50xi32, #tpu.memory_space<vmem>>
          %dma_start3A_230 = arith.constant 0 : i32
          %dma_start3A_231 = arith.constant 0 : i32
          %dma_start3A_232 = tpu.memref_slice %arg2[%dma_start3A_230, %dma_start3A_231] : memref<10000x128xf32, #tpu.memory_space<hbm>> -> memref<10000x128xf32, #tpu.memory_space<hbm>>
          tpu.enqueue_indirect_dma source(%dma_start3A_232 : memref<10000x128xf32, #tpu.memory_space<hbm>>) target(%arg13 : memref<50x128xf32, #tpu.memory_space<vmem>>) offsets(%dma_start3A_229 : memref<50xi32, #tpu.memory_space<vmem>>) semaphore(%arg18 : memref<!tpu.dma_semaphore, #tpu.memory_space<semaphore_mem>>)
        } else {
        }
        %add3A_93 = arith.constant 0 : i32
        %add3A_94 = arith.addi %add3A_67, %add3A_93 : i32
        %add3A_95 = arith.constant 4 : i32
        %add3A_96 = arith.addi %add3A_94, %add3A_95 : i32
        %sub3A_97 = arith.constant 1 : i32
        %sub3A_98 = arith.subi %add3A_96, %sub3A_97 : i32
        %ge3A = arith.constant 40 : i32
        %ge3A_99 = arith.cmpi sge, %sub3A_98, %ge3A : i32
        %add3A_100 = arith.constant 1 : i32
        %add3A_101 = arith.addi %add3A_46, %add3A_100 : i32
        %lt3A_102 = arith.constant 5 : i32
        %lt3A_103 = arith.cmpi slt, %add3A_101, %lt3A_102 : i32
        %and3A_104 = arith.andi %ge3A_99, %lt3A_103 : i1
        %convert_element_type3A_105 = arith.extui %and3A_104 : i1 to i32
        %cond3A_106 = arith.constant 0 : i32
        %cond3A_107 = arith.cmpi ne, %convert_element_type3A_105, %cond3A_106 : i32
        scf.if %cond3A_107 {
          %add3A_221 = arith.constant 0 : i32
          %add3A_222 = arith.addi %add3A_67, %add3A_221 : i32
          %add3A_223 = arith.constant 4 : i32
          %add3A_224 = arith.addi %add3A_222, %add3A_223 : i32
          %sub3A_225 = arith.constant 1 : i32
          %sub3A_226 = arith.subi %add3A_224, %sub3A_225 : i32
          %sub3A_227 = arith.constant 40 : i32
          %sub3A_228 = arith.subi %sub3A_226, %sub3A_227 : i32
          %dma_start3A_229 = arith.constant 0 : i32
          %dma_start3A_230 = tpu.memref_slice %arg8[%sub3A_228, %dma_start3A_229] : memref<40x50xi32, #tpu.memory_space<vmem>> -> memref<1x50xi32, #tpu.memory_space<vmem>>
          %dma_start3A_231 = tpu.memref_squeeze %dma_start3A_230 : memref<1x50xi32, #tpu.memory_space<vmem>> -> memref<50xi32, #tpu.memory_space<vmem>>
          %dma_start3A_232 = arith.constant 0 : i32
          %dma_start3A_233 = arith.constant 0 : i32
          %dma_start3A_234 = tpu.memref_slice %arg2[%dma_start3A_232, %dma_start3A_233] : memref<10000x128xf32, #tpu.memory_space<hbm>> -> memref<10000x128xf32, #tpu.memory_space<hbm>>
          tpu.enqueue_indirect_dma source(%dma_start3A_234 : memref<10000x128xf32, #tpu.memory_space<hbm>>) target(%arg13 : memref<50x128xf32, #tpu.memory_space<vmem>>) offsets(%dma_start3A_231 : memref<50xi32, #tpu.memory_space<vmem>>) semaphore(%arg18 : memref<!tpu.dma_semaphore, #tpu.memory_space<semaphore_mem>>)
        } else {
        }
        %add3A_108 = arith.constant 0 : i32
        %add3A_109 = arith.addi %add3A_67, %add3A_108 : i32
        "tpu.region"() ({
          %run_scoped3A_221 = tpu.sem_alloc : memref<!tpu.dma_semaphore, #tpu.memory_space<semaphore_mem>>
          %dma_start3A_222 = arith.constant 0 : i32
          %dma_start3A_223 = tpu.memref_slice %arg7[%add3A_109, %dma_start3A_222] : memref<40x50xi32, #tpu.memory_space<vmem>> -> memref<1x50xi32, #tpu.memory_space<vmem>>
          %dma_start3A_224 = tpu.memref_squeeze %dma_start3A_223 : memref<1x50xi32, #tpu.memory_space<vmem>> -> memref<50xi32, #tpu.memory_space<vmem>>
          %dma_start3A_225 = arith.constant 0 : i32
          %dma_start3A_226 = arith.constant 0 : i32
          %dma_start3A_227 = tpu.memref_slice %arg14[%dma_start3A_225, %dma_start3A_226] : memref<10112x128xf32, #tpu.memory_space<vmem_shared>> -> memref<10112x128xf32, #tpu.memory_space<vmem_shared>>
          tpu.enqueue_indirect_dma source(%arg10 : memref<50x128xf32, #tpu.memory_space<vmem>>) target(%dma_start3A_227 : memref<10112x128xf32, #tpu.memory_space<vmem_shared>>) offsets(%dma_start3A_224 : memref<50xi32, #tpu.memory_space<vmem>>) semaphore(%run_scoped3A_221 : memref<!tpu.dma_semaphore, #tpu.memory_space<semaphore_mem>>) {add = true}
          %dma_wait3A_228 = arith.constant 0 : i32
          %dma_wait3A_229 = tpu.memref_slice %arg7[%add3A_109, %dma_wait3A_228] : memref<40x50xi32, #tpu.memory_space<vmem>> -> memref<1x50xi32, #tpu.memory_space<vmem>>
          %dma_wait3A_230 = tpu.memref_squeeze %dma_wait3A_229 : memref<1x50xi32, #tpu.memory_space<vmem>> -> memref<50xi32, #tpu.memory_space<vmem>>
          %dma_wait3A_231 = arith.constant 0 : i32
          %dma_wait3A_232 = arith.constant 0 : i32
          %dma_wait3A_233 = tpu.memref_slice %arg14[%dma_wait3A_231, %dma_wait3A_232] : memref<10112x128xf32, #tpu.memory_space<vmem_shared>> -> memref<10112x128xf32, #tpu.memory_space<vmem_shared>>
          tpu.wait_indirect_dma semaphore(%run_scoped3A_221 : memref<!tpu.dma_semaphore, #tpu.memory_space<semaphore_mem>>) src(%arg10 : memref<50x128xf32, #tpu.memory_space<vmem>>) dst(%dma_wait3A_233 : memref<10112x128xf32, #tpu.memory_space<vmem_shared>>)
          tpu.yield
        }) : () -> ()
        %add3A_110 = arith.constant 1 : i32
        %add3A_111 = arith.addi %add3A_67, %add3A_110 : i32
        %dma_wait3A_112 = arith.constant 0 : i32
        %dma_wait3A_113 = tpu.memref_slice %arg6[%add3A_111, %dma_wait3A_112] : memref<40x50xi32, #tpu.memory_space<vmem>> -> memref<1x50xi32, #tpu.memory_space<vmem>>
        %dma_wait3A_114 = tpu.memref_squeeze %dma_wait3A_113 : memref<1x50xi32, #tpu.memory_space<vmem>> -> memref<50xi32, #tpu.memory_space<vmem>>
        %dma_wait3A_115 = arith.constant 0 : i32
        %dma_wait3A_116 = arith.constant 0 : i32
        %dma_wait3A_117 = tpu.memref_slice %arg2[%dma_wait3A_115, %dma_wait3A_116] : memref<10000x128xf32, #tpu.memory_space<hbm>> -> memref<10000x128xf32, #tpu.memory_space<hbm>>
        tpu.wait_indirect_dma semaphore(%arg16 : memref<!tpu.dma_semaphore, #tpu.memory_space<semaphore_mem>>) src(%dma_wait3A_117 : memref<10000x128xf32, #tpu.memory_space<hbm>>) dst(%arg11 : memref<50x128xf32, #tpu.memory_space<vmem>>)
        %add3A_118 = arith.constant 1 : i32
        %add3A_119 = arith.addi %add3A_67, %add3A_118 : i32
        %add3A_120 = arith.constant 4 : i32
        %add3A_121 = arith.addi %add3A_119, %add3A_120 : i32
        %sub3A_122 = arith.constant 1 : i32
        %sub3A_123 = arith.subi %add3A_121, %sub3A_122 : i32
        %lt3A_124 = arith.constant 40 : i32
        %lt3A_125 = arith.cmpi slt, %sub3A_123, %lt3A_124 : i32
        %convert_element_type3A_126 = arith.extui %lt3A_125 : i1 to i32
        %cond3A_127 = arith.constant 0 : i32
        %cond3A_128 = arith.cmpi ne, %convert_element_type3A_126, %cond3A_127 : i32
        scf.if %cond3A_128 {
          %add3A_221 = arith.constant 1 : i32
          %add3A_222 = arith.addi %add3A_67, %add3A_221 : i32
          %add3A_223 = arith.constant 4 : i32
          %add3A_224 = arith.addi %add3A_222, %add3A_223 : i32
          %sub3A_225 = arith.constant 1 : i32
          %sub3A_226 = arith.subi %add3A_224, %sub3A_225 : i32
          %dma_start3A_227 = arith.constant 0 : i32
          %dma_start3A_228 = tpu.memref_slice %arg6[%sub3A_226, %dma_start3A_227] : memref<40x50xi32, #tpu.memory_space<vmem>> -> memref<1x50xi32, #tpu.memory_space<vmem>>
          %dma_start3A_229 = tpu.memref_squeeze %dma_start3A_228 : memref<1x50xi32, #tpu.memory_space<vmem>> -> memref<50xi32, #tpu.memory_space<vmem>>
          %dma_start3A_230 = arith.constant 0 : i32
          %dma_start3A_231 = arith.constant 0 : i32
          %dma_start3A_232 = tpu.memref_slice %arg2[%dma_start3A_230, %dma_start3A_231] : memref<10000x128xf32, #tpu.memory_space<hbm>> -> memref<10000x128xf32, #tpu.memory_space<hbm>>
          tpu.enqueue_indirect_dma source(%dma_start3A_232 : memref<10000x128xf32, #tpu.memory_space<hbm>>) target(%arg10 : memref<50x128xf32, #tpu.memory_space<vmem>>) offsets(%dma_start3A_229 : memref<50xi32, #tpu.memory_space<vmem>>) semaphore(%arg15 : memref<!tpu.dma_semaphore, #tpu.memory_space<semaphore_mem>>)
        } else {
        }
        %add3A_129 = arith.constant 1 : i32
        %add3A_130 = arith.addi %add3A_67, %add3A_129 : i32
        %add3A_131 = arith.constant 4 : i32
        %add3A_132 = arith.addi %add3A_130, %add3A_131 : i32
        %sub3A_133 = arith.constant 1 : i32
        %sub3A_134 = arith.subi %add3A_132, %sub3A_133 : i32
        %ge3A_135 = arith.constant 40 : i32
        %ge3A_136 = arith.cmpi sge, %sub3A_134, %ge3A_135 : i32
        %add3A_137 = arith.constant 1 : i32
        %add3A_138 = arith.addi %add3A_46, %add3A_137 : i32
        %lt3A_139 = arith.constant 5 : i32
        %lt3A_140 = arith.cmpi slt, %add3A_138, %lt3A_139 : i32
        %and3A_141 = arith.andi %ge3A_136, %lt3A_140 : i1
        %convert_element_type3A_142 = arith.extui %and3A_141 : i1 to i32
        %cond3A_143 = arith.constant 0 : i32
        %cond3A_144 = arith.cmpi ne, %convert_element_type3A_142, %cond3A_143 : i32
        scf.if %cond3A_144 {
          %add3A_221 = arith.constant 1 : i32
          %add3A_222 = arith.addi %add3A_67, %add3A_221 : i32
          %add3A_223 = arith.constant 4 : i32
          %add3A_224 = arith.addi %add3A_222, %add3A_223 : i32
          %sub3A_225 = arith.constant 1 : i32
          %sub3A_226 = arith.subi %add3A_224, %sub3A_225 : i32
          %sub3A_227 = arith.constant 40 : i32
          %sub3A_228 = arith.subi %sub3A_226, %sub3A_227 : i32
          %dma_start3A_229 = arith.constant 0 : i32
          %dma_start3A_230 = tpu.memref_slice %arg8[%sub3A_228, %dma_start3A_229] : memref<40x50xi32, #tpu.memory_space<vmem>> -> memref<1x50xi32, #tpu.memory_space<vmem>>
          %dma_start3A_231 = tpu.memref_squeeze %dma_start3A_230 : memref<1x50xi32, #tpu.memory_space<vmem>> -> memref<50xi32, #tpu.memory_space<vmem>>
          %dma_start3A_232 = arith.constant 0 : i32
          %dma_start3A_233 = arith.constant 0 : i32
          %dma_start3A_234 = tpu.memref_slice %arg2[%dma_start3A_232, %dma_start3A_233] : memref<10000x128xf32, #tpu.memory_space<hbm>> -> memref<10000x128xf32, #tpu.memory_space<hbm>>
          tpu.enqueue_indirect_dma source(%dma_start3A_234 : memref<10000x128xf32, #tpu.memory_space<hbm>>) target(%arg10 : memref<50x128xf32, #tpu.memory_space<vmem>>) offsets(%dma_start3A_231 : memref<50xi32, #tpu.memory_space<vmem>>) semaphore(%arg15 : memref<!tpu.dma_semaphore, #tpu.memory_space<semaphore_mem>>)
        } else {
        }
        %add3A_145 = arith.constant 1 : i32
        %add3A_146 = arith.addi %add3A_67, %add3A_145 : i32
        "tpu.region"() ({
          %run_scoped3A_221 = tpu.sem_alloc : memref<!tpu.dma_semaphore, #tpu.memory_space<semaphore_mem>>
          %dma_start3A_222 = arith.constant 0 : i32
          %dma_start3A_223 = tpu.memref_slice %arg7[%add3A_146, %dma_start3A_222] : memref<40x50xi32, #tpu.memory_space<vmem>> -> memref<1x50xi32, #tpu.memory_space<vmem>>
          %dma_start3A_224 = tpu.memref_squeeze %dma_start3A_223 : memref<1x50xi32, #tpu.memory_space<vmem>> -> memref<50xi32, #tpu.memory_space<vmem>>
          %dma_start3A_225 = arith.constant 0 : i32
          %dma_start3A_226 = arith.constant 0 : i32
          %dma_start3A_227 = tpu.memref_slice %arg14[%dma_start3A_225, %dma_start3A_226] : memref<10112x128xf32, #tpu.memory_space<vmem_shared>> -> memref<10112x128xf32, #tpu.memory_space<vmem_shared>>
          tpu.enqueue_indirect_dma source(%arg11 : memref<50x128xf32, #tpu.memory_space<vmem>>) target(%dma_start3A_227 : memref<10112x128xf32, #tpu.memory_space<vmem_shared>>) offsets(%dma_start3A_224 : memref<50xi32, #tpu.memory_space<vmem>>) semaphore(%run_scoped3A_221 : memref<!tpu.dma_semaphore, #tpu.memory_space<semaphore_mem>>) {add = true}
          %dma_wait3A_228 = arith.constant 0 : i32
          %dma_wait3A_229 = tpu.memref_slice %arg7[%add3A_146, %dma_wait3A_228] : memref<40x50xi32, #tpu.memory_space<vmem>> -> memref<1x50xi32, #tpu.memory_space<vmem>>
          %dma_wait3A_230 = tpu.memref_squeeze %dma_wait3A_229 : memref<1x50xi32, #tpu.memory_space<vmem>> -> memref<50xi32, #tpu.memory_space<vmem>>
          %dma_wait3A_231 = arith.constant 0 : i32
          %dma_wait3A_232 = arith.constant 0 : i32
          %dma_wait3A_233 = tpu.memref_slice %arg14[%dma_wait3A_231, %dma_wait3A_232] : memref<10112x128xf32, #tpu.memory_space<vmem_shared>> -> memref<10112x128xf32, #tpu.memory_space<vmem_shared>>
          tpu.wait_indirect_dma semaphore(%run_scoped3A_221 : memref<!tpu.dma_semaphore, #tpu.memory_space<semaphore_mem>>) src(%arg11 : memref<50x128xf32, #tpu.memory_space<vmem>>) dst(%dma_wait3A_233 : memref<10112x128xf32, #tpu.memory_space<vmem_shared>>)
          tpu.yield
        }) : () -> ()
        %add3A_147 = arith.constant 2 : i32
        %add3A_148 = arith.addi %add3A_67, %add3A_147 : i32
        %dma_wait3A_149 = arith.constant 0 : i32
        %dma_wait3A_150 = tpu.memref_slice %arg6[%add3A_148, %dma_wait3A_149] : memref<40x50xi32, #tpu.memory_space<vmem>> -> memref<1x50xi32, #tpu.memory_space<vmem>>
        %dma_wait3A_151 = tpu.memref_squeeze %dma_wait3A_150 : memref<1x50xi32, #tpu.memory_space<vmem>> -> memref<50xi32, #tpu.memory_space<vmem>>
        %dma_wait3A_152 = arith.constant 0 : i32
        %dma_wait3A_153 = arith.constant 0 : i32
        %dma_wait3A_154 = tpu.memref_slice %arg2[%dma_wait3A_152, %dma_wait3A_153] : memref<10000x128xf32, #tpu.memory_space<hbm>> -> memref<10000x128xf32, #tpu.memory_space<hbm>>
        tpu.wait_indirect_dma semaphore(%arg17 : memref<!tpu.dma_semaphore, #tpu.memory_space<semaphore_mem>>) src(%dma_wait3A_154 : memref<10000x128xf32, #tpu.memory_space<hbm>>) dst(%arg12 : memref<50x128xf32, #tpu.memory_space<vmem>>)
        %add3A_155 = arith.constant 2 : i32
        %add3A_156 = arith.addi %add3A_67, %add3A_155 : i32
        %add3A_157 = arith.constant 4 : i32
        %add3A_158 = arith.addi %add3A_156, %add3A_157 : i32
        %sub3A_159 = arith.constant 1 : i32
        %sub3A_160 = arith.subi %add3A_158, %sub3A_159 : i32
        %lt3A_161 = arith.constant 40 : i32
        %lt3A_162 = arith.cmpi slt, %sub3A_160, %lt3A_161 : i32
        %convert_element_type3A_163 = arith.extui %lt3A_162 : i1 to i32
        %cond3A_164 = arith.constant 0 : i32
        %cond3A_165 = arith.cmpi ne, %convert_element_type3A_163, %cond3A_164 : i32
        scf.if %cond3A_165 {
          %add3A_221 = arith.constant 2 : i32
          %add3A_222 = arith.addi %add3A_67, %add3A_221 : i32
          %add3A_223 = arith.constant 4 : i32
          %add3A_224 = arith.addi %add3A_222, %add3A_223 : i32
          %sub3A_225 = arith.constant 1 : i32
          %sub3A_226 = arith.subi %add3A_224, %sub3A_225 : i32
          %dma_start3A_227 = arith.constant 0 : i32
          %dma_start3A_228 = tpu.memref_slice %arg6[%sub3A_226, %dma_start3A_227] : memref<40x50xi32, #tpu.memory_space<vmem>> -> memref<1x50xi32, #tpu.memory_space<vmem>>
          %dma_start3A_229 = tpu.memref_squeeze %dma_start3A_228 : memref<1x50xi32, #tpu.memory_space<vmem>> -> memref<50xi32, #tpu.memory_space<vmem>>
          %dma_start3A_230 = arith.constant 0 : i32
          %dma_start3A_231 = arith.constant 0 : i32
          %dma_start3A_232 = tpu.memref_slice %arg2[%dma_start3A_230, %dma_start3A_231] : memref<10000x128xf32, #tpu.memory_space<hbm>> -> memref<10000x128xf32, #tpu.memory_space<hbm>>
          tpu.enqueue_indirect_dma source(%dma_start3A_232 : memref<10000x128xf32, #tpu.memory_space<hbm>>) target(%arg11 : memref<50x128xf32, #tpu.memory_space<vmem>>) offsets(%dma_start3A_229 : memref<50xi32, #tpu.memory_space<vmem>>) semaphore(%arg16 : memref<!tpu.dma_semaphore, #tpu.memory_space<semaphore_mem>>)
        } else {
        }
        %add3A_166 = arith.constant 2 : i32
        %add3A_167 = arith.addi %add3A_67, %add3A_166 : i32
        %add3A_168 = arith.constant 4 : i32
        %add3A_169 = arith.addi %add3A_167, %add3A_168 : i32
        %sub3A_170 = arith.constant 1 : i32
        %sub3A_171 = arith.subi %add3A_169, %sub3A_170 : i32
        %ge3A_172 = arith.constant 40 : i32
        %ge3A_173 = arith.cmpi sge, %sub3A_171, %ge3A_172 : i32
        %add3A_174 = arith.constant 1 : i32
        %add3A_175 = arith.addi %add3A_46, %add3A_174 : i32
        %lt3A_176 = arith.constant 5 : i32
        %lt3A_177 = arith.cmpi slt, %add3A_175, %lt3A_176 : i32
        %and3A_178 = arith.andi %ge3A_173, %lt3A_177 : i1
        %convert_element_type3A_179 = arith.extui %and3A_178 : i1 to i32
        %cond3A_180 = arith.constant 0 : i32
        %cond3A_181 = arith.cmpi ne, %convert_element_type3A_179, %cond3A_180 : i32
        scf.if %cond3A_181 {
          %add3A_221 = arith.constant 2 : i32
          %add3A_222 = arith.addi %add3A_67, %add3A_221 : i32
          %add3A_223 = arith.constant 4 : i32
          %add3A_224 = arith.addi %add3A_222, %add3A_223 : i32
          %sub3A_225 = arith.constant 1 : i32
          %sub3A_226 = arith.subi %add3A_224, %sub3A_225 : i32
          %sub3A_227 = arith.constant 40 : i32
          %sub3A_228 = arith.subi %sub3A_226, %sub3A_227 : i32
          %dma_start3A_229 = arith.constant 0 : i32
          %dma_start3A_230 = tpu.memref_slice %arg8[%sub3A_228, %dma_start3A_229] : memref<40x50xi32, #tpu.memory_space<vmem>> -> memref<1x50xi32, #tpu.memory_space<vmem>>
          %dma_start3A_231 = tpu.memref_squeeze %dma_start3A_230 : memref<1x50xi32, #tpu.memory_space<vmem>> -> memref<50xi32, #tpu.memory_space<vmem>>
          %dma_start3A_232 = arith.constant 0 : i32
          %dma_start3A_233 = arith.constant 0 : i32
          %dma_start3A_234 = tpu.memref_slice %arg2[%dma_start3A_232, %dma_start3A_233] : memref<10000x128xf32, #tpu.memory_space<hbm>> -> memref<10000x128xf32, #tpu.memory_space<hbm>>
          tpu.enqueue_indirect_dma source(%dma_start3A_234 : memref<10000x128xf32, #tpu.memory_space<hbm>>) target(%arg11 : memref<50x128xf32, #tpu.memory_space<vmem>>) offsets(%dma_start3A_231 : memref<50xi32, #tpu.memory_space<vmem>>) semaphore(%arg16 : memref<!tpu.dma_semaphore, #tpu.memory_space<semaphore_mem>>)
        } else {
        }
        %add3A_182 = arith.constant 2 : i32
        %add3A_183 = arith.addi %add3A_67, %add3A_182 : i32
        "tpu.region"() ({
          %run_scoped3A_221 = tpu.sem_alloc : memref<!tpu.dma_semaphore, #tpu.memory_space<semaphore_mem>>
          %dma_start3A_222 = arith.constant 0 : i32
          %dma_start3A_223 = tpu.memref_slice %arg7[%add3A_183, %dma_start3A_222] : memref<40x50xi32, #tpu.memory_space<vmem>> -> memref<1x50xi32, #tpu.memory_space<vmem>>
          %dma_start3A_224 = tpu.memref_squeeze %dma_start3A_223 : memref<1x50xi32, #tpu.memory_space<vmem>> -> memref<50xi32, #tpu.memory_space<vmem>>
          %dma_start3A_225 = arith.constant 0 : i32
          %dma_start3A_226 = arith.constant 0 : i32
          %dma_start3A_227 = tpu.memref_slice %arg14[%dma_start3A_225, %dma_start3A_226] : memref<10112x128xf32, #tpu.memory_space<vmem_shared>> -> memref<10112x128xf32, #tpu.memory_space<vmem_shared>>
          tpu.enqueue_indirect_dma source(%arg12 : memref<50x128xf32, #tpu.memory_space<vmem>>) target(%dma_start3A_227 : memref<10112x128xf32, #tpu.memory_space<vmem_shared>>) offsets(%dma_start3A_224 : memref<50xi32, #tpu.memory_space<vmem>>) semaphore(%run_scoped3A_221 : memref<!tpu.dma_semaphore, #tpu.memory_space<semaphore_mem>>) {add = true}
          %dma_wait3A_228 = arith.constant 0 : i32
          %dma_wait3A_229 = tpu.memref_slice %arg7[%add3A_183, %dma_wait3A_228] : memref<40x50xi32, #tpu.memory_space<vmem>> -> memref<1x50xi32, #tpu.memory_space<vmem>>
          %dma_wait3A_230 = tpu.memref_squeeze %dma_wait3A_229 : memref<1x50xi32, #tpu.memory_space<vmem>> -> memref<50xi32, #tpu.memory_space<vmem>>
          %dma_wait3A_231 = arith.constant 0 : i32
          %dma_wait3A_232 = arith.constant 0 : i32
          %dma_wait3A_233 = tpu.memref_slice %arg14[%dma_wait3A_231, %dma_wait3A_232] : memref<10112x128xf32, #tpu.memory_space<vmem_shared>> -> memref<10112x128xf32, #tpu.memory_space<vmem_shared>>
          tpu.wait_indirect_dma semaphore(%run_scoped3A_221 : memref<!tpu.dma_semaphore, #tpu.memory_space<semaphore_mem>>) src(%arg12 : memref<50x128xf32, #tpu.memory_space<vmem>>) dst(%dma_wait3A_233 : memref<10112x128xf32, #tpu.memory_space<vmem_shared>>)
          tpu.yield
        }) : () -> ()
        %add3A_184 = arith.constant 3 : i32
        %add3A_185 = arith.addi %add3A_67, %add3A_184 : i32
        %dma_wait3A_186 = arith.constant 0 : i32
        %dma_wait3A_187 = tpu.memref_slice %arg6[%add3A_185, %dma_wait3A_186] : memref<40x50xi32, #tpu.memory_space<vmem>> -> memref<1x50xi32, #tpu.memory_space<vmem>>
        %dma_wait3A_188 = tpu.memref_squeeze %dma_wait3A_187 : memref<1x50xi32, #tpu.memory_space<vmem>> -> memref<50xi32, #tpu.memory_space<vmem>>
        %dma_wait3A_189 = arith.constant 0 : i32
        %dma_wait3A_190 = arith.constant 0 : i32
        %dma_wait3A_191 = tpu.memref_slice %arg2[%dma_wait3A_189, %dma_wait3A_190] : memref<10000x128xf32, #tpu.memory_space<hbm>> -> memref<10000x128xf32, #tpu.memory_space<hbm>>
        tpu.wait_indirect_dma semaphore(%arg18 : memref<!tpu.dma_semaphore, #tpu.memory_space<semaphore_mem>>) src(%dma_wait3A_191 : memref<10000x128xf32, #tpu.memory_space<hbm>>) dst(%arg13 : memref<50x128xf32, #tpu.memory_space<vmem>>)
        %add3A_192 = arith.constant 3 : i32
        %add3A_193 = arith.addi %add3A_67, %add3A_192 : i32
        %add3A_194 = arith.constant 4 : i32
        %add3A_195 = arith.addi %add3A_193, %add3A_194 : i32
        %sub3A_196 = arith.constant 1 : i32
        %sub3A_197 = arith.subi %add3A_195, %sub3A_196 : i32
        %lt3A_198 = arith.constant 40 : i32
        %lt3A_199 = arith.cmpi slt, %sub3A_197, %lt3A_198 : i32
        %convert_element_type3A_200 = arith.extui %lt3A_199 : i1 to i32
        %cond3A_201 = arith.constant 0 : i32
        %cond3A_202 = arith.cmpi ne, %convert_element_type3A_200, %cond3A_201 : i32
        scf.if %cond3A_202 {
          %add3A_221 = arith.constant 3 : i32
          %add3A_222 = arith.addi %add3A_67, %add3A_221 : i32
          %add3A_223 = arith.constant 4 : i32
          %add3A_224 = arith.addi %add3A_222, %add3A_223 : i32
          %sub3A_225 = arith.constant 1 : i32
          %sub3A_226 = arith.subi %add3A_224, %sub3A_225 : i32
          %dma_start3A_227 = arith.constant 0 : i32
          %dma_start3A_228 = tpu.memref_slice %arg6[%sub3A_226, %dma_start3A_227] : memref<40x50xi32, #tpu.memory_space<vmem>> -> memref<1x50xi32, #tpu.memory_space<vmem>>
          %dma_start3A_229 = tpu.memref_squeeze %dma_start3A_228 : memref<1x50xi32, #tpu.memory_space<vmem>> -> memref<50xi32, #tpu.memory_space<vmem>>
          %dma_start3A_230 = arith.constant 0 : i32
          %dma_start3A_231 = arith.constant 0 : i32
          %dma_start3A_232 = tpu.memref_slice %arg2[%dma_start3A_230, %dma_start3A_231] : memref<10000x128xf32, #tpu.memory_space<hbm>> -> memref<10000x128xf32, #tpu.memory_space<hbm>>
          tpu.enqueue_indirect_dma source(%dma_start3A_232 : memref<10000x128xf32, #tpu.memory_space<hbm>>) target(%arg12 : memref<50x128xf32, #tpu.memory_space<vmem>>) offsets(%dma_start3A_229 : memref<50xi32, #tpu.memory_space<vmem>>) semaphore(%arg17 : memref<!tpu.dma_semaphore, #tpu.memory_space<semaphore_mem>>)
        } else {
        }
        %add3A_203 = arith.constant 3 : i32
        %add3A_204 = arith.addi %add3A_67, %add3A_203 : i32
        %add3A_205 = arith.constant 4 : i32
        %add3A_206 = arith.addi %add3A_204, %add3A_205 : i32
        %sub3A_207 = arith.constant 1 : i32
        %sub3A_208 = arith.subi %add3A_206, %sub3A_207 : i32
        %ge3A_209 = arith.constant 40 : i32
        %ge3A_210 = arith.cmpi sge, %sub3A_208, %ge3A_209 : i32
        %add3A_211 = arith.constant 1 : i32
        %add3A_212 = arith.addi %add3A_46, %add3A_211 : i32
        %lt3A_213 = arith.constant 5 : i32
        %lt3A_214 = arith.cmpi slt, %add3A_212, %lt3A_213 : i32
        %and3A_215 = arith.andi %ge3A_210, %lt3A_214 : i1
        %convert_element_type3A_216 = arith.extui %and3A_215 : i1 to i32
        %cond3A_217 = arith.constant 0 : i32
        %cond3A_218 = arith.cmpi ne, %convert_element_type3A_216, %cond3A_217 : i32
        scf.if %cond3A_218 {
          %add3A_221 = arith.constant 3 : i32
          %add3A_222 = arith.addi %add3A_67, %add3A_221 : i32
          %add3A_223 = arith.constant 4 : i32
          %add3A_224 = arith.addi %add3A_222, %add3A_223 : i32
          %sub3A_225 = arith.constant 1 : i32
          %sub3A_226 = arith.subi %add3A_224, %sub3A_225 : i32
          %sub3A_227 = arith.constant 40 : i32
          %sub3A_228 = arith.subi %sub3A_226, %sub3A_227 : i32
          %dma_start3A_229 = arith.constant 0 : i32
          %dma_start3A_230 = tpu.memref_slice %arg8[%sub3A_228, %dma_start3A_229] : memref<40x50xi32, #tpu.memory_space<vmem>> -> memref<1x50xi32, #tpu.memory_space<vmem>>
          %dma_start3A_231 = tpu.memref_squeeze %dma_start3A_230 : memref<1x50xi32, #tpu.memory_space<vmem>> -> memref<50xi32, #tpu.memory_space<vmem>>
          %dma_start3A_232 = arith.constant 0 : i32
          %dma_start3A_233 = arith.constant 0 : i32
          %dma_start3A_234 = tpu.memref_slice %arg2[%dma_start3A_232, %dma_start3A_233] : memref<10000x128xf32, #tpu.memory_space<hbm>> -> memref<10000x128xf32, #tpu.memory_space<hbm>>
          tpu.enqueue_indirect_dma source(%dma_start3A_234 : memref<10000x128xf32, #tpu.memory_space<hbm>>) target(%arg12 : memref<50x128xf32, #tpu.memory_space<vmem>>) offsets(%dma_start3A_231 : memref<50xi32, #tpu.memory_space<vmem>>) semaphore(%arg17 : memref<!tpu.dma_semaphore, #tpu.memory_space<semaphore_mem>>)
        } else {
        }
        %add3A_219 = arith.constant 3 : i32
        %add3A_220 = arith.addi %add3A_67, %add3A_219 : i32
        "tpu.region"() ({
          %run_scoped3A_221 = tpu.sem_alloc : memref<!tpu.dma_semaphore, #tpu.memory_space<semaphore_mem>>
          %dma_start3A_222 = arith.constant 0 : i32
          %dma_start3A_223 = tpu.memref_slice %arg7[%add3A_220, %dma_start3A_222] : memref<40x50xi32, #tpu.memory_space<vmem>> -> memref<1x50xi32, #tpu.memory_space<vmem>>
          %dma_start3A_224 = tpu.memref_squeeze %dma_start3A_223 : memref<1x50xi32, #tpu.memory_space<vmem>> -> memref<50xi32, #tpu.memory_space<vmem>>
          %dma_start3A_225 = arith.constant 0 : i32
          %dma_start3A_226 = arith.constant 0 : i32
          %dma_start3A_227 = tpu.memref_slice %arg14[%dma_start3A_225, %dma_start3A_226] : memref<10112x128xf32, #tpu.memory_space<vmem_shared>> -> memref<10112x128xf32, #tpu.memory_space<vmem_shared>>
          tpu.enqueue_indirect_dma source(%arg13 : memref<50x128xf32, #tpu.memory_space<vmem>>) target(%dma_start3A_227 : memref<10112x128xf32, #tpu.memory_space<vmem_shared>>) offsets(%dma_start3A_224 : memref<50xi32, #tpu.memory_space<vmem>>) semaphore(%run_scoped3A_221 : memref<!tpu.dma_semaphore, #tpu.memory_space<semaphore_mem>>) {add = true}
          %dma_wait3A_228 = arith.constant 0 : i32
          %dma_wait3A_229 = tpu.memref_slice %arg7[%add3A_220, %dma_wait3A_228] : memref<40x50xi32, #tpu.memory_space<vmem>> -> memref<1x50xi32, #tpu.memory_space<vmem>>
          %dma_wait3A_230 = tpu.memref_squeeze %dma_wait3A_229 : memref<1x50xi32, #tpu.memory_space<vmem>> -> memref<50xi32, #tpu.memory_space<vmem>>
          %dma_wait3A_231 = arith.constant 0 : i32
          %dma_wait3A_232 = arith.constant 0 : i32
          %dma_wait3A_233 = tpu.memref_slice %arg14[%dma_wait3A_231, %dma_wait3A_232] : memref<10112x128xf32, #tpu.memory_space<vmem_shared>> -> memref<10112x128xf32, #tpu.memory_space<vmem_shared>>
          tpu.wait_indirect_dma semaphore(%run_scoped3A_221 : memref<!tpu.dma_semaphore, #tpu.memory_space<semaphore_mem>>) src(%arg13 : memref<50x128xf32, #tpu.memory_space<vmem>>) dst(%dma_wait3A_233 : memref<10112x128xf32, #tpu.memory_space<vmem_shared>>)
          tpu.yield
        }) : () -> ()
      }
      %scan3A_55 = arith.constant 10 : i32
      %add3A_56 = arith.constant 1 : i32
      %add3A_57 = arith.addi %add3A_46, %add3A_56 : i32
      %lt3A_58 = arith.constant 5 : i32
      %lt3A_59 = arith.cmpi slt, %add3A_57, %lt3A_58 : i32
      %convert_element_type3A_60 = arith.extui %lt3A_59 : i1 to i32
      %cond3A_61 = arith.constant 0 : i32
      %cond3A_62 = arith.cmpi ne, %convert_element_type3A_60, %cond3A_61 : i32
      scf.if %cond3A_62 {
        %add3A_63 = arith.constant 1 : i32
        %add3A_64 = arith.addi %add3A_46, %add3A_63 : i32
        %add3A_65 = arith.constant 1 : i32
        %add3A_66 = arith.addi %add3A_64, %add3A_65 : i32
        %lt3A_67 = arith.constant 5 : i32
        %lt3A_68 = arith.cmpi slt, %add3A_66, %lt3A_67 : i32
        %convert_element_type3A_69 = arith.extui %lt3A_68 : i1 to i32
        %cond3A_70 = arith.constant 0 : i32
        %cond3A_71 = arith.cmpi ne, %convert_element_type3A_69, %cond3A_70 : i32
        scf.if %cond3A_71 {
          %add3A_77 = arith.constant 1 : i32
          %add3A_78 = arith.addi %add3A_64, %add3A_77 : i32
          %dma_start3A_79 = arith.constant 0 : i32
          %dma_start3A_80 = arith.constant 0 : i32
          %dma_start3A_81 = tpu.memref_slice %arg3[%arg0, %arg1, %add3A_78, %dma_start3A_79, %dma_start3A_80] : memref<2x16x5x40x50xi32, #tpu.memory_space<hbm>> -> memref<1x1x1x40x50xi32, #tpu.memory_space<hbm>>
          %dma_start3A_82 = tpu.memref_squeeze %dma_start3A_81 : memref<1x1x1x40x50xi32, #tpu.memory_space<hbm>> -> memref<40x50xi32, #tpu.memory_space<hbm>>
          %dma_start3A_83 = arith.constant 0 : i32
          %dma_start3A_84 = arith.constant 0 : i32
          %dma_start3A_85 = tpu.memref_slice %arg3[%arg0, %arg1, %add3A_78, %dma_start3A_83, %dma_start3A_84] : memref<2x16x5x40x50xi32, #tpu.memory_space<hbm>> -> memref<1x1x1x40x50xi32, #tpu.memory_space<hbm>>
          %dma_start3A_86 = tpu.memref_squeeze %dma_start3A_85 : memref<1x1x1x40x50xi32, #tpu.memory_space<hbm>> -> memref<40x50xi32, #tpu.memory_space<hbm>>
          tpu.enqueue_dma source(%dma_start3A_86 : memref<40x50xi32, #tpu.memory_space<hbm>>) target(%arg6 : memref<40x50xi32, #tpu.memory_space<vmem>>) target_semaphore(%arg19 : memref<!tpu.dma_semaphore, #tpu.memory_space<semaphore_mem>>)
          %add3A_87 = arith.constant 1 : i32
          %add3A_88 = arith.addi %add3A_64, %add3A_87 : i32
          %dma_start3A_89 = arith.constant 0 : i32
          %dma_start3A_90 = arith.constant 0 : i32
          %dma_start3A_91 = tpu.memref_slice %arg4[%arg0, %arg1, %add3A_88, %dma_start3A_89, %dma_start3A_90] : memref<2x16x5x40x50xi32, #tpu.memory_space<hbm>> -> memref<1x1x1x40x50xi32, #tpu.memory_space<hbm>>
          %dma_start3A_92 = tpu.memref_squeeze %dma_start3A_91 : memref<1x1x1x40x50xi32, #tpu.memory_space<hbm>> -> memref<40x50xi32, #tpu.memory_space<hbm>>
          %dma_start3A_93 = arith.constant 0 : i32
          %dma_start3A_94 = arith.constant 0 : i32
          %dma_start3A_95 = tpu.memref_slice %arg4[%arg0, %arg1, %add3A_88, %dma_start3A_93, %dma_start3A_94] : memref<2x16x5x40x50xi32, #tpu.memory_space<hbm>> -> memref<1x1x1x40x50xi32, #tpu.memory_space<hbm>>
          %dma_start3A_96 = tpu.memref_squeeze %dma_start3A_95 : memref<1x1x1x40x50xi32, #tpu.memory_space<hbm>> -> memref<40x50xi32, #tpu.memory_space<hbm>>
          tpu.enqueue_dma source(%dma_start3A_96 : memref<40x50xi32, #tpu.memory_space<hbm>>) target(%arg7 : memref<40x50xi32, #tpu.memory_space<vmem>>) target_semaphore(%arg19 : memref<!tpu.dma_semaphore, #tpu.memory_space<semaphore_mem>>)
        } else {
        }
        %scan3A_72 = arith.constant 0 : i32
        %scan3A_73 = arith.constant 10 : i32
        %scan3A_74 = arith.addi %scan3A_72, %scan3A_73 : i32
        %scan3A_75 = arith.constant 1 : i32
        scf.for %scan3A_77 = %scan3A_72 to %scan3A_74 step %scan3A_75  : i32 {
          %mul3A_78 = arith.constant 4 : i32
          %mul3A_79 = arith.muli %scan3A_77, %mul3A_78 : i32
          %add3A_80 = arith.constant 0 : i32
          %add3A_81 = arith.addi %add3A_80, %mul3A_79 : i32
          %eq3A = arith.constant 36 : i32
          %eq3A_82 = arith.cmpi eq, %add3A_81, %eq3A : i32
          %add3A_83 = arith.constant 1 : i32
          %add3A_84 = arith.addi %add3A_64, %add3A_83 : i32
          %lt3A_85 = arith.constant 5 : i32
          %lt3A_86 = arith.cmpi slt, %add3A_84, %lt3A_85 : i32
          %and3A = arith.andi %eq3A_82, %lt3A_86 : i1
          %convert_element_type3A_87 = arith.extui %and3A : i1 to i32
          %cond3A_88 = arith.constant 0 : i32
          %cond3A_89 = arith.cmpi ne, %convert_element_type3A_87, %cond3A_88 : i32
          scf.if %cond3A_89 {
            %add3A_235 = arith.constant 1 : i32
            %add3A_236 = arith.addi %add3A_64, %add3A_235 : i32
            %dma_wait3A_237 = arith.constant 0 : i32
            %dma_wait3A_238 = arith.constant 0 : i32
            %dma_wait3A_239 = tpu.memref_slice %arg3[%arg0, %arg1, %add3A_236, %dma_wait3A_237, %dma_wait3A_238] : memref<2x16x5x40x50xi32, #tpu.memory_space<hbm>> -> memref<1x1x1x40x50xi32, #tpu.memory_space<hbm>>
            %dma_wait3A_240 = tpu.memref_squeeze %dma_wait3A_239 : memref<1x1x1x40x50xi32, #tpu.memory_space<hbm>> -> memref<40x50xi32, #tpu.memory_space<hbm>>
            %dma_wait3A_241 = arith.constant 0 : i32
            %dma_wait3A_242 = arith.constant 0 : i32
            %dma_wait3A_243 = tpu.memref_slice %arg3[%arg0, %arg1, %add3A_236, %dma_wait3A_241, %dma_wait3A_242] : memref<2x16x5x40x50xi32, #tpu.memory_space<hbm>> -> memref<1x1x1x40x50xi32, #tpu.memory_space<hbm>>
            %dma_wait3A_244 = tpu.memref_squeeze %dma_wait3A_243 : memref<1x1x1x40x50xi32, #tpu.memory_space<hbm>> -> memref<40x50xi32, #tpu.memory_space<hbm>>
            tpu.wait_dma2 semaphore(%arg19 : memref<!tpu.dma_semaphore, #tpu.memory_space<semaphore_mem>>) src(%dma_wait3A_244 : memref<40x50xi32, #tpu.memory_space<hbm>>) dst(%arg6 : memref<40x50xi32, #tpu.memory_space<vmem>>)
            %add3A_245 = arith.constant 1 : i32
            %add3A_246 = arith.addi %add3A_64, %add3A_245 : i32
            %dma_wait3A_247 = arith.constant 0 : i32
            %dma_wait3A_248 = arith.constant 0 : i32
            %dma_wait3A_249 = tpu.memref_slice %arg4[%arg0, %arg1, %add3A_246, %dma_wait3A_247, %dma_wait3A_248] : memref<2x16x5x40x50xi32, #tpu.memory_space<hbm>> -> memref<1x1x1x40x50xi32, #tpu.memory_space<hbm>>
            %dma_wait3A_250 = tpu.memref_squeeze %dma_wait3A_249 : memref<1x1x1x40x50xi32, #tpu.memory_space<hbm>> -> memref<40x50xi32, #tpu.memory_space<hbm>>
            %dma_wait3A_251 = arith.constant 0 : i32
            %dma_wait3A_252 = arith.constant 0 : i32
            %dma_wait3A_253 = tpu.memref_slice %arg4[%arg0, %arg1, %add3A_246, %dma_wait3A_251, %dma_wait3A_252] : memref<2x16x5x40x50xi32, #tpu.memory_space<hbm>> -> memref<1x1x1x40x50xi32, #tpu.memory_space<hbm>>
            %dma_wait3A_254 = tpu.memref_squeeze %dma_wait3A_253 : memref<1x1x1x40x50xi32, #tpu.memory_space<hbm>> -> memref<40x50xi32, #tpu.memory_space<hbm>>
            tpu.wait_dma2 semaphore(%arg19 : memref<!tpu.dma_semaphore, #tpu.memory_space<semaphore_mem>>) src(%dma_wait3A_254 : memref<40x50xi32, #tpu.memory_space<hbm>>) dst(%arg7 : memref<40x50xi32, #tpu.memory_space<vmem>>)
          } else {
          }
          %add3A_90 = arith.constant 0 : i32
          %add3A_91 = arith.addi %add3A_81, %add3A_90 : i32
          %dma_wait3A = arith.constant 0 : i32
          %dma_wait3A_92 = tpu.memref_slice %arg8[%add3A_91, %dma_wait3A] : memref<40x50xi32, #tpu.memory_space<vmem>> -> memref<1x50xi32, #tpu.memory_space<vmem>>
          %dma_wait3A_93 = tpu.memref_squeeze %dma_wait3A_92 : memref<1x50xi32, #tpu.memory_space<vmem>> -> memref<50xi32, #tpu.memory_space<vmem>>
          %dma_wait3A_94 = arith.constant 0 : i32
          %dma_wait3A_95 = arith.constant 0 : i32
          %dma_wait3A_96 = tpu.memref_slice %arg2[%dma_wait3A_94, %dma_wait3A_95] : memref<10000x128xf32, #tpu.memory_space<hbm>> -> memref<10000x128xf32, #tpu.memory_space<hbm>>
          tpu.wait_indirect_dma semaphore(%arg15 : memref<!tpu.dma_semaphore, #tpu.memory_space<semaphore_mem>>) src(%dma_wait3A_96 : memref<10000x128xf32, #tpu.memory_space<hbm>>) dst(%arg10 : memref<50x128xf32, #tpu.memory_space<vmem>>)
          %add3A_97 = arith.constant 0 : i32
          %add3A_98 = arith.addi %add3A_81, %add3A_97 : i32
          %add3A_99 = arith.constant 4 : i32
          %add3A_100 = arith.addi %add3A_98, %add3A_99 : i32
          %sub3A = arith.constant 1 : i32
          %sub3A_101 = arith.subi %add3A_100, %sub3A : i32
          %lt3A_102 = arith.constant 40 : i32
          %lt3A_103 = arith.cmpi slt, %sub3A_101, %lt3A_102 : i32
          %convert_element_type3A_104 = arith.extui %lt3A_103 : i1 to i32
          %cond3A_105 = arith.constant 0 : i32
          %cond3A_106 = arith.cmpi ne, %convert_element_type3A_104, %cond3A_105 : i32
          scf.if %cond3A_106 {
            %add3A_235 = arith.constant 0 : i32
            %add3A_236 = arith.addi %add3A_81, %add3A_235 : i32
            %add3A_237 = arith.constant 4 : i32
            %add3A_238 = arith.addi %add3A_236, %add3A_237 : i32
            %sub3A_239 = arith.constant 1 : i32
            %sub3A_240 = arith.subi %add3A_238, %sub3A_239 : i32
            %dma_start3A_241 = arith.constant 0 : i32
            %dma_start3A_242 = tpu.memref_slice %arg8[%sub3A_240, %dma_start3A_241] : memref<40x50xi32, #tpu.memory_space<vmem>> -> memref<1x50xi32, #tpu.memory_space<vmem>>
            %dma_start3A_243 = tpu.memref_squeeze %dma_start3A_242 : memref<1x50xi32, #tpu.memory_space<vmem>> -> memref<50xi32, #tpu.memory_space<vmem>>
            %dma_start3A_244 = arith.constant 0 : i32
            %dma_start3A_245 = arith.constant 0 : i32
            %dma_start3A_246 = tpu.memref_slice %arg2[%dma_start3A_244, %dma_start3A_245] : memref<10000x128xf32, #tpu.memory_space<hbm>> -> memref<10000x128xf32, #tpu.memory_space<hbm>>
            tpu.enqueue_indirect_dma source(%dma_start3A_246 : memref<10000x128xf32, #tpu.memory_space<hbm>>) target(%arg13 : memref<50x128xf32, #tpu.memory_space<vmem>>) offsets(%dma_start3A_243 : memref<50xi32, #tpu.memory_space<vmem>>) semaphore(%arg18 : memref<!tpu.dma_semaphore, #tpu.memory_space<semaphore_mem>>)
          } else {
          }
          %add3A_107 = arith.constant 0 : i32
          %add3A_108 = arith.addi %add3A_81, %add3A_107 : i32
          %add3A_109 = arith.constant 4 : i32
          %add3A_110 = arith.addi %add3A_108, %add3A_109 : i32
          %sub3A_111 = arith.constant 1 : i32
          %sub3A_112 = arith.subi %add3A_110, %sub3A_111 : i32
          %ge3A = arith.constant 40 : i32
          %ge3A_113 = arith.cmpi sge, %sub3A_112, %ge3A : i32
          %add3A_114 = arith.constant 1 : i32
          %add3A_115 = arith.addi %add3A_64, %add3A_114 : i32
          %lt3A_116 = arith.constant 5 : i32
          %lt3A_117 = arith.cmpi slt, %add3A_115, %lt3A_116 : i32
          %and3A_118 = arith.andi %ge3A_113, %lt3A_117 : i1
          %convert_element_type3A_119 = arith.extui %and3A_118 : i1 to i32
          %cond3A_120 = arith.constant 0 : i32
          %cond3A_121 = arith.cmpi ne, %convert_element_type3A_119, %cond3A_120 : i32
          scf.if %cond3A_121 {
            %add3A_235 = arith.constant 0 : i32
            %add3A_236 = arith.addi %add3A_81, %add3A_235 : i32
            %add3A_237 = arith.constant 4 : i32
            %add3A_238 = arith.addi %add3A_236, %add3A_237 : i32
            %sub3A_239 = arith.constant 1 : i32
            %sub3A_240 = arith.subi %add3A_238, %sub3A_239 : i32
            %sub3A_241 = arith.constant 40 : i32
            %sub3A_242 = arith.subi %sub3A_240, %sub3A_241 : i32
            %dma_start3A_243 = arith.constant 0 : i32
            %dma_start3A_244 = tpu.memref_slice %arg6[%sub3A_242, %dma_start3A_243] : memref<40x50xi32, #tpu.memory_space<vmem>> -> memref<1x50xi32, #tpu.memory_space<vmem>>
            %dma_start3A_245 = tpu.memref_squeeze %dma_start3A_244 : memref<1x50xi32, #tpu.memory_space<vmem>> -> memref<50xi32, #tpu.memory_space<vmem>>
            %dma_start3A_246 = arith.constant 0 : i32
            %dma_start3A_247 = arith.constant 0 : i32
            %dma_start3A_248 = tpu.memref_slice %arg2[%dma_start3A_246, %dma_start3A_247] : memref<10000x128xf32, #tpu.memory_space<hbm>> -> memref<10000x128xf32, #tpu.memory_space<hbm>>
            tpu.enqueue_indirect_dma source(%dma_start3A_248 : memref<10000x128xf32, #tpu.memory_space<hbm>>) target(%arg13 : memref<50x128xf32, #tpu.memory_space<vmem>>) offsets(%dma_start3A_245 : memref<50xi32, #tpu.memory_space<vmem>>) semaphore(%arg18 : memref<!tpu.dma_semaphore, #tpu.memory_space<semaphore_mem>>)
          } else {
          }
          %add3A_122 = arith.constant 0 : i32
          %add3A_123 = arith.addi %add3A_81, %add3A_122 : i32
          "tpu.region"() ({
            %run_scoped3A_235 = tpu.sem_alloc : memref<!tpu.dma_semaphore, #tpu.memory_space<semaphore_mem>>
            %dma_start3A_236 = arith.constant 0 : i32
            %dma_start3A_237 = tpu.memref_slice %arg9[%add3A_123, %dma_start3A_236] : memref<40x50xi32, #tpu.memory_space<vmem>> -> memref<1x50xi32, #tpu.memory_space<vmem>>
            %dma_start3A_238 = tpu.memref_squeeze %dma_start3A_237 : memref<1x50xi32, #tpu.memory_space<vmem>> -> memref<50xi32, #tpu.memory_space<vmem>>
            %dma_start3A_239 = arith.constant 0 : i32
            %dma_start3A_240 = arith.constant 0 : i32
            %dma_start3A_241 = tpu.memref_slice %arg14[%dma_start3A_239, %dma_start3A_240] : memref<10112x128xf32, #tpu.memory_space<vmem_shared>> -> memref<10112x128xf32, #tpu.memory_space<vmem_shared>>
            tpu.enqueue_indirect_dma source(%arg10 : memref<50x128xf32, #tpu.memory_space<vmem>>) target(%dma_start3A_241 : memref<10112x128xf32, #tpu.memory_space<vmem_shared>>) offsets(%dma_start3A_238 : memref<50xi32, #tpu.memory_space<vmem>>) semaphore(%run_scoped3A_235 : memref<!tpu.dma_semaphore, #tpu.memory_space<semaphore_mem>>) {add = true}
            %dma_wait3A_242 = arith.constant 0 : i32
            %dma_wait3A_243 = tpu.memref_slice %arg9[%add3A_123, %dma_wait3A_242] : memref<40x50xi32, #tpu.memory_space<vmem>> -> memref<1x50xi32, #tpu.memory_space<vmem>>
            %dma_wait3A_244 = tpu.memref_squeeze %dma_wait3A_243 : memref<1x50xi32, #tpu.memory_space<vmem>> -> memref<50xi32, #tpu.memory_space<vmem>>
            %dma_wait3A_245 = arith.constant 0 : i32
            %dma_wait3A_246 = arith.constant 0 : i32
            %dma_wait3A_247 = tpu.memref_slice %arg14[%dma_wait3A_245, %dma_wait3A_246] : memref<10112x128xf32, #tpu.memory_space<vmem_shared>> -> memref<10112x128xf32, #tpu.memory_space<vmem_shared>>
            tpu.wait_indirect_dma semaphore(%run_scoped3A_235 : memref<!tpu.dma_semaphore, #tpu.memory_space<semaphore_mem>>) src(%arg10 : memref<50x128xf32, #tpu.memory_space<vmem>>) dst(%dma_wait3A_247 : memref<10112x128xf32, #tpu.memory_space<vmem_shared>>)
            tpu.yield
          }) : () -> ()
          %add3A_124 = arith.constant 1 : i32
          %add3A_125 = arith.addi %add3A_81, %add3A_124 : i32
          %dma_wait3A_126 = arith.constant 0 : i32
          %dma_wait3A_127 = tpu.memref_slice %arg8[%add3A_125, %dma_wait3A_126] : memref<40x50xi32, #tpu.memory_space<vmem>> -> memref<1x50xi32, #tpu.memory_space<vmem>>
          %dma_wait3A_128 = tpu.memref_squeeze %dma_wait3A_127 : memref<1x50xi32, #tpu.memory_space<vmem>> -> memref<50xi32, #tpu.memory_space<vmem>>
          %dma_wait3A_129 = arith.constant 0 : i32
          %dma_wait3A_130 = arith.constant 0 : i32
          %dma_wait3A_131 = tpu.memref_slice %arg2[%dma_wait3A_129, %dma_wait3A_130] : memref<10000x128xf32, #tpu.memory_space<hbm>> -> memref<10000x128xf32, #tpu.memory_space<hbm>>
          tpu.wait_indirect_dma semaphore(%arg16 : memref<!tpu.dma_semaphore, #tpu.memory_space<semaphore_mem>>) src(%dma_wait3A_131 : memref<10000x128xf32, #tpu.memory_space<hbm>>) dst(%arg11 : memref<50x128xf32, #tpu.memory_space<vmem>>)
          %add3A_132 = arith.constant 1 : i32
          %add3A_133 = arith.addi %add3A_81, %add3A_132 : i32
          %add3A_134 = arith.constant 4 : i32
          %add3A_135 = arith.addi %add3A_133, %add3A_134 : i32
          %sub3A_136 = arith.constant 1 : i32
          %sub3A_137 = arith.subi %add3A_135, %sub3A_136 : i32
          %lt3A_138 = arith.constant 40 : i32
          %lt3A_139 = arith.cmpi slt, %sub3A_137, %lt3A_138 : i32
          %convert_element_type3A_140 = arith.extui %lt3A_139 : i1 to i32
          %cond3A_141 = arith.constant 0 : i32
          %cond3A_142 = arith.cmpi ne, %convert_element_type3A_140, %cond3A_141 : i32
          scf.if %cond3A_142 {
            %add3A_235 = arith.constant 1 : i32
            %add3A_236 = arith.addi %add3A_81, %add3A_235 : i32
            %add3A_237 = arith.constant 4 : i32
            %add3A_238 = arith.addi %add3A_236, %add3A_237 : i32
            %sub3A_239 = arith.constant 1 : i32
            %sub3A_240 = arith.subi %add3A_238, %sub3A_239 : i32
            %dma_start3A_241 = arith.constant 0 : i32
            %dma_start3A_242 = tpu.memref_slice %arg8[%sub3A_240, %dma_start3A_241] : memref<40x50xi32, #tpu.memory_space<vmem>> -> memref<1x50xi32, #tpu.memory_space<vmem>>
            %dma_start3A_243 = tpu.memref_squeeze %dma_start3A_242 : memref<1x50xi32, #tpu.memory_space<vmem>> -> memref<50xi32, #tpu.memory_space<vmem>>
            %dma_start3A_244 = arith.constant 0 : i32
            %dma_start3A_245 = arith.constant 0 : i32
            %dma_start3A_246 = tpu.memref_slice %arg2[%dma_start3A_244, %dma_start3A_245] : memref<10000x128xf32, #tpu.memory_space<hbm>> -> memref<10000x128xf32, #tpu.memory_space<hbm>>
            tpu.enqueue_indirect_dma source(%dma_start3A_246 : memref<10000x128xf32, #tpu.memory_space<hbm>>) target(%arg10 : memref<50x128xf32, #tpu.memory_space<vmem>>) offsets(%dma_start3A_243 : memref<50xi32, #tpu.memory_space<vmem>>) semaphore(%arg15 : memref<!tpu.dma_semaphore, #tpu.memory_space<semaphore_mem>>)
          } else {
          }
          %add3A_143 = arith.constant 1 : i32
          %add3A_144 = arith.addi %add3A_81, %add3A_143 : i32
          %add3A_145 = arith.constant 4 : i32
          %add3A_146 = arith.addi %add3A_144, %add3A_145 : i32
          %sub3A_147 = arith.constant 1 : i32
          %sub3A_148 = arith.subi %add3A_146, %sub3A_147 : i32
          %ge3A_149 = arith.constant 40 : i32
          %ge3A_150 = arith.cmpi sge, %sub3A_148, %ge3A_149 : i32
          %add3A_151 = arith.constant 1 : i32
          %add3A_152 = arith.addi %add3A_64, %add3A_151 : i32
          %lt3A_153 = arith.constant 5 : i32
          %lt3A_154 = arith.cmpi slt, %add3A_152, %lt3A_153 : i32
          %and3A_155 = arith.andi %ge3A_150, %lt3A_154 : i1
          %convert_element_type3A_156 = arith.extui %and3A_155 : i1 to i32
          %cond3A_157 = arith.constant 0 : i32
          %cond3A_158 = arith.cmpi ne, %convert_element_type3A_156, %cond3A_157 : i32
          scf.if %cond3A_158 {
            %add3A_235 = arith.constant 1 : i32
            %add3A_236 = arith.addi %add3A_81, %add3A_235 : i32
            %add3A_237 = arith.constant 4 : i32
            %add3A_238 = arith.addi %add3A_236, %add3A_237 : i32
            %sub3A_239 = arith.constant 1 : i32
            %sub3A_240 = arith.subi %add3A_238, %sub3A_239 : i32
            %sub3A_241 = arith.constant 40 : i32
            %sub3A_242 = arith.subi %sub3A_240, %sub3A_241 : i32
            %dma_start3A_243 = arith.constant 0 : i32
            %dma_start3A_244 = tpu.memref_slice %arg6[%sub3A_242, %dma_start3A_243] : memref<40x50xi32, #tpu.memory_space<vmem>> -> memref<1x50xi32, #tpu.memory_space<vmem>>
            %dma_start3A_245 = tpu.memref_squeeze %dma_start3A_244 : memref<1x50xi32, #tpu.memory_space<vmem>> -> memref<50xi32, #tpu.memory_space<vmem>>
            %dma_start3A_246 = arith.constant 0 : i32
            %dma_start3A_247 = arith.constant 0 : i32
            %dma_start3A_248 = tpu.memref_slice %arg2[%dma_start3A_246, %dma_start3A_247] : memref<10000x128xf32, #tpu.memory_space<hbm>> -> memref<10000x128xf32, #tpu.memory_space<hbm>>
            tpu.enqueue_indirect_dma source(%dma_start3A_248 : memref<10000x128xf32, #tpu.memory_space<hbm>>) target(%arg10 : memref<50x128xf32, #tpu.memory_space<vmem>>) offsets(%dma_start3A_245 : memref<50xi32, #tpu.memory_space<vmem>>) semaphore(%arg15 : memref<!tpu.dma_semaphore, #tpu.memory_space<semaphore_mem>>)
          } else {
          }
          %add3A_159 = arith.constant 1 : i32
          %add3A_160 = arith.addi %add3A_81, %add3A_159 : i32
          "tpu.region"() ({
            %run_scoped3A_235 = tpu.sem_alloc : memref<!tpu.dma_semaphore, #tpu.memory_space<semaphore_mem>>
            %dma_start3A_236 = arith.constant 0 : i32
            %dma_start3A_237 = tpu.memref_slice %arg9[%add3A_160, %dma_start3A_236] : memref<40x50xi32, #tpu.memory_space<vmem>> -> memref<1x50xi32, #tpu.memory_space<vmem>>
            %dma_start3A_238 = tpu.memref_squeeze %dma_start3A_237 : memref<1x50xi32, #tpu.memory_space<vmem>> -> memref<50xi32, #tpu.memory_space<vmem>>
            %dma_start3A_239 = arith.constant 0 : i32
            %dma_start3A_240 = arith.constant 0 : i32
            %dma_start3A_241 = tpu.memref_slice %arg14[%dma_start3A_239, %dma_start3A_240] : memref<10112x128xf32, #tpu.memory_space<vmem_shared>> -> memref<10112x128xf32, #tpu.memory_space<vmem_shared>>
            tpu.enqueue_indirect_dma source(%arg11 : memref<50x128xf32, #tpu.memory_space<vmem>>) target(%dma_start3A_241 : memref<10112x128xf32, #tpu.memory_space<vmem_shared>>) offsets(%dma_start3A_238 : memref<50xi32, #tpu.memory_space<vmem>>) semaphore(%run_scoped3A_235 : memref<!tpu.dma_semaphore, #tpu.memory_space<semaphore_mem>>) {add = true}
            %dma_wait3A_242 = arith.constant 0 : i32
            %dma_wait3A_243 = tpu.memref_slice %arg9[%add3A_160, %dma_wait3A_242] : memref<40x50xi32, #tpu.memory_space<vmem>> -> memref<1x50xi32, #tpu.memory_space<vmem>>
            %dma_wait3A_244 = tpu.memref_squeeze %dma_wait3A_243 : memref<1x50xi32, #tpu.memory_space<vmem>> -> memref<50xi32, #tpu.memory_space<vmem>>
            %dma_wait3A_245 = arith.constant 0 : i32
            %dma_wait3A_246 = arith.constant 0 : i32
            %dma_wait3A_247 = tpu.memref_slice %arg14[%dma_wait3A_245, %dma_wait3A_246] : memref<10112x128xf32, #tpu.memory_space<vmem_shared>> -> memref<10112x128xf32, #tpu.memory_space<vmem_shared>>
            tpu.wait_indirect_dma semaphore(%run_scoped3A_235 : memref<!tpu.dma_semaphore, #tpu.memory_space<semaphore_mem>>) src(%arg11 : memref<50x128xf32, #tpu.memory_space<vmem>>) dst(%dma_wait3A_247 : memref<10112x128xf32, #tpu.memory_space<vmem_shared>>)
            tpu.yield
          }) : () -> ()
          %add3A_161 = arith.constant 2 : i32
          %add3A_162 = arith.addi %add3A_81, %add3A_161 : i32
          %dma_wait3A_163 = arith.constant 0 : i32
          %dma_wait3A_164 = tpu.memref_slice %arg8[%add3A_162, %dma_wait3A_163] : memref<40x50xi32, #tpu.memory_space<vmem>> -> memref<1x50xi32, #tpu.memory_space<vmem>>
          %dma_wait3A_165 = tpu.memref_squeeze %dma_wait3A_164 : memref<1x50xi32, #tpu.memory_space<vmem>> -> memref<50xi32, #tpu.memory_space<vmem>>
          %dma_wait3A_166 = arith.constant 0 : i32
          %dma_wait3A_167 = arith.constant 0 : i32
          %dma_wait3A_168 = tpu.memref_slice %arg2[%dma_wait3A_166, %dma_wait3A_167] : memref<10000x128xf32, #tpu.memory_space<hbm>> -> memref<10000x128xf32, #tpu.memory_space<hbm>>
          tpu.wait_indirect_dma semaphore(%arg17 : memref<!tpu.dma_semaphore, #tpu.memory_space<semaphore_mem>>) src(%dma_wait3A_168 : memref<10000x128xf32, #tpu.memory_space<hbm>>) dst(%arg12 : memref<50x128xf32, #tpu.memory_space<vmem>>)
          %add3A_169 = arith.constant 2 : i32
          %add3A_170 = arith.addi %add3A_81, %add3A_169 : i32
          %add3A_171 = arith.constant 4 : i32
          %add3A_172 = arith.addi %add3A_170, %add3A_171 : i32
          %sub3A_173 = arith.constant 1 : i32
          %sub3A_174 = arith.subi %add3A_172, %sub3A_173 : i32
          %lt3A_175 = arith.constant 40 : i32
          %lt3A_176 = arith.cmpi slt, %sub3A_174, %lt3A_175 : i32
          %convert_element_type3A_177 = arith.extui %lt3A_176 : i1 to i32
          %cond3A_178 = arith.constant 0 : i32
          %cond3A_179 = arith.cmpi ne, %convert_element_type3A_177, %cond3A_178 : i32
          scf.if %cond3A_179 {
            %add3A_235 = arith.constant 2 : i32
            %add3A_236 = arith.addi %add3A_81, %add3A_235 : i32
            %add3A_237 = arith.constant 4 : i32
            %add3A_238 = arith.addi %add3A_236, %add3A_237 : i32
            %sub3A_239 = arith.constant 1 : i32
            %sub3A_240 = arith.subi %add3A_238, %sub3A_239 : i32
            %dma_start3A_241 = arith.constant 0 : i32
            %dma_start3A_242 = tpu.memref_slice %arg8[%sub3A_240, %dma_start3A_241] : memref<40x50xi32, #tpu.memory_space<vmem>> -> memref<1x50xi32, #tpu.memory_space<vmem>>
            %dma_start3A_243 = tpu.memref_squeeze %dma_start3A_242 : memref<1x50xi32, #tpu.memory_space<vmem>> -> memref<50xi32, #tpu.memory_space<vmem>>
            %dma_start3A_244 = arith.constant 0 : i32
            %dma_start3A_245 = arith.constant 0 : i32
            %dma_start3A_246 = tpu.memref_slice %arg2[%dma_start3A_244, %dma_start3A_245] : memref<10000x128xf32, #tpu.memory_space<hbm>> -> memref<10000x128xf32, #tpu.memory_space<hbm>>
            tpu.enqueue_indirect_dma source(%dma_start3A_246 : memref<10000x128xf32, #tpu.memory_space<hbm>>) target(%arg11 : memref<50x128xf32, #tpu.memory_space<vmem>>) offsets(%dma_start3A_243 : memref<50xi32, #tpu.memory_space<vmem>>) semaphore(%arg16 : memref<!tpu.dma_semaphore, #tpu.memory_space<semaphore_mem>>)
          } else {
          }
          %add3A_180 = arith.constant 2 : i32
          %add3A_181 = arith.addi %add3A_81, %add3A_180 : i32
          %add3A_182 = arith.constant 4 : i32
          %add3A_183 = arith.addi %add3A_181, %add3A_182 : i32
          %sub3A_184 = arith.constant 1 : i32
          %sub3A_185 = arith.subi %add3A_183, %sub3A_184 : i32
          %ge3A_186 = arith.constant 40 : i32
          %ge3A_187 = arith.cmpi sge, %sub3A_185, %ge3A_186 : i32
          %add3A_188 = arith.constant 1 : i32
          %add3A_189 = arith.addi %add3A_64, %add3A_188 : i32
          %lt3A_190 = arith.constant 5 : i32
          %lt3A_191 = arith.cmpi slt, %add3A_189, %lt3A_190 : i32
          %and3A_192 = arith.andi %ge3A_187, %lt3A_191 : i1
          %convert_element_type3A_193 = arith.extui %and3A_192 : i1 to i32
          %cond3A_194 = arith.constant 0 : i32
          %cond3A_195 = arith.cmpi ne, %convert_element_type3A_193, %cond3A_194 : i32
          scf.if %cond3A_195 {
            %add3A_235 = arith.constant 2 : i32
            %add3A_236 = arith.addi %add3A_81, %add3A_235 : i32
            %add3A_237 = arith.constant 4 : i32
            %add3A_238 = arith.addi %add3A_236, %add3A_237 : i32
            %sub3A_239 = arith.constant 1 : i32
            %sub3A_240 = arith.subi %add3A_238, %sub3A_239 : i32
            %sub3A_241 = arith.constant 40 : i32
            %sub3A_242 = arith.subi %sub3A_240, %sub3A_241 : i32
            %dma_start3A_243 = arith.constant 0 : i32
            %dma_start3A_244 = tpu.memref_slice %arg6[%sub3A_242, %dma_start3A_243] : memref<40x50xi32, #tpu.memory_space<vmem>> -> memref<1x50xi32, #tpu.memory_space<vmem>>
            %dma_start3A_245 = tpu.memref_squeeze %dma_start3A_244 : memref<1x50xi32, #tpu.memory_space<vmem>> -> memref<50xi32, #tpu.memory_space<vmem>>
            %dma_start3A_246 = arith.constant 0 : i32
            %dma_start3A_247 = arith.constant 0 : i32
            %dma_start3A_248 = tpu.memref_slice %arg2[%dma_start3A_246, %dma_start3A_247] : memref<10000x128xf32, #tpu.memory_space<hbm>> -> memref<10000x128xf32, #tpu.memory_space<hbm>>
            tpu.enqueue_indirect_dma source(%dma_start3A_248 : memref<10000x128xf32, #tpu.memory_space<hbm>>) target(%arg11 : memref<50x128xf32, #tpu.memory_space<vmem>>) offsets(%dma_start3A_245 : memref<50xi32, #tpu.memory_space<vmem>>) semaphore(%arg16 : memref<!tpu.dma_semaphore, #tpu.memory_space<semaphore_mem>>)
          } else {
          }
          %add3A_196 = arith.constant 2 : i32
          %add3A_197 = arith.addi %add3A_81, %add3A_196 : i32
          "tpu.region"() ({
            %run_scoped3A_235 = tpu.sem_alloc : memref<!tpu.dma_semaphore, #tpu.memory_space<semaphore_mem>>
            %dma_start3A_236 = arith.constant 0 : i32
            %dma_start3A_237 = tpu.memref_slice %arg9[%add3A_197, %dma_start3A_236] : memref<40x50xi32, #tpu.memory_space<vmem>> -> memref<1x50xi32, #tpu.memory_space<vmem>>
            %dma_start3A_238 = tpu.memref_squeeze %dma_start3A_237 : memref<1x50xi32, #tpu.memory_space<vmem>> -> memref<50xi32, #tpu.memory_space<vmem>>
            %dma_start3A_239 = arith.constant 0 : i32
            %dma_start3A_240 = arith.constant 0 : i32
            %dma_start3A_241 = tpu.memref_slice %arg14[%dma_start3A_239, %dma_start3A_240] : memref<10112x128xf32, #tpu.memory_space<vmem_shared>> -> memref<10112x128xf32, #tpu.memory_space<vmem_shared>>
            tpu.enqueue_indirect_dma source(%arg12 : memref<50x128xf32, #tpu.memory_space<vmem>>) target(%dma_start3A_241 : memref<10112x128xf32, #tpu.memory_space<vmem_shared>>) offsets(%dma_start3A_238 : memref<50xi32, #tpu.memory_space<vmem>>) semaphore(%run_scoped3A_235 : memref<!tpu.dma_semaphore, #tpu.memory_space<semaphore_mem>>) {add = true}
            %dma_wait3A_242 = arith.constant 0 : i32
            %dma_wait3A_243 = tpu.memref_slice %arg9[%add3A_197, %dma_wait3A_242] : memref<40x50xi32, #tpu.memory_space<vmem>> -> memref<1x50xi32, #tpu.memory_space<vmem>>
            %dma_wait3A_244 = tpu.memref_squeeze %dma_wait3A_243 : memref<1x50xi32, #tpu.memory_space<vmem>> -> memref<50xi32, #tpu.memory_space<vmem>>
            %dma_wait3A_245 = arith.constant 0 : i32
            %dma_wait3A_246 = arith.constant 0 : i32
            %dma_wait3A_247 = tpu.memref_slice %arg14[%dma_wait3A_245, %dma_wait3A_246] : memref<10112x128xf32, #tpu.memory_space<vmem_shared>> -> memref<10112x128xf32, #tpu.memory_space<vmem_shared>>
            tpu.wait_indirect_dma semaphore(%run_scoped3A_235 : memref<!tpu.dma_semaphore, #tpu.memory_space<semaphore_mem>>) src(%arg12 : memref<50x128xf32, #tpu.memory_space<vmem>>) dst(%dma_wait3A_247 : memref<10112x128xf32, #tpu.memory_space<vmem_shared>>)
            tpu.yield
          }) : () -> ()
          %add3A_198 = arith.constant 3 : i32
          %add3A_199 = arith.addi %add3A_81, %add3A_198 : i32
          %dma_wait3A_200 = arith.constant 0 : i32
          %dma_wait3A_201 = tpu.memref_slice %arg8[%add3A_199, %dma_wait3A_200] : memref<40x50xi32, #tpu.memory_space<vmem>> -> memref<1x50xi32, #tpu.memory_space<vmem>>
          %dma_wait3A_202 = tpu.memref_squeeze %dma_wait3A_201 : memref<1x50xi32, #tpu.memory_space<vmem>> -> memref<50xi32, #tpu.memory_space<vmem>>
          %dma_wait3A_203 = arith.constant 0 : i32
          %dma_wait3A_204 = arith.constant 0 : i32
          %dma_wait3A_205 = tpu.memref_slice %arg2[%dma_wait3A_203, %dma_wait3A_204] : memref<10000x128xf32, #tpu.memory_space<hbm>> -> memref<10000x128xf32, #tpu.memory_space<hbm>>
          tpu.wait_indirect_dma semaphore(%arg18 : memref<!tpu.dma_semaphore, #tpu.memory_space<semaphore_mem>>) src(%dma_wait3A_205 : memref<10000x128xf32, #tpu.memory_space<hbm>>) dst(%arg13 : memref<50x128xf32, #tpu.memory_space<vmem>>)
          %add3A_206 = arith.constant 3 : i32
          %add3A_207 = arith.addi %add3A_81, %add3A_206 : i32
          %add3A_208 = arith.constant 4 : i32
          %add3A_209 = arith.addi %add3A_207, %add3A_208 : i32
          %sub3A_210 = arith.constant 1 : i32
          %sub3A_211 = arith.subi %add3A_209, %sub3A_210 : i32
          %lt3A_212 = arith.constant 40 : i32
          %lt3A_213 = arith.cmpi slt, %sub3A_211, %lt3A_212 : i32
          %convert_element_type3A_214 = arith.extui %lt3A_213 : i1 to i32
          %cond3A_215 = arith.constant 0 : i32
          %cond3A_216 = arith.cmpi ne, %convert_element_type3A_214, %cond3A_215 : i32
          scf.if %cond3A_216 {
            %add3A_235 = arith.constant 3 : i32
            %add3A_236 = arith.addi %add3A_81, %add3A_235 : i32
            %add3A_237 = arith.constant 4 : i32
            %add3A_238 = arith.addi %add3A_236, %add3A_237 : i32
            %sub3A_239 = arith.constant 1 : i32
            %sub3A_240 = arith.subi %add3A_238, %sub3A_239 : i32
            %dma_start3A_241 = arith.constant 0 : i32
            %dma_start3A_242 = tpu.memref_slice %arg8[%sub3A_240, %dma_start3A_241] : memref<40x50xi32, #tpu.memory_space<vmem>> -> memref<1x50xi32, #tpu.memory_space<vmem>>
            %dma_start3A_243 = tpu.memref_squeeze %dma_start3A_242 : memref<1x50xi32, #tpu.memory_space<vmem>> -> memref<50xi32, #tpu.memory_space<vmem>>
            %dma_start3A_244 = arith.constant 0 : i32
            %dma_start3A_245 = arith.constant 0 : i32
            %dma_start3A_246 = tpu.memref_slice %arg2[%dma_start3A_244, %dma_start3A_245] : memref<10000x128xf32, #tpu.memory_space<hbm>> -> memref<10000x128xf32, #tpu.memory_space<hbm>>
            tpu.enqueue_indirect_dma source(%dma_start3A_246 : memref<10000x128xf32, #tpu.memory_space<hbm>>) target(%arg12 : memref<50x128xf32, #tpu.memory_space<vmem>>) offsets(%dma_start3A_243 : memref<50xi32, #tpu.memory_space<vmem>>) semaphore(%arg17 : memref<!tpu.dma_semaphore, #tpu.memory_space<semaphore_mem>>)
          } else {
          }
          %add3A_217 = arith.constant 3 : i32
          %add3A_218 = arith.addi %add3A_81, %add3A_217 : i32
          %add3A_219 = arith.constant 4 : i32
          %add3A_220 = arith.addi %add3A_218, %add3A_219 : i32
          %sub3A_221 = arith.constant 1 : i32
          %sub3A_222 = arith.subi %add3A_220, %sub3A_221 : i32
          %ge3A_223 = arith.constant 40 : i32
          %ge3A_224 = arith.cmpi sge, %sub3A_222, %ge3A_223 : i32
          %add3A_225 = arith.constant 1 : i32
          %add3A_226 = arith.addi %add3A_64, %add3A_225 : i32
          %lt3A_227 = arith.constant 5 : i32
          %lt3A_228 = arith.cmpi slt, %add3A_226, %lt3A_227 : i32
          %and3A_229 = arith.andi %ge3A_224, %lt3A_228 : i1
          %convert_element_type3A_230 = arith.extui %and3A_229 : i1 to i32
          %cond3A_231 = arith.constant 0 : i32
          %cond3A_232 = arith.cmpi ne, %convert_element_type3A_230, %cond3A_231 : i32
          scf.if %cond3A_232 {
            %add3A_235 = arith.constant 3 : i32
            %add3A_236 = arith.addi %add3A_81, %add3A_235 : i32
            %add3A_237 = arith.constant 4 : i32
            %add3A_238 = arith.addi %add3A_236, %add3A_237 : i32
            %sub3A_239 = arith.constant 1 : i32
            %sub3A_240 = arith.subi %add3A_238, %sub3A_239 : i32
            %sub3A_241 = arith.constant 40 : i32
            %sub3A_242 = arith.subi %sub3A_240, %sub3A_241 : i32
            %dma_start3A_243 = arith.constant 0 : i32
            %dma_start3A_244 = tpu.memref_slice %arg6[%sub3A_242, %dma_start3A_243] : memref<40x50xi32, #tpu.memory_space<vmem>> -> memref<1x50xi32, #tpu.memory_space<vmem>>
            %dma_start3A_245 = tpu.memref_squeeze %dma_start3A_244 : memref<1x50xi32, #tpu.memory_space<vmem>> -> memref<50xi32, #tpu.memory_space<vmem>>
            %dma_start3A_246 = arith.constant 0 : i32
            %dma_start3A_247 = arith.constant 0 : i32
            %dma_start3A_248 = tpu.memref_slice %arg2[%dma_start3A_246, %dma_start3A_247] : memref<10000x128xf32, #tpu.memory_space<hbm>> -> memref<10000x128xf32, #tpu.memory_space<hbm>>
            tpu.enqueue_indirect_dma source(%dma_start3A_248 : memref<10000x128xf32, #tpu.memory_space<hbm>>) target(%arg12 : memref<50x128xf32, #tpu.memory_space<vmem>>) offsets(%dma_start3A_245 : memref<50xi32, #tpu.memory_space<vmem>>) semaphore(%arg17 : memref<!tpu.dma_semaphore, #tpu.memory_space<semaphore_mem>>)
          } else {
          }
          %add3A_233 = arith.constant 3 : i32
          %add3A_234 = arith.addi %add3A_81, %add3A_233 : i32
          "tpu.region"() ({
            %run_scoped3A_235 = tpu.sem_alloc : memref<!tpu.dma_semaphore, #tpu.memory_space<semaphore_mem>>
            %dma_start3A_236 = arith.constant 0 : i32
            %dma_start3A_237 = tpu.memref_slice %arg9[%add3A_234, %dma_start3A_236] : memref<40x50xi32, #tpu.memory_space<vmem>> -> memref<1x50xi32, #tpu.memory_space<vmem>>
            %dma_start3A_238 = tpu.memref_squeeze %dma_start3A_237 : memref<1x50xi32, #tpu.memory_space<vmem>> -> memref<50xi32, #tpu.memory_space<vmem>>
            %dma_start3A_239 = arith.constant 0 : i32
            %dma_start3A_240 = arith.constant 0 : i32
            %dma_start3A_241 = tpu.memref_slice %arg14[%dma_start3A_239, %dma_start3A_240] : memref<10112x128xf32, #tpu.memory_space<vmem_shared>> -> memref<10112x128xf32, #tpu.memory_space<vmem_shared>>
            tpu.enqueue_indirect_dma source(%arg13 : memref<50x128xf32, #tpu.memory_space<vmem>>) target(%dma_start3A_241 : memref<10112x128xf32, #tpu.memory_space<vmem_shared>>) offsets(%dma_start3A_238 : memref<50xi32, #tpu.memory_space<vmem>>) semaphore(%run_scoped3A_235 : memref<!tpu.dma_semaphore, #tpu.memory_space<semaphore_mem>>) {add = true}
            %dma_wait3A_242 = arith.constant 0 : i32
            %dma_wait3A_243 = tpu.memref_slice %arg9[%add3A_234, %dma_wait3A_242] : memref<40x50xi32, #tpu.memory_space<vmem>> -> memref<1x50xi32, #tpu.memory_space<vmem>>
            %dma_wait3A_244 = tpu.memref_squeeze %dma_wait3A_243 : memref<1x50xi32, #tpu.memory_space<vmem>> -> memref<50xi32, #tpu.memory_space<vmem>>
            %dma_wait3A_245 = arith.constant 0 : i32
            %dma_wait3A_246 = arith.constant 0 : i32
            %dma_wait3A_247 = tpu.memref_slice %arg14[%dma_wait3A_245, %dma_wait3A_246] : memref<10112x128xf32, #tpu.memory_space<vmem_shared>> -> memref<10112x128xf32, #tpu.memory_space<vmem_shared>>
            tpu.wait_indirect_dma semaphore(%run_scoped3A_235 : memref<!tpu.dma_semaphore, #tpu.memory_space<semaphore_mem>>) src(%arg13 : memref<50x128xf32, #tpu.memory_space<vmem>>) dst(%dma_wait3A_247 : memref<10112x128xf32, #tpu.memory_space<vmem_shared>>)
            tpu.yield
          }) : () -> ()
        }
        %scan3A_76 = arith.constant 10 : i32
      } else {
      }
    }
    %scan3A_36 = arith.constant 3 : i32
    %barrier3A_37 = arith.constant 0 : index
    tpu.barrier barrier_id(%barrier3A_37)
    %mul3A_38 = arith.constant 632 : i32
    %mul3A_39 = arith.muli %arg1, %mul3A_38 : i32
    %mul3A_40 = arith.constant 632 : i32
    %mul3A_41 = arith.muli %arg1, %mul3A_40 : i32
    "tpu.region"() ({
      %run_scoped3A_42 = tpu.sem_alloc : memref<!tpu.dma_semaphore, #tpu.memory_space<semaphore_mem>>
      %dma_start3A_43 = arith.constant 0 : i32
      %dma_start3A_44 = tpu.memref_slice %arg5[%arg0, %mul3A_41, %dma_start3A_43] : memref<2x10112x128xf32, #tpu.memory_space<hbm>> -> memref<1x632x128xf32, #tpu.memory_space<hbm>>
      %dma_start3A_45 = tpu.memref_squeeze %dma_start3A_44 : memref<1x632x128xf32, #tpu.memory_space<hbm>> -> memref<632x128xf32, #tpu.memory_space<hbm>>
      %dma_start3A_46 = arith.constant 0 : i32
      %dma_start3A_47 = tpu.memref_slice %arg14[%mul3A_39, %dma_start3A_46] : memref<10112x128xf32, #tpu.memory_space<vmem_shared>> -> memref<632x128xf32, #tpu.memory_space<vmem_shared>>
      tpu.enqueue_dma source(%dma_start3A_47 : memref<632x128xf32, #tpu.memory_space<vmem_shared>>) target(%dma_start3A_45 : memref<632x128xf32, #tpu.memory_space<hbm>>) target_semaphore(%run_scoped3A_42 : memref<!tpu.dma_semaphore, #tpu.memory_space<semaphore_mem>>)
      %dma_wait3A = arith.constant 0 : i32
      %dma_wait3A_48 = tpu.memref_slice %arg5[%arg0, %mul3A_41, %dma_wait3A] : memref<2x10112x128xf32, #tpu.memory_space<hbm>> -> memref<1x632x128xf32, #tpu.memory_space<hbm>>
      %dma_wait3A_49 = tpu.memref_squeeze %dma_wait3A_48 : memref<1x632x128xf32, #tpu.memory_space<hbm>> -> memref<632x128xf32, #tpu.memory_space<hbm>>
      %dma_wait3A_50 = arith.constant 0 : i32
      %dma_wait3A_51 = tpu.memref_slice %arg14[%mul3A_39, %dma_wait3A_50] : memref<10112x128xf32, #tpu.memory_space<vmem_shared>> -> memref<632x128xf32, #tpu.memory_space<vmem_shared>>
      tpu.wait_dma2 semaphore(%run_scoped3A_42 : memref<!tpu.dma_semaphore, #tpu.memory_space<semaphore_mem>>) src(%dma_wait3A_51 : memref<632x128xf32, #tpu.memory_space<vmem_shared>>) dst(%dma_wait3A_49 : memref<632x128xf32, #tpu.memory_space<hbm>>)
      tpu.yield
    }) : () -> ()
    return
  }
}

#map = affine_map<(d0, d1) -> (0, 0, 0, 0)>
#map1 = affine_map<(d0, d1) -> (0)>
module attributes {stable_mosaic.version = 14 : i64} {
  func.func @_deg_kernel(%arg0: i32, %arg1: i32, %arg2: memref<2x16x80x125xi32, #tpu.memory_space<hbm>>, %arg3: memref<20480xf32, #tpu.memory_space<hbm>>, %arg4: memref<80x125xi32, #tpu.memory_space<vmem>>, %arg5: memref<128xf32, #tpu.memory_space<vmem>>, %arg6: memref<640xf32, #tpu.memory_space<vmem>>, %arg7: memref<10240xf32, #tpu.memory_space<vmem_shared>>) attributes {dimension_semantics = [#tpu.dimension_semantics<core_parallel>, #tpu.dimension_semantics<subcore_parallel>], iteration_bounds = array<i64: 2, 16>, scalar_prefetch = 0 : i64, scratch_operands = 4 : i64, tpu.core_type = #tpu.core_type<sc_vector_subcore>, window_params = [{transform_indices = #map}, {transform_indices = #map1}]} {
    "tpu.region"() ({
      %run_scoped3A = tpu.sem_alloc : memref<!tpu.dma_semaphore, #tpu.memory_space<semaphore_mem>>
      %dma_start3A = arith.constant 0 : i32
      %dma_start3A_22 = arith.constant 0 : i32
      %dma_start3A_23 = tpu.memref_slice %arg2[%arg0, %arg1, %dma_start3A, %dma_start3A_22] : memref<2x16x80x125xi32, #tpu.memory_space<hbm>> -> memref<1x1x80x125xi32, #tpu.memory_space<hbm>>
      %dma_start3A_24 = tpu.memref_squeeze %dma_start3A_23 : memref<1x1x80x125xi32, #tpu.memory_space<hbm>> -> memref<80x125xi32, #tpu.memory_space<hbm>>
      %dma_start3A_25 = arith.constant 0 : i32
      %dma_start3A_26 = arith.constant 0 : i32
      %dma_start3A_27 = tpu.memref_slice %arg2[%arg0, %arg1, %dma_start3A_25, %dma_start3A_26] : memref<2x16x80x125xi32, #tpu.memory_space<hbm>> -> memref<1x1x80x125xi32, #tpu.memory_space<hbm>>
      %dma_start3A_28 = tpu.memref_squeeze %dma_start3A_27 : memref<1x1x80x125xi32, #tpu.memory_space<hbm>> -> memref<80x125xi32, #tpu.memory_space<hbm>>
      tpu.enqueue_dma source(%dma_start3A_28 : memref<80x125xi32, #tpu.memory_space<hbm>>) target(%arg4 : memref<80x125xi32, #tpu.memory_space<vmem>>) target_semaphore(%run_scoped3A : memref<!tpu.dma_semaphore, #tpu.memory_space<semaphore_mem>>)
      %dma_wait3A = arith.constant 0 : i32
      %dma_wait3A_29 = arith.constant 0 : i32
      %dma_wait3A_30 = tpu.memref_slice %arg2[%arg0, %arg1, %dma_wait3A, %dma_wait3A_29] : memref<2x16x80x125xi32, #tpu.memory_space<hbm>> -> memref<1x1x80x125xi32, #tpu.memory_space<hbm>>
      %dma_wait3A_31 = tpu.memref_squeeze %dma_wait3A_30 : memref<1x1x80x125xi32, #tpu.memory_space<hbm>> -> memref<80x125xi32, #tpu.memory_space<hbm>>
      %dma_wait3A_32 = arith.constant 0 : i32
      %dma_wait3A_33 = arith.constant 0 : i32
      %dma_wait3A_34 = tpu.memref_slice %arg2[%arg0, %arg1, %dma_wait3A_32, %dma_wait3A_33] : memref<2x16x80x125xi32, #tpu.memory_space<hbm>> -> memref<1x1x80x125xi32, #tpu.memory_space<hbm>>
      %dma_wait3A_35 = tpu.memref_squeeze %dma_wait3A_34 : memref<1x1x80x125xi32, #tpu.memory_space<hbm>> -> memref<80x125xi32, #tpu.memory_space<hbm>>
      tpu.wait_dma2 semaphore(%run_scoped3A : memref<!tpu.dma_semaphore, #tpu.memory_space<semaphore_mem>>) src(%dma_wait3A_35 : memref<80x125xi32, #tpu.memory_space<hbm>>) dst(%arg4 : memref<80x125xi32, #tpu.memory_space<vmem>>)
      tpu.yield
    }) : () -> ()
    %scan3A = arith.constant 0 : i32
    %scan3A_0 = arith.constant 8 : i32
    %scan3A_1 = arith.addi %scan3A, %scan3A_0 : i32
    %scan3A_2 = arith.constant 1 : i32
    scf.for %scan3A_22 = %scan3A to %scan3A_1 step %scan3A_2  : i32 {
      %mul3A_23 = arith.constant 1 : i32
      %mul3A_24 = arith.muli %scan3A_22, %mul3A_23 : i32
      %add3A_25 = arith.constant 0 : i32
      %add3A_26 = arith.addi %add3A_25, %mul3A_24 : i32
      %broadcast_in_dim3A = arith.constant 1.000000e+00 : f32
      %broadcast_in_dim3A_27 = vector.broadcast %broadcast_in_dim3A : f32 to vector<16xf32>
      %mul3A_28 = arith.constant 16 : i32
      %mul3A_29 = arith.muli %add3A_26, %mul3A_28 : i32
      %swap3A = arith.index_cast %mul3A_29 : i32 to index
      %swap3A_30 = tpu.vector_load %arg5[%swap3A] {strides = array<i32>} : memref<128xf32, #tpu.memory_space<vmem>>, vector<16xf32>,
      %swap3A_31 = vector.shape_cast %swap3A_30 : vector<16xf32> to vector<16xf32>
      %swap3A_32 = vector.shape_cast %broadcast_in_dim3A_27 : vector<16xf32> to vector<16xf32>
      tpu.vector_store %arg5[%swap3A], %swap3A_32 {strides = array<i32>} : memref<128xf32, #tpu.memory_space<vmem>>, vector<16xf32>,
    }
    %scan3A_3 = arith.constant 8 : i32
    %scan3A_4 = arith.constant 0 : i32
    %scan3A_5 = arith.constant 40 : i32
    %scan3A_6 = arith.addi %scan3A_4, %scan3A_5 : i32
    %scan3A_7 = arith.constant 1 : i32
    scf.for %scan3A_22 = %scan3A_4 to %scan3A_6 step %scan3A_7  : i32 {
      %mul3A_23 = arith.constant 1 : i32
      %mul3A_24 = arith.muli %scan3A_22, %mul3A_23 : i32
      %add3A_25 = arith.constant 0 : i32
      %add3A_26 = arith.addi %add3A_25, %mul3A_24 : i32
      %broadcast_in_dim3A = arith.constant 0.000000e+00 : f32
      %broadcast_in_dim3A_27 = vector.broadcast %broadcast_in_dim3A : f32 to vector<16xf32>
      %mul3A_28 = arith.constant 16 : i32
      %mul3A_29 = arith.muli %add3A_26, %mul3A_28 : i32
      %swap3A = arith.index_cast %mul3A_29 : i32 to index
      %swap3A_30 = tpu.vector_load %arg6[%swap3A] {strides = array<i32>} : memref<640xf32, #tpu.memory_space<vmem>>, vector<16xf32>,
      %swap3A_31 = vector.shape_cast %swap3A_30 : vector<16xf32> to vector<16xf32>
      %swap3A_32 = vector.shape_cast %broadcast_in_dim3A_27 : vector<16xf32> to vector<16xf32>
      tpu.vector_store %arg6[%swap3A], %swap3A_32 {strides = array<i32>} : memref<640xf32, #tpu.memory_space<vmem>>, vector<16xf32>,
    }
    %scan3A_8 = arith.constant 40 : i32
    %mul3A = arith.constant 640 : i32
    %mul3A_9 = arith.muli %arg1, %mul3A : i32
    "tpu.region"() ({
      %run_scoped3A = tpu.sem_alloc : memref<!tpu.dma_semaphore, #tpu.memory_space<semaphore_mem>>
      %dma_start3A = tpu.memref_slice %arg7[%mul3A_9] : memref<10240xf32, #tpu.memory_space<vmem_shared>> -> memref<640xf32, #tpu.memory_space<vmem_shared>>
      %dma_start3A_22 = tpu.memref_slice %arg7[%mul3A_9] : memref<10240xf32, #tpu.memory_space<vmem_shared>> -> memref<640xf32, #tpu.memory_space<vmem_shared>>
      tpu.enqueue_dma source(%arg6 : memref<640xf32, #tpu.memory_space<vmem>>) target(%dma_start3A_22 : memref<640xf32, #tpu.memory_space<vmem_shared>>) target_semaphore(%run_scoped3A : memref<!tpu.dma_semaphore, #tpu.memory_space<semaphore_mem>>)
      %dma_wait3A = tpu.memref_slice %arg7[%mul3A_9] : memref<10240xf32, #tpu.memory_space<vmem_shared>> -> memref<640xf32, #tpu.memory_space<vmem_shared>>
      %dma_wait3A_23 = tpu.memref_slice %arg7[%mul3A_9] : memref<10240xf32, #tpu.memory_space<vmem_shared>> -> memref<640xf32, #tpu.memory_space<vmem_shared>>
      tpu.wait_dma2 semaphore(%run_scoped3A : memref<!tpu.dma_semaphore, #tpu.memory_space<semaphore_mem>>) src(%arg6 : memref<640xf32, #tpu.memory_space<vmem>>) dst(%dma_wait3A_23 : memref<640xf32, #tpu.memory_space<vmem_shared>>)
      tpu.yield
    }) : () -> ()
    %barrier3A = arith.constant 0 : index
    tpu.barrier barrier_id(%barrier3A)
    %scan3A_10 = arith.constant 0 : i32
    %scan3A_11 = arith.constant 80 : i32
    %scan3A_12 = arith.addi %scan3A_10, %scan3A_11 : i32
    %scan3A_13 = arith.constant 1 : i32
    scf.for %scan3A_22 = %scan3A_10 to %scan3A_12 step %scan3A_13  : i32 {
      %mul3A_23 = arith.constant 1 : i32
      %mul3A_24 = arith.muli %scan3A_22, %mul3A_23 : i32
      %add3A_25 = arith.constant 0 : i32
      %add3A_26 = arith.addi %add3A_25, %mul3A_24 : i32
      "tpu.region"() ({
        %run_scoped3A = tpu.sem_alloc : memref<!tpu.dma_semaphore, #tpu.memory_space<semaphore_mem>>
        %dma_start3A = arith.constant 0 : i32
        %dma_start3A_27 = tpu.memref_slice %arg5[%dma_start3A] : memref<128xf32, #tpu.memory_space<vmem>> -> memref<125xf32, #tpu.memory_space<vmem>>
        %dma_start3A_28 = arith.constant 0 : i32
        %dma_start3A_29 = tpu.memref_slice %arg4[%add3A_26, %dma_start3A_28] : memref<80x125xi32, #tpu.memory_space<vmem>> -> memref<1x125xi32, #tpu.memory_space<vmem>>
        %dma_start3A_30 = tpu.memref_squeeze %dma_start3A_29 : memref<1x125xi32, #tpu.memory_space<vmem>> -> memref<125xi32, #tpu.memory_space<vmem>>
        %dma_start3A_31 = arith.constant 0 : i32
        %dma_start3A_32 = tpu.memref_slice %arg7[%dma_start3A_31] : memref<10240xf32, #tpu.memory_space<vmem_shared>> -> memref<10240xf32, #tpu.memory_space<vmem_shared>>
        tpu.enqueue_indirect_dma source(%dma_start3A_27 : memref<125xf32, #tpu.memory_space<vmem>>) target(%dma_start3A_32 : memref<10240xf32, #tpu.memory_space<vmem_shared>>) offsets(%dma_start3A_30 : memref<125xi32, #tpu.memory_space<vmem>>) semaphore(%run_scoped3A : memref<!tpu.dma_semaphore, #tpu.memory_space<semaphore_mem>>) {add = true}
        %dma_wait3A = arith.constant 0 : i32
        %dma_wait3A_33 = tpu.memref_slice %arg5[%dma_wait3A] : memref<128xf32, #tpu.memory_space<vmem>> -> memref<125xf32, #tpu.memory_space<vmem>>
        %dma_wait3A_34 = arith.constant 0 : i32
        %dma_wait3A_35 = tpu.memref_slice %arg4[%add3A_26, %dma_wait3A_34] : memref<80x125xi32, #tpu.memory_space<vmem>> -> memref<1x125xi32, #tpu.memory_space<vmem>>
        %dma_wait3A_36 = tpu.memref_squeeze %dma_wait3A_35 : memref<1x125xi32, #tpu.memory_space<vmem>> -> memref<125xi32, #tpu.memory_space<vmem>>
        %dma_wait3A_37 = arith.constant 0 : i32
        %dma_wait3A_38 = tpu.memref_slice %arg7[%dma_wait3A_37] : memref<10240xf32, #tpu.memory_space<vmem_shared>> -> memref<10240xf32, #tpu.memory_space<vmem_shared>>
        tpu.wait_indirect_dma semaphore(%run_scoped3A : memref<!tpu.dma_semaphore, #tpu.memory_space<semaphore_mem>>) src(%dma_wait3A_33 : memref<125xf32, #tpu.memory_space<vmem>>) dst(%dma_wait3A_38 : memref<10240xf32, #tpu.memory_space<vmem_shared>>)
        tpu.yield
      }) : () -> ()
    }
    %scan3A_14 = arith.constant 80 : i32
    %barrier3A_15 = arith.constant 0 : index
    tpu.barrier barrier_id(%barrier3A_15)
    %mul3A_16 = arith.constant 640 : i32
    %mul3A_17 = arith.muli %arg1, %mul3A_16 : i32
    %mul3A_18 = arith.constant 10240 : i32
    %mul3A_19 = arith.muli %arg0, %mul3A_18 : i32
    %mul3A_20 = arith.constant 640 : i32
    %mul3A_21 = arith.muli %arg1, %mul3A_20 : i32
    %add3A = arith.addi %mul3A_19, %mul3A_21 : i32
    "tpu.region"() ({
      %run_scoped3A = tpu.sem_alloc : memref<!tpu.dma_semaphore, #tpu.memory_space<semaphore_mem>>
      %dma_start3A = tpu.memref_slice %arg3[%add3A] : memref<20480xf32, #tpu.memory_space<hbm>> -> memref<640xf32, #tpu.memory_space<hbm>>
      %dma_start3A_22 = tpu.memref_slice %arg7[%mul3A_17] : memref<10240xf32, #tpu.memory_space<vmem_shared>> -> memref<640xf32, #tpu.memory_space<vmem_shared>>
      tpu.enqueue_dma source(%dma_start3A_22 : memref<640xf32, #tpu.memory_space<vmem_shared>>) target(%dma_start3A : memref<640xf32, #tpu.memory_space<hbm>>) target_semaphore(%run_scoped3A : memref<!tpu.dma_semaphore, #tpu.memory_space<semaphore_mem>>)
      %dma_wait3A = tpu.memref_slice %arg3[%add3A] : memref<20480xf32, #tpu.memory_space<hbm>> -> memref<640xf32, #tpu.memory_space<hbm>>
      %dma_wait3A_23 = tpu.memref_slice %arg7[%mul3A_17] : memref<10240xf32, #tpu.memory_space<vmem_shared>> -> memref<640xf32, #tpu.memory_space<vmem_shared>>
      tpu.wait_dma2 semaphore(%run_scoped3A : memref<!tpu.dma_semaphore, #tpu.memory_space<semaphore_mem>>) src(%dma_wait3A_23 : memref<640xf32, #tpu.memory_space<vmem_shared>>) dst(%dma_wait3A : memref<640xf32, #tpu.memory_space<hbm>>)
      tpu.yield
    }) : () -> ()
    return
  }
}

#map = affine_map<(d0, d1) -> (0, 0)>
#map1 = affine_map<(d0, d1) -> (0, 0, 0, 0, 0)>
#map2 = affine_map<(d0, d1) -> (0, 0, 0)>
module attributes {stable_mosaic.version = 14 : i64} {
  func.func @_agg_kernel(%arg0: i32, %arg1: i32, %arg2: memref<10000x128xf32, #tpu.memory_space<hbm>>, %arg3: memref<2x16x5x40x50xi32, #tpu.memory_space<hbm>>, %arg4: memref<2x16x5x40x50xi32, #tpu.memory_space<hbm>>, %arg5: memref<2x10112x128xf32, #tpu.memory_space<hbm>>, %arg6: memref<40x50xi32, #tpu.memory_space<vmem>>, %arg7: memref<40x50xi32, #tpu.memory_space<vmem>>, %arg8: memref<40x50xi32, #tpu.memory_space<vmem>>, %arg9: memref<40x50xi32, #tpu.memory_space<vmem>>, %arg10: memref<50x128xf32, #tpu.memory_space<vmem>>, %arg11: memref<50x128xf32, #tpu.memory_space<vmem>>, %arg12: memref<50x128xf32, #tpu.memory_space<vmem>>, %arg13: memref<50x128xf32, #tpu.memory_space<vmem>>, %arg14: memref<10112x128xf32, #tpu.memory_space<vmem_shared>>, %arg15: memref<!tpu.dma_semaphore, #tpu.memory_space<semaphore_mem>>, %arg16: memref<!tpu.dma_semaphore, #tpu.memory_space<semaphore_mem>>, %arg17: memref<!tpu.dma_semaphore, #tpu.memory_space<semaphore_mem>>, %arg18: memref<!tpu.dma_semaphore, #tpu.memory_space<semaphore_mem>>, %arg19: memref<!tpu.dma_semaphore, #tpu.memory_space<semaphore_mem>>) attributes {dimension_semantics = [#tpu.dimension_semantics<core_parallel>, #tpu.dimension_semantics<subcore_parallel>], iteration_bounds = array<i64: 2, 16>, scalar_prefetch = 0 : i64, scratch_operands = 14 : i64, tpu.core_type = #tpu.core_type<sc_vector_subcore>, window_params = [{transform_indices = #map}, {transform_indices = #map1}, {transform_indices = #map1}, {transform_indices = #map2}]} {
    %run_scoped3A = arith.constant 0 : i32
    "tpu.region"() ({
      %run_scoped3A_42 = tpu.sem_alloc : memref<!tpu.dma_semaphore, #tpu.memory_space<semaphore_mem>>
      %dma_start3A_43 = arith.constant 0 : i32
      %dma_start3A_44 = arith.constant 0 : i32
      %dma_start3A_45 = tpu.memref_slice %arg3[%arg0, %arg1, %run_scoped3A, %dma_start3A_43, %dma_start3A_44] : memref<2x16x5x40x50xi32, #tpu.memory_space<hbm>> -> memref<1x1x1x40x50xi32, #tpu.memory_space<hbm>>
      %dma_start3A_46 = tpu.memref_squeeze %dma_start3A_45 : memref<1x1x1x40x50xi32, #tpu.memory_space<hbm>> -> memref<40x50xi32, #tpu.memory_space<hbm>>
      %dma_start3A_47 = arith.constant 0 : i32
      %dma_start3A_48 = arith.constant 0 : i32
      %dma_start3A_49 = tpu.memref_slice %arg3[%arg0, %arg1, %run_scoped3A, %dma_start3A_47, %dma_start3A_48] : memref<2x16x5x40x50xi32, #tpu.memory_space<hbm>> -> memref<1x1x1x40x50xi32, #tpu.memory_space<hbm>>
      %dma_start3A_50 = tpu.memref_squeeze %dma_start3A_49 : memref<1x1x1x40x50xi32, #tpu.memory_space<hbm>> -> memref<40x50xi32, #tpu.memory_space<hbm>>
      tpu.enqueue_dma source(%dma_start3A_50 : memref<40x50xi32, #tpu.memory_space<hbm>>) target(%arg6 : memref<40x50xi32, #tpu.memory_space<vmem>>) target_semaphore(%run_scoped3A_42 : memref<!tpu.dma_semaphore, #tpu.memory_space<semaphore_mem>>)
      %dma_wait3A = arith.constant 0 : i32
      %dma_wait3A_51 = arith.constant 0 : i32
      %dma_wait3A_52 = tpu.memref_slice %arg3[%arg0, %arg1, %run_scoped3A, %dma_wait3A, %dma_wait3A_51] : memref<2x16x5x40x50xi32, #tpu.memory_space<hbm>> -> memref<1x1x1x40x50xi32, #tpu.memory_space<hbm>>
      %dma_wait3A_53 = tpu.memref_squeeze %dma_wait3A_52 : memref<1x1x1x40x50xi32, #tpu.memory_space<hbm>> -> memref<40x50xi32, #tpu.memory_space<hbm>>
      %dma_wait3A_54 = arith.constant 0 : i32
      %dma_wait3A_55 = arith.constant 0 : i32
      %dma_wait3A_56 = tpu.memref_slice %arg3[%arg0, %arg1, %run_scoped3A, %dma_wait3A_54, %dma_wait3A_55] : memref<2x16x5x40x50xi32, #tpu.memory_space<hbm>> -> memref<1x1x1x40x50xi32, #tpu.memory_space<hbm>>
      %dma_wait3A_57 = tpu.memref_squeeze %dma_wait3A_56 : memref<1x1x1x40x50xi32, #tpu.memory_space<hbm>> -> memref<40x50xi32, #tpu.memory_space<hbm>>
      tpu.wait_dma2 semaphore(%run_scoped3A_42 : memref<!tpu.dma_semaphore, #tpu.memory_space<semaphore_mem>>) src(%dma_wait3A_57 : memref<40x50xi32, #tpu.memory_space<hbm>>) dst(%arg6 : memref<40x50xi32, #tpu.memory_space<vmem>>)
      tpu.yield
    }) : () -> ()
    %run_scoped3A_0 = arith.constant 0 : i32
    "tpu.region"() ({
      %run_scoped3A_42 = tpu.sem_alloc : memref<!tpu.dma_semaphore, #tpu.memory_space<semaphore_mem>>
      %dma_start3A_43 = arith.constant 0 : i32
      %dma_start3A_44 = arith.constant 0 : i32
      %dma_start3A_45 = tpu.memref_slice %arg4[%arg0, %arg1, %run_scoped3A_0, %dma_start3A_43, %dma_start3A_44] : memref<2x16x5x40x50xi32, #tpu.memory_space<hbm>> -> memref<1x1x1x40x50xi32, #tpu.memory_space<hbm>>
      %dma_start3A_46 = tpu.memref_squeeze %dma_start3A_45 : memref<1x1x1x40x50xi32, #tpu.memory_space<hbm>> -> memref<40x50xi32, #tpu.memory_space<hbm>>
      %dma_start3A_47 = arith.constant 0 : i32
      %dma_start3A_48 = arith.constant 0 : i32
      %dma_start3A_49 = tpu.memref_slice %arg4[%arg0, %arg1, %run_scoped3A_0, %dma_start3A_47, %dma_start3A_48] : memref<2x16x5x40x50xi32, #tpu.memory_space<hbm>> -> memref<1x1x1x40x50xi32, #tpu.memory_space<hbm>>
      %dma_start3A_50 = tpu.memref_squeeze %dma_start3A_49 : memref<1x1x1x40x50xi32, #tpu.memory_space<hbm>> -> memref<40x50xi32, #tpu.memory_space<hbm>>
      tpu.enqueue_dma source(%dma_start3A_50 : memref<40x50xi32, #tpu.memory_space<hbm>>) target(%arg7 : memref<40x50xi32, #tpu.memory_space<vmem>>) target_semaphore(%run_scoped3A_42 : memref<!tpu.dma_semaphore, #tpu.memory_space<semaphore_mem>>)
      %dma_wait3A = arith.constant 0 : i32
      %dma_wait3A_51 = arith.constant 0 : i32
      %dma_wait3A_52 = tpu.memref_slice %arg4[%arg0, %arg1, %run_scoped3A_0, %dma_wait3A, %dma_wait3A_51] : memref<2x16x5x40x50xi32, #tpu.memory_space<hbm>> -> memref<1x1x1x40x50xi32, #tpu.memory_space<hbm>>
      %dma_wait3A_53 = tpu.memref_squeeze %dma_wait3A_52 : memref<1x1x1x40x50xi32, #tpu.memory_space<hbm>> -> memref<40x50xi32, #tpu.memory_space<hbm>>
      %dma_wait3A_54 = arith.constant 0 : i32
      %dma_wait3A_55 = arith.constant 0 : i32
      %dma_wait3A_56 = tpu.memref_slice %arg4[%arg0, %arg1, %run_scoped3A_0, %dma_wait3A_54, %dma_wait3A_55] : memref<2x16x5x40x50xi32, #tpu.memory_space<hbm>> -> memref<1x1x1x40x50xi32, #tpu.memory_space<hbm>>
      %dma_wait3A_57 = tpu.memref_squeeze %dma_wait3A_56 : memref<1x1x1x40x50xi32, #tpu.memory_space<hbm>> -> memref<40x50xi32, #tpu.memory_space<hbm>>
      tpu.wait_dma2 semaphore(%run_scoped3A_42 : memref<!tpu.dma_semaphore, #tpu.memory_space<semaphore_mem>>) src(%dma_wait3A_57 : memref<40x50xi32, #tpu.memory_space<hbm>>) dst(%arg7 : memref<40x50xi32, #tpu.memory_space<vmem>>)
      tpu.yield
    }) : () -> ()
    %dma_start3A = arith.constant 0 : i32
    %dma_start3A_1 = arith.constant 0 : i32
    %dma_start3A_2 = tpu.memref_slice %arg6[%dma_start3A, %dma_start3A_1] : memref<40x50xi32, #tpu.memory_space<vmem>> -> memref<1x50xi32, #tpu.memory_space<vmem>>
    %dma_start3A_3 = tpu.memref_squeeze %dma_start3A_2 : memref<1x50xi32, #tpu.memory_space<vmem>> -> memref<50xi32, #tpu.memory_space<vmem>>
    %dma_start3A_4 = arith.constant 0 : i32
    %dma_start3A_5 = arith.constant 0 : i32
    %dma_start3A_6 = tpu.memref_slice %arg2[%dma_start3A_4, %dma_start3A_5] : memref<10000x128xf32, #tpu.memory_space<hbm>> -> memref<10000x128xf32, #tpu.memory_space<hbm>>
    tpu.enqueue_indirect_dma source(%dma_start3A_6 : memref<10000x128xf32, #tpu.memory_space<hbm>>) target(%arg10 : memref<50x128xf32, #tpu.memory_space<vmem>>) offsets(%dma_start3A_3 : memref<50xi32, #tpu.memory_space<vmem>>) semaphore(%arg15 : memref<!tpu.dma_semaphore, #tpu.memory_space<semaphore_mem>>)
    %dma_start3A_7 = arith.constant 1 : i32
    %dma_start3A_8 = arith.constant 0 : i32
    %dma_start3A_9 = tpu.memref_slice %arg6[%dma_start3A_7, %dma_start3A_8] : memref<40x50xi32, #tpu.memory_space<vmem>> -> memref<1x50xi32, #tpu.memory_space<vmem>>
    %dma_start3A_10 = tpu.memref_squeeze %dma_start3A_9 : memref<1x50xi32, #tpu.memory_space<vmem>> -> memref<50xi32, #tpu.memory_space<vmem>>
    %dma_start3A_11 = arith.constant 0 : i32
    %dma_start3A_12 = arith.constant 0 : i32
    %dma_start3A_13 = tpu.memref_slice %arg2[%dma_start3A_11, %dma_start3A_12] : memref<10000x128xf32, #tpu.memory_space<hbm>> -> memref<10000x128xf32, #tpu.memory_space<hbm>>
    tpu.enqueue_indirect_dma source(%dma_start3A_13 : memref<10000x128xf32, #tpu.memory_space<hbm>>) target(%arg11 : memref<50x128xf32, #tpu.memory_space<vmem>>) offsets(%dma_start3A_10 : memref<50xi32, #tpu.memory_space<vmem>>) semaphore(%arg16 : memref<!tpu.dma_semaphore, #tpu.memory_space<semaphore_mem>>)
    %dma_start3A_14 = arith.constant 2 : i32
    %dma_start3A_15 = arith.constant 0 : i32
    %dma_start3A_16 = tpu.memref_slice %arg6[%dma_start3A_14, %dma_start3A_15] : memref<40x50xi32, #tpu.memory_space<vmem>> -> memref<1x50xi32, #tpu.memory_space<vmem>>
    %dma_start3A_17 = tpu.memref_squeeze %dma_start3A_16 : memref<1x50xi32, #tpu.memory_space<vmem>> -> memref<50xi32, #tpu.memory_space<vmem>>
    %dma_start3A_18 = arith.constant 0 : i32
    %dma_start3A_19 = arith.constant 0 : i32
    %dma_start3A_20 = tpu.memref_slice %arg2[%dma_start3A_18, %dma_start3A_19] : memref<10000x128xf32, #tpu.memory_space<hbm>> -> memref<10000x128xf32, #tpu.memory_space<hbm>>
    tpu.enqueue_indirect_dma source(%dma_start3A_20 : memref<10000x128xf32, #tpu.memory_space<hbm>>) target(%arg12 : memref<50x128xf32, #tpu.memory_space<vmem>>) offsets(%dma_start3A_17 : memref<50xi32, #tpu.memory_space<vmem>>) semaphore(%arg17 : memref<!tpu.dma_semaphore, #tpu.memory_space<semaphore_mem>>)
    %scan3A = arith.constant 0 : i32
    %scan3A_21 = arith.constant 50 : i32
    %scan3A_22 = arith.addi %scan3A, %scan3A_21 : i32
    %scan3A_23 = arith.constant 1 : i32
    scf.for %scan3A_42 = %scan3A to %scan3A_22 step %scan3A_23  : i32 {
      %mul3A_43 = arith.constant 1 : i32
      %mul3A_44 = arith.muli %scan3A_42, %mul3A_43 : i32
      %add3A_45 = arith.constant 0 : i32
      %add3A_46 = arith.addi %add3A_45, %mul3A_44 : i32
      %scan3A_47 = arith.constant 0 : i32
      %scan3A_48 = arith.constant 8 : i32
      %scan3A_49 = arith.addi %scan3A_47, %scan3A_48 : i32
      %scan3A_50 = arith.constant 1 : i32
      scf.for %scan3A_52 = %scan3A_47 to %scan3A_49 step %scan3A_50  : i32 {
        %mul3A_53 = arith.constant 1 : i32
        %mul3A_54 = arith.muli %scan3A_52, %mul3A_53 : i32
        %add3A_55 = arith.constant 0 : i32
        %add3A_56 = arith.addi %add3A_55, %mul3A_54 : i32
        %broadcast_in_dim3A = arith.constant 0.000000e+00 : f32
        %broadcast_in_dim3A_57 = vector.broadcast %broadcast_in_dim3A : f32 to vector<16xf32>
        %mul3A_58 = arith.constant 16 : i32
        %mul3A_59 = arith.muli %add3A_56, %mul3A_58 : i32
        %swap3A = arith.index_cast %add3A_46 : i32 to index
        %swap3A_60 = arith.index_cast %mul3A_59 : i32 to index
        %swap3A_61 = tpu.vector_load %arg13[%swap3A, %swap3A_60] {strides = array<i32>} : memref<50x128xf32, #tpu.memory_space<vmem>>, vector<1x16xf32>,
        %swap3A_62 = vector.shape_cast %swap3A_61 : vector<1x16xf32> to vector<16xf32>
        %swap3A_63 = vector.shape_cast %broadcast_in_dim3A_57 : vector<16xf32> to vector<1x16xf32>
        tpu.vector_store %arg13[%swap3A, %swap3A_60], %swap3A_63 {strides = array<i32>} : memref<50x128xf32, #tpu.memory_space<vmem>>, vector<1x16xf32>,
      }
      %scan3A_51 = arith.constant 8 : i32
    }
    %scan3A_24 = arith.constant 50 : i32
    %scan3A_25 = arith.constant 0 : i32
    %scan3A_26 = arith.constant 12 : i32
    %scan3A_27 = arith.addi %scan3A_25, %scan3A_26 : i32
    %scan3A_28 = arith.constant 1 : i32
    scf.for %scan3A_42 = %scan3A_25 to %scan3A_27 step %scan3A_28  : i32 {
      %mul3A_43 = arith.constant 1 : i32
      %mul3A_44 = arith.muli %scan3A_42, %mul3A_43 : i32
      %add3A_45 = arith.constant 0 : i32
      %add3A_46 = arith.addi %add3A_45, %mul3A_44 : i32
      %mul3A_47 = arith.constant 632 : i32
      %mul3A_48 = arith.muli %arg1, %mul3A_47 : i32
      %mul3A_49 = arith.constant 50 : i32
      %mul3A_50 = arith.muli %add3A_46, %mul3A_49 : i32
      %add3A_51 = arith.addi %mul3A_48, %mul3A_50 : i32
      "tpu.region"() ({
        %run_scoped3A_52 = tpu.sem_alloc : memref<!tpu.dma_semaphore, #tpu.memory_space<semaphore_mem>>
        %dma_start3A_53 = arith.constant 0 : i32
        %dma_start3A_54 = tpu.memref_slice %arg14[%add3A_51, %dma_start3A_53] : memref<10112x128xf32, #tpu.memory_space<vmem_shared>> -> memref<50x128xf32, #tpu.memory_space<vmem_shared>>
        %dma_start3A_55 = arith.constant 0 : i32
        %dma_start3A_56 = tpu.memref_slice %arg14[%add3A_51, %dma_start3A_55] : memref<10112x128xf32, #tpu.memory_space<vmem_shared>> -> memref<50x128xf32, #tpu.memory_space<vmem_shared>>
        tpu.enqueue_dma source(%arg13 : memref<50x128xf32, #tpu.memory_space<vmem>>) target(%dma_start3A_56 : memref<50x128xf32, #tpu.memory_space<vmem_shared>>) target_semaphore(%run_scoped3A_52 : memref<!tpu.dma_semaphore, #tpu.memory_space<semaphore_mem>>)
        %dma_wait3A = arith.constant 0 : i32
        %dma_wait3A_57 = tpu.memref_slice %arg14[%add3A_51, %dma_wait3A] : memref<10112x128xf32, #tpu.memory_space<vmem_shared>> -> memref<50x128xf32, #tpu.memory_space<vmem_shared>>
        %dma_wait3A_58 = arith.constant 0 : i32
        %dma_wait3A_59 = tpu.memref_slice %arg14[%add3A_51, %dma_wait3A_58] : memref<10112x128xf32, #tpu.memory_space<vmem_shared>> -> memref<50x128xf32, #tpu.memory_space<vmem_shared>>
        tpu.wait_dma2 semaphore(%run_scoped3A_52 : memref<!tpu.dma_semaphore, #tpu.memory_space<semaphore_mem>>) src(%arg13 : memref<50x128xf32, #tpu.memory_space<vmem>>) dst(%dma_wait3A_59 : memref<50x128xf32, #tpu.memory_space<vmem_shared>>)
        tpu.yield
      }) : () -> ()
    }
    %scan3A_29 = arith.constant 12 : i32
    %mul3A = arith.constant 632 : i32
    %mul3A_30 = arith.muli %arg1, %mul3A : i32
    %add3A = arith.constant 600 : i32
    %add3A_31 = arith.addi %mul3A_30, %add3A : i32
    "tpu.region"() ({
      %run_scoped3A_42 = tpu.sem_alloc : memref<!tpu.dma_semaphore, #tpu.memory_space<semaphore_mem>>
      %dma_start3A_43 = arith.constant 0 : i32
      %dma_start3A_44 = arith.constant 0 : i32
      %dma_start3A_45 = tpu.memref_slice %arg13[%dma_start3A_43, %dma_start3A_44] : memref<50x128xf32, #tpu.memory_space<vmem>> -> memref<32x128xf32, #tpu.memory_space<vmem>>
      %dma_start3A_46 = arith.constant 0 : i32
      %dma_start3A_47 = tpu.memref_slice %arg14[%add3A_31, %dma_start3A_46] : memref<10112x128xf32, #tpu.memory_space<vmem_shared>> -> memref<32x128xf32, #tpu.memory_space<vmem_shared>>
      %dma_start3A_48 = arith.constant 0 : i32
      %dma_start3A_49 = tpu.memref_slice %arg14[%add3A_31, %dma_start3A_48] : memref<10112x128xf32, #tpu.memory_space<vmem_shared>> -> memref<32x128xf32, #tpu.memory_space<vmem_shared>>
      %dma_start3A_50 = arith.constant 0 : i32
      %dma_start3A_51 = arith.constant 0 : i32
      %dma_start3A_52 = tpu.memref_slice %arg13[%dma_start3A_50, %dma_start3A_51] : memref<50x128xf32, #tpu.memory_space<vmem>> -> memref<32x128xf32, #tpu.memory_space<vmem>>
      tpu.enqueue_dma source(%dma_start3A_52 : memref<32x128xf32, #tpu.memory_space<vmem>>) target(%dma_start3A_49 : memref<32x128xf32, #tpu.memory_space<vmem_shared>>) target_semaphore(%run_scoped3A_42 : memref<!tpu.dma_semaphore, #tpu.memory_space<semaphore_mem>>)
      %dma_wait3A = arith.constant 0 : i32
      %dma_wait3A_53 = arith.constant 0 : i32
      %dma_wait3A_54 = tpu.memref_slice %arg13[%dma_wait3A, %dma_wait3A_53] : memref<50x128xf32, #tpu.memory_space<vmem>> -> memref<32x128xf32, #tpu.memory_space<vmem>>
      %dma_wait3A_55 = arith.constant 0 : i32
      %dma_wait3A_56 = tpu.memref_slice %arg14[%add3A_31, %dma_wait3A_55] : memref<10112x128xf32, #tpu.memory_space<vmem_shared>> -> memref<32x128xf32, #tpu.memory_space<vmem_shared>>
      %dma_wait3A_57 = arith.constant 0 : i32
      %dma_wait3A_58 = tpu.memref_slice %arg14[%add3A_31, %dma_wait3A_57] : memref<10112x128xf32, #tpu.memory_space<vmem_shared>> -> memref<32x128xf32, #tpu.memory_space<vmem_shared>>
      %dma_wait3A_59 = arith.constant 0 : i32
      %dma_wait3A_60 = arith.constant 0 : i32
      %dma_wait3A_61 = tpu.memref_slice %arg13[%dma_wait3A_59, %dma_wait3A_60] : memref<50x128xf32, #tpu.memory_space<vmem>> -> memref<32x128xf32, #tpu.memory_space<vmem>>
      tpu.wait_dma2 semaphore(%run_scoped3A_42 : memref<!tpu.dma_semaphore, #tpu.memory_space<semaphore_mem>>) src(%dma_wait3A_61 : memref<32x128xf32, #tpu.memory_space<vmem>>) dst(%dma_wait3A_58 : memref<32x128xf32, #tpu.memory_space<vmem_shared>>)
      tpu.yield
    }) : () -> ()
    %barrier3A = arith.constant 0 : index
    tpu.barrier barrier_id(%barrier3A)
    %scan3A_32 = arith.constant 0 : i32
    %scan3A_33 = arith.constant 3 : i32
    %scan3A_34 = arith.addi %scan3A_32, %scan3A_33 : i32
    %scan3A_35 = arith.constant 1 : i32
    scf.for %scan3A_42 = %scan3A_32 to %scan3A_34 step %scan3A_35  : i32 {
      %mul3A_43 = arith.constant 2 : i32
      %mul3A_44 = arith.muli %scan3A_42, %mul3A_43 : i32
      %add3A_45 = arith.constant 0 : i32
      %add3A_46 = arith.addi %add3A_45, %mul3A_44 : i32
      %add3A_47 = arith.constant 1 : i32
      %add3A_48 = arith.addi %add3A_46, %add3A_47 : i32
      %lt3A = arith.constant 5 : i32
      %lt3A_49 = arith.cmpi slt, %add3A_48, %lt3A : i32
      %convert_element_type3A = arith.extui %lt3A_49 : i1 to i32
      %cond3A = arith.constant 0 : i32
      %cond3A_50 = arith.cmpi ne, %convert_element_type3A, %cond3A : i32
      scf.if %cond3A_50 {
        %add3A_63 = arith.constant 1 : i32
        %add3A_64 = arith.addi %add3A_46, %add3A_63 : i32
        %dma_start3A_65 = arith.constant 0 : i32
        %dma_start3A_66 = arith.constant 0 : i32
        %dma_start3A_67 = tpu.memref_slice %arg3[%arg0, %arg1, %add3A_64, %dma_start3A_65, %dma_start3A_66] : memref<2x16x5x40x50xi32, #tpu.memory_space<hbm>> -> memref<1x1x1x40x50xi32, #tpu.memory_space<hbm>>
        %dma_start3A_68 = tpu.memref_squeeze %dma_start3A_67 : memref<1x1x1x40x50xi32, #tpu.memory_space<hbm>> -> memref<40x50xi32, #tpu.memory_space<hbm>>
        %dma_start3A_69 = arith.constant 0 : i32
        %dma_start3A_70 = arith.constant 0 : i32
        %dma_start3A_71 = tpu.memref_slice %arg3[%arg0, %arg1, %add3A_64, %dma_start3A_69, %dma_start3A_70] : memref<2x16x5x40x50xi32, #tpu.memory_space<hbm>> -> memref<1x1x1x40x50xi32, #tpu.memory_space<hbm>>
        %dma_start3A_72 = tpu.memref_squeeze %dma_start3A_71 : memref<1x1x1x40x50xi32, #tpu.memory_space<hbm>> -> memref<40x50xi32, #tpu.memory_space<hbm>>
        tpu.enqueue_dma source(%dma_start3A_72 : memref<40x50xi32, #tpu.memory_space<hbm>>) target(%arg8 : memref<40x50xi32, #tpu.memory_space<vmem>>) target_semaphore(%arg19 : memref<!tpu.dma_semaphore, #tpu.memory_space<semaphore_mem>>)
        %add3A_73 = arith.constant 1 : i32
        %add3A_74 = arith.addi %add3A_46, %add3A_73 : i32
        %dma_start3A_75 = arith.constant 0 : i32
        %dma_start3A_76 = arith.constant 0 : i32
        %dma_start3A_77 = tpu.memref_slice %arg4[%arg0, %arg1, %add3A_74, %dma_start3A_75, %dma_start3A_76] : memref<2x16x5x40x50xi32, #tpu.memory_space<hbm>> -> memref<1x1x1x40x50xi32, #tpu.memory_space<hbm>>
        %dma_start3A_78 = tpu.memref_squeeze %dma_start3A_77 : memref<1x1x1x40x50xi32, #tpu.memory_space<hbm>> -> memref<40x50xi32, #tpu.memory_space<hbm>>
        %dma_start3A_79 = arith.constant 0 : i32
        %dma_start3A_80 = arith.constant 0 : i32
        %dma_start3A_81 = tpu.memref_slice %arg4[%arg0, %arg1, %add3A_74, %dma_start3A_79, %dma_start3A_80] : memref<2x16x5x40x50xi32, #tpu.memory_space<hbm>> -> memref<1x1x1x40x50xi32, #tpu.memory_space<hbm>>
        %dma_start3A_82 = tpu.memref_squeeze %dma_start3A_81 : memref<1x1x1x40x50xi32, #tpu.memory_space<hbm>> -> memref<40x50xi32, #tpu.memory_space<hbm>>
        tpu.enqueue_dma source(%dma_start3A_82 : memref<40x50xi32, #tpu.memory_space<hbm>>) target(%arg9 : memref<40x50xi32, #tpu.memory_space<vmem>>) target_semaphore(%arg19 : memref<!tpu.dma_semaphore, #tpu.memory_space<semaphore_mem>>)
      } else {
      }
      %scan3A_51 = arith.constant 0 : i32
      %scan3A_52 = arith.constant 10 : i32
      %scan3A_53 = arith.addi %scan3A_51, %scan3A_52 : i32
      %scan3A_54 = arith.constant 1 : i32
      scf.for %scan3A_63 = %scan3A_51 to %scan3A_53 step %scan3A_54  : i32 {
        %mul3A_64 = arith.constant 4 : i32
        %mul3A_65 = arith.muli %scan3A_63, %mul3A_64 : i32
        %add3A_66 = arith.constant 0 : i32
        %add3A_67 = arith.addi %add3A_66, %mul3A_65 : i32
        %eq3A = arith.constant 36 : i32
        %eq3A_68 = arith.cmpi eq, %add3A_67, %eq3A : i32
        %add3A_69 = arith.constant 1 : i32
        %add3A_70 = arith.addi %add3A_46, %add3A_69 : i32
        %lt3A_71 = arith.constant 5 : i32
        %lt3A_72 = arith.cmpi slt, %add3A_70, %lt3A_71 : i32
        %and3A = arith.andi %eq3A_68, %lt3A_72 : i1
        %convert_element_type3A_73 = arith.extui %and3A : i1 to i32
        %cond3A_74 = arith.constant 0 : i32
        %cond3A_75 = arith.cmpi ne, %convert_element_type3A_73, %cond3A_74 : i32
        scf.if %cond3A_75 {
          %add3A_221 = arith.constant 1 : i32
          %add3A_222 = arith.addi %add3A_46, %add3A_221 : i32
          %dma_wait3A_223 = arith.constant 0 : i32
          %dma_wait3A_224 = arith.constant 0 : i32
          %dma_wait3A_225 = tpu.memref_slice %arg3[%arg0, %arg1, %add3A_222, %dma_wait3A_223, %dma_wait3A_224] : memref<2x16x5x40x50xi32, #tpu.memory_space<hbm>> -> memref<1x1x1x40x50xi32, #tpu.memory_space<hbm>>
          %dma_wait3A_226 = tpu.memref_squeeze %dma_wait3A_225 : memref<1x1x1x40x50xi32, #tpu.memory_space<hbm>> -> memref<40x50xi32, #tpu.memory_space<hbm>>
          %dma_wait3A_227 = arith.constant 0 : i32
          %dma_wait3A_228 = arith.constant 0 : i32
          %dma_wait3A_229 = tpu.memref_slice %arg3[%arg0, %arg1, %add3A_222, %dma_wait3A_227, %dma_wait3A_228] : memref<2x16x5x40x50xi32, #tpu.memory_space<hbm>> -> memref<1x1x1x40x50xi32, #tpu.memory_space<hbm>>
          %dma_wait3A_230 = tpu.memref_squeeze %dma_wait3A_229 : memref<1x1x1x40x50xi32, #tpu.memory_space<hbm>> -> memref<40x50xi32, #tpu.memory_space<hbm>>
          tpu.wait_dma2 semaphore(%arg19 : memref<!tpu.dma_semaphore, #tpu.memory_space<semaphore_mem>>) src(%dma_wait3A_230 : memref<40x50xi32, #tpu.memory_space<hbm>>) dst(%arg8 : memref<40x50xi32, #tpu.memory_space<vmem>>)
          %add3A_231 = arith.constant 1 : i32
          %add3A_232 = arith.addi %add3A_46, %add3A_231 : i32
          %dma_wait3A_233 = arith.constant 0 : i32
          %dma_wait3A_234 = arith.constant 0 : i32
          %dma_wait3A_235 = tpu.memref_slice %arg4[%arg0, %arg1, %add3A_232, %dma_wait3A_233, %dma_wait3A_234] : memref<2x16x5x40x50xi32, #tpu.memory_space<hbm>> -> memref<1x1x1x40x50xi32, #tpu.memory_space<hbm>>
          %dma_wait3A_236 = tpu.memref_squeeze %dma_wait3A_235 : memref<1x1x1x40x50xi32, #tpu.memory_space<hbm>> -> memref<40x50xi32, #tpu.memory_space<hbm>>
          %dma_wait3A_237 = arith.constant 0 : i32
          %dma_wait3A_238 = arith.constant 0 : i32
          %dma_wait3A_239 = tpu.memref_slice %arg4[%arg0, %arg1, %add3A_232, %dma_wait3A_237, %dma_wait3A_238] : memref<2x16x5x40x50xi32, #tpu.memory_space<hbm>> -> memref<1x1x1x40x50xi32, #tpu.memory_space<hbm>>
          %dma_wait3A_240 = tpu.memref_squeeze %dma_wait3A_239 : memref<1x1x1x40x50xi32, #tpu.memory_space<hbm>> -> memref<40x50xi32, #tpu.memory_space<hbm>>
          tpu.wait_dma2 semaphore(%arg19 : memref<!tpu.dma_semaphore, #tpu.memory_space<semaphore_mem>>) src(%dma_wait3A_240 : memref<40x50xi32, #tpu.memory_space<hbm>>) dst(%arg9 : memref<40x50xi32, #tpu.memory_space<vmem>>)
        } else {
        }
        %add3A_76 = arith.constant 0 : i32
        %add3A_77 = arith.addi %add3A_67, %add3A_76 : i32
        %dma_wait3A = arith.constant 0 : i32
        %dma_wait3A_78 = tpu.memref_slice %arg6[%add3A_77, %dma_wait3A] : memref<40x50xi32, #tpu.memory_space<vmem>> -> memref<1x50xi32, #tpu.memory_space<vmem>>
        %dma_wait3A_79 = tpu.memref_squeeze %dma_wait3A_78 : memref<1x50xi32, #tpu.memory_space<vmem>> -> memref<50xi32, #tpu.memory_space<vmem>>
        %dma_wait3A_80 = arith.constant 0 : i32
        %dma_wait3A_81 = arith.constant 0 : i32
        %dma_wait3A_82 = tpu.memref_slice %arg2[%dma_wait3A_80, %dma_wait3A_81] : memref<10000x128xf32, #tpu.memory_space<hbm>> -> memref<10000x128xf32, #tpu.memory_space<hbm>>
        tpu.wait_indirect_dma semaphore(%arg15 : memref<!tpu.dma_semaphore, #tpu.memory_space<semaphore_mem>>) src(%dma_wait3A_82 : memref<10000x128xf32, #tpu.memory_space<hbm>>) dst(%arg10 : memref<50x128xf32, #tpu.memory_space<vmem>>)
        %add3A_83 = arith.constant 0 : i32
        %add3A_84 = arith.addi %add3A_67, %add3A_83 : i32
        %add3A_85 = arith.constant 4 : i32
        %add3A_86 = arith.addi %add3A_84, %add3A_85 : i32
        %sub3A = arith.constant 1 : i32
        %sub3A_87 = arith.subi %add3A_86, %sub3A : i32
        %lt3A_88 = arith.constant 40 : i32
        %lt3A_89 = arith.cmpi slt, %sub3A_87, %lt3A_88 : i32
        %convert_element_type3A_90 = arith.extui %lt3A_89 : i1 to i32
        %cond3A_91 = arith.constant 0 : i32
        %cond3A_92 = arith.cmpi ne, %convert_element_type3A_90, %cond3A_91 : i32
        scf.if %cond3A_92 {
          %add3A_221 = arith.constant 0 : i32
          %add3A_222 = arith.addi %add3A_67, %add3A_221 : i32
          %add3A_223 = arith.constant 4 : i32
          %add3A_224 = arith.addi %add3A_222, %add3A_223 : i32
          %sub3A_225 = arith.constant 1 : i32
          %sub3A_226 = arith.subi %add3A_224, %sub3A_225 : i32
          %dma_start3A_227 = arith.constant 0 : i32
          %dma_start3A_228 = tpu.memref_slice %arg6[%sub3A_226, %dma_start3A_227] : memref<40x50xi32, #tpu.memory_space<vmem>> -> memref<1x50xi32, #tpu.memory_space<vmem>>
          %dma_start3A_229 = tpu.memref_squeeze %dma_start3A_228 : memref<1x50xi32, #tpu.memory_space<vmem>> -> memref<50xi32, #tpu.memory_space<vmem>>
          %dma_start3A_230 = arith.constant 0 : i32
          %dma_start3A_231 = arith.constant 0 : i32
          %dma_start3A_232 = tpu.memref_slice %arg2[%dma_start3A_230, %dma_start3A_231] : memref<10000x128xf32, #tpu.memory_space<hbm>> -> memref<10000x128xf32, #tpu.memory_space<hbm>>
          tpu.enqueue_indirect_dma source(%dma_start3A_232 : memref<10000x128xf32, #tpu.memory_space<hbm>>) target(%arg13 : memref<50x128xf32, #tpu.memory_space<vmem>>) offsets(%dma_start3A_229 : memref<50xi32, #tpu.memory_space<vmem>>) semaphore(%arg18 : memref<!tpu.dma_semaphore, #tpu.memory_space<semaphore_mem>>)
        } else {
        }
        %add3A_93 = arith.constant 0 : i32
        %add3A_94 = arith.addi %add3A_67, %add3A_93 : i32
        %add3A_95 = arith.constant 4 : i32
        %add3A_96 = arith.addi %add3A_94, %add3A_95 : i32
        %sub3A_97 = arith.constant 1 : i32
        %sub3A_98 = arith.subi %add3A_96, %sub3A_97 : i32
        %ge3A = arith.constant 40 : i32
        %ge3A_99 = arith.cmpi sge, %sub3A_98, %ge3A : i32
        %add3A_100 = arith.constant 1 : i32
        %add3A_101 = arith.addi %add3A_46, %add3A_100 : i32
        %lt3A_102 = arith.constant 5 : i32
        %lt3A_103 = arith.cmpi slt, %add3A_101, %lt3A_102 : i32
        %and3A_104 = arith.andi %ge3A_99, %lt3A_103 : i1
        %convert_element_type3A_105 = arith.extui %and3A_104 : i1 to i32
        %cond3A_106 = arith.constant 0 : i32
        %cond3A_107 = arith.cmpi ne, %convert_element_type3A_105, %cond3A_106 : i32
        scf.if %cond3A_107 {
          %add3A_221 = arith.constant 0 : i32
          %add3A_222 = arith.addi %add3A_67, %add3A_221 : i32
          %add3A_223 = arith.constant 4 : i32
          %add3A_224 = arith.addi %add3A_222, %add3A_223 : i32
          %sub3A_225 = arith.constant 1 : i32
          %sub3A_226 = arith.subi %add3A_224, %sub3A_225 : i32
          %sub3A_227 = arith.constant 40 : i32
          %sub3A_228 = arith.subi %sub3A_226, %sub3A_227 : i32
          %dma_start3A_229 = arith.constant 0 : i32
          %dma_start3A_230 = tpu.memref_slice %arg8[%sub3A_228, %dma_start3A_229] : memref<40x50xi32, #tpu.memory_space<vmem>> -> memref<1x50xi32, #tpu.memory_space<vmem>>
          %dma_start3A_231 = tpu.memref_squeeze %dma_start3A_230 : memref<1x50xi32, #tpu.memory_space<vmem>> -> memref<50xi32, #tpu.memory_space<vmem>>
          %dma_start3A_232 = arith.constant 0 : i32
          %dma_start3A_233 = arith.constant 0 : i32
          %dma_start3A_234 = tpu.memref_slice %arg2[%dma_start3A_232, %dma_start3A_233] : memref<10000x128xf32, #tpu.memory_space<hbm>> -> memref<10000x128xf32, #tpu.memory_space<hbm>>
          tpu.enqueue_indirect_dma source(%dma_start3A_234 : memref<10000x128xf32, #tpu.memory_space<hbm>>) target(%arg13 : memref<50x128xf32, #tpu.memory_space<vmem>>) offsets(%dma_start3A_231 : memref<50xi32, #tpu.memory_space<vmem>>) semaphore(%arg18 : memref<!tpu.dma_semaphore, #tpu.memory_space<semaphore_mem>>)
        } else {
        }
        %add3A_108 = arith.constant 0 : i32
        %add3A_109 = arith.addi %add3A_67, %add3A_108 : i32
        "tpu.region"() ({
          %run_scoped3A_221 = tpu.sem_alloc : memref<!tpu.dma_semaphore, #tpu.memory_space<semaphore_mem>>
          %dma_start3A_222 = arith.constant 0 : i32
          %dma_start3A_223 = tpu.memref_slice %arg7[%add3A_109, %dma_start3A_222] : memref<40x50xi32, #tpu.memory_space<vmem>> -> memref<1x50xi32, #tpu.memory_space<vmem>>
          %dma_start3A_224 = tpu.memref_squeeze %dma_start3A_223 : memref<1x50xi32, #tpu.memory_space<vmem>> -> memref<50xi32, #tpu.memory_space<vmem>>
          %dma_start3A_225 = arith.constant 0 : i32
          %dma_start3A_226 = arith.constant 0 : i32
          %dma_start3A_227 = tpu.memref_slice %arg14[%dma_start3A_225, %dma_start3A_226] : memref<10112x128xf32, #tpu.memory_space<vmem_shared>> -> memref<10112x128xf32, #tpu.memory_space<vmem_shared>>
          tpu.enqueue_indirect_dma source(%arg10 : memref<50x128xf32, #tpu.memory_space<vmem>>) target(%dma_start3A_227 : memref<10112x128xf32, #tpu.memory_space<vmem_shared>>) offsets(%dma_start3A_224 : memref<50xi32, #tpu.memory_space<vmem>>) semaphore(%run_scoped3A_221 : memref<!tpu.dma_semaphore, #tpu.memory_space<semaphore_mem>>) {add = true}
          %dma_wait3A_228 = arith.constant 0 : i32
          %dma_wait3A_229 = tpu.memref_slice %arg7[%add3A_109, %dma_wait3A_228] : memref<40x50xi32, #tpu.memory_space<vmem>> -> memref<1x50xi32, #tpu.memory_space<vmem>>
          %dma_wait3A_230 = tpu.memref_squeeze %dma_wait3A_229 : memref<1x50xi32, #tpu.memory_space<vmem>> -> memref<50xi32, #tpu.memory_space<vmem>>
          %dma_wait3A_231 = arith.constant 0 : i32
          %dma_wait3A_232 = arith.constant 0 : i32
          %dma_wait3A_233 = tpu.memref_slice %arg14[%dma_wait3A_231, %dma_wait3A_232] : memref<10112x128xf32, #tpu.memory_space<vmem_shared>> -> memref<10112x128xf32, #tpu.memory_space<vmem_shared>>
          tpu.wait_indirect_dma semaphore(%run_scoped3A_221 : memref<!tpu.dma_semaphore, #tpu.memory_space<semaphore_mem>>) src(%arg10 : memref<50x128xf32, #tpu.memory_space<vmem>>) dst(%dma_wait3A_233 : memref<10112x128xf32, #tpu.memory_space<vmem_shared>>)
          tpu.yield
        }) : () -> ()
        %add3A_110 = arith.constant 1 : i32
        %add3A_111 = arith.addi %add3A_67, %add3A_110 : i32
        %dma_wait3A_112 = arith.constant 0 : i32
        %dma_wait3A_113 = tpu.memref_slice %arg6[%add3A_111, %dma_wait3A_112] : memref<40x50xi32, #tpu.memory_space<vmem>> -> memref<1x50xi32, #tpu.memory_space<vmem>>
        %dma_wait3A_114 = tpu.memref_squeeze %dma_wait3A_113 : memref<1x50xi32, #tpu.memory_space<vmem>> -> memref<50xi32, #tpu.memory_space<vmem>>
        %dma_wait3A_115 = arith.constant 0 : i32
        %dma_wait3A_116 = arith.constant 0 : i32
        %dma_wait3A_117 = tpu.memref_slice %arg2[%dma_wait3A_115, %dma_wait3A_116] : memref<10000x128xf32, #tpu.memory_space<hbm>> -> memref<10000x128xf32, #tpu.memory_space<hbm>>
        tpu.wait_indirect_dma semaphore(%arg16 : memref<!tpu.dma_semaphore, #tpu.memory_space<semaphore_mem>>) src(%dma_wait3A_117 : memref<10000x128xf32, #tpu.memory_space<hbm>>) dst(%arg11 : memref<50x128xf32, #tpu.memory_space<vmem>>)
        %add3A_118 = arith.constant 1 : i32
        %add3A_119 = arith.addi %add3A_67, %add3A_118 : i32
        %add3A_120 = arith.constant 4 : i32
        %add3A_121 = arith.addi %add3A_119, %add3A_120 : i32
        %sub3A_122 = arith.constant 1 : i32
        %sub3A_123 = arith.subi %add3A_121, %sub3A_122 : i32
        %lt3A_124 = arith.constant 40 : i32
        %lt3A_125 = arith.cmpi slt, %sub3A_123, %lt3A_124 : i32
        %convert_element_type3A_126 = arith.extui %lt3A_125 : i1 to i32
        %cond3A_127 = arith.constant 0 : i32
        %cond3A_128 = arith.cmpi ne, %convert_element_type3A_126, %cond3A_127 : i32
        scf.if %cond3A_128 {
          %add3A_221 = arith.constant 1 : i32
          %add3A_222 = arith.addi %add3A_67, %add3A_221 : i32
          %add3A_223 = arith.constant 4 : i32
          %add3A_224 = arith.addi %add3A_222, %add3A_223 : i32
          %sub3A_225 = arith.constant 1 : i32
          %sub3A_226 = arith.subi %add3A_224, %sub3A_225 : i32
          %dma_start3A_227 = arith.constant 0 : i32
          %dma_start3A_228 = tpu.memref_slice %arg6[%sub3A_226, %dma_start3A_227] : memref<40x50xi32, #tpu.memory_space<vmem>> -> memref<1x50xi32, #tpu.memory_space<vmem>>
          %dma_start3A_229 = tpu.memref_squeeze %dma_start3A_228 : memref<1x50xi32, #tpu.memory_space<vmem>> -> memref<50xi32, #tpu.memory_space<vmem>>
          %dma_start3A_230 = arith.constant 0 : i32
          %dma_start3A_231 = arith.constant 0 : i32
          %dma_start3A_232 = tpu.memref_slice %arg2[%dma_start3A_230, %dma_start3A_231] : memref<10000x128xf32, #tpu.memory_space<hbm>> -> memref<10000x128xf32, #tpu.memory_space<hbm>>
          tpu.enqueue_indirect_dma source(%dma_start3A_232 : memref<10000x128xf32, #tpu.memory_space<hbm>>) target(%arg10 : memref<50x128xf32, #tpu.memory_space<vmem>>) offsets(%dma_start3A_229 : memref<50xi32, #tpu.memory_space<vmem>>) semaphore(%arg15 : memref<!tpu.dma_semaphore, #tpu.memory_space<semaphore_mem>>)
        } else {
        }
        %add3A_129 = arith.constant 1 : i32
        %add3A_130 = arith.addi %add3A_67, %add3A_129 : i32
        %add3A_131 = arith.constant 4 : i32
        %add3A_132 = arith.addi %add3A_130, %add3A_131 : i32
        %sub3A_133 = arith.constant 1 : i32
        %sub3A_134 = arith.subi %add3A_132, %sub3A_133 : i32
        %ge3A_135 = arith.constant 40 : i32
        %ge3A_136 = arith.cmpi sge, %sub3A_134, %ge3A_135 : i32
        %add3A_137 = arith.constant 1 : i32
        %add3A_138 = arith.addi %add3A_46, %add3A_137 : i32
        %lt3A_139 = arith.constant 5 : i32
        %lt3A_140 = arith.cmpi slt, %add3A_138, %lt3A_139 : i32
        %and3A_141 = arith.andi %ge3A_136, %lt3A_140 : i1
        %convert_element_type3A_142 = arith.extui %and3A_141 : i1 to i32
        %cond3A_143 = arith.constant 0 : i32
        %cond3A_144 = arith.cmpi ne, %convert_element_type3A_142, %cond3A_143 : i32
        scf.if %cond3A_144 {
          %add3A_221 = arith.constant 1 : i32
          %add3A_222 = arith.addi %add3A_67, %add3A_221 : i32
          %add3A_223 = arith.constant 4 : i32
          %add3A_224 = arith.addi %add3A_222, %add3A_223 : i32
          %sub3A_225 = arith.constant 1 : i32
          %sub3A_226 = arith.subi %add3A_224, %sub3A_225 : i32
          %sub3A_227 = arith.constant 40 : i32
          %sub3A_228 = arith.subi %sub3A_226, %sub3A_227 : i32
          %dma_start3A_229 = arith.constant 0 : i32
          %dma_start3A_230 = tpu.memref_slice %arg8[%sub3A_228, %dma_start3A_229] : memref<40x50xi32, #tpu.memory_space<vmem>> -> memref<1x50xi32, #tpu.memory_space<vmem>>
          %dma_start3A_231 = tpu.memref_squeeze %dma_start3A_230 : memref<1x50xi32, #tpu.memory_space<vmem>> -> memref<50xi32, #tpu.memory_space<vmem>>
          %dma_start3A_232 = arith.constant 0 : i32
          %dma_start3A_233 = arith.constant 0 : i32
          %dma_start3A_234 = tpu.memref_slice %arg2[%dma_start3A_232, %dma_start3A_233] : memref<10000x128xf32, #tpu.memory_space<hbm>> -> memref<10000x128xf32, #tpu.memory_space<hbm>>
          tpu.enqueue_indirect_dma source(%dma_start3A_234 : memref<10000x128xf32, #tpu.memory_space<hbm>>) target(%arg10 : memref<50x128xf32, #tpu.memory_space<vmem>>) offsets(%dma_start3A_231 : memref<50xi32, #tpu.memory_space<vmem>>) semaphore(%arg15 : memref<!tpu.dma_semaphore, #tpu.memory_space<semaphore_mem>>)
        } else {
        }
        %add3A_145 = arith.constant 1 : i32
        %add3A_146 = arith.addi %add3A_67, %add3A_145 : i32
        "tpu.region"() ({
          %run_scoped3A_221 = tpu.sem_alloc : memref<!tpu.dma_semaphore, #tpu.memory_space<semaphore_mem>>
          %dma_start3A_222 = arith.constant 0 : i32
          %dma_start3A_223 = tpu.memref_slice %arg7[%add3A_146, %dma_start3A_222] : memref<40x50xi32, #tpu.memory_space<vmem>> -> memref<1x50xi32, #tpu.memory_space<vmem>>
          %dma_start3A_224 = tpu.memref_squeeze %dma_start3A_223 : memref<1x50xi32, #tpu.memory_space<vmem>> -> memref<50xi32, #tpu.memory_space<vmem>>
          %dma_start3A_225 = arith.constant 0 : i32
          %dma_start3A_226 = arith.constant 0 : i32
          %dma_start3A_227 = tpu.memref_slice %arg14[%dma_start3A_225, %dma_start3A_226] : memref<10112x128xf32, #tpu.memory_space<vmem_shared>> -> memref<10112x128xf32, #tpu.memory_space<vmem_shared>>
          tpu.enqueue_indirect_dma source(%arg11 : memref<50x128xf32, #tpu.memory_space<vmem>>) target(%dma_start3A_227 : memref<10112x128xf32, #tpu.memory_space<vmem_shared>>) offsets(%dma_start3A_224 : memref<50xi32, #tpu.memory_space<vmem>>) semaphore(%run_scoped3A_221 : memref<!tpu.dma_semaphore, #tpu.memory_space<semaphore_mem>>) {add = true}
          %dma_wait3A_228 = arith.constant 0 : i32
          %dma_wait3A_229 = tpu.memref_slice %arg7[%add3A_146, %dma_wait3A_228] : memref<40x50xi32, #tpu.memory_space<vmem>> -> memref<1x50xi32, #tpu.memory_space<vmem>>
          %dma_wait3A_230 = tpu.memref_squeeze %dma_wait3A_229 : memref<1x50xi32, #tpu.memory_space<vmem>> -> memref<50xi32, #tpu.memory_space<vmem>>
          %dma_wait3A_231 = arith.constant 0 : i32
          %dma_wait3A_232 = arith.constant 0 : i32
          %dma_wait3A_233 = tpu.memref_slice %arg14[%dma_wait3A_231, %dma_wait3A_232] : memref<10112x128xf32, #tpu.memory_space<vmem_shared>> -> memref<10112x128xf32, #tpu.memory_space<vmem_shared>>
          tpu.wait_indirect_dma semaphore(%run_scoped3A_221 : memref<!tpu.dma_semaphore, #tpu.memory_space<semaphore_mem>>) src(%arg11 : memref<50x128xf32, #tpu.memory_space<vmem>>) dst(%dma_wait3A_233 : memref<10112x128xf32, #tpu.memory_space<vmem_shared>>)
          tpu.yield
        }) : () -> ()
        %add3A_147 = arith.constant 2 : i32
        %add3A_148 = arith.addi %add3A_67, %add3A_147 : i32
        %dma_wait3A_149 = arith.constant 0 : i32
        %dma_wait3A_150 = tpu.memref_slice %arg6[%add3A_148, %dma_wait3A_149] : memref<40x50xi32, #tpu.memory_space<vmem>> -> memref<1x50xi32, #tpu.memory_space<vmem>>
        %dma_wait3A_151 = tpu.memref_squeeze %dma_wait3A_150 : memref<1x50xi32, #tpu.memory_space<vmem>> -> memref<50xi32, #tpu.memory_space<vmem>>
        %dma_wait3A_152 = arith.constant 0 : i32
        %dma_wait3A_153 = arith.constant 0 : i32
        %dma_wait3A_154 = tpu.memref_slice %arg2[%dma_wait3A_152, %dma_wait3A_153] : memref<10000x128xf32, #tpu.memory_space<hbm>> -> memref<10000x128xf32, #tpu.memory_space<hbm>>
        tpu.wait_indirect_dma semaphore(%arg17 : memref<!tpu.dma_semaphore, #tpu.memory_space<semaphore_mem>>) src(%dma_wait3A_154 : memref<10000x128xf32, #tpu.memory_space<hbm>>) dst(%arg12 : memref<50x128xf32, #tpu.memory_space<vmem>>)
        %add3A_155 = arith.constant 2 : i32
        %add3A_156 = arith.addi %add3A_67, %add3A_155 : i32
        %add3A_157 = arith.constant 4 : i32
        %add3A_158 = arith.addi %add3A_156, %add3A_157 : i32
        %sub3A_159 = arith.constant 1 : i32
        %sub3A_160 = arith.subi %add3A_158, %sub3A_159 : i32
        %lt3A_161 = arith.constant 40 : i32
        %lt3A_162 = arith.cmpi slt, %sub3A_160, %lt3A_161 : i32
        %convert_element_type3A_163 = arith.extui %lt3A_162 : i1 to i32
        %cond3A_164 = arith.constant 0 : i32
        %cond3A_165 = arith.cmpi ne, %convert_element_type3A_163, %cond3A_164 : i32
        scf.if %cond3A_165 {
          %add3A_221 = arith.constant 2 : i32
          %add3A_222 = arith.addi %add3A_67, %add3A_221 : i32
          %add3A_223 = arith.constant 4 : i32
          %add3A_224 = arith.addi %add3A_222, %add3A_223 : i32
          %sub3A_225 = arith.constant 1 : i32
          %sub3A_226 = arith.subi %add3A_224, %sub3A_225 : i32
          %dma_start3A_227 = arith.constant 0 : i32
          %dma_start3A_228 = tpu.memref_slice %arg6[%sub3A_226, %dma_start3A_227] : memref<40x50xi32, #tpu.memory_space<vmem>> -> memref<1x50xi32, #tpu.memory_space<vmem>>
          %dma_start3A_229 = tpu.memref_squeeze %dma_start3A_228 : memref<1x50xi32, #tpu.memory_space<vmem>> -> memref<50xi32, #tpu.memory_space<vmem>>
          %dma_start3A_230 = arith.constant 0 : i32
          %dma_start3A_231 = arith.constant 0 : i32
          %dma_start3A_232 = tpu.memref_slice %arg2[%dma_start3A_230, %dma_start3A_231] : memref<10000x128xf32, #tpu.memory_space<hbm>> -> memref<10000x128xf32, #tpu.memory_space<hbm>>
          tpu.enqueue_indirect_dma source(%dma_start3A_232 : memref<10000x128xf32, #tpu.memory_space<hbm>>) target(%arg11 : memref<50x128xf32, #tpu.memory_space<vmem>>) offsets(%dma_start3A_229 : memref<50xi32, #tpu.memory_space<vmem>>) semaphore(%arg16 : memref<!tpu.dma_semaphore, #tpu.memory_space<semaphore_mem>>)
        } else {
        }
        %add3A_166 = arith.constant 2 : i32
        %add3A_167 = arith.addi %add3A_67, %add3A_166 : i32
        %add3A_168 = arith.constant 4 : i32
        %add3A_169 = arith.addi %add3A_167, %add3A_168 : i32
        %sub3A_170 = arith.constant 1 : i32
        %sub3A_171 = arith.subi %add3A_169, %sub3A_170 : i32
        %ge3A_172 = arith.constant 40 : i32
        %ge3A_173 = arith.cmpi sge, %sub3A_171, %ge3A_172 : i32
        %add3A_174 = arith.constant 1 : i32
        %add3A_175 = arith.addi %add3A_46, %add3A_174 : i32
        %lt3A_176 = arith.constant 5 : i32
        %lt3A_177 = arith.cmpi slt, %add3A_175, %lt3A_176 : i32
        %and3A_178 = arith.andi %ge3A_173, %lt3A_177 : i1
        %convert_element_type3A_179 = arith.extui %and3A_178 : i1 to i32
        %cond3A_180 = arith.constant 0 : i32
        %cond3A_181 = arith.cmpi ne, %convert_element_type3A_179, %cond3A_180 : i32
        scf.if %cond3A_181 {
          %add3A_221 = arith.constant 2 : i32
          %add3A_222 = arith.addi %add3A_67, %add3A_221 : i32
          %add3A_223 = arith.constant 4 : i32
          %add3A_224 = arith.addi %add3A_222, %add3A_223 : i32
          %sub3A_225 = arith.constant 1 : i32
          %sub3A_226 = arith.subi %add3A_224, %sub3A_225 : i32
          %sub3A_227 = arith.constant 40 : i32
          %sub3A_228 = arith.subi %sub3A_226, %sub3A_227 : i32
          %dma_start3A_229 = arith.constant 0 : i32
          %dma_start3A_230 = tpu.memref_slice %arg8[%sub3A_228, %dma_start3A_229] : memref<40x50xi32, #tpu.memory_space<vmem>> -> memref<1x50xi32, #tpu.memory_space<vmem>>
          %dma_start3A_231 = tpu.memref_squeeze %dma_start3A_230 : memref<1x50xi32, #tpu.memory_space<vmem>> -> memref<50xi32, #tpu.memory_space<vmem>>
          %dma_start3A_232 = arith.constant 0 : i32
          %dma_start3A_233 = arith.constant 0 : i32
          %dma_start3A_234 = tpu.memref_slice %arg2[%dma_start3A_232, %dma_start3A_233] : memref<10000x128xf32, #tpu.memory_space<hbm>> -> memref<10000x128xf32, #tpu.memory_space<hbm>>
          tpu.enqueue_indirect_dma source(%dma_start3A_234 : memref<10000x128xf32, #tpu.memory_space<hbm>>) target(%arg11 : memref<50x128xf32, #tpu.memory_space<vmem>>) offsets(%dma_start3A_231 : memref<50xi32, #tpu.memory_space<vmem>>) semaphore(%arg16 : memref<!tpu.dma_semaphore, #tpu.memory_space<semaphore_mem>>)
        } else {
        }
        %add3A_182 = arith.constant 2 : i32
        %add3A_183 = arith.addi %add3A_67, %add3A_182 : i32
        "tpu.region"() ({
          %run_scoped3A_221 = tpu.sem_alloc : memref<!tpu.dma_semaphore, #tpu.memory_space<semaphore_mem>>
          %dma_start3A_222 = arith.constant 0 : i32
          %dma_start3A_223 = tpu.memref_slice %arg7[%add3A_183, %dma_start3A_222] : memref<40x50xi32, #tpu.memory_space<vmem>> -> memref<1x50xi32, #tpu.memory_space<vmem>>
          %dma_start3A_224 = tpu.memref_squeeze %dma_start3A_223 : memref<1x50xi32, #tpu.memory_space<vmem>> -> memref<50xi32, #tpu.memory_space<vmem>>
          %dma_start3A_225 = arith.constant 0 : i32
          %dma_start3A_226 = arith.constant 0 : i32
          %dma_start3A_227 = tpu.memref_slice %arg14[%dma_start3A_225, %dma_start3A_226] : memref<10112x128xf32, #tpu.memory_space<vmem_shared>> -> memref<10112x128xf32, #tpu.memory_space<vmem_shared>>
          tpu.enqueue_indirect_dma source(%arg12 : memref<50x128xf32, #tpu.memory_space<vmem>>) target(%dma_start3A_227 : memref<10112x128xf32, #tpu.memory_space<vmem_shared>>) offsets(%dma_start3A_224 : memref<50xi32, #tpu.memory_space<vmem>>) semaphore(%run_scoped3A_221 : memref<!tpu.dma_semaphore, #tpu.memory_space<semaphore_mem>>) {add = true}
          %dma_wait3A_228 = arith.constant 0 : i32
          %dma_wait3A_229 = tpu.memref_slice %arg7[%add3A_183, %dma_wait3A_228] : memref<40x50xi32, #tpu.memory_space<vmem>> -> memref<1x50xi32, #tpu.memory_space<vmem>>
          %dma_wait3A_230 = tpu.memref_squeeze %dma_wait3A_229 : memref<1x50xi32, #tpu.memory_space<vmem>> -> memref<50xi32, #tpu.memory_space<vmem>>
          %dma_wait3A_231 = arith.constant 0 : i32
          %dma_wait3A_232 = arith.constant 0 : i32
          %dma_wait3A_233 = tpu.memref_slice %arg14[%dma_wait3A_231, %dma_wait3A_232] : memref<10112x128xf32, #tpu.memory_space<vmem_shared>> -> memref<10112x128xf32, #tpu.memory_space<vmem_shared>>
          tpu.wait_indirect_dma semaphore(%run_scoped3A_221 : memref<!tpu.dma_semaphore, #tpu.memory_space<semaphore_mem>>) src(%arg12 : memref<50x128xf32, #tpu.memory_space<vmem>>) dst(%dma_wait3A_233 : memref<10112x128xf32, #tpu.memory_space<vmem_shared>>)
          tpu.yield
        }) : () -> ()
        %add3A_184 = arith.constant 3 : i32
        %add3A_185 = arith.addi %add3A_67, %add3A_184 : i32
        %dma_wait3A_186 = arith.constant 0 : i32
        %dma_wait3A_187 = tpu.memref_slice %arg6[%add3A_185, %dma_wait3A_186] : memref<40x50xi32, #tpu.memory_space<vmem>> -> memref<1x50xi32, #tpu.memory_space<vmem>>
        %dma_wait3A_188 = tpu.memref_squeeze %dma_wait3A_187 : memref<1x50xi32, #tpu.memory_space<vmem>> -> memref<50xi32, #tpu.memory_space<vmem>>
        %dma_wait3A_189 = arith.constant 0 : i32
        %dma_wait3A_190 = arith.constant 0 : i32
        %dma_wait3A_191 = tpu.memref_slice %arg2[%dma_wait3A_189, %dma_wait3A_190] : memref<10000x128xf32, #tpu.memory_space<hbm>> -> memref<10000x128xf32, #tpu.memory_space<hbm>>
        tpu.wait_indirect_dma semaphore(%arg18 : memref<!tpu.dma_semaphore, #tpu.memory_space<semaphore_mem>>) src(%dma_wait3A_191 : memref<10000x128xf32, #tpu.memory_space<hbm>>) dst(%arg13 : memref<50x128xf32, #tpu.memory_space<vmem>>)
        %add3A_192 = arith.constant 3 : i32
        %add3A_193 = arith.addi %add3A_67, %add3A_192 : i32
        %add3A_194 = arith.constant 4 : i32
        %add3A_195 = arith.addi %add3A_193, %add3A_194 : i32
        %sub3A_196 = arith.constant 1 : i32
        %sub3A_197 = arith.subi %add3A_195, %sub3A_196 : i32
        %lt3A_198 = arith.constant 40 : i32
        %lt3A_199 = arith.cmpi slt, %sub3A_197, %lt3A_198 : i32
        %convert_element_type3A_200 = arith.extui %lt3A_199 : i1 to i32
        %cond3A_201 = arith.constant 0 : i32
        %cond3A_202 = arith.cmpi ne, %convert_element_type3A_200, %cond3A_201 : i32
        scf.if %cond3A_202 {
          %add3A_221 = arith.constant 3 : i32
          %add3A_222 = arith.addi %add3A_67, %add3A_221 : i32
          %add3A_223 = arith.constant 4 : i32
          %add3A_224 = arith.addi %add3A_222, %add3A_223 : i32
          %sub3A_225 = arith.constant 1 : i32
          %sub3A_226 = arith.subi %add3A_224, %sub3A_225 : i32
          %dma_start3A_227 = arith.constant 0 : i32
          %dma_start3A_228 = tpu.memref_slice %arg6[%sub3A_226, %dma_start3A_227] : memref<40x50xi32, #tpu.memory_space<vmem>> -> memref<1x50xi32, #tpu.memory_space<vmem>>
          %dma_start3A_229 = tpu.memref_squeeze %dma_start3A_228 : memref<1x50xi32, #tpu.memory_space<vmem>> -> memref<50xi32, #tpu.memory_space<vmem>>
          %dma_start3A_230 = arith.constant 0 : i32
          %dma_start3A_231 = arith.constant 0 : i32
          %dma_start3A_232 = tpu.memref_slice %arg2[%dma_start3A_230, %dma_start3A_231] : memref<10000x128xf32, #tpu.memory_space<hbm>> -> memref<10000x128xf32, #tpu.memory_space<hbm>>
          tpu.enqueue_indirect_dma source(%dma_start3A_232 : memref<10000x128xf32, #tpu.memory_space<hbm>>) target(%arg12 : memref<50x128xf32, #tpu.memory_space<vmem>>) offsets(%dma_start3A_229 : memref<50xi32, #tpu.memory_space<vmem>>) semaphore(%arg17 : memref<!tpu.dma_semaphore, #tpu.memory_space<semaphore_mem>>)
        } else {
        }
        %add3A_203 = arith.constant 3 : i32
        %add3A_204 = arith.addi %add3A_67, %add3A_203 : i32
        %add3A_205 = arith.constant 4 : i32
        %add3A_206 = arith.addi %add3A_204, %add3A_205 : i32
        %sub3A_207 = arith.constant 1 : i32
        %sub3A_208 = arith.subi %add3A_206, %sub3A_207 : i32
        %ge3A_209 = arith.constant 40 : i32
        %ge3A_210 = arith.cmpi sge, %sub3A_208, %ge3A_209 : i32
        %add3A_211 = arith.constant 1 : i32
        %add3A_212 = arith.addi %add3A_46, %add3A_211 : i32
        %lt3A_213 = arith.constant 5 : i32
        %lt3A_214 = arith.cmpi slt, %add3A_212, %lt3A_213 : i32
        %and3A_215 = arith.andi %ge3A_210, %lt3A_214 : i1
        %convert_element_type3A_216 = arith.extui %and3A_215 : i1 to i32
        %cond3A_217 = arith.constant 0 : i32
        %cond3A_218 = arith.cmpi ne, %convert_element_type3A_216, %cond3A_217 : i32
        scf.if %cond3A_218 {
          %add3A_221 = arith.constant 3 : i32
          %add3A_222 = arith.addi %add3A_67, %add3A_221 : i32
          %add3A_223 = arith.constant 4 : i32
          %add3A_224 = arith.addi %add3A_222, %add3A_223 : i32
          %sub3A_225 = arith.constant 1 : i32
          %sub3A_226 = arith.subi %add3A_224, %sub3A_225 : i32
          %sub3A_227 = arith.constant 40 : i32
          %sub3A_228 = arith.subi %sub3A_226, %sub3A_227 : i32
          %dma_start3A_229 = arith.constant 0 : i32
          %dma_start3A_230 = tpu.memref_slice %arg8[%sub3A_228, %dma_start3A_229] : memref<40x50xi32, #tpu.memory_space<vmem>> -> memref<1x50xi32, #tpu.memory_space<vmem>>
          %dma_start3A_231 = tpu.memref_squeeze %dma_start3A_230 : memref<1x50xi32, #tpu.memory_space<vmem>> -> memref<50xi32, #tpu.memory_space<vmem>>
          %dma_start3A_232 = arith.constant 0 : i32
          %dma_start3A_233 = arith.constant 0 : i32
          %dma_start3A_234 = tpu.memref_slice %arg2[%dma_start3A_232, %dma_start3A_233] : memref<10000x128xf32, #tpu.memory_space<hbm>> -> memref<10000x128xf32, #tpu.memory_space<hbm>>
          tpu.enqueue_indirect_dma source(%dma_start3A_234 : memref<10000x128xf32, #tpu.memory_space<hbm>>) target(%arg12 : memref<50x128xf32, #tpu.memory_space<vmem>>) offsets(%dma_start3A_231 : memref<50xi32, #tpu.memory_space<vmem>>) semaphore(%arg17 : memref<!tpu.dma_semaphore, #tpu.memory_space<semaphore_mem>>)
        } else {
        }
        %add3A_219 = arith.constant 3 : i32
        %add3A_220 = arith.addi %add3A_67, %add3A_219 : i32
        "tpu.region"() ({
          %run_scoped3A_221 = tpu.sem_alloc : memref<!tpu.dma_semaphore, #tpu.memory_space<semaphore_mem>>
          %dma_start3A_222 = arith.constant 0 : i32
          %dma_start3A_223 = tpu.memref_slice %arg7[%add3A_220, %dma_start3A_222] : memref<40x50xi32, #tpu.memory_space<vmem>> -> memref<1x50xi32, #tpu.memory_space<vmem>>
          %dma_start3A_224 = tpu.memref_squeeze %dma_start3A_223 : memref<1x50xi32, #tpu.memory_space<vmem>> -> memref<50xi32, #tpu.memory_space<vmem>>
          %dma_start3A_225 = arith.constant 0 : i32
          %dma_start3A_226 = arith.constant 0 : i32
          %dma_start3A_227 = tpu.memref_slice %arg14[%dma_start3A_225, %dma_start3A_226] : memref<10112x128xf32, #tpu.memory_space<vmem_shared>> -> memref<10112x128xf32, #tpu.memory_space<vmem_shared>>
          tpu.enqueue_indirect_dma source(%arg13 : memref<50x128xf32, #tpu.memory_space<vmem>>) target(%dma_start3A_227 : memref<10112x128xf32, #tpu.memory_space<vmem_shared>>) offsets(%dma_start3A_224 : memref<50xi32, #tpu.memory_space<vmem>>) semaphore(%run_scoped3A_221 : memref<!tpu.dma_semaphore, #tpu.memory_space<semaphore_mem>>) {add = true}
          %dma_wait3A_228 = arith.constant 0 : i32
          %dma_wait3A_229 = tpu.memref_slice %arg7[%add3A_220, %dma_wait3A_228] : memref<40x50xi32, #tpu.memory_space<vmem>> -> memref<1x50xi32, #tpu.memory_space<vmem>>
          %dma_wait3A_230 = tpu.memref_squeeze %dma_wait3A_229 : memref<1x50xi32, #tpu.memory_space<vmem>> -> memref<50xi32, #tpu.memory_space<vmem>>
          %dma_wait3A_231 = arith.constant 0 : i32
          %dma_wait3A_232 = arith.constant 0 : i32
          %dma_wait3A_233 = tpu.memref_slice %arg14[%dma_wait3A_231, %dma_wait3A_232] : memref<10112x128xf32, #tpu.memory_space<vmem_shared>> -> memref<10112x128xf32, #tpu.memory_space<vmem_shared>>
          tpu.wait_indirect_dma semaphore(%run_scoped3A_221 : memref<!tpu.dma_semaphore, #tpu.memory_space<semaphore_mem>>) src(%arg13 : memref<50x128xf32, #tpu.memory_space<vmem>>) dst(%dma_wait3A_233 : memref<10112x128xf32, #tpu.memory_space<vmem_shared>>)
          tpu.yield
        }) : () -> ()
      }
      %scan3A_55 = arith.constant 10 : i32
      %add3A_56 = arith.constant 1 : i32
      %add3A_57 = arith.addi %add3A_46, %add3A_56 : i32
      %lt3A_58 = arith.constant 5 : i32
      %lt3A_59 = arith.cmpi slt, %add3A_57, %lt3A_58 : i32
      %convert_element_type3A_60 = arith.extui %lt3A_59 : i1 to i32
      %cond3A_61 = arith.constant 0 : i32
      %cond3A_62 = arith.cmpi ne, %convert_element_type3A_60, %cond3A_61 : i32
      scf.if %cond3A_62 {
        %add3A_63 = arith.constant 1 : i32
        %add3A_64 = arith.addi %add3A_46, %add3A_63 : i32
        %add3A_65 = arith.constant 1 : i32
        %add3A_66 = arith.addi %add3A_64, %add3A_65 : i32
        %lt3A_67 = arith.constant 5 : i32
        %lt3A_68 = arith.cmpi slt, %add3A_66, %lt3A_67 : i32
        %convert_element_type3A_69 = arith.extui %lt3A_68 : i1 to i32
        %cond3A_70 = arith.constant 0 : i32
        %cond3A_71 = arith.cmpi ne, %convert_element_type3A_69, %cond3A_70 : i32
        scf.if %cond3A_71 {
          %add3A_77 = arith.constant 1 : i32
          %add3A_78 = arith.addi %add3A_64, %add3A_77 : i32
          %dma_start3A_79 = arith.constant 0 : i32
          %dma_start3A_80 = arith.constant 0 : i32
          %dma_start3A_81 = tpu.memref_slice %arg3[%arg0, %arg1, %add3A_78, %dma_start3A_79, %dma_start3A_80] : memref<2x16x5x40x50xi32, #tpu.memory_space<hbm>> -> memref<1x1x1x40x50xi32, #tpu.memory_space<hbm>>
          %dma_start3A_82 = tpu.memref_squeeze %dma_start3A_81 : memref<1x1x1x40x50xi32, #tpu.memory_space<hbm>> -> memref<40x50xi32, #tpu.memory_space<hbm>>
          %dma_start3A_83 = arith.constant 0 : i32
          %dma_start3A_84 = arith.constant 0 : i32
          %dma_start3A_85 = tpu.memref_slice %arg3[%arg0, %arg1, %add3A_78, %dma_start3A_83, %dma_start3A_84] : memref<2x16x5x40x50xi32, #tpu.memory_space<hbm>> -> memref<1x1x1x40x50xi32, #tpu.memory_space<hbm>>
          %dma_start3A_86 = tpu.memref_squeeze %dma_start3A_85 : memref<1x1x1x40x50xi32, #tpu.memory_space<hbm>> -> memref<40x50xi32, #tpu.memory_space<hbm>>
          tpu.enqueue_dma source(%dma_start3A_86 : memref<40x50xi32, #tpu.memory_space<hbm>>) target(%arg6 : memref<40x50xi32, #tpu.memory_space<vmem>>) target_semaphore(%arg19 : memref<!tpu.dma_semaphore, #tpu.memory_space<semaphore_mem>>)
          %add3A_87 = arith.constant 1 : i32
          %add3A_88 = arith.addi %add3A_64, %add3A_87 : i32
          %dma_start3A_89 = arith.constant 0 : i32
          %dma_start3A_90 = arith.constant 0 : i32
          %dma_start3A_91 = tpu.memref_slice %arg4[%arg0, %arg1, %add3A_88, %dma_start3A_89, %dma_start3A_90] : memref<2x16x5x40x50xi32, #tpu.memory_space<hbm>> -> memref<1x1x1x40x50xi32, #tpu.memory_space<hbm>>
          %dma_start3A_92 = tpu.memref_squeeze %dma_start3A_91 : memref<1x1x1x40x50xi32, #tpu.memory_space<hbm>> -> memref<40x50xi32, #tpu.memory_space<hbm>>
          %dma_start3A_93 = arith.constant 0 : i32
          %dma_start3A_94 = arith.constant 0 : i32
          %dma_start3A_95 = tpu.memref_slice %arg4[%arg0, %arg1, %add3A_88, %dma_start3A_93, %dma_start3A_94] : memref<2x16x5x40x50xi32, #tpu.memory_space<hbm>> -> memref<1x1x1x40x50xi32, #tpu.memory_space<hbm>>
          %dma_start3A_96 = tpu.memref_squeeze %dma_start3A_95 : memref<1x1x1x40x50xi32, #tpu.memory_space<hbm>> -> memref<40x50xi32, #tpu.memory_space<hbm>>
          tpu.enqueue_dma source(%dma_start3A_96 : memref<40x50xi32, #tpu.memory_space<hbm>>) target(%arg7 : memref<40x50xi32, #tpu.memory_space<vmem>>) target_semaphore(%arg19 : memref<!tpu.dma_semaphore, #tpu.memory_space<semaphore_mem>>)
        } else {
        }
        %scan3A_72 = arith.constant 0 : i32
        %scan3A_73 = arith.constant 10 : i32
        %scan3A_74 = arith.addi %scan3A_72, %scan3A_73 : i32
        %scan3A_75 = arith.constant 1 : i32
        scf.for %scan3A_77 = %scan3A_72 to %scan3A_74 step %scan3A_75  : i32 {
          %mul3A_78 = arith.constant 4 : i32
          %mul3A_79 = arith.muli %scan3A_77, %mul3A_78 : i32
          %add3A_80 = arith.constant 0 : i32
          %add3A_81 = arith.addi %add3A_80, %mul3A_79 : i32
          %eq3A = arith.constant 36 : i32
          %eq3A_82 = arith.cmpi eq, %add3A_81, %eq3A : i32
          %add3A_83 = arith.constant 1 : i32
          %add3A_84 = arith.addi %add3A_64, %add3A_83 : i32
          %lt3A_85 = arith.constant 5 : i32
          %lt3A_86 = arith.cmpi slt, %add3A_84, %lt3A_85 : i32
          %and3A = arith.andi %eq3A_82, %lt3A_86 : i1
          %convert_element_type3A_87 = arith.extui %and3A : i1 to i32
          %cond3A_88 = arith.constant 0 : i32
          %cond3A_89 = arith.cmpi ne, %convert_element_type3A_87, %cond3A_88 : i32
          scf.if %cond3A_89 {
            %add3A_235 = arith.constant 1 : i32
            %add3A_236 = arith.addi %add3A_64, %add3A_235 : i32
            %dma_wait3A_237 = arith.constant 0 : i32
            %dma_wait3A_238 = arith.constant 0 : i32
            %dma_wait3A_239 = tpu.memref_slice %arg3[%arg0, %arg1, %add3A_236, %dma_wait3A_237, %dma_wait3A_238] : memref<2x16x5x40x50xi32, #tpu.memory_space<hbm>> -> memref<1x1x1x40x50xi32, #tpu.memory_space<hbm>>
            %dma_wait3A_240 = tpu.memref_squeeze %dma_wait3A_239 : memref<1x1x1x40x50xi32, #tpu.memory_space<hbm>> -> memref<40x50xi32, #tpu.memory_space<hbm>>
            %dma_wait3A_241 = arith.constant 0 : i32
            %dma_wait3A_242 = arith.constant 0 : i32
            %dma_wait3A_243 = tpu.memref_slice %arg3[%arg0, %arg1, %add3A_236, %dma_wait3A_241, %dma_wait3A_242] : memref<2x16x5x40x50xi32, #tpu.memory_space<hbm>> -> memref<1x1x1x40x50xi32, #tpu.memory_space<hbm>>
            %dma_wait3A_244 = tpu.memref_squeeze %dma_wait3A_243 : memref<1x1x1x40x50xi32, #tpu.memory_space<hbm>> -> memref<40x50xi32, #tpu.memory_space<hbm>>
            tpu.wait_dma2 semaphore(%arg19 : memref<!tpu.dma_semaphore, #tpu.memory_space<semaphore_mem>>) src(%dma_wait3A_244 : memref<40x50xi32, #tpu.memory_space<hbm>>) dst(%arg6 : memref<40x50xi32, #tpu.memory_space<vmem>>)
            %add3A_245 = arith.constant 1 : i32
            %add3A_246 = arith.addi %add3A_64, %add3A_245 : i32
            %dma_wait3A_247 = arith.constant 0 : i32
            %dma_wait3A_248 = arith.constant 0 : i32
            %dma_wait3A_249 = tpu.memref_slice %arg4[%arg0, %arg1, %add3A_246, %dma_wait3A_247, %dma_wait3A_248] : memref<2x16x5x40x50xi32, #tpu.memory_space<hbm>> -> memref<1x1x1x40x50xi32, #tpu.memory_space<hbm>>
            %dma_wait3A_250 = tpu.memref_squeeze %dma_wait3A_249 : memref<1x1x1x40x50xi32, #tpu.memory_space<hbm>> -> memref<40x50xi32, #tpu.memory_space<hbm>>
            %dma_wait3A_251 = arith.constant 0 : i32
            %dma_wait3A_252 = arith.constant 0 : i32
            %dma_wait3A_253 = tpu.memref_slice %arg4[%arg0, %arg1, %add3A_246, %dma_wait3A_251, %dma_wait3A_252] : memref<2x16x5x40x50xi32, #tpu.memory_space<hbm>> -> memref<1x1x1x40x50xi32, #tpu.memory_space<hbm>>
            %dma_wait3A_254 = tpu.memref_squeeze %dma_wait3A_253 : memref<1x1x1x40x50xi32, #tpu.memory_space<hbm>> -> memref<40x50xi32, #tpu.memory_space<hbm>>
            tpu.wait_dma2 semaphore(%arg19 : memref<!tpu.dma_semaphore, #tpu.memory_space<semaphore_mem>>) src(%dma_wait3A_254 : memref<40x50xi32, #tpu.memory_space<hbm>>) dst(%arg7 : memref<40x50xi32, #tpu.memory_space<vmem>>)
          } else {
          }
          %add3A_90 = arith.constant 0 : i32
          %add3A_91 = arith.addi %add3A_81, %add3A_90 : i32
          %dma_wait3A = arith.constant 0 : i32
          %dma_wait3A_92 = tpu.memref_slice %arg8[%add3A_91, %dma_wait3A] : memref<40x50xi32, #tpu.memory_space<vmem>> -> memref<1x50xi32, #tpu.memory_space<vmem>>
          %dma_wait3A_93 = tpu.memref_squeeze %dma_wait3A_92 : memref<1x50xi32, #tpu.memory_space<vmem>> -> memref<50xi32, #tpu.memory_space<vmem>>
          %dma_wait3A_94 = arith.constant 0 : i32
          %dma_wait3A_95 = arith.constant 0 : i32
          %dma_wait3A_96 = tpu.memref_slice %arg2[%dma_wait3A_94, %dma_wait3A_95] : memref<10000x128xf32, #tpu.memory_space<hbm>> -> memref<10000x128xf32, #tpu.memory_space<hbm>>
          tpu.wait_indirect_dma semaphore(%arg15 : memref<!tpu.dma_semaphore, #tpu.memory_space<semaphore_mem>>) src(%dma_wait3A_96 : memref<10000x128xf32, #tpu.memory_space<hbm>>) dst(%arg10 : memref<50x128xf32, #tpu.memory_space<vmem>>)
          %add3A_97 = arith.constant 0 : i32
          %add3A_98 = arith.addi %add3A_81, %add3A_97 : i32
          %add3A_99 = arith.constant 4 : i32
          %add3A_100 = arith.addi %add3A_98, %add3A_99 : i32
          %sub3A = arith.constant 1 : i32
          %sub3A_101 = arith.subi %add3A_100, %sub3A : i32
          %lt3A_102 = arith.constant 40 : i32
          %lt3A_103 = arith.cmpi slt, %sub3A_101, %lt3A_102 : i32
          %convert_element_type3A_104 = arith.extui %lt3A_103 : i1 to i32
          %cond3A_105 = arith.constant 0 : i32
          %cond3A_106 = arith.cmpi ne, %convert_element_type3A_104, %cond3A_105 : i32
          scf.if %cond3A_106 {
            %add3A_235 = arith.constant 0 : i32
            %add3A_236 = arith.addi %add3A_81, %add3A_235 : i32
            %add3A_237 = arith.constant 4 : i32
            %add3A_238 = arith.addi %add3A_236, %add3A_237 : i32
            %sub3A_239 = arith.constant 1 : i32
            %sub3A_240 = arith.subi %add3A_238, %sub3A_239 : i32
            %dma_start3A_241 = arith.constant 0 : i32
            %dma_start3A_242 = tpu.memref_slice %arg8[%sub3A_240, %dma_start3A_241] : memref<40x50xi32, #tpu.memory_space<vmem>> -> memref<1x50xi32, #tpu.memory_space<vmem>>
            %dma_start3A_243 = tpu.memref_squeeze %dma_start3A_242 : memref<1x50xi32, #tpu.memory_space<vmem>> -> memref<50xi32, #tpu.memory_space<vmem>>
            %dma_start3A_244 = arith.constant 0 : i32
            %dma_start3A_245 = arith.constant 0 : i32
            %dma_start3A_246 = tpu.memref_slice %arg2[%dma_start3A_244, %dma_start3A_245] : memref<10000x128xf32, #tpu.memory_space<hbm>> -> memref<10000x128xf32, #tpu.memory_space<hbm>>
            tpu.enqueue_indirect_dma source(%dma_start3A_246 : memref<10000x128xf32, #tpu.memory_space<hbm>>) target(%arg13 : memref<50x128xf32, #tpu.memory_space<vmem>>) offsets(%dma_start3A_243 : memref<50xi32, #tpu.memory_space<vmem>>) semaphore(%arg18 : memref<!tpu.dma_semaphore, #tpu.memory_space<semaphore_mem>>)
          } else {
          }
          %add3A_107 = arith.constant 0 : i32
          %add3A_108 = arith.addi %add3A_81, %add3A_107 : i32
          %add3A_109 = arith.constant 4 : i32
          %add3A_110 = arith.addi %add3A_108, %add3A_109 : i32
          %sub3A_111 = arith.constant 1 : i32
          %sub3A_112 = arith.subi %add3A_110, %sub3A_111 : i32
          %ge3A = arith.constant 40 : i32
          %ge3A_113 = arith.cmpi sge, %sub3A_112, %ge3A : i32
          %add3A_114 = arith.constant 1 : i32
          %add3A_115 = arith.addi %add3A_64, %add3A_114 : i32
          %lt3A_116 = arith.constant 5 : i32
          %lt3A_117 = arith.cmpi slt, %add3A_115, %lt3A_116 : i32
          %and3A_118 = arith.andi %ge3A_113, %lt3A_117 : i1
          %convert_element_type3A_119 = arith.extui %and3A_118 : i1 to i32
          %cond3A_120 = arith.constant 0 : i32
          %cond3A_121 = arith.cmpi ne, %convert_element_type3A_119, %cond3A_120 : i32
          scf.if %cond3A_121 {
            %add3A_235 = arith.constant 0 : i32
            %add3A_236 = arith.addi %add3A_81, %add3A_235 : i32
            %add3A_237 = arith.constant 4 : i32
            %add3A_238 = arith.addi %add3A_236, %add3A_237 : i32
            %sub3A_239 = arith.constant 1 : i32
            %sub3A_240 = arith.subi %add3A_238, %sub3A_239 : i32
            %sub3A_241 = arith.constant 40 : i32
            %sub3A_242 = arith.subi %sub3A_240, %sub3A_241 : i32
            %dma_start3A_243 = arith.constant 0 : i32
            %dma_start3A_244 = tpu.memref_slice %arg6[%sub3A_242, %dma_start3A_243] : memref<40x50xi32, #tpu.memory_space<vmem>> -> memref<1x50xi32, #tpu.memory_space<vmem>>
            %dma_start3A_245 = tpu.memref_squeeze %dma_start3A_244 : memref<1x50xi32, #tpu.memory_space<vmem>> -> memref<50xi32, #tpu.memory_space<vmem>>
            %dma_start3A_246 = arith.constant 0 : i32
            %dma_start3A_247 = arith.constant 0 : i32
            %dma_start3A_248 = tpu.memref_slice %arg2[%dma_start3A_246, %dma_start3A_247] : memref<10000x128xf32, #tpu.memory_space<hbm>> -> memref<10000x128xf32, #tpu.memory_space<hbm>>
            tpu.enqueue_indirect_dma source(%dma_start3A_248 : memref<10000x128xf32, #tpu.memory_space<hbm>>) target(%arg13 : memref<50x128xf32, #tpu.memory_space<vmem>>) offsets(%dma_start3A_245 : memref<50xi32, #tpu.memory_space<vmem>>) semaphore(%arg18 : memref<!tpu.dma_semaphore, #tpu.memory_space<semaphore_mem>>)
          } else {
          }
          %add3A_122 = arith.constant 0 : i32
          %add3A_123 = arith.addi %add3A_81, %add3A_122 : i32
          "tpu.region"() ({
            %run_scoped3A_235 = tpu.sem_alloc : memref<!tpu.dma_semaphore, #tpu.memory_space<semaphore_mem>>
            %dma_start3A_236 = arith.constant 0 : i32
            %dma_start3A_237 = tpu.memref_slice %arg9[%add3A_123, %dma_start3A_236] : memref<40x50xi32, #tpu.memory_space<vmem>> -> memref<1x50xi32, #tpu.memory_space<vmem>>
            %dma_start3A_238 = tpu.memref_squeeze %dma_start3A_237 : memref<1x50xi32, #tpu.memory_space<vmem>> -> memref<50xi32, #tpu.memory_space<vmem>>
            %dma_start3A_239 = arith.constant 0 : i32
            %dma_start3A_240 = arith.constant 0 : i32
            %dma_start3A_241 = tpu.memref_slice %arg14[%dma_start3A_239, %dma_start3A_240] : memref<10112x128xf32, #tpu.memory_space<vmem_shared>> -> memref<10112x128xf32, #tpu.memory_space<vmem_shared>>
            tpu.enqueue_indirect_dma source(%arg10 : memref<50x128xf32, #tpu.memory_space<vmem>>) target(%dma_start3A_241 : memref<10112x128xf32, #tpu.memory_space<vmem_shared>>) offsets(%dma_start3A_238 : memref<50xi32, #tpu.memory_space<vmem>>) semaphore(%run_scoped3A_235 : memref<!tpu.dma_semaphore, #tpu.memory_space<semaphore_mem>>) {add = true}
            %dma_wait3A_242 = arith.constant 0 : i32
            %dma_wait3A_243 = tpu.memref_slice %arg9[%add3A_123, %dma_wait3A_242] : memref<40x50xi32, #tpu.memory_space<vmem>> -> memref<1x50xi32, #tpu.memory_space<vmem>>
            %dma_wait3A_244 = tpu.memref_squeeze %dma_wait3A_243 : memref<1x50xi32, #tpu.memory_space<vmem>> -> memref<50xi32, #tpu.memory_space<vmem>>
            %dma_wait3A_245 = arith.constant 0 : i32
            %dma_wait3A_246 = arith.constant 0 : i32
            %dma_wait3A_247 = tpu.memref_slice %arg14[%dma_wait3A_245, %dma_wait3A_246] : memref<10112x128xf32, #tpu.memory_space<vmem_shared>> -> memref<10112x128xf32, #tpu.memory_space<vmem_shared>>
            tpu.wait_indirect_dma semaphore(%run_scoped3A_235 : memref<!tpu.dma_semaphore, #tpu.memory_space<semaphore_mem>>) src(%arg10 : memref<50x128xf32, #tpu.memory_space<vmem>>) dst(%dma_wait3A_247 : memref<10112x128xf32, #tpu.memory_space<vmem_shared>>)
            tpu.yield
          }) : () -> ()
          %add3A_124 = arith.constant 1 : i32
          %add3A_125 = arith.addi %add3A_81, %add3A_124 : i32
          %dma_wait3A_126 = arith.constant 0 : i32
          %dma_wait3A_127 = tpu.memref_slice %arg8[%add3A_125, %dma_wait3A_126] : memref<40x50xi32, #tpu.memory_space<vmem>> -> memref<1x50xi32, #tpu.memory_space<vmem>>
          %dma_wait3A_128 = tpu.memref_squeeze %dma_wait3A_127 : memref<1x50xi32, #tpu.memory_space<vmem>> -> memref<50xi32, #tpu.memory_space<vmem>>
          %dma_wait3A_129 = arith.constant 0 : i32
          %dma_wait3A_130 = arith.constant 0 : i32
          %dma_wait3A_131 = tpu.memref_slice %arg2[%dma_wait3A_129, %dma_wait3A_130] : memref<10000x128xf32, #tpu.memory_space<hbm>> -> memref<10000x128xf32, #tpu.memory_space<hbm>>
          tpu.wait_indirect_dma semaphore(%arg16 : memref<!tpu.dma_semaphore, #tpu.memory_space<semaphore_mem>>) src(%dma_wait3A_131 : memref<10000x128xf32, #tpu.memory_space<hbm>>) dst(%arg11 : memref<50x128xf32, #tpu.memory_space<vmem>>)
          %add3A_132 = arith.constant 1 : i32
          %add3A_133 = arith.addi %add3A_81, %add3A_132 : i32
          %add3A_134 = arith.constant 4 : i32
          %add3A_135 = arith.addi %add3A_133, %add3A_134 : i32
          %sub3A_136 = arith.constant 1 : i32
          %sub3A_137 = arith.subi %add3A_135, %sub3A_136 : i32
          %lt3A_138 = arith.constant 40 : i32
          %lt3A_139 = arith.cmpi slt, %sub3A_137, %lt3A_138 : i32
          %convert_element_type3A_140 = arith.extui %lt3A_139 : i1 to i32
          %cond3A_141 = arith.constant 0 : i32
          %cond3A_142 = arith.cmpi ne, %convert_element_type3A_140, %cond3A_141 : i32
          scf.if %cond3A_142 {
            %add3A_235 = arith.constant 1 : i32
            %add3A_236 = arith.addi %add3A_81, %add3A_235 : i32
            %add3A_237 = arith.constant 4 : i32
            %add3A_238 = arith.addi %add3A_236, %add3A_237 : i32
            %sub3A_239 = arith.constant 1 : i32
            %sub3A_240 = arith.subi %add3A_238, %sub3A_239 : i32
            %dma_start3A_241 = arith.constant 0 : i32
            %dma_start3A_242 = tpu.memref_slice %arg8[%sub3A_240, %dma_start3A_241] : memref<40x50xi32, #tpu.memory_space<vmem>> -> memref<1x50xi32, #tpu.memory_space<vmem>>
            %dma_start3A_243 = tpu.memref_squeeze %dma_start3A_242 : memref<1x50xi32, #tpu.memory_space<vmem>> -> memref<50xi32, #tpu.memory_space<vmem>>
            %dma_start3A_244 = arith.constant 0 : i32
            %dma_start3A_245 = arith.constant 0 : i32
            %dma_start3A_246 = tpu.memref_slice %arg2[%dma_start3A_244, %dma_start3A_245] : memref<10000x128xf32, #tpu.memory_space<hbm>> -> memref<10000x128xf32, #tpu.memory_space<hbm>>
            tpu.enqueue_indirect_dma source(%dma_start3A_246 : memref<10000x128xf32, #tpu.memory_space<hbm>>) target(%arg10 : memref<50x128xf32, #tpu.memory_space<vmem>>) offsets(%dma_start3A_243 : memref<50xi32, #tpu.memory_space<vmem>>) semaphore(%arg15 : memref<!tpu.dma_semaphore, #tpu.memory_space<semaphore_mem>>)
          } else {
          }
          %add3A_143 = arith.constant 1 : i32
          %add3A_144 = arith.addi %add3A_81, %add3A_143 : i32
          %add3A_145 = arith.constant 4 : i32
          %add3A_146 = arith.addi %add3A_144, %add3A_145 : i32
          %sub3A_147 = arith.constant 1 : i32
          %sub3A_148 = arith.subi %add3A_146, %sub3A_147 : i32
          %ge3A_149 = arith.constant 40 : i32
          %ge3A_150 = arith.cmpi sge, %sub3A_148, %ge3A_149 : i32
          %add3A_151 = arith.constant 1 : i32
          %add3A_152 = arith.addi %add3A_64, %add3A_151 : i32
          %lt3A_153 = arith.constant 5 : i32
          %lt3A_154 = arith.cmpi slt, %add3A_152, %lt3A_153 : i32
          %and3A_155 = arith.andi %ge3A_150, %lt3A_154 : i1
          %convert_element_type3A_156 = arith.extui %and3A_155 : i1 to i32
          %cond3A_157 = arith.constant 0 : i32
          %cond3A_158 = arith.cmpi ne, %convert_element_type3A_156, %cond3A_157 : i32
          scf.if %cond3A_158 {
            %add3A_235 = arith.constant 1 : i32
            %add3A_236 = arith.addi %add3A_81, %add3A_235 : i32
            %add3A_237 = arith.constant 4 : i32
            %add3A_238 = arith.addi %add3A_236, %add3A_237 : i32
            %sub3A_239 = arith.constant 1 : i32
            %sub3A_240 = arith.subi %add3A_238, %sub3A_239 : i32
            %sub3A_241 = arith.constant 40 : i32
            %sub3A_242 = arith.subi %sub3A_240, %sub3A_241 : i32
            %dma_start3A_243 = arith.constant 0 : i32
            %dma_start3A_244 = tpu.memref_slice %arg6[%sub3A_242, %dma_start3A_243] : memref<40x50xi32, #tpu.memory_space<vmem>> -> memref<1x50xi32, #tpu.memory_space<vmem>>
            %dma_start3A_245 = tpu.memref_squeeze %dma_start3A_244 : memref<1x50xi32, #tpu.memory_space<vmem>> -> memref<50xi32, #tpu.memory_space<vmem>>
            %dma_start3A_246 = arith.constant 0 : i32
            %dma_start3A_247 = arith.constant 0 : i32
            %dma_start3A_248 = tpu.memref_slice %arg2[%dma_start3A_246, %dma_start3A_247] : memref<10000x128xf32, #tpu.memory_space<hbm>> -> memref<10000x128xf32, #tpu.memory_space<hbm>>
            tpu.enqueue_indirect_dma source(%dma_start3A_248 : memref<10000x128xf32, #tpu.memory_space<hbm>>) target(%arg10 : memref<50x128xf32, #tpu.memory_space<vmem>>) offsets(%dma_start3A_245 : memref<50xi32, #tpu.memory_space<vmem>>) semaphore(%arg15 : memref<!tpu.dma_semaphore, #tpu.memory_space<semaphore_mem>>)
          } else {
          }
          %add3A_159 = arith.constant 1 : i32
          %add3A_160 = arith.addi %add3A_81, %add3A_159 : i32
          "tpu.region"() ({
            %run_scoped3A_235 = tpu.sem_alloc : memref<!tpu.dma_semaphore, #tpu.memory_space<semaphore_mem>>
            %dma_start3A_236 = arith.constant 0 : i32
            %dma_start3A_237 = tpu.memref_slice %arg9[%add3A_160, %dma_start3A_236] : memref<40x50xi32, #tpu.memory_space<vmem>> -> memref<1x50xi32, #tpu.memory_space<vmem>>
            %dma_start3A_238 = tpu.memref_squeeze %dma_start3A_237 : memref<1x50xi32, #tpu.memory_space<vmem>> -> memref<50xi32, #tpu.memory_space<vmem>>
            %dma_start3A_239 = arith.constant 0 : i32
            %dma_start3A_240 = arith.constant 0 : i32
            %dma_start3A_241 = tpu.memref_slice %arg14[%dma_start3A_239, %dma_start3A_240] : memref<10112x128xf32, #tpu.memory_space<vmem_shared>> -> memref<10112x128xf32, #tpu.memory_space<vmem_shared>>
            tpu.enqueue_indirect_dma source(%arg11 : memref<50x128xf32, #tpu.memory_space<vmem>>) target(%dma_start3A_241 : memref<10112x128xf32, #tpu.memory_space<vmem_shared>>) offsets(%dma_start3A_238 : memref<50xi32, #tpu.memory_space<vmem>>) semaphore(%run_scoped3A_235 : memref<!tpu.dma_semaphore, #tpu.memory_space<semaphore_mem>>) {add = true}
            %dma_wait3A_242 = arith.constant 0 : i32
            %dma_wait3A_243 = tpu.memref_slice %arg9[%add3A_160, %dma_wait3A_242] : memref<40x50xi32, #tpu.memory_space<vmem>> -> memref<1x50xi32, #tpu.memory_space<vmem>>
            %dma_wait3A_244 = tpu.memref_squeeze %dma_wait3A_243 : memref<1x50xi32, #tpu.memory_space<vmem>> -> memref<50xi32, #tpu.memory_space<vmem>>
            %dma_wait3A_245 = arith.constant 0 : i32
            %dma_wait3A_246 = arith.constant 0 : i32
            %dma_wait3A_247 = tpu.memref_slice %arg14[%dma_wait3A_245, %dma_wait3A_246] : memref<10112x128xf32, #tpu.memory_space<vmem_shared>> -> memref<10112x128xf32, #tpu.memory_space<vmem_shared>>
            tpu.wait_indirect_dma semaphore(%run_scoped3A_235 : memref<!tpu.dma_semaphore, #tpu.memory_space<semaphore_mem>>) src(%arg11 : memref<50x128xf32, #tpu.memory_space<vmem>>) dst(%dma_wait3A_247 : memref<10112x128xf32, #tpu.memory_space<vmem_shared>>)
            tpu.yield
          }) : () -> ()
          %add3A_161 = arith.constant 2 : i32
          %add3A_162 = arith.addi %add3A_81, %add3A_161 : i32
          %dma_wait3A_163 = arith.constant 0 : i32
          %dma_wait3A_164 = tpu.memref_slice %arg8[%add3A_162, %dma_wait3A_163] : memref<40x50xi32, #tpu.memory_space<vmem>> -> memref<1x50xi32, #tpu.memory_space<vmem>>
          %dma_wait3A_165 = tpu.memref_squeeze %dma_wait3A_164 : memref<1x50xi32, #tpu.memory_space<vmem>> -> memref<50xi32, #tpu.memory_space<vmem>>
          %dma_wait3A_166 = arith.constant 0 : i32
          %dma_wait3A_167 = arith.constant 0 : i32
          %dma_wait3A_168 = tpu.memref_slice %arg2[%dma_wait3A_166, %dma_wait3A_167] : memref<10000x128xf32, #tpu.memory_space<hbm>> -> memref<10000x128xf32, #tpu.memory_space<hbm>>
          tpu.wait_indirect_dma semaphore(%arg17 : memref<!tpu.dma_semaphore, #tpu.memory_space<semaphore_mem>>) src(%dma_wait3A_168 : memref<10000x128xf32, #tpu.memory_space<hbm>>) dst(%arg12 : memref<50x128xf32, #tpu.memory_space<vmem>>)
          %add3A_169 = arith.constant 2 : i32
          %add3A_170 = arith.addi %add3A_81, %add3A_169 : i32
          %add3A_171 = arith.constant 4 : i32
          %add3A_172 = arith.addi %add3A_170, %add3A_171 : i32
          %sub3A_173 = arith.constant 1 : i32
          %sub3A_174 = arith.subi %add3A_172, %sub3A_173 : i32
          %lt3A_175 = arith.constant 40 : i32
          %lt3A_176 = arith.cmpi slt, %sub3A_174, %lt3A_175 : i32
          %convert_element_type3A_177 = arith.extui %lt3A_176 : i1 to i32
          %cond3A_178 = arith.constant 0 : i32
          %cond3A_179 = arith.cmpi ne, %convert_element_type3A_177, %cond3A_178 : i32
          scf.if %cond3A_179 {
            %add3A_235 = arith.constant 2 : i32
            %add3A_236 = arith.addi %add3A_81, %add3A_235 : i32
            %add3A_237 = arith.constant 4 : i32
            %add3A_238 = arith.addi %add3A_236, %add3A_237 : i32
            %sub3A_239 = arith.constant 1 : i32
            %sub3A_240 = arith.subi %add3A_238, %sub3A_239 : i32
            %dma_start3A_241 = arith.constant 0 : i32
            %dma_start3A_242 = tpu.memref_slice %arg8[%sub3A_240, %dma_start3A_241] : memref<40x50xi32, #tpu.memory_space<vmem>> -> memref<1x50xi32, #tpu.memory_space<vmem>>
            %dma_start3A_243 = tpu.memref_squeeze %dma_start3A_242 : memref<1x50xi32, #tpu.memory_space<vmem>> -> memref<50xi32, #tpu.memory_space<vmem>>
            %dma_start3A_244 = arith.constant 0 : i32
            %dma_start3A_245 = arith.constant 0 : i32
            %dma_start3A_246 = tpu.memref_slice %arg2[%dma_start3A_244, %dma_start3A_245] : memref<10000x128xf32, #tpu.memory_space<hbm>> -> memref<10000x128xf32, #tpu.memory_space<hbm>>
            tpu.enqueue_indirect_dma source(%dma_start3A_246 : memref<10000x128xf32, #tpu.memory_space<hbm>>) target(%arg11 : memref<50x128xf32, #tpu.memory_space<vmem>>) offsets(%dma_start3A_243 : memref<50xi32, #tpu.memory_space<vmem>>) semaphore(%arg16 : memref<!tpu.dma_semaphore, #tpu.memory_space<semaphore_mem>>)
          } else {
          }
          %add3A_180 = arith.constant 2 : i32
          %add3A_181 = arith.addi %add3A_81, %add3A_180 : i32
          %add3A_182 = arith.constant 4 : i32
          %add3A_183 = arith.addi %add3A_181, %add3A_182 : i32
          %sub3A_184 = arith.constant 1 : i32
          %sub3A_185 = arith.subi %add3A_183, %sub3A_184 : i32
          %ge3A_186 = arith.constant 40 : i32
          %ge3A_187 = arith.cmpi sge, %sub3A_185, %ge3A_186 : i32
          %add3A_188 = arith.constant 1 : i32
          %add3A_189 = arith.addi %add3A_64, %add3A_188 : i32
          %lt3A_190 = arith.constant 5 : i32
          %lt3A_191 = arith.cmpi slt, %add3A_189, %lt3A_190 : i32
          %and3A_192 = arith.andi %ge3A_187, %lt3A_191 : i1
          %convert_element_type3A_193 = arith.extui %and3A_192 : i1 to i32
          %cond3A_194 = arith.constant 0 : i32
          %cond3A_195 = arith.cmpi ne, %convert_element_type3A_193, %cond3A_194 : i32
          scf.if %cond3A_195 {
            %add3A_235 = arith.constant 2 : i32
            %add3A_236 = arith.addi %add3A_81, %add3A_235 : i32
            %add3A_237 = arith.constant 4 : i32
            %add3A_238 = arith.addi %add3A_236, %add3A_237 : i32
            %sub3A_239 = arith.constant 1 : i32
            %sub3A_240 = arith.subi %add3A_238, %sub3A_239 : i32
            %sub3A_241 = arith.constant 40 : i32
            %sub3A_242 = arith.subi %sub3A_240, %sub3A_241 : i32
            %dma_start3A_243 = arith.constant 0 : i32
            %dma_start3A_244 = tpu.memref_slice %arg6[%sub3A_242, %dma_start3A_243] : memref<40x50xi32, #tpu.memory_space<vmem>> -> memref<1x50xi32, #tpu.memory_space<vmem>>
            %dma_start3A_245 = tpu.memref_squeeze %dma_start3A_244 : memref<1x50xi32, #tpu.memory_space<vmem>> -> memref<50xi32, #tpu.memory_space<vmem>>
            %dma_start3A_246 = arith.constant 0 : i32
            %dma_start3A_247 = arith.constant 0 : i32
            %dma_start3A_248 = tpu.memref_slice %arg2[%dma_start3A_246, %dma_start3A_247] : memref<10000x128xf32, #tpu.memory_space<hbm>> -> memref<10000x128xf32, #tpu.memory_space<hbm>>
            tpu.enqueue_indirect_dma source(%dma_start3A_248 : memref<10000x128xf32, #tpu.memory_space<hbm>>) target(%arg11 : memref<50x128xf32, #tpu.memory_space<vmem>>) offsets(%dma_start3A_245 : memref<50xi32, #tpu.memory_space<vmem>>) semaphore(%arg16 : memref<!tpu.dma_semaphore, #tpu.memory_space<semaphore_mem>>)
          } else {
          }
          %add3A_196 = arith.constant 2 : i32
          %add3A_197 = arith.addi %add3A_81, %add3A_196 : i32
          "tpu.region"() ({
            %run_scoped3A_235 = tpu.sem_alloc : memref<!tpu.dma_semaphore, #tpu.memory_space<semaphore_mem>>
            %dma_start3A_236 = arith.constant 0 : i32
            %dma_start3A_237 = tpu.memref_slice %arg9[%add3A_197, %dma_start3A_236] : memref<40x50xi32, #tpu.memory_space<vmem>> -> memref<1x50xi32, #tpu.memory_space<vmem>>
            %dma_start3A_238 = tpu.memref_squeeze %dma_start3A_237 : memref<1x50xi32, #tpu.memory_space<vmem>> -> memref<50xi32, #tpu.memory_space<vmem>>
            %dma_start3A_239 = arith.constant 0 : i32
            %dma_start3A_240 = arith.constant 0 : i32
            %dma_start3A_241 = tpu.memref_slice %arg14[%dma_start3A_239, %dma_start3A_240] : memref<10112x128xf32, #tpu.memory_space<vmem_shared>> -> memref<10112x128xf32, #tpu.memory_space<vmem_shared>>
            tpu.enqueue_indirect_dma source(%arg12 : memref<50x128xf32, #tpu.memory_space<vmem>>) target(%dma_start3A_241 : memref<10112x128xf32, #tpu.memory_space<vmem_shared>>) offsets(%dma_start3A_238 : memref<50xi32, #tpu.memory_space<vmem>>) semaphore(%run_scoped3A_235 : memref<!tpu.dma_semaphore, #tpu.memory_space<semaphore_mem>>) {add = true}
            %dma_wait3A_242 = arith.constant 0 : i32
            %dma_wait3A_243 = tpu.memref_slice %arg9[%add3A_197, %dma_wait3A_242] : memref<40x50xi32, #tpu.memory_space<vmem>> -> memref<1x50xi32, #tpu.memory_space<vmem>>
            %dma_wait3A_244 = tpu.memref_squeeze %dma_wait3A_243 : memref<1x50xi32, #tpu.memory_space<vmem>> -> memref<50xi32, #tpu.memory_space<vmem>>
            %dma_wait3A_245 = arith.constant 0 : i32
            %dma_wait3A_246 = arith.constant 0 : i32
            %dma_wait3A_247 = tpu.memref_slice %arg14[%dma_wait3A_245, %dma_wait3A_246] : memref<10112x128xf32, #tpu.memory_space<vmem_shared>> -> memref<10112x128xf32, #tpu.memory_space<vmem_shared>>
            tpu.wait_indirect_dma semaphore(%run_scoped3A_235 : memref<!tpu.dma_semaphore, #tpu.memory_space<semaphore_mem>>) src(%arg12 : memref<50x128xf32, #tpu.memory_space<vmem>>) dst(%dma_wait3A_247 : memref<10112x128xf32, #tpu.memory_space<vmem_shared>>)
            tpu.yield
          }) : () -> ()
          %add3A_198 = arith.constant 3 : i32
          %add3A_199 = arith.addi %add3A_81, %add3A_198 : i32
          %dma_wait3A_200 = arith.constant 0 : i32
          %dma_wait3A_201 = tpu.memref_slice %arg8[%add3A_199, %dma_wait3A_200] : memref<40x50xi32, #tpu.memory_space<vmem>> -> memref<1x50xi32, #tpu.memory_space<vmem>>
          %dma_wait3A_202 = tpu.memref_squeeze %dma_wait3A_201 : memref<1x50xi32, #tpu.memory_space<vmem>> -> memref<50xi32, #tpu.memory_space<vmem>>
          %dma_wait3A_203 = arith.constant 0 : i32
          %dma_wait3A_204 = arith.constant 0 : i32
          %dma_wait3A_205 = tpu.memref_slice %arg2[%dma_wait3A_203, %dma_wait3A_204] : memref<10000x128xf32, #tpu.memory_space<hbm>> -> memref<10000x128xf32, #tpu.memory_space<hbm>>
          tpu.wait_indirect_dma semaphore(%arg18 : memref<!tpu.dma_semaphore, #tpu.memory_space<semaphore_mem>>) src(%dma_wait3A_205 : memref<10000x128xf32, #tpu.memory_space<hbm>>) dst(%arg13 : memref<50x128xf32, #tpu.memory_space<vmem>>)
          %add3A_206 = arith.constant 3 : i32
          %add3A_207 = arith.addi %add3A_81, %add3A_206 : i32
          %add3A_208 = arith.constant 4 : i32
          %add3A_209 = arith.addi %add3A_207, %add3A_208 : i32
          %sub3A_210 = arith.constant 1 : i32
          %sub3A_211 = arith.subi %add3A_209, %sub3A_210 : i32
          %lt3A_212 = arith.constant 40 : i32
          %lt3A_213 = arith.cmpi slt, %sub3A_211, %lt3A_212 : i32
          %convert_element_type3A_214 = arith.extui %lt3A_213 : i1 to i32
          %cond3A_215 = arith.constant 0 : i32
          %cond3A_216 = arith.cmpi ne, %convert_element_type3A_214, %cond3A_215 : i32
          scf.if %cond3A_216 {
            %add3A_235 = arith.constant 3 : i32
            %add3A_236 = arith.addi %add3A_81, %add3A_235 : i32
            %add3A_237 = arith.constant 4 : i32
            %add3A_238 = arith.addi %add3A_236, %add3A_237 : i32
            %sub3A_239 = arith.constant 1 : i32
            %sub3A_240 = arith.subi %add3A_238, %sub3A_239 : i32
            %dma_start3A_241 = arith.constant 0 : i32
            %dma_start3A_242 = tpu.memref_slice %arg8[%sub3A_240, %dma_start3A_241] : memref<40x50xi32, #tpu.memory_space<vmem>> -> memref<1x50xi32, #tpu.memory_space<vmem>>
            %dma_start3A_243 = tpu.memref_squeeze %dma_start3A_242 : memref<1x50xi32, #tpu.memory_space<vmem>> -> memref<50xi32, #tpu.memory_space<vmem>>
            %dma_start3A_244 = arith.constant 0 : i32
            %dma_start3A_245 = arith.constant 0 : i32
            %dma_start3A_246 = tpu.memref_slice %arg2[%dma_start3A_244, %dma_start3A_245] : memref<10000x128xf32, #tpu.memory_space<hbm>> -> memref<10000x128xf32, #tpu.memory_space<hbm>>
            tpu.enqueue_indirect_dma source(%dma_start3A_246 : memref<10000x128xf32, #tpu.memory_space<hbm>>) target(%arg12 : memref<50x128xf32, #tpu.memory_space<vmem>>) offsets(%dma_start3A_243 : memref<50xi32, #tpu.memory_space<vmem>>) semaphore(%arg17 : memref<!tpu.dma_semaphore, #tpu.memory_space<semaphore_mem>>)
          } else {
          }
          %add3A_217 = arith.constant 3 : i32
          %add3A_218 = arith.addi %add3A_81, %add3A_217 : i32
          %add3A_219 = arith.constant 4 : i32
          %add3A_220 = arith.addi %add3A_218, %add3A_219 : i32
          %sub3A_221 = arith.constant 1 : i32
          %sub3A_222 = arith.subi %add3A_220, %sub3A_221 : i32
          %ge3A_223 = arith.constant 40 : i32
          %ge3A_224 = arith.cmpi sge, %sub3A_222, %ge3A_223 : i32
          %add3A_225 = arith.constant 1 : i32
          %add3A_226 = arith.addi %add3A_64, %add3A_225 : i32
          %lt3A_227 = arith.constant 5 : i32
          %lt3A_228 = arith.cmpi slt, %add3A_226, %lt3A_227 : i32
          %and3A_229 = arith.andi %ge3A_224, %lt3A_228 : i1
          %convert_element_type3A_230 = arith.extui %and3A_229 : i1 to i32
          %cond3A_231 = arith.constant 0 : i32
          %cond3A_232 = arith.cmpi ne, %convert_element_type3A_230, %cond3A_231 : i32
          scf.if %cond3A_232 {
            %add3A_235 = arith.constant 3 : i32
            %add3A_236 = arith.addi %add3A_81, %add3A_235 : i32
            %add3A_237 = arith.constant 4 : i32
            %add3A_238 = arith.addi %add3A_236, %add3A_237 : i32
            %sub3A_239 = arith.constant 1 : i32
            %sub3A_240 = arith.subi %add3A_238, %sub3A_239 : i32
            %sub3A_241 = arith.constant 40 : i32
            %sub3A_242 = arith.subi %sub3A_240, %sub3A_241 : i32
            %dma_start3A_243 = arith.constant 0 : i32
            %dma_start3A_244 = tpu.memref_slice %arg6[%sub3A_242, %dma_start3A_243] : memref<40x50xi32, #tpu.memory_space<vmem>> -> memref<1x50xi32, #tpu.memory_space<vmem>>
            %dma_start3A_245 = tpu.memref_squeeze %dma_start3A_244 : memref<1x50xi32, #tpu.memory_space<vmem>> -> memref<50xi32, #tpu.memory_space<vmem>>
            %dma_start3A_246 = arith.constant 0 : i32
            %dma_start3A_247 = arith.constant 0 : i32
            %dma_start3A_248 = tpu.memref_slice %arg2[%dma_start3A_246, %dma_start3A_247] : memref<10000x128xf32, #tpu.memory_space<hbm>> -> memref<10000x128xf32, #tpu.memory_space<hbm>>
            tpu.enqueue_indirect_dma source(%dma_start3A_248 : memref<10000x128xf32, #tpu.memory_space<hbm>>) target(%arg12 : memref<50x128xf32, #tpu.memory_space<vmem>>) offsets(%dma_start3A_245 : memref<50xi32, #tpu.memory_space<vmem>>) semaphore(%arg17 : memref<!tpu.dma_semaphore, #tpu.memory_space<semaphore_mem>>)
          } else {
          }
          %add3A_233 = arith.constant 3 : i32
          %add3A_234 = arith.addi %add3A_81, %add3A_233 : i32
          "tpu.region"() ({
            %run_scoped3A_235 = tpu.sem_alloc : memref<!tpu.dma_semaphore, #tpu.memory_space<semaphore_mem>>
            %dma_start3A_236 = arith.constant 0 : i32
            %dma_start3A_237 = tpu.memref_slice %arg9[%add3A_234, %dma_start3A_236] : memref<40x50xi32, #tpu.memory_space<vmem>> -> memref<1x50xi32, #tpu.memory_space<vmem>>
            %dma_start3A_238 = tpu.memref_squeeze %dma_start3A_237 : memref<1x50xi32, #tpu.memory_space<vmem>> -> memref<50xi32, #tpu.memory_space<vmem>>
            %dma_start3A_239 = arith.constant 0 : i32
            %dma_start3A_240 = arith.constant 0 : i32
            %dma_start3A_241 = tpu.memref_slice %arg14[%dma_start3A_239, %dma_start3A_240] : memref<10112x128xf32, #tpu.memory_space<vmem_shared>> -> memref<10112x128xf32, #tpu.memory_space<vmem_shared>>
            tpu.enqueue_indirect_dma source(%arg13 : memref<50x128xf32, #tpu.memory_space<vmem>>) target(%dma_start3A_241 : memref<10112x128xf32, #tpu.memory_space<vmem_shared>>) offsets(%dma_start3A_238 : memref<50xi32, #tpu.memory_space<vmem>>) semaphore(%run_scoped3A_235 : memref<!tpu.dma_semaphore, #tpu.memory_space<semaphore_mem>>) {add = true}
            %dma_wait3A_242 = arith.constant 0 : i32
            %dma_wait3A_243 = tpu.memref_slice %arg9[%add3A_234, %dma_wait3A_242] : memref<40x50xi32, #tpu.memory_space<vmem>> -> memref<1x50xi32, #tpu.memory_space<vmem>>
            %dma_wait3A_244 = tpu.memref_squeeze %dma_wait3A_243 : memref<1x50xi32, #tpu.memory_space<vmem>> -> memref<50xi32, #tpu.memory_space<vmem>>
            %dma_wait3A_245 = arith.constant 0 : i32
            %dma_wait3A_246 = arith.constant 0 : i32
            %dma_wait3A_247 = tpu.memref_slice %arg14[%dma_wait3A_245, %dma_wait3A_246] : memref<10112x128xf32, #tpu.memory_space<vmem_shared>> -> memref<10112x128xf32, #tpu.memory_space<vmem_shared>>
            tpu.wait_indirect_dma semaphore(%run_scoped3A_235 : memref<!tpu.dma_semaphore, #tpu.memory_space<semaphore_mem>>) src(%arg13 : memref<50x128xf32, #tpu.memory_space<vmem>>) dst(%dma_wait3A_247 : memref<10112x128xf32, #tpu.memory_space<vmem_shared>>)
            tpu.yield
          }) : () -> ()
        }
        %scan3A_76 = arith.constant 10 : i32
      } else {
      }
    }
    %scan3A_36 = arith.constant 3 : i32
    %barrier3A_37 = arith.constant 0 : index
    tpu.barrier barrier_id(%barrier3A_37)
    %mul3A_38 = arith.constant 632 : i32
    %mul3A_39 = arith.muli %arg1, %mul3A_38 : i32
    %mul3A_40 = arith.constant 632 : i32
    %mul3A_41 = arith.muli %arg1, %mul3A_40 : i32
    "tpu.region"() ({
      %run_scoped3A_42 = tpu.sem_alloc : memref<!tpu.dma_semaphore, #tpu.memory_space<semaphore_mem>>
      %dma_start3A_43 = arith.constant 0 : i32
      %dma_start3A_44 = tpu.memref_slice %arg5[%arg0, %mul3A_41, %dma_start3A_43] : memref<2x10112x128xf32, #tpu.memory_space<hbm>> -> memref<1x632x128xf32, #tpu.memory_space<hbm>>
      %dma_start3A_45 = tpu.memref_squeeze %dma_start3A_44 : memref<1x632x128xf32, #tpu.memory_space<hbm>> -> memref<632x128xf32, #tpu.memory_space<hbm>>
      %dma_start3A_46 = arith.constant 0 : i32
      %dma_start3A_47 = tpu.memref_slice %arg14[%mul3A_39, %dma_start3A_46] : memref<10112x128xf32, #tpu.memory_space<vmem_shared>> -> memref<632x128xf32, #tpu.memory_space<vmem_shared>>
      tpu.enqueue_dma source(%dma_start3A_47 : memref<632x128xf32, #tpu.memory_space<vmem_shared>>) target(%dma_start3A_45 : memref<632x128xf32, #tpu.memory_space<hbm>>) target_semaphore(%run_scoped3A_42 : memref<!tpu.dma_semaphore, #tpu.memory_space<semaphore_mem>>)
      %dma_wait3A = arith.constant 0 : i32
      %dma_wait3A_48 = tpu.memref_slice %arg5[%arg0, %mul3A_41, %dma_wait3A] : memref<2x10112x128xf32, #tpu.memory_space<hbm>> -> memref<1x632x128xf32, #tpu.memory_space<hbm>>
      %dma_wait3A_49 = tpu.memref_squeeze %dma_wait3A_48 : memref<1x632x128xf32, #tpu.memory_space<hbm>> -> memref<632x128xf32, #tpu.memory_space<hbm>>
      %dma_wait3A_50 = arith.constant 0 : i32
      %dma_wait3A_51 = tpu.memref_slice %arg14[%mul3A_39, %dma_wait3A_50] : memref<10112x128xf32, #tpu.memory_space<vmem_shared>> -> memref<632x128xf32, #tpu.memory_space<vmem_shared>>
      tpu.wait_dma2 semaphore(%run_scoped3A_42 : memref<!tpu.dma_semaphore, #tpu.memory_space<semaphore_mem>>) src(%dma_wait3A_51 : memref<632x128xf32, #tpu.memory_space<vmem_shared>>) dst(%dma_wait3A_49 : memref<632x128xf32, #tpu.memory_space<hbm>>)
      tpu.yield
    }) : () -> ()
    return
  }
}

#map = affine_map<(d0, d1) -> (0, 0)>
#map1 = affine_map<(d0, d1) -> (0, 0, 0, 0, 0)>
#map2 = affine_map<(d0, d1) -> (0, 0, 0)>
module attributes {stable_mosaic.version = 14 : i64} {
  func.func @_agg_kernel(%arg0: i32, %arg1: i32, %arg2: memref<10000x128xf32, #tpu.memory_space<hbm>>, %arg3: memref<2x16x5x40x50xi32, #tpu.memory_space<hbm>>, %arg4: memref<2x16x5x40x50xi32, #tpu.memory_space<hbm>>, %arg5: memref<2x10112x128xf32, #tpu.memory_space<hbm>>, %arg6: memref<40x50xi32, #tpu.memory_space<vmem>>, %arg7: memref<40x50xi32, #tpu.memory_space<vmem>>, %arg8: memref<40x50xi32, #tpu.memory_space<vmem>>, %arg9: memref<40x50xi32, #tpu.memory_space<vmem>>, %arg10: memref<50x128xf32, #tpu.memory_space<vmem>>, %arg11: memref<50x128xf32, #tpu.memory_space<vmem>>, %arg12: memref<50x128xf32, #tpu.memory_space<vmem>>, %arg13: memref<50x128xf32, #tpu.memory_space<vmem>>, %arg14: memref<10112x128xf32, #tpu.memory_space<vmem_shared>>, %arg15: memref<!tpu.dma_semaphore, #tpu.memory_space<semaphore_mem>>, %arg16: memref<!tpu.dma_semaphore, #tpu.memory_space<semaphore_mem>>, %arg17: memref<!tpu.dma_semaphore, #tpu.memory_space<semaphore_mem>>, %arg18: memref<!tpu.dma_semaphore, #tpu.memory_space<semaphore_mem>>, %arg19: memref<!tpu.dma_semaphore, #tpu.memory_space<semaphore_mem>>) attributes {dimension_semantics = [#tpu.dimension_semantics<core_parallel>, #tpu.dimension_semantics<subcore_parallel>], iteration_bounds = array<i64: 2, 16>, scalar_prefetch = 0 : i64, scratch_operands = 14 : i64, tpu.core_type = #tpu.core_type<sc_vector_subcore>, window_params = [{transform_indices = #map}, {transform_indices = #map1}, {transform_indices = #map1}, {transform_indices = #map2}]} {
    %run_scoped3A = arith.constant 0 : i32
    "tpu.region"() ({
      %run_scoped3A_42 = tpu.sem_alloc : memref<!tpu.dma_semaphore, #tpu.memory_space<semaphore_mem>>
      %dma_start3A_43 = arith.constant 0 : i32
      %dma_start3A_44 = arith.constant 0 : i32
      %dma_start3A_45 = tpu.memref_slice %arg3[%arg0, %arg1, %run_scoped3A, %dma_start3A_43, %dma_start3A_44] : memref<2x16x5x40x50xi32, #tpu.memory_space<hbm>> -> memref<1x1x1x40x50xi32, #tpu.memory_space<hbm>>
      %dma_start3A_46 = tpu.memref_squeeze %dma_start3A_45 : memref<1x1x1x40x50xi32, #tpu.memory_space<hbm>> -> memref<40x50xi32, #tpu.memory_space<hbm>>
      %dma_start3A_47 = arith.constant 0 : i32
      %dma_start3A_48 = arith.constant 0 : i32
      %dma_start3A_49 = tpu.memref_slice %arg3[%arg0, %arg1, %run_scoped3A, %dma_start3A_47, %dma_start3A_48] : memref<2x16x5x40x50xi32, #tpu.memory_space<hbm>> -> memref<1x1x1x40x50xi32, #tpu.memory_space<hbm>>
      %dma_start3A_50 = tpu.memref_squeeze %dma_start3A_49 : memref<1x1x1x40x50xi32, #tpu.memory_space<hbm>> -> memref<40x50xi32, #tpu.memory_space<hbm>>
      tpu.enqueue_dma source(%dma_start3A_50 : memref<40x50xi32, #tpu.memory_space<hbm>>) target(%arg6 : memref<40x50xi32, #tpu.memory_space<vmem>>) target_semaphore(%run_scoped3A_42 : memref<!tpu.dma_semaphore, #tpu.memory_space<semaphore_mem>>)
      %dma_wait3A = arith.constant 0 : i32
      %dma_wait3A_51 = arith.constant 0 : i32
      %dma_wait3A_52 = tpu.memref_slice %arg3[%arg0, %arg1, %run_scoped3A, %dma_wait3A, %dma_wait3A_51] : memref<2x16x5x40x50xi32, #tpu.memory_space<hbm>> -> memref<1x1x1x40x50xi32, #tpu.memory_space<hbm>>
      %dma_wait3A_53 = tpu.memref_squeeze %dma_wait3A_52 : memref<1x1x1x40x50xi32, #tpu.memory_space<hbm>> -> memref<40x50xi32, #tpu.memory_space<hbm>>
      %dma_wait3A_54 = arith.constant 0 : i32
      %dma_wait3A_55 = arith.constant 0 : i32
      %dma_wait3A_56 = tpu.memref_slice %arg3[%arg0, %arg1, %run_scoped3A, %dma_wait3A_54, %dma_wait3A_55] : memref<2x16x5x40x50xi32, #tpu.memory_space<hbm>> -> memref<1x1x1x40x50xi32, #tpu.memory_space<hbm>>
      %dma_wait3A_57 = tpu.memref_squeeze %dma_wait3A_56 : memref<1x1x1x40x50xi32, #tpu.memory_space<hbm>> -> memref<40x50xi32, #tpu.memory_space<hbm>>
      tpu.wait_dma2 semaphore(%run_scoped3A_42 : memref<!tpu.dma_semaphore, #tpu.memory_space<semaphore_mem>>) src(%dma_wait3A_57 : memref<40x50xi32, #tpu.memory_space<hbm>>) dst(%arg6 : memref<40x50xi32, #tpu.memory_space<vmem>>)
      tpu.yield
    }) : () -> ()
    %run_scoped3A_0 = arith.constant 0 : i32
    "tpu.region"() ({
      %run_scoped3A_42 = tpu.sem_alloc : memref<!tpu.dma_semaphore, #tpu.memory_space<semaphore_mem>>
      %dma_start3A_43 = arith.constant 0 : i32
      %dma_start3A_44 = arith.constant 0 : i32
      %dma_start3A_45 = tpu.memref_slice %arg4[%arg0, %arg1, %run_scoped3A_0, %dma_start3A_43, %dma_start3A_44] : memref<2x16x5x40x50xi32, #tpu.memory_space<hbm>> -> memref<1x1x1x40x50xi32, #tpu.memory_space<hbm>>
      %dma_start3A_46 = tpu.memref_squeeze %dma_start3A_45 : memref<1x1x1x40x50xi32, #tpu.memory_space<hbm>> -> memref<40x50xi32, #tpu.memory_space<hbm>>
      %dma_start3A_47 = arith.constant 0 : i32
      %dma_start3A_48 = arith.constant 0 : i32
      %dma_start3A_49 = tpu.memref_slice %arg4[%arg0, %arg1, %run_scoped3A_0, %dma_start3A_47, %dma_start3A_48] : memref<2x16x5x40x50xi32, #tpu.memory_space<hbm>> -> memref<1x1x1x40x50xi32, #tpu.memory_space<hbm>>
      %dma_start3A_50 = tpu.memref_squeeze %dma_start3A_49 : memref<1x1x1x40x50xi32, #tpu.memory_space<hbm>> -> memref<40x50xi32, #tpu.memory_space<hbm>>
      tpu.enqueue_dma source(%dma_start3A_50 : memref<40x50xi32, #tpu.memory_space<hbm>>) target(%arg7 : memref<40x50xi32, #tpu.memory_space<vmem>>) target_semaphore(%run_scoped3A_42 : memref<!tpu.dma_semaphore, #tpu.memory_space<semaphore_mem>>)
      %dma_wait3A = arith.constant 0 : i32
      %dma_wait3A_51 = arith.constant 0 : i32
      %dma_wait3A_52 = tpu.memref_slice %arg4[%arg0, %arg1, %run_scoped3A_0, %dma_wait3A, %dma_wait3A_51] : memref<2x16x5x40x50xi32, #tpu.memory_space<hbm>> -> memref<1x1x1x40x50xi32, #tpu.memory_space<hbm>>
      %dma_wait3A_53 = tpu.memref_squeeze %dma_wait3A_52 : memref<1x1x1x40x50xi32, #tpu.memory_space<hbm>> -> memref<40x50xi32, #tpu.memory_space<hbm>>
      %dma_wait3A_54 = arith.constant 0 : i32
      %dma_wait3A_55 = arith.constant 0 : i32
      %dma_wait3A_56 = tpu.memref_slice %arg4[%arg0, %arg1, %run_scoped3A_0, %dma_wait3A_54, %dma_wait3A_55] : memref<2x16x5x40x50xi32, #tpu.memory_space<hbm>> -> memref<1x1x1x40x50xi32, #tpu.memory_space<hbm>>
      %dma_wait3A_57 = tpu.memref_squeeze %dma_wait3A_56 : memref<1x1x1x40x50xi32, #tpu.memory_space<hbm>> -> memref<40x50xi32, #tpu.memory_space<hbm>>
      tpu.wait_dma2 semaphore(%run_scoped3A_42 : memref<!tpu.dma_semaphore, #tpu.memory_space<semaphore_mem>>) src(%dma_wait3A_57 : memref<40x50xi32, #tpu.memory_space<hbm>>) dst(%arg7 : memref<40x50xi32, #tpu.memory_space<vmem>>)
      tpu.yield
    }) : () -> ()
    %dma_start3A = arith.constant 0 : i32
    %dma_start3A_1 = arith.constant 0 : i32
    %dma_start3A_2 = tpu.memref_slice %arg6[%dma_start3A, %dma_start3A_1] : memref<40x50xi32, #tpu.memory_space<vmem>> -> memref<1x50xi32, #tpu.memory_space<vmem>>
    %dma_start3A_3 = tpu.memref_squeeze %dma_start3A_2 : memref<1x50xi32, #tpu.memory_space<vmem>> -> memref<50xi32, #tpu.memory_space<vmem>>
    %dma_start3A_4 = arith.constant 0 : i32
    %dma_start3A_5 = arith.constant 0 : i32
    %dma_start3A_6 = tpu.memref_slice %arg2[%dma_start3A_4, %dma_start3A_5] : memref<10000x128xf32, #tpu.memory_space<hbm>> -> memref<10000x128xf32, #tpu.memory_space<hbm>>
    tpu.enqueue_indirect_dma source(%dma_start3A_6 : memref<10000x128xf32, #tpu.memory_space<hbm>>) target(%arg10 : memref<50x128xf32, #tpu.memory_space<vmem>>) offsets(%dma_start3A_3 : memref<50xi32, #tpu.memory_space<vmem>>) semaphore(%arg15 : memref<!tpu.dma_semaphore, #tpu.memory_space<semaphore_mem>>)
    %dma_start3A_7 = arith.constant 1 : i32
    %dma_start3A_8 = arith.constant 0 : i32
    %dma_start3A_9 = tpu.memref_slice %arg6[%dma_start3A_7, %dma_start3A_8] : memref<40x50xi32, #tpu.memory_space<vmem>> -> memref<1x50xi32, #tpu.memory_space<vmem>>
    %dma_start3A_10 = tpu.memref_squeeze %dma_start3A_9 : memref<1x50xi32, #tpu.memory_space<vmem>> -> memref<50xi32, #tpu.memory_space<vmem>>
    %dma_start3A_11 = arith.constant 0 : i32
    %dma_start3A_12 = arith.constant 0 : i32
    %dma_start3A_13 = tpu.memref_slice %arg2[%dma_start3A_11, %dma_start3A_12] : memref<10000x128xf32, #tpu.memory_space<hbm>> -> memref<10000x128xf32, #tpu.memory_space<hbm>>
    tpu.enqueue_indirect_dma source(%dma_start3A_13 : memref<10000x128xf32, #tpu.memory_space<hbm>>) target(%arg11 : memref<50x128xf32, #tpu.memory_space<vmem>>) offsets(%dma_start3A_10 : memref<50xi32, #tpu.memory_space<vmem>>) semaphore(%arg16 : memref<!tpu.dma_semaphore, #tpu.memory_space<semaphore_mem>>)
    %dma_start3A_14 = arith.constant 2 : i32
    %dma_start3A_15 = arith.constant 0 : i32
    %dma_start3A_16 = tpu.memref_slice %arg6[%dma_start3A_14, %dma_start3A_15] : memref<40x50xi32, #tpu.memory_space<vmem>> -> memref<1x50xi32, #tpu.memory_space<vmem>>
    %dma_start3A_17 = tpu.memref_squeeze %dma_start3A_16 : memref<1x50xi32, #tpu.memory_space<vmem>> -> memref<50xi32, #tpu.memory_space<vmem>>
    %dma_start3A_18 = arith.constant 0 : i32
    %dma_start3A_19 = arith.constant 0 : i32
    %dma_start3A_20 = tpu.memref_slice %arg2[%dma_start3A_18, %dma_start3A_19] : memref<10000x128xf32, #tpu.memory_space<hbm>> -> memref<10000x128xf32, #tpu.memory_space<hbm>>
    tpu.enqueue_indirect_dma source(%dma_start3A_20 : memref<10000x128xf32, #tpu.memory_space<hbm>>) target(%arg12 : memref<50x128xf32, #tpu.memory_space<vmem>>) offsets(%dma_start3A_17 : memref<50xi32, #tpu.memory_space<vmem>>) semaphore(%arg17 : memref<!tpu.dma_semaphore, #tpu.memory_space<semaphore_mem>>)
    %scan3A = arith.constant 0 : i32
    %scan3A_21 = arith.constant 50 : i32
    %scan3A_22 = arith.addi %scan3A, %scan3A_21 : i32
    %scan3A_23 = arith.constant 1 : i32
    scf.for %scan3A_42 = %scan3A to %scan3A_22 step %scan3A_23  : i32 {
      %mul3A_43 = arith.constant 1 : i32
      %mul3A_44 = arith.muli %scan3A_42, %mul3A_43 : i32
      %add3A_45 = arith.constant 0 : i32
      %add3A_46 = arith.addi %add3A_45, %mul3A_44 : i32
      %scan3A_47 = arith.constant 0 : i32
      %scan3A_48 = arith.constant 8 : i32
      %scan3A_49 = arith.addi %scan3A_47, %scan3A_48 : i32
      %scan3A_50 = arith.constant 1 : i32
      scf.for %scan3A_52 = %scan3A_47 to %scan3A_49 step %scan3A_50  : i32 {
        %mul3A_53 = arith.constant 1 : i32
        %mul3A_54 = arith.muli %scan3A_52, %mul3A_53 : i32
        %add3A_55 = arith.constant 0 : i32
        %add3A_56 = arith.addi %add3A_55, %mul3A_54 : i32
        %broadcast_in_dim3A = arith.constant 0.000000e+00 : f32
        %broadcast_in_dim3A_57 = vector.broadcast %broadcast_in_dim3A : f32 to vector<16xf32>
        %mul3A_58 = arith.constant 16 : i32
        %mul3A_59 = arith.muli %add3A_56, %mul3A_58 : i32
        %swap3A = arith.index_cast %add3A_46 : i32 to index
        %swap3A_60 = arith.index_cast %mul3A_59 : i32 to index
        %swap3A_61 = tpu.vector_load %arg13[%swap3A, %swap3A_60] {strides = array<i32>} : memref<50x128xf32, #tpu.memory_space<vmem>>, vector<1x16xf32>,
        %swap3A_62 = vector.shape_cast %swap3A_61 : vector<1x16xf32> to vector<16xf32>
        %swap3A_63 = vector.shape_cast %broadcast_in_dim3A_57 : vector<16xf32> to vector<1x16xf32>
        tpu.vector_store %arg13[%swap3A, %swap3A_60], %swap3A_63 {strides = array<i32>} : memref<50x128xf32, #tpu.memory_space<vmem>>, vector<1x16xf32>,
      }
      %scan3A_51 = arith.constant 8 : i32
    }
    %scan3A_24 = arith.constant 50 : i32
    %scan3A_25 = arith.constant 0 : i32
    %scan3A_26 = arith.constant 12 : i32
    %scan3A_27 = arith.addi %scan3A_25, %scan3A_26 : i32
    %scan3A_28 = arith.constant 1 : i32
    scf.for %scan3A_42 = %scan3A_25 to %scan3A_27 step %scan3A_28  : i32 {
      %mul3A_43 = arith.constant 1 : i32
      %mul3A_44 = arith.muli %scan3A_42, %mul3A_43 : i32
      %add3A_45 = arith.constant 0 : i32
      %add3A_46 = arith.addi %add3A_45, %mul3A_44 : i32
      %mul3A_47 = arith.constant 632 : i32
      %mul3A_48 = arith.muli %arg1, %mul3A_47 : i32
      %mul3A_49 = arith.constant 50 : i32
      %mul3A_50 = arith.muli %add3A_46, %mul3A_49 : i32
      %add3A_51 = arith.addi %mul3A_48, %mul3A_50 : i32
      "tpu.region"() ({
        %run_scoped3A_52 = tpu.sem_alloc : memref<!tpu.dma_semaphore, #tpu.memory_space<semaphore_mem>>
        %dma_start3A_53 = arith.constant 0 : i32
        %dma_start3A_54 = tpu.memref_slice %arg14[%add3A_51, %dma_start3A_53] : memref<10112x128xf32, #tpu.memory_space<vmem_shared>> -> memref<50x128xf32, #tpu.memory_space<vmem_shared>>
        %dma_start3A_55 = arith.constant 0 : i32
        %dma_start3A_56 = tpu.memref_slice %arg14[%add3A_51, %dma_start3A_55] : memref<10112x128xf32, #tpu.memory_space<vmem_shared>> -> memref<50x128xf32, #tpu.memory_space<vmem_shared>>
        tpu.enqueue_dma source(%arg13 : memref<50x128xf32, #tpu.memory_space<vmem>>) target(%dma_start3A_56 : memref<50x128xf32, #tpu.memory_space<vmem_shared>>) target_semaphore(%run_scoped3A_52 : memref<!tpu.dma_semaphore, #tpu.memory_space<semaphore_mem>>)
        %dma_wait3A = arith.constant 0 : i32
        %dma_wait3A_57 = tpu.memref_slice %arg14[%add3A_51, %dma_wait3A] : memref<10112x128xf32, #tpu.memory_space<vmem_shared>> -> memref<50x128xf32, #tpu.memory_space<vmem_shared>>
        %dma_wait3A_58 = arith.constant 0 : i32
        %dma_wait3A_59 = tpu.memref_slice %arg14[%add3A_51, %dma_wait3A_58] : memref<10112x128xf32, #tpu.memory_space<vmem_shared>> -> memref<50x128xf32, #tpu.memory_space<vmem_shared>>
        tpu.wait_dma2 semaphore(%run_scoped3A_52 : memref<!tpu.dma_semaphore, #tpu.memory_space<semaphore_mem>>) src(%arg13 : memref<50x128xf32, #tpu.memory_space<vmem>>) dst(%dma_wait3A_59 : memref<50x128xf32, #tpu.memory_space<vmem_shared>>)
        tpu.yield
      }) : () -> ()
    }
    %scan3A_29 = arith.constant 12 : i32
    %mul3A = arith.constant 632 : i32
    %mul3A_30 = arith.muli %arg1, %mul3A : i32
    %add3A = arith.constant 600 : i32
    %add3A_31 = arith.addi %mul3A_30, %add3A : i32
    "tpu.region"() ({
      %run_scoped3A_42 = tpu.sem_alloc : memref<!tpu.dma_semaphore, #tpu.memory_space<semaphore_mem>>
      %dma_start3A_43 = arith.constant 0 : i32
      %dma_start3A_44 = arith.constant 0 : i32
      %dma_start3A_45 = tpu.memref_slice %arg13[%dma_start3A_43, %dma_start3A_44] : memref<50x128xf32, #tpu.memory_space<vmem>> -> memref<32x128xf32, #tpu.memory_space<vmem>>
      %dma_start3A_46 = arith.constant 0 : i32
      %dma_start3A_47 = tpu.memref_slice %arg14[%add3A_31, %dma_start3A_46] : memref<10112x128xf32, #tpu.memory_space<vmem_shared>> -> memref<32x128xf32, #tpu.memory_space<vmem_shared>>
      %dma_start3A_48 = arith.constant 0 : i32
      %dma_start3A_49 = tpu.memref_slice %arg14[%add3A_31, %dma_start3A_48] : memref<10112x128xf32, #tpu.memory_space<vmem_shared>> -> memref<32x128xf32, #tpu.memory_space<vmem_shared>>
      %dma_start3A_50 = arith.constant 0 : i32
      %dma_start3A_51 = arith.constant 0 : i32
      %dma_start3A_52 = tpu.memref_slice %arg13[%dma_start3A_50, %dma_start3A_51] : memref<50x128xf32, #tpu.memory_space<vmem>> -> memref<32x128xf32, #tpu.memory_space<vmem>>
      tpu.enqueue_dma source(%dma_start3A_52 : memref<32x128xf32, #tpu.memory_space<vmem>>) target(%dma_start3A_49 : memref<32x128xf32, #tpu.memory_space<vmem_shared>>) target_semaphore(%run_scoped3A_42 : memref<!tpu.dma_semaphore, #tpu.memory_space<semaphore_mem>>)
      %dma_wait3A = arith.constant 0 : i32
      %dma_wait3A_53 = arith.constant 0 : i32
      %dma_wait3A_54 = tpu.memref_slice %arg13[%dma_wait3A, %dma_wait3A_53] : memref<50x128xf32, #tpu.memory_space<vmem>> -> memref<32x128xf32, #tpu.memory_space<vmem>>
      %dma_wait3A_55 = arith.constant 0 : i32
      %dma_wait3A_56 = tpu.memref_slice %arg14[%add3A_31, %dma_wait3A_55] : memref<10112x128xf32, #tpu.memory_space<vmem_shared>> -> memref<32x128xf32, #tpu.memory_space<vmem_shared>>
      %dma_wait3A_57 = arith.constant 0 : i32
      %dma_wait3A_58 = tpu.memref_slice %arg14[%add3A_31, %dma_wait3A_57] : memref<10112x128xf32, #tpu.memory_space<vmem_shared>> -> memref<32x128xf32, #tpu.memory_space<vmem_shared>>
      %dma_wait3A_59 = arith.constant 0 : i32
      %dma_wait3A_60 = arith.constant 0 : i32
      %dma_wait3A_61 = tpu.memref_slice %arg13[%dma_wait3A_59, %dma_wait3A_60] : memref<50x128xf32, #tpu.memory_space<vmem>> -> memref<32x128xf32, #tpu.memory_space<vmem>>
      tpu.wait_dma2 semaphore(%run_scoped3A_42 : memref<!tpu.dma_semaphore, #tpu.memory_space<semaphore_mem>>) src(%dma_wait3A_61 : memref<32x128xf32, #tpu.memory_space<vmem>>) dst(%dma_wait3A_58 : memref<32x128xf32, #tpu.memory_space<vmem_shared>>)
      tpu.yield
    }) : () -> ()
    %barrier3A = arith.constant 0 : index
    tpu.barrier barrier_id(%barrier3A)
    %scan3A_32 = arith.constant 0 : i32
    %scan3A_33 = arith.constant 3 : i32
    %scan3A_34 = arith.addi %scan3A_32, %scan3A_33 : i32
    %scan3A_35 = arith.constant 1 : i32
    scf.for %scan3A_42 = %scan3A_32 to %scan3A_34 step %scan3A_35  : i32 {
      %mul3A_43 = arith.constant 2 : i32
      %mul3A_44 = arith.muli %scan3A_42, %mul3A_43 : i32
      %add3A_45 = arith.constant 0 : i32
      %add3A_46 = arith.addi %add3A_45, %mul3A_44 : i32
      %add3A_47 = arith.constant 1 : i32
      %add3A_48 = arith.addi %add3A_46, %add3A_47 : i32
      %lt3A = arith.constant 5 : i32
      %lt3A_49 = arith.cmpi slt, %add3A_48, %lt3A : i32
      %convert_element_type3A = arith.extui %lt3A_49 : i1 to i32
      %cond3A = arith.constant 0 : i32
      %cond3A_50 = arith.cmpi ne, %convert_element_type3A, %cond3A : i32
      scf.if %cond3A_50 {
        %add3A_63 = arith.constant 1 : i32
        %add3A_64 = arith.addi %add3A_46, %add3A_63 : i32
        %dma_start3A_65 = arith.constant 0 : i32
        %dma_start3A_66 = arith.constant 0 : i32
        %dma_start3A_67 = tpu.memref_slice %arg3[%arg0, %arg1, %add3A_64, %dma_start3A_65, %dma_start3A_66] : memref<2x16x5x40x50xi32, #tpu.memory_space<hbm>> -> memref<1x1x1x40x50xi32, #tpu.memory_space<hbm>>
        %dma_start3A_68 = tpu.memref_squeeze %dma_start3A_67 : memref<1x1x1x40x50xi32, #tpu.memory_space<hbm>> -> memref<40x50xi32, #tpu.memory_space<hbm>>
        %dma_start3A_69 = arith.constant 0 : i32
        %dma_start3A_70 = arith.constant 0 : i32
        %dma_start3A_71 = tpu.memref_slice %arg3[%arg0, %arg1, %add3A_64, %dma_start3A_69, %dma_start3A_70] : memref<2x16x5x40x50xi32, #tpu.memory_space<hbm>> -> memref<1x1x1x40x50xi32, #tpu.memory_space<hbm>>
        %dma_start3A_72 = tpu.memref_squeeze %dma_start3A_71 : memref<1x1x1x40x50xi32, #tpu.memory_space<hbm>> -> memref<40x50xi32, #tpu.memory_space<hbm>>
        tpu.enqueue_dma source(%dma_start3A_72 : memref<40x50xi32, #tpu.memory_space<hbm>>) target(%arg8 : memref<40x50xi32, #tpu.memory_space<vmem>>) target_semaphore(%arg19 : memref<!tpu.dma_semaphore, #tpu.memory_space<semaphore_mem>>)
        %add3A_73 = arith.constant 1 : i32
        %add3A_74 = arith.addi %add3A_46, %add3A_73 : i32
        %dma_start3A_75 = arith.constant 0 : i32
        %dma_start3A_76 = arith.constant 0 : i32
        %dma_start3A_77 = tpu.memref_slice %arg4[%arg0, %arg1, %add3A_74, %dma_start3A_75, %dma_start3A_76] : memref<2x16x5x40x50xi32, #tpu.memory_space<hbm>> -> memref<1x1x1x40x50xi32, #tpu.memory_space<hbm>>
        %dma_start3A_78 = tpu.memref_squeeze %dma_start3A_77 : memref<1x1x1x40x50xi32, #tpu.memory_space<hbm>> -> memref<40x50xi32, #tpu.memory_space<hbm>>
        %dma_start3A_79 = arith.constant 0 : i32
        %dma_start3A_80 = arith.constant 0 : i32
        %dma_start3A_81 = tpu.memref_slice %arg4[%arg0, %arg1, %add3A_74, %dma_start3A_79, %dma_start3A_80] : memref<2x16x5x40x50xi32, #tpu.memory_space<hbm>> -> memref<1x1x1x40x50xi32, #tpu.memory_space<hbm>>
        %dma_start3A_82 = tpu.memref_squeeze %dma_start3A_81 : memref<1x1x1x40x50xi32, #tpu.memory_space<hbm>> -> memref<40x50xi32, #tpu.memory_space<hbm>>
        tpu.enqueue_dma source(%dma_start3A_82 : memref<40x50xi32, #tpu.memory_space<hbm>>) target(%arg9 : memref<40x50xi32, #tpu.memory_space<vmem>>) target_semaphore(%arg19 : memref<!tpu.dma_semaphore, #tpu.memory_space<semaphore_mem>>)
      } else {
      }
      %scan3A_51 = arith.constant 0 : i32
      %scan3A_52 = arith.constant 10 : i32
      %scan3A_53 = arith.addi %scan3A_51, %scan3A_52 : i32
      %scan3A_54 = arith.constant 1 : i32
      scf.for %scan3A_63 = %scan3A_51 to %scan3A_53 step %scan3A_54  : i32 {
        %mul3A_64 = arith.constant 4 : i32
        %mul3A_65 = arith.muli %scan3A_63, %mul3A_64 : i32
        %add3A_66 = arith.constant 0 : i32
        %add3A_67 = arith.addi %add3A_66, %mul3A_65 : i32
        %eq3A = arith.constant 36 : i32
        %eq3A_68 = arith.cmpi eq, %add3A_67, %eq3A : i32
        %add3A_69 = arith.constant 1 : i32
        %add3A_70 = arith.addi %add3A_46, %add3A_69 : i32
        %lt3A_71 = arith.constant 5 : i32
        %lt3A_72 = arith.cmpi slt, %add3A_70, %lt3A_71 : i32
        %and3A = arith.andi %eq3A_68, %lt3A_72 : i1
        %convert_element_type3A_73 = arith.extui %and3A : i1 to i32
        %cond3A_74 = arith.constant 0 : i32
        %cond3A_75 = arith.cmpi ne, %convert_element_type3A_73, %cond3A_74 : i32
        scf.if %cond3A_75 {
          %add3A_221 = arith.constant 1 : i32
          %add3A_222 = arith.addi %add3A_46, %add3A_221 : i32
          %dma_wait3A_223 = arith.constant 0 : i32
          %dma_wait3A_224 = arith.constant 0 : i32
          %dma_wait3A_225 = tpu.memref_slice %arg3[%arg0, %arg1, %add3A_222, %dma_wait3A_223, %dma_wait3A_224] : memref<2x16x5x40x50xi32, #tpu.memory_space<hbm>> -> memref<1x1x1x40x50xi32, #tpu.memory_space<hbm>>
          %dma_wait3A_226 = tpu.memref_squeeze %dma_wait3A_225 : memref<1x1x1x40x50xi32, #tpu.memory_space<hbm>> -> memref<40x50xi32, #tpu.memory_space<hbm>>
          %dma_wait3A_227 = arith.constant 0 : i32
          %dma_wait3A_228 = arith.constant 0 : i32
          %dma_wait3A_229 = tpu.memref_slice %arg3[%arg0, %arg1, %add3A_222, %dma_wait3A_227, %dma_wait3A_228] : memref<2x16x5x40x50xi32, #tpu.memory_space<hbm>> -> memref<1x1x1x40x50xi32, #tpu.memory_space<hbm>>
          %dma_wait3A_230 = tpu.memref_squeeze %dma_wait3A_229 : memref<1x1x1x40x50xi32, #tpu.memory_space<hbm>> -> memref<40x50xi32, #tpu.memory_space<hbm>>
          tpu.wait_dma2 semaphore(%arg19 : memref<!tpu.dma_semaphore, #tpu.memory_space<semaphore_mem>>) src(%dma_wait3A_230 : memref<40x50xi32, #tpu.memory_space<hbm>>) dst(%arg8 : memref<40x50xi32, #tpu.memory_space<vmem>>)
          %add3A_231 = arith.constant 1 : i32
          %add3A_232 = arith.addi %add3A_46, %add3A_231 : i32
          %dma_wait3A_233 = arith.constant 0 : i32
          %dma_wait3A_234 = arith.constant 0 : i32
          %dma_wait3A_235 = tpu.memref_slice %arg4[%arg0, %arg1, %add3A_232, %dma_wait3A_233, %dma_wait3A_234] : memref<2x16x5x40x50xi32, #tpu.memory_space<hbm>> -> memref<1x1x1x40x50xi32, #tpu.memory_space<hbm>>
          %dma_wait3A_236 = tpu.memref_squeeze %dma_wait3A_235 : memref<1x1x1x40x50xi32, #tpu.memory_space<hbm>> -> memref<40x50xi32, #tpu.memory_space<hbm>>
          %dma_wait3A_237 = arith.constant 0 : i32
          %dma_wait3A_238 = arith.constant 0 : i32
          %dma_wait3A_239 = tpu.memref_slice %arg4[%arg0, %arg1, %add3A_232, %dma_wait3A_237, %dma_wait3A_238] : memref<2x16x5x40x50xi32, #tpu.memory_space<hbm>> -> memref<1x1x1x40x50xi32, #tpu.memory_space<hbm>>
          %dma_wait3A_240 = tpu.memref_squeeze %dma_wait3A_239 : memref<1x1x1x40x50xi32, #tpu.memory_space<hbm>> -> memref<40x50xi32, #tpu.memory_space<hbm>>
          tpu.wait_dma2 semaphore(%arg19 : memref<!tpu.dma_semaphore, #tpu.memory_space<semaphore_mem>>) src(%dma_wait3A_240 : memref<40x50xi32, #tpu.memory_space<hbm>>) dst(%arg9 : memref<40x50xi32, #tpu.memory_space<vmem>>)
        } else {
        }
        %add3A_76 = arith.constant 0 : i32
        %add3A_77 = arith.addi %add3A_67, %add3A_76 : i32
        %dma_wait3A = arith.constant 0 : i32
        %dma_wait3A_78 = tpu.memref_slice %arg6[%add3A_77, %dma_wait3A] : memref<40x50xi32, #tpu.memory_space<vmem>> -> memref<1x50xi32, #tpu.memory_space<vmem>>
        %dma_wait3A_79 = tpu.memref_squeeze %dma_wait3A_78 : memref<1x50xi32, #tpu.memory_space<vmem>> -> memref<50xi32, #tpu.memory_space<vmem>>
        %dma_wait3A_80 = arith.constant 0 : i32
        %dma_wait3A_81 = arith.constant 0 : i32
        %dma_wait3A_82 = tpu.memref_slice %arg2[%dma_wait3A_80, %dma_wait3A_81] : memref<10000x128xf32, #tpu.memory_space<hbm>> -> memref<10000x128xf32, #tpu.memory_space<hbm>>
        tpu.wait_indirect_dma semaphore(%arg15 : memref<!tpu.dma_semaphore, #tpu.memory_space<semaphore_mem>>) src(%dma_wait3A_82 : memref<10000x128xf32, #tpu.memory_space<hbm>>) dst(%arg10 : memref<50x128xf32, #tpu.memory_space<vmem>>)
        %add3A_83 = arith.constant 0 : i32
        %add3A_84 = arith.addi %add3A_67, %add3A_83 : i32
        %add3A_85 = arith.constant 4 : i32
        %add3A_86 = arith.addi %add3A_84, %add3A_85 : i32
        %sub3A = arith.constant 1 : i32
        %sub3A_87 = arith.subi %add3A_86, %sub3A : i32
        %lt3A_88 = arith.constant 40 : i32
        %lt3A_89 = arith.cmpi slt, %sub3A_87, %lt3A_88 : i32
        %convert_element_type3A_90 = arith.extui %lt3A_89 : i1 to i32
        %cond3A_91 = arith.constant 0 : i32
        %cond3A_92 = arith.cmpi ne, %convert_element_type3A_90, %cond3A_91 : i32
        scf.if %cond3A_92 {
          %add3A_221 = arith.constant 0 : i32
          %add3A_222 = arith.addi %add3A_67, %add3A_221 : i32
          %add3A_223 = arith.constant 4 : i32
          %add3A_224 = arith.addi %add3A_222, %add3A_223 : i32
          %sub3A_225 = arith.constant 1 : i32
          %sub3A_226 = arith.subi %add3A_224, %sub3A_225 : i32
          %dma_start3A_227 = arith.constant 0 : i32
          %dma_start3A_228 = tpu.memref_slice %arg6[%sub3A_226, %dma_start3A_227] : memref<40x50xi32, #tpu.memory_space<vmem>> -> memref<1x50xi32, #tpu.memory_space<vmem>>
          %dma_start3A_229 = tpu.memref_squeeze %dma_start3A_228 : memref<1x50xi32, #tpu.memory_space<vmem>> -> memref<50xi32, #tpu.memory_space<vmem>>
          %dma_start3A_230 = arith.constant 0 : i32
          %dma_start3A_231 = arith.constant 0 : i32
          %dma_start3A_232 = tpu.memref_slice %arg2[%dma_start3A_230, %dma_start3A_231] : memref<10000x128xf32, #tpu.memory_space<hbm>> -> memref<10000x128xf32, #tpu.memory_space<hbm>>
          tpu.enqueue_indirect_dma source(%dma_start3A_232 : memref<10000x128xf32, #tpu.memory_space<hbm>>) target(%arg13 : memref<50x128xf32, #tpu.memory_space<vmem>>) offsets(%dma_start3A_229 : memref<50xi32, #tpu.memory_space<vmem>>) semaphore(%arg18 : memref<!tpu.dma_semaphore, #tpu.memory_space<semaphore_mem>>)
        } else {
        }
        %add3A_93 = arith.constant 0 : i32
        %add3A_94 = arith.addi %add3A_67, %add3A_93 : i32
        %add3A_95 = arith.constant 4 : i32
        %add3A_96 = arith.addi %add3A_94, %add3A_95 : i32
        %sub3A_97 = arith.constant 1 : i32
        %sub3A_98 = arith.subi %add3A_96, %sub3A_97 : i32
        %ge3A = arith.constant 40 : i32
        %ge3A_99 = arith.cmpi sge, %sub3A_98, %ge3A : i32
        %add3A_100 = arith.constant 1 : i32
        %add3A_101 = arith.addi %add3A_46, %add3A_100 : i32
        %lt3A_102 = arith.constant 5 : i32
        %lt3A_103 = arith.cmpi slt, %add3A_101, %lt3A_102 : i32
        %and3A_104 = arith.andi %ge3A_99, %lt3A_103 : i1
        %convert_element_type3A_105 = arith.extui %and3A_104 : i1 to i32
        %cond3A_106 = arith.constant 0 : i32
        %cond3A_107 = arith.cmpi ne, %convert_element_type3A_105, %cond3A_106 : i32
        scf.if %cond3A_107 {
          %add3A_221 = arith.constant 0 : i32
          %add3A_222 = arith.addi %add3A_67, %add3A_221 : i32
          %add3A_223 = arith.constant 4 : i32
          %add3A_224 = arith.addi %add3A_222, %add3A_223 : i32
          %sub3A_225 = arith.constant 1 : i32
          %sub3A_226 = arith.subi %add3A_224, %sub3A_225 : i32
          %sub3A_227 = arith.constant 40 : i32
          %sub3A_228 = arith.subi %sub3A_226, %sub3A_227 : i32
          %dma_start3A_229 = arith.constant 0 : i32
          %dma_start3A_230 = tpu.memref_slice %arg8[%sub3A_228, %dma_start3A_229] : memref<40x50xi32, #tpu.memory_space<vmem>> -> memref<1x50xi32, #tpu.memory_space<vmem>>
          %dma_start3A_231 = tpu.memref_squeeze %dma_start3A_230 : memref<1x50xi32, #tpu.memory_space<vmem>> -> memref<50xi32, #tpu.memory_space<vmem>>
          %dma_start3A_232 = arith.constant 0 : i32
          %dma_start3A_233 = arith.constant 0 : i32
          %dma_start3A_234 = tpu.memref_slice %arg2[%dma_start3A_232, %dma_start3A_233] : memref<10000x128xf32, #tpu.memory_space<hbm>> -> memref<10000x128xf32, #tpu.memory_space<hbm>>
          tpu.enqueue_indirect_dma source(%dma_start3A_234 : memref<10000x128xf32, #tpu.memory_space<hbm>>) target(%arg13 : memref<50x128xf32, #tpu.memory_space<vmem>>) offsets(%dma_start3A_231 : memref<50xi32, #tpu.memory_space<vmem>>) semaphore(%arg18 : memref<!tpu.dma_semaphore, #tpu.memory_space<semaphore_mem>>)
        } else {
        }
        %add3A_108 = arith.constant 0 : i32
        %add3A_109 = arith.addi %add3A_67, %add3A_108 : i32
        "tpu.region"() ({
          %run_scoped3A_221 = tpu.sem_alloc : memref<!tpu.dma_semaphore, #tpu.memory_space<semaphore_mem>>
          %dma_start3A_222 = arith.constant 0 : i32
          %dma_start3A_223 = tpu.memref_slice %arg7[%add3A_109, %dma_start3A_222] : memref<40x50xi32, #tpu.memory_space<vmem>> -> memref<1x50xi32, #tpu.memory_space<vmem>>
          %dma_start3A_224 = tpu.memref_squeeze %dma_start3A_223 : memref<1x50xi32, #tpu.memory_space<vmem>> -> memref<50xi32, #tpu.memory_space<vmem>>
          %dma_start3A_225 = arith.constant 0 : i32
          %dma_start3A_226 = arith.constant 0 : i32
          %dma_start3A_227 = tpu.memref_slice %arg14[%dma_start3A_225, %dma_start3A_226] : memref<10112x128xf32, #tpu.memory_space<vmem_shared>> -> memref<10112x128xf32, #tpu.memory_space<vmem_shared>>
          tpu.enqueue_indirect_dma source(%arg10 : memref<50x128xf32, #tpu.memory_space<vmem>>) target(%dma_start3A_227 : memref<10112x128xf32, #tpu.memory_space<vmem_shared>>) offsets(%dma_start3A_224 : memref<50xi32, #tpu.memory_space<vmem>>) semaphore(%run_scoped3A_221 : memref<!tpu.dma_semaphore, #tpu.memory_space<semaphore_mem>>) {add = true}
          %dma_wait3A_228 = arith.constant 0 : i32
          %dma_wait3A_229 = tpu.memref_slice %arg7[%add3A_109, %dma_wait3A_228] : memref<40x50xi32, #tpu.memory_space<vmem>> -> memref<1x50xi32, #tpu.memory_space<vmem>>
          %dma_wait3A_230 = tpu.memref_squeeze %dma_wait3A_229 : memref<1x50xi32, #tpu.memory_space<vmem>> -> memref<50xi32, #tpu.memory_space<vmem>>
          %dma_wait3A_231 = arith.constant 0 : i32
          %dma_wait3A_232 = arith.constant 0 : i32
          %dma_wait3A_233 = tpu.memref_slice %arg14[%dma_wait3A_231, %dma_wait3A_232] : memref<10112x128xf32, #tpu.memory_space<vmem_shared>> -> memref<10112x128xf32, #tpu.memory_space<vmem_shared>>
          tpu.wait_indirect_dma semaphore(%run_scoped3A_221 : memref<!tpu.dma_semaphore, #tpu.memory_space<semaphore_mem>>) src(%arg10 : memref<50x128xf32, #tpu.memory_space<vmem>>) dst(%dma_wait3A_233 : memref<10112x128xf32, #tpu.memory_space<vmem_shared>>)
          tpu.yield
        }) : () -> ()
        %add3A_110 = arith.constant 1 : i32
        %add3A_111 = arith.addi %add3A_67, %add3A_110 : i32
        %dma_wait3A_112 = arith.constant 0 : i32
        %dma_wait3A_113 = tpu.memref_slice %arg6[%add3A_111, %dma_wait3A_112] : memref<40x50xi32, #tpu.memory_space<vmem>> -> memref<1x50xi32, #tpu.memory_space<vmem>>
        %dma_wait3A_114 = tpu.memref_squeeze %dma_wait3A_113 : memref<1x50xi32, #tpu.memory_space<vmem>> -> memref<50xi32, #tpu.memory_space<vmem>>
        %dma_wait3A_115 = arith.constant 0 : i32
        %dma_wait3A_116 = arith.constant 0 : i32
        %dma_wait3A_117 = tpu.memref_slice %arg2[%dma_wait3A_115, %dma_wait3A_116] : memref<10000x128xf32, #tpu.memory_space<hbm>> -> memref<10000x128xf32, #tpu.memory_space<hbm>>
        tpu.wait_indirect_dma semaphore(%arg16 : memref<!tpu.dma_semaphore, #tpu.memory_space<semaphore_mem>>) src(%dma_wait3A_117 : memref<10000x128xf32, #tpu.memory_space<hbm>>) dst(%arg11 : memref<50x128xf32, #tpu.memory_space<vmem>>)
        %add3A_118 = arith.constant 1 : i32
        %add3A_119 = arith.addi %add3A_67, %add3A_118 : i32
        %add3A_120 = arith.constant 4 : i32
        %add3A_121 = arith.addi %add3A_119, %add3A_120 : i32
        %sub3A_122 = arith.constant 1 : i32
        %sub3A_123 = arith.subi %add3A_121, %sub3A_122 : i32
        %lt3A_124 = arith.constant 40 : i32
        %lt3A_125 = arith.cmpi slt, %sub3A_123, %lt3A_124 : i32
        %convert_element_type3A_126 = arith.extui %lt3A_125 : i1 to i32
        %cond3A_127 = arith.constant 0 : i32
        %cond3A_128 = arith.cmpi ne, %convert_element_type3A_126, %cond3A_127 : i32
        scf.if %cond3A_128 {
          %add3A_221 = arith.constant 1 : i32
          %add3A_222 = arith.addi %add3A_67, %add3A_221 : i32
          %add3A_223 = arith.constant 4 : i32
          %add3A_224 = arith.addi %add3A_222, %add3A_223 : i32
          %sub3A_225 = arith.constant 1 : i32
          %sub3A_226 = arith.subi %add3A_224, %sub3A_225 : i32
          %dma_start3A_227 = arith.constant 0 : i32
          %dma_start3A_228 = tpu.memref_slice %arg6[%sub3A_226, %dma_start3A_227] : memref<40x50xi32, #tpu.memory_space<vmem>> -> memref<1x50xi32, #tpu.memory_space<vmem>>
          %dma_start3A_229 = tpu.memref_squeeze %dma_start3A_228 : memref<1x50xi32, #tpu.memory_space<vmem>> -> memref<50xi32, #tpu.memory_space<vmem>>
          %dma_start3A_230 = arith.constant 0 : i32
          %dma_start3A_231 = arith.constant 0 : i32
          %dma_start3A_232 = tpu.memref_slice %arg2[%dma_start3A_230, %dma_start3A_231] : memref<10000x128xf32, #tpu.memory_space<hbm>> -> memref<10000x128xf32, #tpu.memory_space<hbm>>
          tpu.enqueue_indirect_dma source(%dma_start3A_232 : memref<10000x128xf32, #tpu.memory_space<hbm>>) target(%arg10 : memref<50x128xf32, #tpu.memory_space<vmem>>) offsets(%dma_start3A_229 : memref<50xi32, #tpu.memory_space<vmem>>) semaphore(%arg15 : memref<!tpu.dma_semaphore, #tpu.memory_space<semaphore_mem>>)
        } else {
        }
        %add3A_129 = arith.constant 1 : i32
        %add3A_130 = arith.addi %add3A_67, %add3A_129 : i32
        %add3A_131 = arith.constant 4 : i32
        %add3A_132 = arith.addi %add3A_130, %add3A_131 : i32
        %sub3A_133 = arith.constant 1 : i32
        %sub3A_134 = arith.subi %add3A_132, %sub3A_133 : i32
        %ge3A_135 = arith.constant 40 : i32
        %ge3A_136 = arith.cmpi sge, %sub3A_134, %ge3A_135 : i32
        %add3A_137 = arith.constant 1 : i32
        %add3A_138 = arith.addi %add3A_46, %add3A_137 : i32
        %lt3A_139 = arith.constant 5 : i32
        %lt3A_140 = arith.cmpi slt, %add3A_138, %lt3A_139 : i32
        %and3A_141 = arith.andi %ge3A_136, %lt3A_140 : i1
        %convert_element_type3A_142 = arith.extui %and3A_141 : i1 to i32
        %cond3A_143 = arith.constant 0 : i32
        %cond3A_144 = arith.cmpi ne, %convert_element_type3A_142, %cond3A_143 : i32
        scf.if %cond3A_144 {
          %add3A_221 = arith.constant 1 : i32
          %add3A_222 = arith.addi %add3A_67, %add3A_221 : i32
          %add3A_223 = arith.constant 4 : i32
          %add3A_224 = arith.addi %add3A_222, %add3A_223 : i32
          %sub3A_225 = arith.constant 1 : i32
          %sub3A_226 = arith.subi %add3A_224, %sub3A_225 : i32
          %sub3A_227 = arith.constant 40 : i32
          %sub3A_228 = arith.subi %sub3A_226, %sub3A_227 : i32
          %dma_start3A_229 = arith.constant 0 : i32
          %dma_start3A_230 = tpu.memref_slice %arg8[%sub3A_228, %dma_start3A_229] : memref<40x50xi32, #tpu.memory_space<vmem>> -> memref<1x50xi32, #tpu.memory_space<vmem>>
          %dma_start3A_231 = tpu.memref_squeeze %dma_start3A_230 : memref<1x50xi32, #tpu.memory_space<vmem>> -> memref<50xi32, #tpu.memory_space<vmem>>
          %dma_start3A_232 = arith.constant 0 : i32
          %dma_start3A_233 = arith.constant 0 : i32
          %dma_start3A_234 = tpu.memref_slice %arg2[%dma_start3A_232, %dma_start3A_233] : memref<10000x128xf32, #tpu.memory_space<hbm>> -> memref<10000x128xf32, #tpu.memory_space<hbm>>
          tpu.enqueue_indirect_dma source(%dma_start3A_234 : memref<10000x128xf32, #tpu.memory_space<hbm>>) target(%arg10 : memref<50x128xf32, #tpu.memory_space<vmem>>) offsets(%dma_start3A_231 : memref<50xi32, #tpu.memory_space<vmem>>) semaphore(%arg15 : memref<!tpu.dma_semaphore, #tpu.memory_space<semaphore_mem>>)
        } else {
        }
        %add3A_145 = arith.constant 1 : i32
        %add3A_146 = arith.addi %add3A_67, %add3A_145 : i32
        "tpu.region"() ({
          %run_scoped3A_221 = tpu.sem_alloc : memref<!tpu.dma_semaphore, #tpu.memory_space<semaphore_mem>>
          %dma_start3A_222 = arith.constant 0 : i32
          %dma_start3A_223 = tpu.memref_slice %arg7[%add3A_146, %dma_start3A_222] : memref<40x50xi32, #tpu.memory_space<vmem>> -> memref<1x50xi32, #tpu.memory_space<vmem>>
          %dma_start3A_224 = tpu.memref_squeeze %dma_start3A_223 : memref<1x50xi32, #tpu.memory_space<vmem>> -> memref<50xi32, #tpu.memory_space<vmem>>
          %dma_start3A_225 = arith.constant 0 : i32
          %dma_start3A_226 = arith.constant 0 : i32
          %dma_start3A_227 = tpu.memref_slice %arg14[%dma_start3A_225, %dma_start3A_226] : memref<10112x128xf32, #tpu.memory_space<vmem_shared>> -> memref<10112x128xf32, #tpu.memory_space<vmem_shared>>
          tpu.enqueue_indirect_dma source(%arg11 : memref<50x128xf32, #tpu.memory_space<vmem>>) target(%dma_start3A_227 : memref<10112x128xf32, #tpu.memory_space<vmem_shared>>) offsets(%dma_start3A_224 : memref<50xi32, #tpu.memory_space<vmem>>) semaphore(%run_scoped3A_221 : memref<!tpu.dma_semaphore, #tpu.memory_space<semaphore_mem>>) {add = true}
          %dma_wait3A_228 = arith.constant 0 : i32
          %dma_wait3A_229 = tpu.memref_slice %arg7[%add3A_146, %dma_wait3A_228] : memref<40x50xi32, #tpu.memory_space<vmem>> -> memref<1x50xi32, #tpu.memory_space<vmem>>
          %dma_wait3A_230 = tpu.memref_squeeze %dma_wait3A_229 : memref<1x50xi32, #tpu.memory_space<vmem>> -> memref<50xi32, #tpu.memory_space<vmem>>
          %dma_wait3A_231 = arith.constant 0 : i32
          %dma_wait3A_232 = arith.constant 0 : i32
          %dma_wait3A_233 = tpu.memref_slice %arg14[%dma_wait3A_231, %dma_wait3A_232] : memref<10112x128xf32, #tpu.memory_space<vmem_shared>> -> memref<10112x128xf32, #tpu.memory_space<vmem_shared>>
          tpu.wait_indirect_dma semaphore(%run_scoped3A_221 : memref<!tpu.dma_semaphore, #tpu.memory_space<semaphore_mem>>) src(%arg11 : memref<50x128xf32, #tpu.memory_space<vmem>>) dst(%dma_wait3A_233 : memref<10112x128xf32, #tpu.memory_space<vmem_shared>>)
          tpu.yield
        }) : () -> ()
        %add3A_147 = arith.constant 2 : i32
        %add3A_148 = arith.addi %add3A_67, %add3A_147 : i32
        %dma_wait3A_149 = arith.constant 0 : i32
        %dma_wait3A_150 = tpu.memref_slice %arg6[%add3A_148, %dma_wait3A_149] : memref<40x50xi32, #tpu.memory_space<vmem>> -> memref<1x50xi32, #tpu.memory_space<vmem>>
        %dma_wait3A_151 = tpu.memref_squeeze %dma_wait3A_150 : memref<1x50xi32, #tpu.memory_space<vmem>> -> memref<50xi32, #tpu.memory_space<vmem>>
        %dma_wait3A_152 = arith.constant 0 : i32
        %dma_wait3A_153 = arith.constant 0 : i32
        %dma_wait3A_154 = tpu.memref_slice %arg2[%dma_wait3A_152, %dma_wait3A_153] : memref<10000x128xf32, #tpu.memory_space<hbm>> -> memref<10000x128xf32, #tpu.memory_space<hbm>>
        tpu.wait_indirect_dma semaphore(%arg17 : memref<!tpu.dma_semaphore, #tpu.memory_space<semaphore_mem>>) src(%dma_wait3A_154 : memref<10000x128xf32, #tpu.memory_space<hbm>>) dst(%arg12 : memref<50x128xf32, #tpu.memory_space<vmem>>)
        %add3A_155 = arith.constant 2 : i32
        %add3A_156 = arith.addi %add3A_67, %add3A_155 : i32
        %add3A_157 = arith.constant 4 : i32
        %add3A_158 = arith.addi %add3A_156, %add3A_157 : i32
        %sub3A_159 = arith.constant 1 : i32
        %sub3A_160 = arith.subi %add3A_158, %sub3A_159 : i32
        %lt3A_161 = arith.constant 40 : i32
        %lt3A_162 = arith.cmpi slt, %sub3A_160, %lt3A_161 : i32
        %convert_element_type3A_163 = arith.extui %lt3A_162 : i1 to i32
        %cond3A_164 = arith.constant 0 : i32
        %cond3A_165 = arith.cmpi ne, %convert_element_type3A_163, %cond3A_164 : i32
        scf.if %cond3A_165 {
          %add3A_221 = arith.constant 2 : i32
          %add3A_222 = arith.addi %add3A_67, %add3A_221 : i32
          %add3A_223 = arith.constant 4 : i32
          %add3A_224 = arith.addi %add3A_222, %add3A_223 : i32
          %sub3A_225 = arith.constant 1 : i32
          %sub3A_226 = arith.subi %add3A_224, %sub3A_225 : i32
          %dma_start3A_227 = arith.constant 0 : i32
          %dma_start3A_228 = tpu.memref_slice %arg6[%sub3A_226, %dma_start3A_227] : memref<40x50xi32, #tpu.memory_space<vmem>> -> memref<1x50xi32, #tpu.memory_space<vmem>>
          %dma_start3A_229 = tpu.memref_squeeze %dma_start3A_228 : memref<1x50xi32, #tpu.memory_space<vmem>> -> memref<50xi32, #tpu.memory_space<vmem>>
          %dma_start3A_230 = arith.constant 0 : i32
          %dma_start3A_231 = arith.constant 0 : i32
          %dma_start3A_232 = tpu.memref_slice %arg2[%dma_start3A_230, %dma_start3A_231] : memref<10000x128xf32, #tpu.memory_space<hbm>> -> memref<10000x128xf32, #tpu.memory_space<hbm>>
          tpu.enqueue_indirect_dma source(%dma_start3A_232 : memref<10000x128xf32, #tpu.memory_space<hbm>>) target(%arg11 : memref<50x128xf32, #tpu.memory_space<vmem>>) offsets(%dma_start3A_229 : memref<50xi32, #tpu.memory_space<vmem>>) semaphore(%arg16 : memref<!tpu.dma_semaphore, #tpu.memory_space<semaphore_mem>>)
        } else {
        }
        %add3A_166 = arith.constant 2 : i32
        %add3A_167 = arith.addi %add3A_67, %add3A_166 : i32
        %add3A_168 = arith.constant 4 : i32
        %add3A_169 = arith.addi %add3A_167, %add3A_168 : i32
        %sub3A_170 = arith.constant 1 : i32
        %sub3A_171 = arith.subi %add3A_169, %sub3A_170 : i32
        %ge3A_172 = arith.constant 40 : i32
        %ge3A_173 = arith.cmpi sge, %sub3A_171, %ge3A_172 : i32
        %add3A_174 = arith.constant 1 : i32
        %add3A_175 = arith.addi %add3A_46, %add3A_174 : i32
        %lt3A_176 = arith.constant 5 : i32
        %lt3A_177 = arith.cmpi slt, %add3A_175, %lt3A_176 : i32
        %and3A_178 = arith.andi %ge3A_173, %lt3A_177 : i1
        %convert_element_type3A_179 = arith.extui %and3A_178 : i1 to i32
        %cond3A_180 = arith.constant 0 : i32
        %cond3A_181 = arith.cmpi ne, %convert_element_type3A_179, %cond3A_180 : i32
        scf.if %cond3A_181 {
          %add3A_221 = arith.constant 2 : i32
          %add3A_222 = arith.addi %add3A_67, %add3A_221 : i32
          %add3A_223 = arith.constant 4 : i32
          %add3A_224 = arith.addi %add3A_222, %add3A_223 : i32
          %sub3A_225 = arith.constant 1 : i32
          %sub3A_226 = arith.subi %add3A_224, %sub3A_225 : i32
          %sub3A_227 = arith.constant 40 : i32
          %sub3A_228 = arith.subi %sub3A_226, %sub3A_227 : i32
          %dma_start3A_229 = arith.constant 0 : i32
          %dma_start3A_230 = tpu.memref_slice %arg8[%sub3A_228, %dma_start3A_229] : memref<40x50xi32, #tpu.memory_space<vmem>> -> memref<1x50xi32, #tpu.memory_space<vmem>>
          %dma_start3A_231 = tpu.memref_squeeze %dma_start3A_230 : memref<1x50xi32, #tpu.memory_space<vmem>> -> memref<50xi32, #tpu.memory_space<vmem>>
          %dma_start3A_232 = arith.constant 0 : i32
          %dma_start3A_233 = arith.constant 0 : i32
          %dma_start3A_234 = tpu.memref_slice %arg2[%dma_start3A_232, %dma_start3A_233] : memref<10000x128xf32, #tpu.memory_space<hbm>> -> memref<10000x128xf32, #tpu.memory_space<hbm>>
          tpu.enqueue_indirect_dma source(%dma_start3A_234 : memref<10000x128xf32, #tpu.memory_space<hbm>>) target(%arg11 : memref<50x128xf32, #tpu.memory_space<vmem>>) offsets(%dma_start3A_231 : memref<50xi32, #tpu.memory_space<vmem>>) semaphore(%arg16 : memref<!tpu.dma_semaphore, #tpu.memory_space<semaphore_mem>>)
        } else {
        }
        %add3A_182 = arith.constant 2 : i32
        %add3A_183 = arith.addi %add3A_67, %add3A_182 : i32
        "tpu.region"() ({
          %run_scoped3A_221 = tpu.sem_alloc : memref<!tpu.dma_semaphore, #tpu.memory_space<semaphore_mem>>
          %dma_start3A_222 = arith.constant 0 : i32
          %dma_start3A_223 = tpu.memref_slice %arg7[%add3A_183, %dma_start3A_222] : memref<40x50xi32, #tpu.memory_space<vmem>> -> memref<1x50xi32, #tpu.memory_space<vmem>>
          %dma_start3A_224 = tpu.memref_squeeze %dma_start3A_223 : memref<1x50xi32, #tpu.memory_space<vmem>> -> memref<50xi32, #tpu.memory_space<vmem>>
          %dma_start3A_225 = arith.constant 0 : i32
          %dma_start3A_226 = arith.constant 0 : i32
          %dma_start3A_227 = tpu.memref_slice %arg14[%dma_start3A_225, %dma_start3A_226] : memref<10112x128xf32, #tpu.memory_space<vmem_shared>> -> memref<10112x128xf32, #tpu.memory_space<vmem_shared>>
          tpu.enqueue_indirect_dma source(%arg12 : memref<50x128xf32, #tpu.memory_space<vmem>>) target(%dma_start3A_227 : memref<10112x128xf32, #tpu.memory_space<vmem_shared>>) offsets(%dma_start3A_224 : memref<50xi32, #tpu.memory_space<vmem>>) semaphore(%run_scoped3A_221 : memref<!tpu.dma_semaphore, #tpu.memory_space<semaphore_mem>>) {add = true}
          %dma_wait3A_228 = arith.constant 0 : i32
          %dma_wait3A_229 = tpu.memref_slice %arg7[%add3A_183, %dma_wait3A_228] : memref<40x50xi32, #tpu.memory_space<vmem>> -> memref<1x50xi32, #tpu.memory_space<vmem>>
          %dma_wait3A_230 = tpu.memref_squeeze %dma_wait3A_229 : memref<1x50xi32, #tpu.memory_space<vmem>> -> memref<50xi32, #tpu.memory_space<vmem>>
          %dma_wait3A_231 = arith.constant 0 : i32
          %dma_wait3A_232 = arith.constant 0 : i32
          %dma_wait3A_233 = tpu.memref_slice %arg14[%dma_wait3A_231, %dma_wait3A_232] : memref<10112x128xf32, #tpu.memory_space<vmem_shared>> -> memref<10112x128xf32, #tpu.memory_space<vmem_shared>>
          tpu.wait_indirect_dma semaphore(%run_scoped3A_221 : memref<!tpu.dma_semaphore, #tpu.memory_space<semaphore_mem>>) src(%arg12 : memref<50x128xf32, #tpu.memory_space<vmem>>) dst(%dma_wait3A_233 : memref<10112x128xf32, #tpu.memory_space<vmem_shared>>)
          tpu.yield
        }) : () -> ()
        %add3A_184 = arith.constant 3 : i32
        %add3A_185 = arith.addi %add3A_67, %add3A_184 : i32
        %dma_wait3A_186 = arith.constant 0 : i32
        %dma_wait3A_187 = tpu.memref_slice %arg6[%add3A_185, %dma_wait3A_186] : memref<40x50xi32, #tpu.memory_space<vmem>> -> memref<1x50xi32, #tpu.memory_space<vmem>>
        %dma_wait3A_188 = tpu.memref_squeeze %dma_wait3A_187 : memref<1x50xi32, #tpu.memory_space<vmem>> -> memref<50xi32, #tpu.memory_space<vmem>>
        %dma_wait3A_189 = arith.constant 0 : i32
        %dma_wait3A_190 = arith.constant 0 : i32
        %dma_wait3A_191 = tpu.memref_slice %arg2[%dma_wait3A_189, %dma_wait3A_190] : memref<10000x128xf32, #tpu.memory_space<hbm>> -> memref<10000x128xf32, #tpu.memory_space<hbm>>
        tpu.wait_indirect_dma semaphore(%arg18 : memref<!tpu.dma_semaphore, #tpu.memory_space<semaphore_mem>>) src(%dma_wait3A_191 : memref<10000x128xf32, #tpu.memory_space<hbm>>) dst(%arg13 : memref<50x128xf32, #tpu.memory_space<vmem>>)
        %add3A_192 = arith.constant 3 : i32
        %add3A_193 = arith.addi %add3A_67, %add3A_192 : i32
        %add3A_194 = arith.constant 4 : i32
        %add3A_195 = arith.addi %add3A_193, %add3A_194 : i32
        %sub3A_196 = arith.constant 1 : i32
        %sub3A_197 = arith.subi %add3A_195, %sub3A_196 : i32
        %lt3A_198 = arith.constant 40 : i32
        %lt3A_199 = arith.cmpi slt, %sub3A_197, %lt3A_198 : i32
        %convert_element_type3A_200 = arith.extui %lt3A_199 : i1 to i32
        %cond3A_201 = arith.constant 0 : i32
        %cond3A_202 = arith.cmpi ne, %convert_element_type3A_200, %cond3A_201 : i32
        scf.if %cond3A_202 {
          %add3A_221 = arith.constant 3 : i32
          %add3A_222 = arith.addi %add3A_67, %add3A_221 : i32
          %add3A_223 = arith.constant 4 : i32
          %add3A_224 = arith.addi %add3A_222, %add3A_223 : i32
          %sub3A_225 = arith.constant 1 : i32
          %sub3A_226 = arith.subi %add3A_224, %sub3A_225 : i32
          %dma_start3A_227 = arith.constant 0 : i32
          %dma_start3A_228 = tpu.memref_slice %arg6[%sub3A_226, %dma_start3A_227] : memref<40x50xi32, #tpu.memory_space<vmem>> -> memref<1x50xi32, #tpu.memory_space<vmem>>
          %dma_start3A_229 = tpu.memref_squeeze %dma_start3A_228 : memref<1x50xi32, #tpu.memory_space<vmem>> -> memref<50xi32, #tpu.memory_space<vmem>>
          %dma_start3A_230 = arith.constant 0 : i32
          %dma_start3A_231 = arith.constant 0 : i32
          %dma_start3A_232 = tpu.memref_slice %arg2[%dma_start3A_230, %dma_start3A_231] : memref<10000x128xf32, #tpu.memory_space<hbm>> -> memref<10000x128xf32, #tpu.memory_space<hbm>>
          tpu.enqueue_indirect_dma source(%dma_start3A_232 : memref<10000x128xf32, #tpu.memory_space<hbm>>) target(%arg12 : memref<50x128xf32, #tpu.memory_space<vmem>>) offsets(%dma_start3A_229 : memref<50xi32, #tpu.memory_space<vmem>>) semaphore(%arg17 : memref<!tpu.dma_semaphore, #tpu.memory_space<semaphore_mem>>)
        } else {
        }
        %add3A_203 = arith.constant 3 : i32
        %add3A_204 = arith.addi %add3A_67, %add3A_203 : i32
        %add3A_205 = arith.constant 4 : i32
        %add3A_206 = arith.addi %add3A_204, %add3A_205 : i32
        %sub3A_207 = arith.constant 1 : i32
        %sub3A_208 = arith.subi %add3A_206, %sub3A_207 : i32
        %ge3A_209 = arith.constant 40 : i32
        %ge3A_210 = arith.cmpi sge, %sub3A_208, %ge3A_209 : i32
        %add3A_211 = arith.constant 1 : i32
        %add3A_212 = arith.addi %add3A_46, %add3A_211 : i32
        %lt3A_213 = arith.constant 5 : i32
        %lt3A_214 = arith.cmpi slt, %add3A_212, %lt3A_213 : i32
        %and3A_215 = arith.andi %ge3A_210, %lt3A_214 : i1
        %convert_element_type3A_216 = arith.extui %and3A_215 : i1 to i32
        %cond3A_217 = arith.constant 0 : i32
        %cond3A_218 = arith.cmpi ne, %convert_element_type3A_216, %cond3A_217 : i32
        scf.if %cond3A_218 {
          %add3A_221 = arith.constant 3 : i32
          %add3A_222 = arith.addi %add3A_67, %add3A_221 : i32
          %add3A_223 = arith.constant 4 : i32
          %add3A_224 = arith.addi %add3A_222, %add3A_223 : i32
          %sub3A_225 = arith.constant 1 : i32
          %sub3A_226 = arith.subi %add3A_224, %sub3A_225 : i32
          %sub3A_227 = arith.constant 40 : i32
          %sub3A_228 = arith.subi %sub3A_226, %sub3A_227 : i32
          %dma_start3A_229 = arith.constant 0 : i32
          %dma_start3A_230 = tpu.memref_slice %arg8[%sub3A_228, %dma_start3A_229] : memref<40x50xi32, #tpu.memory_space<vmem>> -> memref<1x50xi32, #tpu.memory_space<vmem>>
          %dma_start3A_231 = tpu.memref_squeeze %dma_start3A_230 : memref<1x50xi32, #tpu.memory_space<vmem>> -> memref<50xi32, #tpu.memory_space<vmem>>
          %dma_start3A_232 = arith.constant 0 : i32
          %dma_start3A_233 = arith.constant 0 : i32
          %dma_start3A_234 = tpu.memref_slice %arg2[%dma_start3A_232, %dma_start3A_233] : memref<10000x128xf32, #tpu.memory_space<hbm>> -> memref<10000x128xf32, #tpu.memory_space<hbm>>
          tpu.enqueue_indirect_dma source(%dma_start3A_234 : memref<10000x128xf32, #tpu.memory_space<hbm>>) target(%arg12 : memref<50x128xf32, #tpu.memory_space<vmem>>) offsets(%dma_start3A_231 : memref<50xi32, #tpu.memory_space<vmem>>) semaphore(%arg17 : memref<!tpu.dma_semaphore, #tpu.memory_space<semaphore_mem>>)
        } else {
        }
        %add3A_219 = arith.constant 3 : i32
        %add3A_220 = arith.addi %add3A_67, %add3A_219 : i32
        "tpu.region"() ({
          %run_scoped3A_221 = tpu.sem_alloc : memref<!tpu.dma_semaphore, #tpu.memory_space<semaphore_mem>>
          %dma_start3A_222 = arith.constant 0 : i32
          %dma_start3A_223 = tpu.memref_slice %arg7[%add3A_220, %dma_start3A_222] : memref<40x50xi32, #tpu.memory_space<vmem>> -> memref<1x50xi32, #tpu.memory_space<vmem>>
          %dma_start3A_224 = tpu.memref_squeeze %dma_start3A_223 : memref<1x50xi32, #tpu.memory_space<vmem>> -> memref<50xi32, #tpu.memory_space<vmem>>
          %dma_start3A_225 = arith.constant 0 : i32
          %dma_start3A_226 = arith.constant 0 : i32
          %dma_start3A_227 = tpu.memref_slice %arg14[%dma_start3A_225, %dma_start3A_226] : memref<10112x128xf32, #tpu.memory_space<vmem_shared>> -> memref<10112x128xf32, #tpu.memory_space<vmem_shared>>
          tpu.enqueue_indirect_dma source(%arg13 : memref<50x128xf32, #tpu.memory_space<vmem>>) target(%dma_start3A_227 : memref<10112x128xf32, #tpu.memory_space<vmem_shared>>) offsets(%dma_start3A_224 : memref<50xi32, #tpu.memory_space<vmem>>) semaphore(%run_scoped3A_221 : memref<!tpu.dma_semaphore, #tpu.memory_space<semaphore_mem>>) {add = true}
          %dma_wait3A_228 = arith.constant 0 : i32
          %dma_wait3A_229 = tpu.memref_slice %arg7[%add3A_220, %dma_wait3A_228] : memref<40x50xi32, #tpu.memory_space<vmem>> -> memref<1x50xi32, #tpu.memory_space<vmem>>
          %dma_wait3A_230 = tpu.memref_squeeze %dma_wait3A_229 : memref<1x50xi32, #tpu.memory_space<vmem>> -> memref<50xi32, #tpu.memory_space<vmem>>
          %dma_wait3A_231 = arith.constant 0 : i32
          %dma_wait3A_232 = arith.constant 0 : i32
          %dma_wait3A_233 = tpu.memref_slice %arg14[%dma_wait3A_231, %dma_wait3A_232] : memref<10112x128xf32, #tpu.memory_space<vmem_shared>> -> memref<10112x128xf32, #tpu.memory_space<vmem_shared>>
          tpu.wait_indirect_dma semaphore(%run_scoped3A_221 : memref<!tpu.dma_semaphore, #tpu.memory_space<semaphore_mem>>) src(%arg13 : memref<50x128xf32, #tpu.memory_space<vmem>>) dst(%dma_wait3A_233 : memref<10112x128xf32, #tpu.memory_space<vmem_shared>>)
          tpu.yield
        }) : () -> ()
      }
      %scan3A_55 = arith.constant 10 : i32
      %add3A_56 = arith.constant 1 : i32
      %add3A_57 = arith.addi %add3A_46, %add3A_56 : i32
      %lt3A_58 = arith.constant 5 : i32
      %lt3A_59 = arith.cmpi slt, %add3A_57, %lt3A_58 : i32
      %convert_element_type3A_60 = arith.extui %lt3A_59 : i1 to i32
      %cond3A_61 = arith.constant 0 : i32
      %cond3A_62 = arith.cmpi ne, %convert_element_type3A_60, %cond3A_61 : i32
      scf.if %cond3A_62 {
        %add3A_63 = arith.constant 1 : i32
        %add3A_64 = arith.addi %add3A_46, %add3A_63 : i32
        %add3A_65 = arith.constant 1 : i32
        %add3A_66 = arith.addi %add3A_64, %add3A_65 : i32
        %lt3A_67 = arith.constant 5 : i32
        %lt3A_68 = arith.cmpi slt, %add3A_66, %lt3A_67 : i32
        %convert_element_type3A_69 = arith.extui %lt3A_68 : i1 to i32
        %cond3A_70 = arith.constant 0 : i32
        %cond3A_71 = arith.cmpi ne, %convert_element_type3A_69, %cond3A_70 : i32
        scf.if %cond3A_71 {
          %add3A_77 = arith.constant 1 : i32
          %add3A_78 = arith.addi %add3A_64, %add3A_77 : i32
          %dma_start3A_79 = arith.constant 0 : i32
          %dma_start3A_80 = arith.constant 0 : i32
          %dma_start3A_81 = tpu.memref_slice %arg3[%arg0, %arg1, %add3A_78, %dma_start3A_79, %dma_start3A_80] : memref<2x16x5x40x50xi32, #tpu.memory_space<hbm>> -> memref<1x1x1x40x50xi32, #tpu.memory_space<hbm>>
          %dma_start3A_82 = tpu.memref_squeeze %dma_start3A_81 : memref<1x1x1x40x50xi32, #tpu.memory_space<hbm>> -> memref<40x50xi32, #tpu.memory_space<hbm>>
          %dma_start3A_83 = arith.constant 0 : i32
          %dma_start3A_84 = arith.constant 0 : i32
          %dma_start3A_85 = tpu.memref_slice %arg3[%arg0, %arg1, %add3A_78, %dma_start3A_83, %dma_start3A_84] : memref<2x16x5x40x50xi32, #tpu.memory_space<hbm>> -> memref<1x1x1x40x50xi32, #tpu.memory_space<hbm>>
          %dma_start3A_86 = tpu.memref_squeeze %dma_start3A_85 : memref<1x1x1x40x50xi32, #tpu.memory_space<hbm>> -> memref<40x50xi32, #tpu.memory_space<hbm>>
          tpu.enqueue_dma source(%dma_start3A_86 : memref<40x50xi32, #tpu.memory_space<hbm>>) target(%arg6 : memref<40x50xi32, #tpu.memory_space<vmem>>) target_semaphore(%arg19 : memref<!tpu.dma_semaphore, #tpu.memory_space<semaphore_mem>>)
          %add3A_87 = arith.constant 1 : i32
          %add3A_88 = arith.addi %add3A_64, %add3A_87 : i32
          %dma_start3A_89 = arith.constant 0 : i32
          %dma_start3A_90 = arith.constant 0 : i32
          %dma_start3A_91 = tpu.memref_slice %arg4[%arg0, %arg1, %add3A_88, %dma_start3A_89, %dma_start3A_90] : memref<2x16x5x40x50xi32, #tpu.memory_space<hbm>> -> memref<1x1x1x40x50xi32, #tpu.memory_space<hbm>>
          %dma_start3A_92 = tpu.memref_squeeze %dma_start3A_91 : memref<1x1x1x40x50xi32, #tpu.memory_space<hbm>> -> memref<40x50xi32, #tpu.memory_space<hbm>>
          %dma_start3A_93 = arith.constant 0 : i32
          %dma_start3A_94 = arith.constant 0 : i32
          %dma_start3A_95 = tpu.memref_slice %arg4[%arg0, %arg1, %add3A_88, %dma_start3A_93, %dma_start3A_94] : memref<2x16x5x40x50xi32, #tpu.memory_space<hbm>> -> memref<1x1x1x40x50xi32, #tpu.memory_space<hbm>>
          %dma_start3A_96 = tpu.memref_squeeze %dma_start3A_95 : memref<1x1x1x40x50xi32, #tpu.memory_space<hbm>> -> memref<40x50xi32, #tpu.memory_space<hbm>>
          tpu.enqueue_dma source(%dma_start3A_96 : memref<40x50xi32, #tpu.memory_space<hbm>>) target(%arg7 : memref<40x50xi32, #tpu.memory_space<vmem>>) target_semaphore(%arg19 : memref<!tpu.dma_semaphore, #tpu.memory_space<semaphore_mem>>)
        } else {
        }
        %scan3A_72 = arith.constant 0 : i32
        %scan3A_73 = arith.constant 10 : i32
        %scan3A_74 = arith.addi %scan3A_72, %scan3A_73 : i32
        %scan3A_75 = arith.constant 1 : i32
        scf.for %scan3A_77 = %scan3A_72 to %scan3A_74 step %scan3A_75  : i32 {
          %mul3A_78 = arith.constant 4 : i32
          %mul3A_79 = arith.muli %scan3A_77, %mul3A_78 : i32
          %add3A_80 = arith.constant 0 : i32
          %add3A_81 = arith.addi %add3A_80, %mul3A_79 : i32
          %eq3A = arith.constant 36 : i32
          %eq3A_82 = arith.cmpi eq, %add3A_81, %eq3A : i32
          %add3A_83 = arith.constant 1 : i32
          %add3A_84 = arith.addi %add3A_64, %add3A_83 : i32
          %lt3A_85 = arith.constant 5 : i32
          %lt3A_86 = arith.cmpi slt, %add3A_84, %lt3A_85 : i32
          %and3A = arith.andi %eq3A_82, %lt3A_86 : i1
          %convert_element_type3A_87 = arith.extui %and3A : i1 to i32
          %cond3A_88 = arith.constant 0 : i32
          %cond3A_89 = arith.cmpi ne, %convert_element_type3A_87, %cond3A_88 : i32
          scf.if %cond3A_89 {
            %add3A_235 = arith.constant 1 : i32
            %add3A_236 = arith.addi %add3A_64, %add3A_235 : i32
            %dma_wait3A_237 = arith.constant 0 : i32
            %dma_wait3A_238 = arith.constant 0 : i32
            %dma_wait3A_239 = tpu.memref_slice %arg3[%arg0, %arg1, %add3A_236, %dma_wait3A_237, %dma_wait3A_238] : memref<2x16x5x40x50xi32, #tpu.memory_space<hbm>> -> memref<1x1x1x40x50xi32, #tpu.memory_space<hbm>>
            %dma_wait3A_240 = tpu.memref_squeeze %dma_wait3A_239 : memref<1x1x1x40x50xi32, #tpu.memory_space<hbm>> -> memref<40x50xi32, #tpu.memory_space<hbm>>
            %dma_wait3A_241 = arith.constant 0 : i32
            %dma_wait3A_242 = arith.constant 0 : i32
            %dma_wait3A_243 = tpu.memref_slice %arg3[%arg0, %arg1, %add3A_236, %dma_wait3A_241, %dma_wait3A_242] : memref<2x16x5x40x50xi32, #tpu.memory_space<hbm>> -> memref<1x1x1x40x50xi32, #tpu.memory_space<hbm>>
            %dma_wait3A_244 = tpu.memref_squeeze %dma_wait3A_243 : memref<1x1x1x40x50xi32, #tpu.memory_space<hbm>> -> memref<40x50xi32, #tpu.memory_space<hbm>>
            tpu.wait_dma2 semaphore(%arg19 : memref<!tpu.dma_semaphore, #tpu.memory_space<semaphore_mem>>) src(%dma_wait3A_244 : memref<40x50xi32, #tpu.memory_space<hbm>>) dst(%arg6 : memref<40x50xi32, #tpu.memory_space<vmem>>)
            %add3A_245 = arith.constant 1 : i32
            %add3A_246 = arith.addi %add3A_64, %add3A_245 : i32
            %dma_wait3A_247 = arith.constant 0 : i32
            %dma_wait3A_248 = arith.constant 0 : i32
            %dma_wait3A_249 = tpu.memref_slice %arg4[%arg0, %arg1, %add3A_246, %dma_wait3A_247, %dma_wait3A_248] : memref<2x16x5x40x50xi32, #tpu.memory_space<hbm>> -> memref<1x1x1x40x50xi32, #tpu.memory_space<hbm>>
            %dma_wait3A_250 = tpu.memref_squeeze %dma_wait3A_249 : memref<1x1x1x40x50xi32, #tpu.memory_space<hbm>> -> memref<40x50xi32, #tpu.memory_space<hbm>>
            %dma_wait3A_251 = arith.constant 0 : i32
            %dma_wait3A_252 = arith.constant 0 : i32
            %dma_wait3A_253 = tpu.memref_slice %arg4[%arg0, %arg1, %add3A_246, %dma_wait3A_251, %dma_wait3A_252] : memref<2x16x5x40x50xi32, #tpu.memory_space<hbm>> -> memref<1x1x1x40x50xi32, #tpu.memory_space<hbm>>
            %dma_wait3A_254 = tpu.memref_squeeze %dma_wait3A_253 : memref<1x1x1x40x50xi32, #tpu.memory_space<hbm>> -> memref<40x50xi32, #tpu.memory_space<hbm>>
            tpu.wait_dma2 semaphore(%arg19 : memref<!tpu.dma_semaphore, #tpu.memory_space<semaphore_mem>>) src(%dma_wait3A_254 : memref<40x50xi32, #tpu.memory_space<hbm>>) dst(%arg7 : memref<40x50xi32, #tpu.memory_space<vmem>>)
          } else {
          }
          %add3A_90 = arith.constant 0 : i32
          %add3A_91 = arith.addi %add3A_81, %add3A_90 : i32
          %dma_wait3A = arith.constant 0 : i32
          %dma_wait3A_92 = tpu.memref_slice %arg8[%add3A_91, %dma_wait3A] : memref<40x50xi32, #tpu.memory_space<vmem>> -> memref<1x50xi32, #tpu.memory_space<vmem>>
          %dma_wait3A_93 = tpu.memref_squeeze %dma_wait3A_92 : memref<1x50xi32, #tpu.memory_space<vmem>> -> memref<50xi32, #tpu.memory_space<vmem>>
          %dma_wait3A_94 = arith.constant 0 : i32
          %dma_wait3A_95 = arith.constant 0 : i32
          %dma_wait3A_96 = tpu.memref_slice %arg2[%dma_wait3A_94, %dma_wait3A_95] : memref<10000x128xf32, #tpu.memory_space<hbm>> -> memref<10000x128xf32, #tpu.memory_space<hbm>>
          tpu.wait_indirect_dma semaphore(%arg15 : memref<!tpu.dma_semaphore, #tpu.memory_space<semaphore_mem>>) src(%dma_wait3A_96 : memref<10000x128xf32, #tpu.memory_space<hbm>>) dst(%arg10 : memref<50x128xf32, #tpu.memory_space<vmem>>)
          %add3A_97 = arith.constant 0 : i32
          %add3A_98 = arith.addi %add3A_81, %add3A_97 : i32
          %add3A_99 = arith.constant 4 : i32
          %add3A_100 = arith.addi %add3A_98, %add3A_99 : i32
          %sub3A = arith.constant 1 : i32
          %sub3A_101 = arith.subi %add3A_100, %sub3A : i32
          %lt3A_102 = arith.constant 40 : i32
          %lt3A_103 = arith.cmpi slt, %sub3A_101, %lt3A_102 : i32
          %convert_element_type3A_104 = arith.extui %lt3A_103 : i1 to i32
          %cond3A_105 = arith.constant 0 : i32
          %cond3A_106 = arith.cmpi ne, %convert_element_type3A_104, %cond3A_105 : i32
          scf.if %cond3A_106 {
            %add3A_235 = arith.constant 0 : i32
            %add3A_236 = arith.addi %add3A_81, %add3A_235 : i32
            %add3A_237 = arith.constant 4 : i32
            %add3A_238 = arith.addi %add3A_236, %add3A_237 : i32
            %sub3A_239 = arith.constant 1 : i32
            %sub3A_240 = arith.subi %add3A_238, %sub3A_239 : i32
            %dma_start3A_241 = arith.constant 0 : i32
            %dma_start3A_242 = tpu.memref_slice %arg8[%sub3A_240, %dma_start3A_241] : memref<40x50xi32, #tpu.memory_space<vmem>> -> memref<1x50xi32, #tpu.memory_space<vmem>>
            %dma_start3A_243 = tpu.memref_squeeze %dma_start3A_242 : memref<1x50xi32, #tpu.memory_space<vmem>> -> memref<50xi32, #tpu.memory_space<vmem>>
            %dma_start3A_244 = arith.constant 0 : i32
            %dma_start3A_245 = arith.constant 0 : i32
            %dma_start3A_246 = tpu.memref_slice %arg2[%dma_start3A_244, %dma_start3A_245] : memref<10000x128xf32, #tpu.memory_space<hbm>> -> memref<10000x128xf32, #tpu.memory_space<hbm>>
            tpu.enqueue_indirect_dma source(%dma_start3A_246 : memref<10000x128xf32, #tpu.memory_space<hbm>>) target(%arg13 : memref<50x128xf32, #tpu.memory_space<vmem>>) offsets(%dma_start3A_243 : memref<50xi32, #tpu.memory_space<vmem>>) semaphore(%arg18 : memref<!tpu.dma_semaphore, #tpu.memory_space<semaphore_mem>>)
          } else {
          }
          %add3A_107 = arith.constant 0 : i32
          %add3A_108 = arith.addi %add3A_81, %add3A_107 : i32
          %add3A_109 = arith.constant 4 : i32
          %add3A_110 = arith.addi %add3A_108, %add3A_109 : i32
          %sub3A_111 = arith.constant 1 : i32
          %sub3A_112 = arith.subi %add3A_110, %sub3A_111 : i32
          %ge3A = arith.constant 40 : i32
          %ge3A_113 = arith.cmpi sge, %sub3A_112, %ge3A : i32
          %add3A_114 = arith.constant 1 : i32
          %add3A_115 = arith.addi %add3A_64, %add3A_114 : i32
          %lt3A_116 = arith.constant 5 : i32
          %lt3A_117 = arith.cmpi slt, %add3A_115, %lt3A_116 : i32
          %and3A_118 = arith.andi %ge3A_113, %lt3A_117 : i1
          %convert_element_type3A_119 = arith.extui %and3A_118 : i1 to i32
          %cond3A_120 = arith.constant 0 : i32
          %cond3A_121 = arith.cmpi ne, %convert_element_type3A_119, %cond3A_120 : i32
          scf.if %cond3A_121 {
            %add3A_235 = arith.constant 0 : i32
            %add3A_236 = arith.addi %add3A_81, %add3A_235 : i32
            %add3A_237 = arith.constant 4 : i32
            %add3A_238 = arith.addi %add3A_236, %add3A_237 : i32
            %sub3A_239 = arith.constant 1 : i32
            %sub3A_240 = arith.subi %add3A_238, %sub3A_239 : i32
            %sub3A_241 = arith.constant 40 : i32
            %sub3A_242 = arith.subi %sub3A_240, %sub3A_241 : i32
            %dma_start3A_243 = arith.constant 0 : i32
            %dma_start3A_244 = tpu.memref_slice %arg6[%sub3A_242, %dma_start3A_243] : memref<40x50xi32, #tpu.memory_space<vmem>> -> memref<1x50xi32, #tpu.memory_space<vmem>>
            %dma_start3A_245 = tpu.memref_squeeze %dma_start3A_244 : memref<1x50xi32, #tpu.memory_space<vmem>> -> memref<50xi32, #tpu.memory_space<vmem>>
            %dma_start3A_246 = arith.constant 0 : i32
            %dma_start3A_247 = arith.constant 0 : i32
            %dma_start3A_248 = tpu.memref_slice %arg2[%dma_start3A_246, %dma_start3A_247] : memref<10000x128xf32, #tpu.memory_space<hbm>> -> memref<10000x128xf32, #tpu.memory_space<hbm>>
            tpu.enqueue_indirect_dma source(%dma_start3A_248 : memref<10000x128xf32, #tpu.memory_space<hbm>>) target(%arg13 : memref<50x128xf32, #tpu.memory_space<vmem>>) offsets(%dma_start3A_245 : memref<50xi32, #tpu.memory_space<vmem>>) semaphore(%arg18 : memref<!tpu.dma_semaphore, #tpu.memory_space<semaphore_mem>>)
          } else {
          }
          %add3A_122 = arith.constant 0 : i32
          %add3A_123 = arith.addi %add3A_81, %add3A_122 : i32
          "tpu.region"() ({
            %run_scoped3A_235 = tpu.sem_alloc : memref<!tpu.dma_semaphore, #tpu.memory_space<semaphore_mem>>
            %dma_start3A_236 = arith.constant 0 : i32
            %dma_start3A_237 = tpu.memref_slice %arg9[%add3A_123, %dma_start3A_236] : memref<40x50xi32, #tpu.memory_space<vmem>> -> memref<1x50xi32, #tpu.memory_space<vmem>>
            %dma_start3A_238 = tpu.memref_squeeze %dma_start3A_237 : memref<1x50xi32, #tpu.memory_space<vmem>> -> memref<50xi32, #tpu.memory_space<vmem>>
            %dma_start3A_239 = arith.constant 0 : i32
            %dma_start3A_240 = arith.constant 0 : i32
            %dma_start3A_241 = tpu.memref_slice %arg14[%dma_start3A_239, %dma_start3A_240] : memref<10112x128xf32, #tpu.memory_space<vmem_shared>> -> memref<10112x128xf32, #tpu.memory_space<vmem_shared>>
            tpu.enqueue_indirect_dma source(%arg10 : memref<50x128xf32, #tpu.memory_space<vmem>>) target(%dma_start3A_241 : memref<10112x128xf32, #tpu.memory_space<vmem_shared>>) offsets(%dma_start3A_238 : memref<50xi32, #tpu.memory_space<vmem>>) semaphore(%run_scoped3A_235 : memref<!tpu.dma_semaphore, #tpu.memory_space<semaphore_mem>>) {add = true}
            %dma_wait3A_242 = arith.constant 0 : i32
            %dma_wait3A_243 = tpu.memref_slice %arg9[%add3A_123, %dma_wait3A_242] : memref<40x50xi32, #tpu.memory_space<vmem>> -> memref<1x50xi32, #tpu.memory_space<vmem>>
            %dma_wait3A_244 = tpu.memref_squeeze %dma_wait3A_243 : memref<1x50xi32, #tpu.memory_space<vmem>> -> memref<50xi32, #tpu.memory_space<vmem>>
            %dma_wait3A_245 = arith.constant 0 : i32
            %dma_wait3A_246 = arith.constant 0 : i32
            %dma_wait3A_247 = tpu.memref_slice %arg14[%dma_wait3A_245, %dma_wait3A_246] : memref<10112x128xf32, #tpu.memory_space<vmem_shared>> -> memref<10112x128xf32, #tpu.memory_space<vmem_shared>>
            tpu.wait_indirect_dma semaphore(%run_scoped3A_235 : memref<!tpu.dma_semaphore, #tpu.memory_space<semaphore_mem>>) src(%arg10 : memref<50x128xf32, #tpu.memory_space<vmem>>) dst(%dma_wait3A_247 : memref<10112x128xf32, #tpu.memory_space<vmem_shared>>)
            tpu.yield
          }) : () -> ()
          %add3A_124 = arith.constant 1 : i32
          %add3A_125 = arith.addi %add3A_81, %add3A_124 : i32
          %dma_wait3A_126 = arith.constant 0 : i32
          %dma_wait3A_127 = tpu.memref_slice %arg8[%add3A_125, %dma_wait3A_126] : memref<40x50xi32, #tpu.memory_space<vmem>> -> memref<1x50xi32, #tpu.memory_space<vmem>>
          %dma_wait3A_128 = tpu.memref_squeeze %dma_wait3A_127 : memref<1x50xi32, #tpu.memory_space<vmem>> -> memref<50xi32, #tpu.memory_space<vmem>>
          %dma_wait3A_129 = arith.constant 0 : i32
          %dma_wait3A_130 = arith.constant 0 : i32
          %dma_wait3A_131 = tpu.memref_slice %arg2[%dma_wait3A_129, %dma_wait3A_130] : memref<10000x128xf32, #tpu.memory_space<hbm>> -> memref<10000x128xf32, #tpu.memory_space<hbm>>
          tpu.wait_indirect_dma semaphore(%arg16 : memref<!tpu.dma_semaphore, #tpu.memory_space<semaphore_mem>>) src(%dma_wait3A_131 : memref<10000x128xf32, #tpu.memory_space<hbm>>) dst(%arg11 : memref<50x128xf32, #tpu.memory_space<vmem>>)
          %add3A_132 = arith.constant 1 : i32
          %add3A_133 = arith.addi %add3A_81, %add3A_132 : i32
          %add3A_134 = arith.constant 4 : i32
          %add3A_135 = arith.addi %add3A_133, %add3A_134 : i32
          %sub3A_136 = arith.constant 1 : i32
          %sub3A_137 = arith.subi %add3A_135, %sub3A_136 : i32
          %lt3A_138 = arith.constant 40 : i32
          %lt3A_139 = arith.cmpi slt, %sub3A_137, %lt3A_138 : i32
          %convert_element_type3A_140 = arith.extui %lt3A_139 : i1 to i32
          %cond3A_141 = arith.constant 0 : i32
          %cond3A_142 = arith.cmpi ne, %convert_element_type3A_140, %cond3A_141 : i32
          scf.if %cond3A_142 {
            %add3A_235 = arith.constant 1 : i32
            %add3A_236 = arith.addi %add3A_81, %add3A_235 : i32
            %add3A_237 = arith.constant 4 : i32
            %add3A_238 = arith.addi %add3A_236, %add3A_237 : i32
            %sub3A_239 = arith.constant 1 : i32
            %sub3A_240 = arith.subi %add3A_238, %sub3A_239 : i32
            %dma_start3A_241 = arith.constant 0 : i32
            %dma_start3A_242 = tpu.memref_slice %arg8[%sub3A_240, %dma_start3A_241] : memref<40x50xi32, #tpu.memory_space<vmem>> -> memref<1x50xi32, #tpu.memory_space<vmem>>
            %dma_start3A_243 = tpu.memref_squeeze %dma_start3A_242 : memref<1x50xi32, #tpu.memory_space<vmem>> -> memref<50xi32, #tpu.memory_space<vmem>>
            %dma_start3A_244 = arith.constant 0 : i32
            %dma_start3A_245 = arith.constant 0 : i32
            %dma_start3A_246 = tpu.memref_slice %arg2[%dma_start3A_244, %dma_start3A_245] : memref<10000x128xf32, #tpu.memory_space<hbm>> -> memref<10000x128xf32, #tpu.memory_space<hbm>>
            tpu.enqueue_indirect_dma source(%dma_start3A_246 : memref<10000x128xf32, #tpu.memory_space<hbm>>) target(%arg10 : memref<50x128xf32, #tpu.memory_space<vmem>>) offsets(%dma_start3A_243 : memref<50xi32, #tpu.memory_space<vmem>>) semaphore(%arg15 : memref<!tpu.dma_semaphore, #tpu.memory_space<semaphore_mem>>)
          } else {
          }
          %add3A_143 = arith.constant 1 : i32
          %add3A_144 = arith.addi %add3A_81, %add3A_143 : i32
          %add3A_145 = arith.constant 4 : i32
          %add3A_146 = arith.addi %add3A_144, %add3A_145 : i32
          %sub3A_147 = arith.constant 1 : i32
          %sub3A_148 = arith.subi %add3A_146, %sub3A_147 : i32
          %ge3A_149 = arith.constant 40 : i32
          %ge3A_150 = arith.cmpi sge, %sub3A_148, %ge3A_149 : i32
          %add3A_151 = arith.constant 1 : i32
          %add3A_152 = arith.addi %add3A_64, %add3A_151 : i32
          %lt3A_153 = arith.constant 5 : i32
          %lt3A_154 = arith.cmpi slt, %add3A_152, %lt3A_153 : i32
          %and3A_155 = arith.andi %ge3A_150, %lt3A_154 : i1
          %convert_element_type3A_156 = arith.extui %and3A_155 : i1 to i32
          %cond3A_157 = arith.constant 0 : i32
          %cond3A_158 = arith.cmpi ne, %convert_element_type3A_156, %cond3A_157 : i32
          scf.if %cond3A_158 {
            %add3A_235 = arith.constant 1 : i32
            %add3A_236 = arith.addi %add3A_81, %add3A_235 : i32
            %add3A_237 = arith.constant 4 : i32
            %add3A_238 = arith.addi %add3A_236, %add3A_237 : i32
            %sub3A_239 = arith.constant 1 : i32
            %sub3A_240 = arith.subi %add3A_238, %sub3A_239 : i32
            %sub3A_241 = arith.constant 40 : i32
            %sub3A_242 = arith.subi %sub3A_240, %sub3A_241 : i32
            %dma_start3A_243 = arith.constant 0 : i32
            %dma_start3A_244 = tpu.memref_slice %arg6[%sub3A_242, %dma_start3A_243] : memref<40x50xi32, #tpu.memory_space<vmem>> -> memref<1x50xi32, #tpu.memory_space<vmem>>
            %dma_start3A_245 = tpu.memref_squeeze %dma_start3A_244 : memref<1x50xi32, #tpu.memory_space<vmem>> -> memref<50xi32, #tpu.memory_space<vmem>>
            %dma_start3A_246 = arith.constant 0 : i32
            %dma_start3A_247 = arith.constant 0 : i32
            %dma_start3A_248 = tpu.memref_slice %arg2[%dma_start3A_246, %dma_start3A_247] : memref<10000x128xf32, #tpu.memory_space<hbm>> -> memref<10000x128xf32, #tpu.memory_space<hbm>>
            tpu.enqueue_indirect_dma source(%dma_start3A_248 : memref<10000x128xf32, #tpu.memory_space<hbm>>) target(%arg10 : memref<50x128xf32, #tpu.memory_space<vmem>>) offsets(%dma_start3A_245 : memref<50xi32, #tpu.memory_space<vmem>>) semaphore(%arg15 : memref<!tpu.dma_semaphore, #tpu.memory_space<semaphore_mem>>)
          } else {
          }
          %add3A_159 = arith.constant 1 : i32
          %add3A_160 = arith.addi %add3A_81, %add3A_159 : i32
          "tpu.region"() ({
            %run_scoped3A_235 = tpu.sem_alloc : memref<!tpu.dma_semaphore, #tpu.memory_space<semaphore_mem>>
            %dma_start3A_236 = arith.constant 0 : i32
            %dma_start3A_237 = tpu.memref_slice %arg9[%add3A_160, %dma_start3A_236] : memref<40x50xi32, #tpu.memory_space<vmem>> -> memref<1x50xi32, #tpu.memory_space<vmem>>
            %dma_start3A_238 = tpu.memref_squeeze %dma_start3A_237 : memref<1x50xi32, #tpu.memory_space<vmem>> -> memref<50xi32, #tpu.memory_space<vmem>>
            %dma_start3A_239 = arith.constant 0 : i32
            %dma_start3A_240 = arith.constant 0 : i32
            %dma_start3A_241 = tpu.memref_slice %arg14[%dma_start3A_239, %dma_start3A_240] : memref<10112x128xf32, #tpu.memory_space<vmem_shared>> -> memref<10112x128xf32, #tpu.memory_space<vmem_shared>>
            tpu.enqueue_indirect_dma source(%arg11 : memref<50x128xf32, #tpu.memory_space<vmem>>) target(%dma_start3A_241 : memref<10112x128xf32, #tpu.memory_space<vmem_shared>>) offsets(%dma_start3A_238 : memref<50xi32, #tpu.memory_space<vmem>>) semaphore(%run_scoped3A_235 : memref<!tpu.dma_semaphore, #tpu.memory_space<semaphore_mem>>) {add = true}
            %dma_wait3A_242 = arith.constant 0 : i32
            %dma_wait3A_243 = tpu.memref_slice %arg9[%add3A_160, %dma_wait3A_242] : memref<40x50xi32, #tpu.memory_space<vmem>> -> memref<1x50xi32, #tpu.memory_space<vmem>>
            %dma_wait3A_244 = tpu.memref_squeeze %dma_wait3A_243 : memref<1x50xi32, #tpu.memory_space<vmem>> -> memref<50xi32, #tpu.memory_space<vmem>>
            %dma_wait3A_245 = arith.constant 0 : i32
            %dma_wait3A_246 = arith.constant 0 : i32
            %dma_wait3A_247 = tpu.memref_slice %arg14[%dma_wait3A_245, %dma_wait3A_246] : memref<10112x128xf32, #tpu.memory_space<vmem_shared>> -> memref<10112x128xf32, #tpu.memory_space<vmem_shared>>
            tpu.wait_indirect_dma semaphore(%run_scoped3A_235 : memref<!tpu.dma_semaphore, #tpu.memory_space<semaphore_mem>>) src(%arg11 : memref<50x128xf32, #tpu.memory_space<vmem>>) dst(%dma_wait3A_247 : memref<10112x128xf32, #tpu.memory_space<vmem_shared>>)
            tpu.yield
          }) : () -> ()
          %add3A_161 = arith.constant 2 : i32
          %add3A_162 = arith.addi %add3A_81, %add3A_161 : i32
          %dma_wait3A_163 = arith.constant 0 : i32
          %dma_wait3A_164 = tpu.memref_slice %arg8[%add3A_162, %dma_wait3A_163] : memref<40x50xi32, #tpu.memory_space<vmem>> -> memref<1x50xi32, #tpu.memory_space<vmem>>
          %dma_wait3A_165 = tpu.memref_squeeze %dma_wait3A_164 : memref<1x50xi32, #tpu.memory_space<vmem>> -> memref<50xi32, #tpu.memory_space<vmem>>
          %dma_wait3A_166 = arith.constant 0 : i32
          %dma_wait3A_167 = arith.constant 0 : i32
          %dma_wait3A_168 = tpu.memref_slice %arg2[%dma_wait3A_166, %dma_wait3A_167] : memref<10000x128xf32, #tpu.memory_space<hbm>> -> memref<10000x128xf32, #tpu.memory_space<hbm>>
          tpu.wait_indirect_dma semaphore(%arg17 : memref<!tpu.dma_semaphore, #tpu.memory_space<semaphore_mem>>) src(%dma_wait3A_168 : memref<10000x128xf32, #tpu.memory_space<hbm>>) dst(%arg12 : memref<50x128xf32, #tpu.memory_space<vmem>>)
          %add3A_169 = arith.constant 2 : i32
          %add3A_170 = arith.addi %add3A_81, %add3A_169 : i32
          %add3A_171 = arith.constant 4 : i32
          %add3A_172 = arith.addi %add3A_170, %add3A_171 : i32
          %sub3A_173 = arith.constant 1 : i32
          %sub3A_174 = arith.subi %add3A_172, %sub3A_173 : i32
          %lt3A_175 = arith.constant 40 : i32
          %lt3A_176 = arith.cmpi slt, %sub3A_174, %lt3A_175 : i32
          %convert_element_type3A_177 = arith.extui %lt3A_176 : i1 to i32
          %cond3A_178 = arith.constant 0 : i32
          %cond3A_179 = arith.cmpi ne, %convert_element_type3A_177, %cond3A_178 : i32
          scf.if %cond3A_179 {
            %add3A_235 = arith.constant 2 : i32
            %add3A_236 = arith.addi %add3A_81, %add3A_235 : i32
            %add3A_237 = arith.constant 4 : i32
            %add3A_238 = arith.addi %add3A_236, %add3A_237 : i32
            %sub3A_239 = arith.constant 1 : i32
            %sub3A_240 = arith.subi %add3A_238, %sub3A_239 : i32
            %dma_start3A_241 = arith.constant 0 : i32
            %dma_start3A_242 = tpu.memref_slice %arg8[%sub3A_240, %dma_start3A_241] : memref<40x50xi32, #tpu.memory_space<vmem>> -> memref<1x50xi32, #tpu.memory_space<vmem>>
            %dma_start3A_243 = tpu.memref_squeeze %dma_start3A_242 : memref<1x50xi32, #tpu.memory_space<vmem>> -> memref<50xi32, #tpu.memory_space<vmem>>
            %dma_start3A_244 = arith.constant 0 : i32
            %dma_start3A_245 = arith.constant 0 : i32
            %dma_start3A_246 = tpu.memref_slice %arg2[%dma_start3A_244, %dma_start3A_245] : memref<10000x128xf32, #tpu.memory_space<hbm>> -> memref<10000x128xf32, #tpu.memory_space<hbm>>
            tpu.enqueue_indirect_dma source(%dma_start3A_246 : memref<10000x128xf32, #tpu.memory_space<hbm>>) target(%arg11 : memref<50x128xf32, #tpu.memory_space<vmem>>) offsets(%dma_start3A_243 : memref<50xi32, #tpu.memory_space<vmem>>) semaphore(%arg16 : memref<!tpu.dma_semaphore, #tpu.memory_space<semaphore_mem>>)
          } else {
          }
          %add3A_180 = arith.constant 2 : i32
          %add3A_181 = arith.addi %add3A_81, %add3A_180 : i32
          %add3A_182 = arith.constant 4 : i32
          %add3A_183 = arith.addi %add3A_181, %add3A_182 : i32
          %sub3A_184 = arith.constant 1 : i32
          %sub3A_185 = arith.subi %add3A_183, %sub3A_184 : i32
          %ge3A_186 = arith.constant 40 : i32
          %ge3A_187 = arith.cmpi sge, %sub3A_185, %ge3A_186 : i32
          %add3A_188 = arith.constant 1 : i32
          %add3A_189 = arith.addi %add3A_64, %add3A_188 : i32
          %lt3A_190 = arith.constant 5 : i32
          %lt3A_191 = arith.cmpi slt, %add3A_189, %lt3A_190 : i32
          %and3A_192 = arith.andi %ge3A_187, %lt3A_191 : i1
          %convert_element_type3A_193 = arith.extui %and3A_192 : i1 to i32
          %cond3A_194 = arith.constant 0 : i32
          %cond3A_195 = arith.cmpi ne, %convert_element_type3A_193, %cond3A_194 : i32
          scf.if %cond3A_195 {
            %add3A_235 = arith.constant 2 : i32
            %add3A_236 = arith.addi %add3A_81, %add3A_235 : i32
            %add3A_237 = arith.constant 4 : i32
            %add3A_238 = arith.addi %add3A_236, %add3A_237 : i32
            %sub3A_239 = arith.constant 1 : i32
            %sub3A_240 = arith.subi %add3A_238, %sub3A_239 : i32
            %sub3A_241 = arith.constant 40 : i32
            %sub3A_242 = arith.subi %sub3A_240, %sub3A_241 : i32
            %dma_start3A_243 = arith.constant 0 : i32
            %dma_start3A_244 = tpu.memref_slice %arg6[%sub3A_242, %dma_start3A_243] : memref<40x50xi32, #tpu.memory_space<vmem>> -> memref<1x50xi32, #tpu.memory_space<vmem>>
            %dma_start3A_245 = tpu.memref_squeeze %dma_start3A_244 : memref<1x50xi32, #tpu.memory_space<vmem>> -> memref<50xi32, #tpu.memory_space<vmem>>
            %dma_start3A_246 = arith.constant 0 : i32
            %dma_start3A_247 = arith.constant 0 : i32
            %dma_start3A_248 = tpu.memref_slice %arg2[%dma_start3A_246, %dma_start3A_247] : memref<10000x128xf32, #tpu.memory_space<hbm>> -> memref<10000x128xf32, #tpu.memory_space<hbm>>
            tpu.enqueue_indirect_dma source(%dma_start3A_248 : memref<10000x128xf32, #tpu.memory_space<hbm>>) target(%arg11 : memref<50x128xf32, #tpu.memory_space<vmem>>) offsets(%dma_start3A_245 : memref<50xi32, #tpu.memory_space<vmem>>) semaphore(%arg16 : memref<!tpu.dma_semaphore, #tpu.memory_space<semaphore_mem>>)
          } else {
          }
          %add3A_196 = arith.constant 2 : i32
          %add3A_197 = arith.addi %add3A_81, %add3A_196 : i32
          "tpu.region"() ({
            %run_scoped3A_235 = tpu.sem_alloc : memref<!tpu.dma_semaphore, #tpu.memory_space<semaphore_mem>>
            %dma_start3A_236 = arith.constant 0 : i32
            %dma_start3A_237 = tpu.memref_slice %arg9[%add3A_197, %dma_start3A_236] : memref<40x50xi32, #tpu.memory_space<vmem>> -> memref<1x50xi32, #tpu.memory_space<vmem>>
            %dma_start3A_238 = tpu.memref_squeeze %dma_start3A_237 : memref<1x50xi32, #tpu.memory_space<vmem>> -> memref<50xi32, #tpu.memory_space<vmem>>
            %dma_start3A_239 = arith.constant 0 : i32
            %dma_start3A_240 = arith.constant 0 : i32
            %dma_start3A_241 = tpu.memref_slice %arg14[%dma_start3A_239, %dma_start3A_240] : memref<10112x128xf32, #tpu.memory_space<vmem_shared>> -> memref<10112x128xf32, #tpu.memory_space<vmem_shared>>
            tpu.enqueue_indirect_dma source(%arg12 : memref<50x128xf32, #tpu.memory_space<vmem>>) target(%dma_start3A_241 : memref<10112x128xf32, #tpu.memory_space<vmem_shared>>) offsets(%dma_start3A_238 : memref<50xi32, #tpu.memory_space<vmem>>) semaphore(%run_scoped3A_235 : memref<!tpu.dma_semaphore, #tpu.memory_space<semaphore_mem>>) {add = true}
            %dma_wait3A_242 = arith.constant 0 : i32
            %dma_wait3A_243 = tpu.memref_slice %arg9[%add3A_197, %dma_wait3A_242] : memref<40x50xi32, #tpu.memory_space<vmem>> -> memref<1x50xi32, #tpu.memory_space<vmem>>
            %dma_wait3A_244 = tpu.memref_squeeze %dma_wait3A_243 : memref<1x50xi32, #tpu.memory_space<vmem>> -> memref<50xi32, #tpu.memory_space<vmem>>
            %dma_wait3A_245 = arith.constant 0 : i32
            %dma_wait3A_246 = arith.constant 0 : i32
            %dma_wait3A_247 = tpu.memref_slice %arg14[%dma_wait3A_245, %dma_wait3A_246] : memref<10112x128xf32, #tpu.memory_space<vmem_shared>> -> memref<10112x128xf32, #tpu.memory_space<vmem_shared>>
            tpu.wait_indirect_dma semaphore(%run_scoped3A_235 : memref<!tpu.dma_semaphore, #tpu.memory_space<semaphore_mem>>) src(%arg12 : memref<50x128xf32, #tpu.memory_space<vmem>>) dst(%dma_wait3A_247 : memref<10112x128xf32, #tpu.memory_space<vmem_shared>>)
            tpu.yield
          }) : () -> ()
          %add3A_198 = arith.constant 3 : i32
          %add3A_199 = arith.addi %add3A_81, %add3A_198 : i32
          %dma_wait3A_200 = arith.constant 0 : i32
          %dma_wait3A_201 = tpu.memref_slice %arg8[%add3A_199, %dma_wait3A_200] : memref<40x50xi32, #tpu.memory_space<vmem>> -> memref<1x50xi32, #tpu.memory_space<vmem>>
          %dma_wait3A_202 = tpu.memref_squeeze %dma_wait3A_201 : memref<1x50xi32, #tpu.memory_space<vmem>> -> memref<50xi32, #tpu.memory_space<vmem>>
          %dma_wait3A_203 = arith.constant 0 : i32
          %dma_wait3A_204 = arith.constant 0 : i32
          %dma_wait3A_205 = tpu.memref_slice %arg2[%dma_wait3A_203, %dma_wait3A_204] : memref<10000x128xf32, #tpu.memory_space<hbm>> -> memref<10000x128xf32, #tpu.memory_space<hbm>>
          tpu.wait_indirect_dma semaphore(%arg18 : memref<!tpu.dma_semaphore, #tpu.memory_space<semaphore_mem>>) src(%dma_wait3A_205 : memref<10000x128xf32, #tpu.memory_space<hbm>>) dst(%arg13 : memref<50x128xf32, #tpu.memory_space<vmem>>)
          %add3A_206 = arith.constant 3 : i32
          %add3A_207 = arith.addi %add3A_81, %add3A_206 : i32
          %add3A_208 = arith.constant 4 : i32
          %add3A_209 = arith.addi %add3A_207, %add3A_208 : i32
          %sub3A_210 = arith.constant 1 : i32
          %sub3A_211 = arith.subi %add3A_209, %sub3A_210 : i32
          %lt3A_212 = arith.constant 40 : i32
          %lt3A_213 = arith.cmpi slt, %sub3A_211, %lt3A_212 : i32
          %convert_element_type3A_214 = arith.extui %lt3A_213 : i1 to i32
          %cond3A_215 = arith.constant 0 : i32
          %cond3A_216 = arith.cmpi ne, %convert_element_type3A_214, %cond3A_215 : i32
          scf.if %cond3A_216 {
            %add3A_235 = arith.constant 3 : i32
            %add3A_236 = arith.addi %add3A_81, %add3A_235 : i32
            %add3A_237 = arith.constant 4 : i32
            %add3A_238 = arith.addi %add3A_236, %add3A_237 : i32
            %sub3A_239 = arith.constant 1 : i32
            %sub3A_240 = arith.subi %add3A_238, %sub3A_239 : i32
            %dma_start3A_241 = arith.constant 0 : i32
            %dma_start3A_242 = tpu.memref_slice %arg8[%sub3A_240, %dma_start3A_241] : memref<40x50xi32, #tpu.memory_space<vmem>> -> memref<1x50xi32, #tpu.memory_space<vmem>>
            %dma_start3A_243 = tpu.memref_squeeze %dma_start3A_242 : memref<1x50xi32, #tpu.memory_space<vmem>> -> memref<50xi32, #tpu.memory_space<vmem>>
            %dma_start3A_244 = arith.constant 0 : i32
            %dma_start3A_245 = arith.constant 0 : i32
            %dma_start3A_246 = tpu.memref_slice %arg2[%dma_start3A_244, %dma_start3A_245] : memref<10000x128xf32, #tpu.memory_space<hbm>> -> memref<10000x128xf32, #tpu.memory_space<hbm>>
            tpu.enqueue_indirect_dma source(%dma_start3A_246 : memref<10000x128xf32, #tpu.memory_space<hbm>>) target(%arg12 : memref<50x128xf32, #tpu.memory_space<vmem>>) offsets(%dma_start3A_243 : memref<50xi32, #tpu.memory_space<vmem>>) semaphore(%arg17 : memref<!tpu.dma_semaphore, #tpu.memory_space<semaphore_mem>>)
          } else {
          }
          %add3A_217 = arith.constant 3 : i32
          %add3A_218 = arith.addi %add3A_81, %add3A_217 : i32
          %add3A_219 = arith.constant 4 : i32
          %add3A_220 = arith.addi %add3A_218, %add3A_219 : i32
          %sub3A_221 = arith.constant 1 : i32
          %sub3A_222 = arith.subi %add3A_220, %sub3A_221 : i32
          %ge3A_223 = arith.constant 40 : i32
          %ge3A_224 = arith.cmpi sge, %sub3A_222, %ge3A_223 : i32
          %add3A_225 = arith.constant 1 : i32
          %add3A_226 = arith.addi %add3A_64, %add3A_225 : i32
          %lt3A_227 = arith.constant 5 : i32
          %lt3A_228 = arith.cmpi slt, %add3A_226, %lt3A_227 : i32
          %and3A_229 = arith.andi %ge3A_224, %lt3A_228 : i1
          %convert_element_type3A_230 = arith.extui %and3A_229 : i1 to i32
          %cond3A_231 = arith.constant 0 : i32
          %cond3A_232 = arith.cmpi ne, %convert_element_type3A_230, %cond3A_231 : i32
          scf.if %cond3A_232 {
            %add3A_235 = arith.constant 3 : i32
            %add3A_236 = arith.addi %add3A_81, %add3A_235 : i32
            %add3A_237 = arith.constant 4 : i32
            %add3A_238 = arith.addi %add3A_236, %add3A_237 : i32
            %sub3A_239 = arith.constant 1 : i32
            %sub3A_240 = arith.subi %add3A_238, %sub3A_239 : i32
            %sub3A_241 = arith.constant 40 : i32
            %sub3A_242 = arith.subi %sub3A_240, %sub3A_241 : i32
            %dma_start3A_243 = arith.constant 0 : i32
            %dma_start3A_244 = tpu.memref_slice %arg6[%sub3A_242, %dma_start3A_243] : memref<40x50xi32, #tpu.memory_space<vmem>> -> memref<1x50xi32, #tpu.memory_space<vmem>>
            %dma_start3A_245 = tpu.memref_squeeze %dma_start3A_244 : memref<1x50xi32, #tpu.memory_space<vmem>> -> memref<50xi32, #tpu.memory_space<vmem>>
            %dma_start3A_246 = arith.constant 0 : i32
            %dma_start3A_247 = arith.constant 0 : i32
            %dma_start3A_248 = tpu.memref_slice %arg2[%dma_start3A_246, %dma_start3A_247] : memref<10000x128xf32, #tpu.memory_space<hbm>> -> memref<10000x128xf32, #tpu.memory_space<hbm>>
            tpu.enqueue_indirect_dma source(%dma_start3A_248 : memref<10000x128xf32, #tpu.memory_space<hbm>>) target(%arg12 : memref<50x128xf32, #tpu.memory_space<vmem>>) offsets(%dma_start3A_245 : memref<50xi32, #tpu.memory_space<vmem>>) semaphore(%arg17 : memref<!tpu.dma_semaphore, #tpu.memory_space<semaphore_mem>>)
          } else {
          }
          %add3A_233 = arith.constant 3 : i32
          %add3A_234 = arith.addi %add3A_81, %add3A_233 : i32
          "tpu.region"() ({
            %run_scoped3A_235 = tpu.sem_alloc : memref<!tpu.dma_semaphore, #tpu.memory_space<semaphore_mem>>
            %dma_start3A_236 = arith.constant 0 : i32
            %dma_start3A_237 = tpu.memref_slice %arg9[%add3A_234, %dma_start3A_236] : memref<40x50xi32, #tpu.memory_space<vmem>> -> memref<1x50xi32, #tpu.memory_space<vmem>>
            %dma_start3A_238 = tpu.memref_squeeze %dma_start3A_237 : memref<1x50xi32, #tpu.memory_space<vmem>> -> memref<50xi32, #tpu.memory_space<vmem>>
            %dma_start3A_239 = arith.constant 0 : i32
            %dma_start3A_240 = arith.constant 0 : i32
            %dma_start3A_241 = tpu.memref_slice %arg14[%dma_start3A_239, %dma_start3A_240] : memref<10112x128xf32, #tpu.memory_space<vmem_shared>> -> memref<10112x128xf32, #tpu.memory_space<vmem_shared>>
            tpu.enqueue_indirect_dma source(%arg13 : memref<50x128xf32, #tpu.memory_space<vmem>>) target(%dma_start3A_241 : memref<10112x128xf32, #tpu.memory_space<vmem_shared>>) offsets(%dma_start3A_238 : memref<50xi32, #tpu.memory_space<vmem>>) semaphore(%run_scoped3A_235 : memref<!tpu.dma_semaphore, #tpu.memory_space<semaphore_mem>>) {add = true}
            %dma_wait3A_242 = arith.constant 0 : i32
            %dma_wait3A_243 = tpu.memref_slice %arg9[%add3A_234, %dma_wait3A_242] : memref<40x50xi32, #tpu.memory_space<vmem>> -> memref<1x50xi32, #tpu.memory_space<vmem>>
            %dma_wait3A_244 = tpu.memref_squeeze %dma_wait3A_243 : memref<1x50xi32, #tpu.memory_space<vmem>> -> memref<50xi32, #tpu.memory_space<vmem>>
            %dma_wait3A_245 = arith.constant 0 : i32
            %dma_wait3A_246 = arith.constant 0 : i32
            %dma_wait3A_247 = tpu.memref_slice %arg14[%dma_wait3A_245, %dma_wait3A_246] : memref<10112x128xf32, #tpu.memory_space<vmem_shared>> -> memref<10112x128xf32, #tpu.memory_space<vmem_shared>>
            tpu.wait_indirect_dma semaphore(%run_scoped3A_235 : memref<!tpu.dma_semaphore, #tpu.memory_space<semaphore_mem>>) src(%arg13 : memref<50x128xf32, #tpu.memory_space<vmem>>) dst(%dma_wait3A_247 : memref<10112x128xf32, #tpu.memory_space<vmem_shared>>)
            tpu.yield
          }) : () -> ()
        }
        %scan3A_76 = arith.constant 10 : i32
      } else {
      }
    }
    %scan3A_36 = arith.constant 3 : i32
    %barrier3A_37 = arith.constant 0 : index
    tpu.barrier barrier_id(%barrier3A_37)
    %mul3A_38 = arith.constant 632 : i32
    %mul3A_39 = arith.muli %arg1, %mul3A_38 : i32
    %mul3A_40 = arith.constant 632 : i32
    %mul3A_41 = arith.muli %arg1, %mul3A_40 : i32
    "tpu.region"() ({
      %run_scoped3A_42 = tpu.sem_alloc : memref<!tpu.dma_semaphore, #tpu.memory_space<semaphore_mem>>
      %dma_start3A_43 = arith.constant 0 : i32
      %dma_start3A_44 = tpu.memref_slice %arg5[%arg0, %mul3A_41, %dma_start3A_43] : memref<2x10112x128xf32, #tpu.memory_space<hbm>> -> memref<1x632x128xf32, #tpu.memory_space<hbm>>
      %dma_start3A_45 = tpu.memref_squeeze %dma_start3A_44 : memref<1x632x128xf32, #tpu.memory_space<hbm>> -> memref<632x128xf32, #tpu.memory_space<hbm>>
      %dma_start3A_46 = arith.constant 0 : i32
      %dma_start3A_47 = tpu.memref_slice %arg14[%mul3A_39, %dma_start3A_46] : memref<10112x128xf32, #tpu.memory_space<vmem_shared>> -> memref<632x128xf32, #tpu.memory_space<vmem_shared>>
      tpu.enqueue_dma source(%dma_start3A_47 : memref<632x128xf32, #tpu.memory_space<vmem_shared>>) target(%dma_start3A_45 : memref<632x128xf32, #tpu.memory_space<hbm>>) target_semaphore(%run_scoped3A_42 : memref<!tpu.dma_semaphore, #tpu.memory_space<semaphore_mem>>)
      %dma_wait3A = arith.constant 0 : i32
      %dma_wait3A_48 = tpu.memref_slice %arg5[%arg0, %mul3A_41, %dma_wait3A] : memref<2x10112x128xf32, #tpu.memory_space<hbm>> -> memref<1x632x128xf32, #tpu.memory_space<hbm>>
      %dma_wait3A_49 = tpu.memref_squeeze %dma_wait3A_48 : memref<1x632x128xf32, #tpu.memory_space<hbm>> -> memref<632x128xf32, #tpu.memory_space<hbm>>
      %dma_wait3A_50 = arith.constant 0 : i32
      %dma_wait3A_51 = tpu.memref_slice %arg14[%mul3A_39, %dma_wait3A_50] : memref<10112x128xf32, #tpu.memory_space<vmem_shared>> -> memref<632x128xf32, #tpu.memory_space<vmem_shared>>
      tpu.wait_dma2 semaphore(%run_scoped3A_42 : memref<!tpu.dma_semaphore, #tpu.memory_space<semaphore_mem>>) src(%dma_wait3A_51 : memref<632x128xf32, #tpu.memory_space<vmem_shared>>) dst(%dma_wait3A_49 : memref<632x128xf32, #tpu.memory_space<hbm>>)
      tpu.yield
    }) : () -> ()
    return
  }
}

module attributes {stable_mosaic.version = 14 : i64} {
  func.func @_tc_first_body(%arg0: i32, %arg1: memref<5000x128xf32, #tpu.memory_space<vmem>>, %arg2: memref<128x128xf32, #tpu.memory_space<vmem>>, %arg3: memref<5000x1xf32, #tpu.memory_space<vmem>>, %arg4: memref<5000x1xf32, #tpu.memory_space<vmem>>, %arg5: memref<5000x128xf32, #tpu.memory_space<vmem>>, %arg6: memref<5000x1xf32, #tpu.memory_space<vmem>>) attributes {dimension_semantics = [#tpu.dimension_semantics<arbitrary>], iteration_bounds = array<i64: 2>, scalar_prefetch = 0 : i64, scratch_operands = 0 : i64, tpu.core_type = #tpu.core_type<tc>, window_params = [{transform_indices = @transform_0, window_bounds = array<i64: 5000, 128>}, {pipeline_mode = #tpu.pipeline_mode<synchronous>, transform_indices = @transform_1, window_bounds = array<i64: 128, 128>}, {transform_indices = @transform_2, window_bounds = array<i64: 5000, 1>}, {transform_indices = @transform_3, window_bounds = array<i64: 5000, 1>}, {transform_indices = @transform_4, window_bounds = array<i64: 5000, 128>}, {transform_indices = @transform_5, window_bounds = array<i64: 5000, 1>}]} {
    %get3A = arith.constant 0 : index
    %get3A_0 = arith.constant 0 : index
    %get3A_1 = vector.load %arg3[%get3A, %get3A_0] : memref<5000x1xf32, #tpu.memory_space<vmem>>, vector<5000x1xf32>
    %get3A_2 = arith.constant 0 : index
    %get3A_3 = arith.constant 0 : index
    %get3A_4 = vector.load %arg4[%get3A_2, %get3A_3] : memref<5000x1xf32, #tpu.memory_space<vmem>>, vector<5000x1xf32>
    %add3A = arith.addf %get3A_1, %get3A_4 : vector<5000x1xf32>
    %add3A_5 = arith.constant 1.000000e+00 : f32
    %add3A_6 = vector.broadcast %add3A_5 : f32 to vector<5000x1xf32>
    %add3A_7 = arith.addf %add3A, %add3A_6 : vector<5000x1xf32>
    %rsqrt3A = math.rsqrt %add3A_7 : vector<5000x1xf32>
    %get3A_8 = arith.constant 0 : index
    %get3A_9 = arith.constant 0 : index
    %get3A_10 = vector.load %arg1[%get3A_8, %get3A_9] : memref<5000x128xf32, #tpu.memory_space<vmem>>, vector<5000x128xf32>
    %get3A_11 = arith.constant 0 : index
    %get3A_12 = arith.constant 0 : index
    %get3A_13 = vector.load %arg2[%get3A_11, %get3A_12] : memref<128x128xf32, #tpu.memory_space<vmem>>, vector<128x128xf32>
    %dot_general3A = arith.constant dense<0.000000e+00> : vector<5000x128xf32>
    %dot_general3A_14 = tpu.matmul %get3A_10, %get3A_13, %dot_general3A {dimension_numbers = #tpu.dot_dimension_numbers<[1], [0], [0], [1], [0, 0, 1, 1], [], []>, transpose_lhs_hint = false} : vector<5000x128xf32>, vector<128x128xf32>, vector<5000x128xf32> -> vector<5000x128xf32>
    %mul3A = vector.broadcast %rsqrt3A : vector<5000x1xf32> to vector<5000x128xf32>
    %mul3A_15 = arith.mulf %dot_general3A_14, %mul3A : vector<5000x128xf32>
    %swap3A = arith.constant 0 : index
    %swap3A_16 = arith.constant 0 : index
    %swap3A_17 = vector.load %arg5[%swap3A, %swap3A_16] : memref<5000x128xf32, #tpu.memory_space<vmem>>, vector<5000x128xf32>
    tpu.vector_store %arg5[%swap3A, %swap3A_16], %mul3A_15 {strides = array<i32>} : memref<5000x128xf32, #tpu.memory_space<vmem>>, vector<5000x128xf32>,
    %swap3A_18 = arith.constant 0 : index
    %swap3A_19 = arith.constant 0 : index
    %swap3A_20 = vector.load %arg6[%swap3A_18, %swap3A_19] : memref<5000x1xf32, #tpu.memory_space<vmem>>, vector<5000x1xf32>
    tpu.vector_store %arg6[%swap3A_18, %swap3A_19], %rsqrt3A {strides = array<i32>} : memref<5000x1xf32, #tpu.memory_space<vmem>>, vector<5000x1xf32>,
    return
  }
  func.func @transform_0(%arg0: i32) -> (i32, i32) {
    %c0_i32 = arith.constant 0 : i32
    %c0_i32_0 = arith.constant 0 : i32
    return %arg0, %c0_i32 : i32, i32
  }
  func.func @transform_1(%arg0: i32) -> (i32, i32) {
    %c0_i32 = arith.constant 0 : i32
    %c0_i32_0 = arith.constant 0 : i32
    %c0_i32_1 = arith.constant 0 : i32
    return %c0_i32, %c0_i32_0 : i32, i32
  }
  func.func @transform_2(%arg0: i32) -> (i32, i32) {
    %c0_i32 = arith.constant 0 : i32
    %c0_i32_0 = arith.constant 0 : i32
    return %arg0, %c0_i32 : i32, i32
  }
  func.func @transform_3(%arg0: i32) -> (i32, i32) {
    %c0_i32 = arith.constant 0 : i32
    %c0_i32_0 = arith.constant 0 : i32
    return %arg0, %c0_i32 : i32, i32
  }
  func.func @transform_4(%arg0: i32) -> (i32, i32) {
    %c0_i32 = arith.constant 0 : i32
    %c0_i32_0 = arith.constant 0 : i32
    return %arg0, %c0_i32 : i32, i32
  }
  func.func @transform_5(%arg0: i32) -> (i32, i32) {
    %c0_i32 = arith.constant 0 : i32
    %c0_i32_0 = arith.constant 0 : i32
    return %arg0, %c0_i32 : i32, i32
  }
}

module attributes {stable_mosaic.version = 14 : i64} {
  func.func @_tc_mid_body(%arg0: i32, %arg1: memref<2x5000x128xf32, #tpu.memory_space<vmem>>, %arg2: memref<5000x128xf32, #tpu.memory_space<vmem>>, %arg3: memref<5000x1xf32, #tpu.memory_space<vmem>>, %arg4: memref<1x128xf32, #tpu.memory_space<vmem>>, %arg5: memref<128x128xf32, #tpu.memory_space<vmem>>, %arg6: memref<5000x128xf32, #tpu.memory_space<vmem>>) attributes {dimension_semantics = [#tpu.dimension_semantics<arbitrary>], iteration_bounds = array<i64: 2>, scalar_prefetch = 0 : i64, scratch_operands = 0 : i64, tpu.core_type = #tpu.core_type<tc>, window_params = [{transform_indices = @transform_0, window_bounds = array<i64: 2, 5000, 128>}, {transform_indices = @transform_1, window_bounds = array<i64: 5000, 128>}, {transform_indices = @transform_2, window_bounds = array<i64: 5000, 1>}, {pipeline_mode = #tpu.pipeline_mode<synchronous>, transform_indices = @transform_3, window_bounds = array<i64: 1, 128>}, {pipeline_mode = #tpu.pipeline_mode<synchronous>, transform_indices = @transform_4, window_bounds = array<i64: 128, 128>}, {transform_indices = @transform_5, window_bounds = array<i64: 5000, 128>}]} {
    %get3A = arith.constant 0 : index
    %get3A_0 = arith.constant 0 : index
    %get3A_1 = vector.load %arg3[%get3A, %get3A_0] : memref<5000x1xf32, #tpu.memory_space<vmem>>, vector<5000x1xf32>
    %get3A_2 = arith.constant 0 : index
    %get3A_3 = arith.constant 0 : index
    %get3A_4 = arith.constant 0 : index
    %get3A_5 = vector.load %arg1[%get3A_2, %get3A_3, %get3A_4] : memref<2x5000x128xf32, #tpu.memory_space<vmem>>, vector<1x5000x128xf32>
    %get3A_6 = vector.shape_cast %get3A_5 : vector<1x5000x128xf32> to vector<5000x128xf32>
    %get3A_7 = arith.constant 1 : index
    %get3A_8 = arith.constant 0 : index
    %get3A_9 = arith.constant 0 : index
    %get3A_10 = vector.load %arg1[%get3A_7, %get3A_8, %get3A_9] : memref<2x5000x128xf32, #tpu.memory_space<vmem>>, vector<1x5000x128xf32>
    %get3A_11 = vector.shape_cast %get3A_10 : vector<1x5000x128xf32> to vector<5000x128xf32>
    %add3A = arith.addf %get3A_6, %get3A_11 : vector<5000x128xf32>
    %get3A_12 = arith.constant 0 : index
    %get3A_13 = arith.constant 0 : index
    %get3A_14 = vector.load %arg2[%get3A_12, %get3A_13] : memref<5000x128xf32, #tpu.memory_space<vmem>>, vector<5000x128xf32>
    %add3A_15 = arith.addf %add3A, %get3A_14 : vector<5000x128xf32>
    %mul3A = vector.broadcast %get3A_1 : vector<5000x1xf32> to vector<5000x128xf32>
    %mul3A_16 = arith.mulf %mul3A, %add3A_15 : vector<5000x128xf32>
    %get3A_17 = arith.constant 0 : index
    %get3A_18 = arith.constant 0 : index
    %get3A_19 = vector.load %arg4[%get3A_17, %get3A_18] : memref<1x128xf32, #tpu.memory_space<vmem>>, vector<1x128xf32>
    %add3A_20 = vector.broadcast %get3A_19 : vector<1x128xf32> to vector<5000x128xf32>
    %add3A_21 = arith.addf %mul3A_16, %add3A_20 : vector<5000x128xf32>
    %max3A = arith.constant 0.000000e+00 : f32
    %max3A_22 = vector.broadcast %max3A : f32 to vector<5000x128xf32>
    %max3A_23 = arith.maximumf %add3A_21, %max3A_22 : vector<5000x128xf32>
    %get3A_24 = arith.constant 0 : index
    %get3A_25 = arith.constant 0 : index
    %get3A_26 = vector.load %arg5[%get3A_24, %get3A_25] : memref<128x128xf32, #tpu.memory_space<vmem>>, vector<128x128xf32>
    %dot_general3A = arith.constant dense<0.000000e+00> : vector<5000x128xf32>
    %dot_general3A_27 = tpu.matmul %max3A_23, %get3A_26, %dot_general3A {dimension_numbers = #tpu.dot_dimension_numbers<[1], [0], [0], [1], [0, 0, 1, 1], [], []>, transpose_lhs_hint = false} : vector<5000x128xf32>, vector<128x128xf32>, vector<5000x128xf32> -> vector<5000x128xf32>
    %mul3A_28 = vector.broadcast %get3A_1 : vector<5000x1xf32> to vector<5000x128xf32>
    %mul3A_29 = arith.mulf %dot_general3A_27, %mul3A_28 : vector<5000x128xf32>
    %swap3A = arith.constant 0 : index
    %swap3A_30 = arith.constant 0 : index
    %swap3A_31 = vector.load %arg6[%swap3A, %swap3A_30] : memref<5000x128xf32, #tpu.memory_space<vmem>>, vector<5000x128xf32>
    tpu.vector_store %arg6[%swap3A, %swap3A_30], %mul3A_29 {strides = array<i32>} : memref<5000x128xf32, #tpu.memory_space<vmem>>, vector<5000x128xf32>,
    return
  }
  func.func @transform_0(%arg0: i32) -> (i32, i32, i32) {
    %c0_i32 = arith.constant 0 : i32
    %c0_i32_0 = arith.constant 0 : i32
    %c0_i32_1 = arith.constant 0 : i32
    return %c0_i32, %arg0, %c0_i32_0 : i32, i32, i32
  }
  func.func @transform_1(%arg0: i32) -> (i32, i32) {
    %c0_i32 = arith.constant 0 : i32
    %c0_i32_0 = arith.constant 0 : i32
    return %arg0, %c0_i32 : i32, i32
  }
  func.func @transform_2(%arg0: i32) -> (i32, i32) {
    %c0_i32 = arith.constant 0 : i32
    %c0_i32_0 = arith.constant 0 : i32
    return %arg0, %c0_i32 : i32, i32
  }
  func.func @transform_3(%arg0: i32) -> (i32, i32) {
    %c0_i32 = arith.constant 0 : i32
    %c0_i32_0 = arith.constant 0 : i32
    %c0_i32_1 = arith.constant 0 : i32
    return %c0_i32, %c0_i32_0 : i32, i32
  }
  func.func @transform_4(%arg0: i32) -> (i32, i32) {
    %c0_i32 = arith.constant 0 : i32
    %c0_i32_0 = arith.constant 0 : i32
    %c0_i32_1 = arith.constant 0 : i32
    return %c0_i32, %c0_i32_0 : i32, i32
  }
  func.func @transform_5(%arg0: i32) -> (i32, i32) {
    %c0_i32 = arith.constant 0 : i32
    %c0_i32_0 = arith.constant 0 : i32
    return %arg0, %c0_i32 : i32, i32
  }
}

module attributes {stable_mosaic.version = 14 : i64} {
  func.func @_tc_last_body(%arg0: i32, %arg1: memref<2x5000x128xf32, #tpu.memory_space<vmem>>, %arg2: memref<5000x128xf32, #tpu.memory_space<vmem>>, %arg3: memref<5000x1xf32, #tpu.memory_space<vmem>>, %arg4: memref<1x128xf32, #tpu.memory_space<vmem>>, %arg5: memref<5000x128xf32, #tpu.memory_space<vmem>>) attributes {dimension_semantics = [#tpu.dimension_semantics<arbitrary>], iteration_bounds = array<i64: 2>, scalar_prefetch = 0 : i64, scratch_operands = 0 : i64, tpu.core_type = #tpu.core_type<tc>, window_params = [{transform_indices = @transform_0, window_bounds = array<i64: 2, 5000, 128>}, {transform_indices = @transform_1, window_bounds = array<i64: 5000, 128>}, {transform_indices = @transform_2, window_bounds = array<i64: 5000, 1>}, {pipeline_mode = #tpu.pipeline_mode<synchronous>, transform_indices = @transform_3, window_bounds = array<i64: 1, 128>}, {transform_indices = @transform_4, window_bounds = array<i64: 5000, 128>}]} {
    %get3A = arith.constant 0 : index
    %get3A_0 = arith.constant 0 : index
    %get3A_1 = vector.load %arg3[%get3A, %get3A_0] : memref<5000x1xf32, #tpu.memory_space<vmem>>, vector<5000x1xf32>
    %get3A_2 = arith.constant 0 : index
    %get3A_3 = arith.constant 0 : index
    %get3A_4 = arith.constant 0 : index
    %get3A_5 = vector.load %arg1[%get3A_2, %get3A_3, %get3A_4] : memref<2x5000x128xf32, #tpu.memory_space<vmem>>, vector<1x5000x128xf32>
    %get3A_6 = vector.shape_cast %get3A_5 : vector<1x5000x128xf32> to vector<5000x128xf32>
    %get3A_7 = arith.constant 1 : index
    %get3A_8 = arith.constant 0 : index
    %get3A_9 = arith.constant 0 : index
    %get3A_10 = vector.load %arg1[%get3A_7, %get3A_8, %get3A_9] : memref<2x5000x128xf32, #tpu.memory_space<vmem>>, vector<1x5000x128xf32>
    %get3A_11 = vector.shape_cast %get3A_10 : vector<1x5000x128xf32> to vector<5000x128xf32>
    %add3A = arith.addf %get3A_6, %get3A_11 : vector<5000x128xf32>
    %get3A_12 = arith.constant 0 : index
    %get3A_13 = arith.constant 0 : index
    %get3A_14 = vector.load %arg2[%get3A_12, %get3A_13] : memref<5000x128xf32, #tpu.memory_space<vmem>>, vector<5000x128xf32>
    %add3A_15 = arith.addf %add3A, %get3A_14 : vector<5000x128xf32>
    %mul3A = vector.broadcast %get3A_1 : vector<5000x1xf32> to vector<5000x128xf32>
    %mul3A_16 = arith.mulf %mul3A, %add3A_15 : vector<5000x128xf32>
    %get3A_17 = arith.constant 0 : index
    %get3A_18 = arith.constant 0 : index
    %get3A_19 = vector.load %arg4[%get3A_17, %get3A_18] : memref<1x128xf32, #tpu.memory_space<vmem>>, vector<1x128xf32>
    %add3A_20 = vector.broadcast %get3A_19 : vector<1x128xf32> to vector<5000x128xf32>
    %add3A_21 = arith.addf %mul3A_16, %add3A_20 : vector<5000x128xf32>
    %swap3A = arith.constant 0 : index
    %swap3A_22 = arith.constant 0 : index
    %swap3A_23 = vector.load %arg5[%swap3A, %swap3A_22] : memref<5000x128xf32, #tpu.memory_space<vmem>>, vector<5000x128xf32>
    tpu.vector_store %arg5[%swap3A, %swap3A_22], %add3A_21 {strides = array<i32>} : memref<5000x128xf32, #tpu.memory_space<vmem>>, vector<5000x128xf32>,
    return
  }
  func.func @transform_0(%arg0: i32) -> (i32, i32, i32) {
    %c0_i32 = arith.constant 0 : i32
    %c0_i32_0 = arith.constant 0 : i32
    %c0_i32_1 = arith.constant 0 : i32
    return %c0_i32, %arg0, %c0_i32_0 : i32, i32, i32
  }
  func.func @transform_1(%arg0: i32) -> (i32, i32) {
    %c0_i32 = arith.constant 0 : i32
    %c0_i32_0 = arith.constant 0 : i32
    return %arg0, %c0_i32 : i32, i32
  }
  func.func @transform_2(%arg0: i32) -> (i32, i32) {
    %c0_i32 = arith.constant 0 : i32
    %c0_i32_0 = arith.constant 0 : i32
    return %arg0, %c0_i32 : i32, i32
  }
  func.func @transform_3(%arg0: i32) -> (i32, i32) {
    %c0_i32 = arith.constant 0 : i32
    %c0_i32_0 = arith.constant 0 : i32
    %c0_i32_1 = arith.constant 0 : i32
    return %c0_i32, %c0_i32_0 : i32, i32
  }
  func.func @transform_4(%arg0: i32) -> (i32, i32) {
    %c0_i32 = arith.constant 0 : i32
    %c0_i32_0 = arith.constant 0 : i32
    return %arg0, %c0_i32 : i32, i32
  }
}

</mosaic_0001>

<sc_bundles>
// kernel: kernel.10.cloned.1.call-start
scs
__scs_entry_jumppad:
0x0: {  	(pc) =	sbr.rel $0x88, $3  }
0x1: {  	(tag) =	ssettag $0x0;
	lr =	simm.s32 $0x1  }
0x2: {  	[smem:$0x3F99] =	sst lr;
	_ =	strace $0xD0000000  }
0x3: {  	_ = 	snop  }
0x4: {  	_ = 	snop  }
0x5: {  	_ = 	snop  }
0x6: {  	_ = 	snop  }
0x7: {  	_ = 	snop  }
__scs_overlays_trampoline_lowered:
0x8: {  	[smem:$0x3FA8] =	sst s0  }
0x9: {  	[smem:$0x3FA9] =	sst s1  }
0xa: {  	[smem:$0x3FAA] =	sst s2  }
0xb: {  	[smem:$0x3FAB] =	sst s3  }
0xc: {  	[smem:$0x3FAC] =	sst s4  }
0xd: {  	[smem:$0x3FAD] =	sst s5  }
0xe: {  	[smem:$0x3FAE] =	sst s6  }
0xf: {  	[smem:$0x3FAF] =	sst s7  }
0x10: {  	[smem:$0x3FB0] =	sst s8  }
0x11: {  	[smem:$0x3FB1] =	sst s9;
	s0 =	simm.s32 @!p0 $0x0  }
0x12: {  	s1 =	sld [smem:$0x3F97];
	s0 =	simm.s32 @p0 $0x1  }
0x13: {  	[smem:$0x3FB2] =	sst s0;
	s0 =	simm.s32 @!p1 $0x0  }
0x14: {  	s2 =	sld [smem:$0x3F96];
	s0 =	simm.s32 @p1 $0x1  }
0x15: {  	[smem:$0x3FB3] =	sst s0;
	s0 =	simm.s32 @!p2 $0x0  }
0x16: {  	s3 =	sld [smem:$0x3FDB];
	s0 =	simm.s32 @p2 $0x1  }
0x17: {  	s4 =	simm.s32 $0x1BF5;
	[smem:$0x3FB5] =	sst s0  }
0x18: {  	s0 =	sld [smem:$0x3F98];
	_ =	swait.ge [sflag:s4], $0x0  }
0x19: {  	s7 =	sld [smem:$0x3F99]  }
0x1a: {  	s8 =	sadd.s32 $0xFFFFE003, lr  }
0x1b: {  	s9 =	sadd.s32 $0xFFFFFEF7, lr;
	s5 =	simm.s32 $0xFFFFFFFF;
	p2 =	slt.u32 s8, $0xFFFFF086  }
0x1c: {  	p1 =	slt.u32 s9, $0xF7A;
	s5 =	simm.s32 @!p2 $0x0  }
0x1d: {  	s5 =	simm.s32 @p1 $0x1;
	p0 =	seq.s32 s7, s2  }
0x1e: {  	s7 =	smul.u32 @!p0 $0xF7A, s2;
	p2 =	seq.s32 @!p0 s5, $0x0  }
0x1f: {  	s9 =	smul.u32 $0xF7A, s1;
	s8 =	simm.s32 @!p0 $0x1BF5;
	p2 =	por !p2, p0  }
0x20: {  	[sflag:s8] =	ssyncset.s32 @!p0 $0xFFFFF086;
	s6 =	sadd.s32 @!p0 s3, s7;
	s7 =	simm.s32 @!p0 $0x108  }
0x21: {  	s3 =	sadd.s32 s3, s9;
	s6 =	sadd.s32 @!p0 $0x88, s6;
	s7 =	simm.s32 @p2 $0x1082  }
0x22: {  	[simem:s7], [sflag:s8] =	dma.local @!p0 [hbm:s6], $0xF7A  }
0x23: {  	s9 =	sor.u32 $0xD0000000, s2;
	s6 =	simm.s32 $0x108;
	_ =	swait.ge @!p0 [sflag:s8], $0x0  }
0x24: {  	s3 =	sadd.s32 $0x88, s3;
	s6 =	simm.s32 @!p1 $0x1082;
	[sflag:s4] =	ssyncset.s32 $0xFFFFF086  }
0x25: {  	[simem:s6], [sflag:s4] =	dma.local [hbm:s3], $0xF7A  }
0x26: {  	[smem:$0x3F99] =	sst s1;
	(tag) =	ssettag s2;
	_ =	strace s9  }
0x27: {  	s1 =	sld [smem:$0x3FA9]  }
0x28: {  	s2 =	sld [smem:$0x3FAA]  }
0x29: {  	s4 =	sld [smem:$0x3FAC]  }
0x2a: {  	p0 =	seq.s32 s5, $0x0;
	s5 =	sld [smem:$0x3FAD]  }
0x2b: {  	s6 =	sld [smem:$0x3FAE]  }
0x2c: {  	s7 =	sld [smem:$0x3FAF]  }
0x2d: {  	s3 =	simm.s32 $0x108;
	s8 =	sld [smem:$0x3FB0]  }
0x2e: {  	s3 =	simm.s32 @!p0 $0x1082;
	s9 =	sld [smem:$0x3FB1]  }
0x2f: {  	lr =	sadd.s32 s0, s3;
	s0 =	sld [smem:$0x3FA8]  }
0x30: {  	s3 =	sld [smem:$0x3FAB]  }
0x31: {  	[smem:$0x3FB4] =	sst s10  }
0x32: {  	s10 =	sld [smem:$0x3FB2];
	_ =	sdelay $0x3  }
0x33: {  	p0 =	seq.s32 s10, $0x1;
	s10 =	sld [smem:$0x3FB4];
	_ =	sdelay $0x3  }
0x34: {  	[smem:$0x3FB4] =	sst s10  }
0x35: {  	s10 =	sld [smem:$0x3FB3];
	_ =	sdelay $0x3  }
0x36: {  	p1 =	seq.s32 s10, $0x1;
	s10 =	sld [smem:$0x3FB4];
	_ =	sdelay $0x3  }
0x37: {  	[smem:$0x3FB4] =	sst s10  }
0x38: {  	s10 =	sld [smem:$0x3FB5]  }
0x39: {  	_ = 	snop;
	(pc) =	sbr.ind lr, $3  }
0x3a: {  	_ = 	snop  }
0x3b: {  	_ = 	snop  }
0x3c: {  	p2 =	seq.s32 s10, $0x1;
	s10 =	sld [smem:$0x3FB4]  }
0x3d: {  	_ =	shalt  }
0x3e: {  	_ =	shalt  }
0x3f: {  	_ =	shalt  }
0x40: {  	_ =	shalt  }
0x41: {  	_ =	shalt  }
0x42: {  	_ =	shalt  }
0x43: {  	_ =	shalt  }
0x44: {  	_ =	shalt  }
0x45: {  	_ =	shalt  }
0x46: {  	_ =	shalt  }
0x47: {  	_ =	shalt  }
0x48: {  	_ =	shalt  }
0x49: {  	_ =	shalt  }
0x4a: {  	_ =	shalt  }
0x4b: {  	_ =	shalt  }
0x4c: {  	_ =	shalt  }
0x4d: {  	_ =	shalt  }
0x4e: {  	_ =	shalt  }
0x4f: {  	_ =	shalt  }
0x50: {  	_ =	shalt  }
0x51: {  	_ =	shalt  }
0x52: {  	_ =	shalt  }
0x53: {  	_ =	shalt  }
0x54: {  	_ =	shalt  }
0x55: {  	_ =	shalt  }
0x56: {  	_ =	shalt  }
0x57: {  	_ =	shalt  }
0x58: {  	_ =	shalt  }
0x59: {  	_ =	shalt  }
0x5a: {  	_ =	shalt  }
0x5b: {  	_ =	shalt  }
0x5c: {  	_ =	shalt  }
0x5d: {  	_ =	shalt  }
0x5e: {  	_ =	shalt  }
0x5f: {  	_ =	shalt  }
0x60: {  	_ =	shalt  }
0x61: {  	_ =	shalt  }
0x62: {  	_ =	shalt  }
0x63: {  	_ =	shalt  }
0x64: {  	_ =	shalt  }
0x65: {  	_ =	shalt  }
0x66: {  	_ =	shalt  }
0x67: {  	_ =	shalt  }
0x68: {  	_ =	shalt  }
0x69: {  	_ =	shalt  }
0x6a: {  	_ =	shalt  }
0x6b: {  	_ =	shalt  }
0x6c: {  	_ =	shalt  }
0x6d: {  	_ =	shalt  }
0x6e: {  	_ =	shalt  }
0x6f: {  	_ =	shalt  }
0x70: {  	_ =	shalt  }
0x71: {  	_ =	shalt  }
0x72: {  	_ =	shalt  }
0x73: {  	_ =	shalt  }
0x74: {  	_ =	shalt  }
0x75: {  	_ =	shalt  }
0x76: {  	_ =	shalt  }
0x77: {  	_ =	shalt  }
0x78: {  	_ =	shalt  }
0x79: {  	_ =	shalt  }
0x7a: {  	_ =	shalt  }
0x7b: {  	_ =	shalt  }
0x7c: {  	_ =	shalt  }
0x7d: {  	_ =	shalt  }
0x7e: {  	_ =	shalt  }
0x7f: {  	_ =	shalt  }
0x80: {  	_ =	shalt  }
0x81: {  	_ =	shalt  }
0x82: {  	_ =	shalt  }
0x83: {  	_ =	shalt  }
0x84: {  	_ =	shalt  }
0x85: {  	_ =	shalt  }
0x86: {  	_ =	shalt  }
0x87: {  	_ =	shalt  }
.Lfunc_end0:
.L_simem_size_0:
called_computation_lowered:
.L_overlay_start_0:
0x88: {  	s2 =	sld [smem:$0x3FD9]  }
0x89: {  	s3 =	sld [smem:$0x3FFE];
	_ =	sdelay $0x1  }
0x8a: {  	s1 =	srdreg.scid  }
0x8b: {  	s0 =	sand.u32 $0x1, s1  }
0x8c: {  	s17 =	sshll.u32 s0, $0xA;
	s2 =	sadd.s32 s3, s2  }
0x8d: {  	s2 =	sadd.s32 s2, s17  }
0x8e: {  	[smem:$0x3FC0] =	sst s2  }
0x8f: {  	_ = 	snop  }
0x90: {  	s2 =	sld [smem:$0x3FD0];
	(tm) =	ssettm $0x1  }
0x91: {  	s18 =	sld [smem:$0x3FFB];
	_ =	sdelay $0x3  }
0x92: {  	_ =	strace s18  }
0x93: {  	s3 =	sld [smem:$0x3FFC];
	_ =	sdelay $0x3  }
0x94: {  	_ =	strace s3  }
0x95: {  	s3 =	sld [smem:$0x3FFD];
	_ =	sdelay $0x3  }
0x96: {  	_ =	strace s3  }
0x97: {  	_ =	strace $0x8FFFFFFF  }
0x98: {  	s19 =	sld [smem:$0x3FDB];
	_ =	sdelay $0x1  }
0x99: {  	s4 =	simm.s32 $_scs_section_size  }
0x9a: {  	s5 =	simm.s32 $_size__tile_overlayer_lowered;
	s6 =	simm.s32 $_tile_overlayer_lowered  }
0x9b: {  	s22 =	simm.s32 $0x1BFF;
	s21 =	sshll.u32 s6, $0x1;
	s3 =	sadd.s32 s4, s19  }
0x9c: {  	s7 =	simm.s32 $0x0;
	s20 =	sshll.u32 s5, $0x1;
	s5 =	sadd.s32 s21, s3  }
0x9d: {  	[timem:s7], [sflag:s22] =	dma.local [hbm:s5], s20  }
0x9e: {  	_ =	swait.ge [sflag:s22], s20  }
0x9f: {  	s4 =	ssub.s32 $0x0, s20;
	[sflag:s22] =	ssyncset.done $0x0  }
0xa0: {  	[sflag:s22] =	ssyncadd.s32 s4;
	_ =	sdelay $0x1  }
0xa1: {  	s23 =	simm.s32 $0x1B8B  }
0xa2: {  	_ =	swait.ge [sflag:s23], $0x1  }
0xa3: {  	[sflag:s23] =	ssyncset.done $0x0  }
0xa4: {  	s25 =	simm.s32 $0x1B8E;
	s24 =	sld [smem:$0x3FFE];
	[sflag:s23] =	ssyncadd.s32 $0xFFFFFFFF  }
0xa5: {  	s26 =	simm.s32 $execute0_lowered;
	[smem:$0x3FD2] =	sst s25  }
0xa6: {  	s5 =	sshll.u32 s26, $0x1;
	_ =	strace $0x80000046;
	[dreg:$0x1] =	wrdreg $0xFFFFFFFF  }
0xa7: {  	s28 =	simm.s32 $_size_execute0_lowered;
	s3 =	sadd.s32 s3, s5;
	[dreg:$0x0] =	wrdreg $0x0  }
0xa8: {  	s5 =	sshll.u32 s28, $0x1;
	[dreg:$0x2] =	wrdreg s3  }
0xa9: {  	[dreg:$0x3] =	wrdreg s5  }
0xaa: {  	[dreg:$0x4] =	wrdreg $0xC0  }
0xab: {  	_ =	task [dreg:s7], $0x5FFFF  }
0xac: {  	[dreg:$0x1] =	wrdreg $0xFFFFFFFF  }
0xad: {  	[dreg:$0x0] =	wrdreg $0x60  }
0xae: {  	[dreg:$0x2] =	wrdreg s2  }
0xaf: {  	[dreg:$0x3] =	wrdreg s24  }
0xb0: {  	[dreg:$0x4] =	wrdreg $0x2B000  }
0xb1: {  	[dreg:$0x5] =	wrdreg $0x9  }
0xb2: {  	_ =	task.clear_ibuf [dreg:s7], $0x6FFFF;
	_ =	strace $0x90000046  }
0xb3: {  	s29 =	simm.s32 $0x9;
	_ =	strace $0x80000048  }
0xb4: {  	_ =	swait.ge [sflag:s29], $0x1  }
0xb5: {  	[sflag:s29] =	ssyncadd.s32 $0xFFFFFFFF  }
0xb6: {  	_ =	strace $0x90000048  }
0xb7: {  	_ =	sfence  }
0xb8: {  	s30 =	sld [smem:$0x0];
	_ =	sdelay $0x2  }
0xb9: {  	s31 =	sshll.u32 s1, $0xD;
	s1 =	sshrl.u32 s1, $0x2  }
0xba: {  	s3 =	sand.u32 $0x4000, s31;
	s1 =	sadd.s32 s1, s30  }
0xbb: {  	s0 =	sor.u32 s3, s0;
	s1 =	sshll.u32 s1, $0x11  }
0xbc: {  	s0 =	sor.u32 s1, s0  }
0xbd: {  	s0 =	sadd.s32 $0x8F2B, s0  }
0xbe: {  	[sflag:s0] =	ssyncadd.remote.s32 $0x1  }
0xbf: {  	_ =	sfence.sel $0xFFFF  }
0xc0: {  	[dreg:$0x0] =	wrdreg $0xFFFFFFFF;
	(pc) =	sbr.abs _section_cstart, $3  }
0xc1: {  	[dreg:$0x1] =	wrdreg $0xFFFFFFFF  }
0xc2: {  	_ =	task.clear_ibuf [dreg:s7], $0x2FFFF;
	_ =	strace $0x9FFFFFFF  }
0xc3: {  	(tm) =	ssettm $0x7FFFFFFF  }
tec
execute0_lowered:
.L_overlay_start_1:
0x0: {  	(tag) =	ssettag $0x1  }
0x1: {  	s4 =	rddreg [dreg:$0x0];
	s1 =	srdreg.scid  }
0x2: {  	s0 =	stileid.u32;
	s5 =	rddreg [dreg:$0x1]  }
0x3: {  	s2 =	rddreg [dreg:$0x2];
	s3 =	simm.s32 $0x0;
	s7 =	smul.u32 $0x280, s0  }
0x4: {  	s6 =	sand.u32 $0x1, s1;
	s1 =	rddreg [dreg:$0x3];
	s10 =	smul.u32 $0x2800, s0  }
0x5: {  	s14 =	simm.s32 $0x0;
	[smem:$0x7FF] =	sst s3;
	s8 =	smul.u32 $0x2800, s6  }
0x6: {  	s12 =	sshll.u32 s0, $0x6;
	s9 =	smul.u32 $0x28000, s6;
	s6 =	ssub.s32 $0x2, s6  }
0x7: {  	_ =	strace $0x80000047;
	s12 =	sor.u32 $0x1C01, s12;
	s11 =	sshrl.u32 s6, $0x1  }
0x8: {  	s8 =	sadd.s32 s7, s8;
	s9 =	sadd.s32 s10, s9;
	s30 =	ssub.s32 s6, s11  }
0x9: {  	s10 =	simm.s32 $0x7D;
	s11 =	simm.s32 $0x2800;
	s8 =	sshrl.u32 s8, $0x3  }
0xa: {  	s31 =	sshrl.u32 s9, $0x3;
	s9 =	simm.s32 $0x2880;
	s8 =	sadd.s32 s8, s5  }
0xb: {  	s4 =	sadd.s32 s4, s31;
	s5 =	sadd.s32 s7, s2;
	s7 =	smax.u32 s30, $0x1  }
0xc: {  	v0 =	vimm.f32 $1.000000000e+00;
	v1 =	vimm.f32 $0.0e+00;
	s6 =	sadd.s32 $0x2E00, s8;
	s8 =	simm.s32 $0x1;
	s13 =	sshrl.u32 s5, $0x3  }
.LBB2_1:
0xd: {  	[tilespmem:s3], [sflag:$0x1] =	stream.linear.gather [hbm4b:s4+s3], $0x2800, $0x38;
	[tilespmem:$0x2D80] =	vst v63  }
0xe: {  	_ =	swait.ge [sflag:s8], $0x2800  }
0xf: {  	[sflag:s8] =	ssyncset.done $0x0  }
0x10: {  	[sflag:s8] =	ssyncadd.s32 $0xFFFFD800  }
0x11: {  	[tilespmem:$0x2800] =	vst v0  }
0x12: {  	[tilespmem:$0x2810] =	vst v0  }
0x13: {  	[tilespmem:$0x2820] =	vst v0  }
0x14: {  	[tilespmem:$0x2830] =	vst v0  }
0x15: {  	[tilespmem:$0x2840] =	vst v0  }
0x16: {  	[tilespmem:$0x2850] =	vst v0  }
0x17: {  	[tilespmem:$0x2860] =	vst v0  }
0x18: {  	[tilespmem:$0x2870] =	vst v0  }
0x19: {  	[tilespmem:$0x2880] =	vst v1  }
0x1a: {  	[tilespmem:$0x2890] =	vst v1  }
0x1b: {  	[tilespmem:$0x28A0] =	vst v1  }
0x1c: {  	[tilespmem:$0x28B0] =	vst v1  }
0x1d: {  	[tilespmem:$0x28C0] =	vst v1  }
0x1e: {  	[tilespmem:$0x28D0] =	vst v1  }
0x1f: {  	[tilespmem:$0x28E0] =	vst v1  }
0x20: {  	[tilespmem:$0x28F0] =	vst v1  }
0x21: {  	[tilespmem:$0x2900] =	vst v1  }
0x22: {  	[tilespmem:$0x2910] =	vst v1  }
0x23: {  	[tilespmem:$0x2920] =	vst v1  }
0x24: {  	[tilespmem:$0x2930] =	vst v1  }
0x25: {  	[tilespmem:$0x2940] =	vst v1  }
0x26: {  	[tilespmem:$0x2950] =	vst v1  }
0x27: {  	[tilespmem:$0x2960] =	vst v1  }
0x28: {  	[tilespmem:$0x2970] =	vst v1  }
0x29: {  	[tilespmem:$0x2980] =	vst v1  }
0x2a: {  	[tilespmem:$0x2990] =	vst v1  }
0x2b: {  	[tilespmem:$0x29A0] =	vst v1  }
0x2c: {  	[tilespmem:$0x29B0] =	vst v1  }
0x2d: {  	[tilespmem:$0x29C0] =	vst v1  }
0x2e: {  	[tilespmem:$0x29D0] =	vst v1  }
0x2f: {  	[tilespmem:$0x29E0] =	vst v1  }
0x30: {  	[tilespmem:$0x29F0] =	vst v1  }
0x31: {  	[tilespmem:$0x2A00] =	vst v1  }
0x32: {  	[tilespmem:$0x2A10] =	vst v1  }
0x33: {  	[tilespmem:$0x2A20] =	vst v1  }
0x34: {  	[tilespmem:$0x2A30] =	vst v1  }
0x35: {  	[tilespmem:$0x2A40] =	vst v1  }
0x36: {  	[tilespmem:$0x2A50] =	vst v1  }
0x37: {  	[tilespmem:$0x2A60] =	vst v1  }
0x38: {  	[tilespmem:$0x2A70] =	vst v1  }
0x39: {  	[tilespmem:$0x2A80] =	vst v1  }
0x3a: {  	[tilespmem:$0x2A90] =	vst v1  }
0x3b: {  	[tilespmem:$0x2AA0] =	vst v1  }
0x3c: {  	[tilespmem:$0x2AB0] =	vst v1  }
0x3d: {  	[tilespmem:$0x2AC0] =	vst v1  }
0x3e: {  	[tilespmem:$0x2AD0] =	vst v1  }
0x3f: {  	[tilespmem:$0x2AE0] =	vst v1  }
0x40: {  	[tilespmem:$0x2AF0] =	vst v1  }
0x41: {  	[spmem:s5] =	stream.linear.scatter [tilespmem:s9], [sflag:$0x1], $0x280, $0x38;
	[tilespmem:$0x2D80] =	vst v63  }
0x42: {  	_ =	swait.ge [sflag:s8], $0x280  }
0x43: {  	[sflag:s8] =	ssyncset.done $0x0  }
0x44: {  	[sflag:s8] =	ssyncadd.s32 $0xFFFFFD80  }
0x45: {  	s15 =	simm.s32 $0x0;
	[bflag:$0x0] =	sbarrier.arrive $0xFFFF  }
0x46: {  	[spmem:s2] =	stream.indirect.scatter.add.f32 [tilespmem:s11], [sflag:$0x1], $0x1, s15, s10, $0xb8;
	[tilespmem:$0x2D80] =	vst v63  }
0x47: {  	_ =	swait.ge [sflag:s8], $0x7D  }
0x48: {  	s15 =	simm.s32 $0x200;
	[sflag:s8] =	ssyncset.done $0x0  }
.LBB2_2:
0x49: {  	s16 =	sshra.s32 s15, $0x2;
	[sflag:s8] =	ssyncadd.s32 $0xFFFFFF83;
	p0 =	sne.s32 s15, $0x9E00  }
0x4a: {  	[spmem:s2] =	stream.indirect.scatter.add.f32 [tilespmem:s11], [sflag:$0x1], $0x1, s16, s10, $0xb8;
	[tilespmem:$0x2D80] =	vst v63  }
.Ltmp0:
0x4b: {  	_ = 	snop;
	(pc) =	sbr.rel @p0 .LBB2_2-.Ltmp0, $4  }
0x4c: {  	_ = 	snop  }
0x4d: {  	s15 =	sadd.s32 $0x200, s15  }
0x4e: {  	_ =	swait.ge [sflag:s8], $0x7D  }
0x4f: {  	[sflag:s8] =	ssyncset.done $0x0  }
0x50: {  	s14 =	sadd.s32 $0x1, s14  }
0x51: {  	[sflag:s8] =	ssyncadd.s32 $0xFFFFFF83;
	p0 =	sne.s32 s14, s7  }
.Ltmp1:
0x52: {  	[bflag:$0x0] =	sbarrier.arrive $0xFFFF;
	(pc) =	sbr.rel @p0 .LBB2_1-.Ltmp1, $4  }
0x53: {  	[hbm:s6], [sflag:s12] =	dma.local [spmem:s13], $0x50  }
0x54: {  	_ =	swait.ge [sflag:s8], $0x50  }
0x55: {  	[sflag:s8] =	ssyncset.done $0x0  }
0x56: {  	[sflag:s8] =	ssyncadd.s32 $0xFFFFFFB0  }
0x57: {  	_ =	sfence.sel $0x180000  }
0x58: {  	[bflag:$0x0] =	sbarrier.arrive $0xFFFF  }
0x59: {  	p0 =	sne.s32 s0, $0x0;
	_ =	strace $0x90000047  }
0x5a: {  	s0 =	sadd.s32 @!p0 $0x100000, s1;
	[bflag:$0x2] =	sbarrier.arrive $0xFFFF  }
0x5b: {  	[sflag:s0] =	ssyncadd.tile.s32 @!p0 $0x1;
	_ =	shalt  }
.Lfunc_end2:
_tile_overlayer_lowered:
.L_overlay_start_2:
0x5c: {  	(tag) =	ssettag $0x2  }
0x5d: {  	s0 =	rddreg [dreg:$0x0];
	s2 =	stileid.u32  }
0x5e: {  	s1 =	rddreg [dreg:$0x1];
	p0 =	sne.s32 s2, $0x0  }
0x5f: {  	s3 =	rddreg [dreg:$0x2];
	[bflag:$0x3] =	sbarrier.arrive $0xFFFF;
	s2 =	simm.s32 @!p0 $0x1C01  }
0x60: {  	[timem:s3], [sflag:s2] =	dma.local @!p0 [hbm:s0], s1  }
0x61: {  	s0 =	simm.s32 @!p0 $0x1  }
0x62: {  	_ =	swait.ge @!p0 [sflag:s0], s1  }
0x63: {  	s1 =	ssub.s32 @!p0 $0x0, s1;
	[sflag:s0] =	ssyncset.done @!p0 $0x0  }
0x64: {  	[sflag:s0] =	ssyncadd.s32 @!p0 s1  }
0x65: {  	[bflag:$0x3] =	sbarrier.arrive $0xFFFF  }
0x66: {  	_ =	shalt  }

// kernel: kernel.13.cloned.1.call-start
scs
__scs_entry_jumppad:
0x0: {  	(pc) =	sbr.rel $0x88, $3  }
0x1: {  	(tag) =	ssettag $0x0;
	lr =	simm.s32 $0x1  }
0x2: {  	[smem:$0x3F99] =	sst lr;
	_ =	strace $0xD0000000  }
0x3: {  	_ = 	snop  }
0x4: {  	_ = 	snop  }
0x5: {  	_ = 	snop  }
0x6: {  	_ = 	snop  }
0x7: {  	_ = 	snop  }
__scs_overlays_trampoline_lowered:
0x8: {  	[smem:$0x3FA8] =	sst s0  }
0x9: {  	[smem:$0x3FA9] =	sst s1  }
0xa: {  	[smem:$0x3FAA] =	sst s2  }
0xb: {  	[smem:$0x3FAB] =	sst s3  }
0xc: {  	[smem:$0x3FAC] =	sst s4  }
0xd: {  	[smem:$0x3FAD] =	sst s5  }
0xe: {  	[smem:$0x3FAE] =	sst s6  }
0xf: {  	[smem:$0x3FAF] =	sst s7  }
0x10: {  	[smem:$0x3FB0] =	sst s8  }
0x11: {  	[smem:$0x3FB1] =	sst s9;
	s0 =	simm.s32 @!p0 $0x0  }
0x12: {  	s1 =	sld [smem:$0x3F97];
	s0 =	simm.s32 @p0 $0x1  }
0x13: {  	[smem:$0x3FB2] =	sst s0;
	s0 =	simm.s32 @!p1 $0x0  }
0x14: {  	s2 =	sld [smem:$0x3F96];
	s0 =	simm.s32 @p1 $0x1  }
0x15: {  	[smem:$0x3FB3] =	sst s0;
	s0 =	simm.s32 @!p2 $0x0  }
0x16: {  	s3 =	sld [smem:$0x3FDB];
	s0 =	simm.s32 @p2 $0x1  }
0x17: {  	s4 =	simm.s32 $0x1BF5;
	[smem:$0x3FB5] =	sst s0  }
0x18: {  	s0 =	sld [smem:$0x3F98];
	_ =	swait.ge [sflag:s4], $0x0  }
0x19: {  	s7 =	sld [smem:$0x3F99]  }
0x1a: {  	s8 =	sadd.s32 $0xFFFFE003, lr  }
0x1b: {  	s9 =	sadd.s32 $0xFFFFFEF7, lr;
	s5 =	simm.s32 $0xFFFFFFFF;
	p2 =	slt.u32 s8, $0xFFFFF086  }
0x1c: {  	p1 =	slt.u32 s9, $0xF7A;
	s5 =	simm.s32 @!p2 $0x0  }
0x1d: {  	s5 =	simm.s32 @p1 $0x1;
	p0 =	seq.s32 s7, s2  }
0x1e: {  	s7 =	smul.u32 @!p0 $0xF7A, s2;
	p2 =	seq.s32 @!p0 s5, $0x0  }
0x1f: {  	s9 =	smul.u32 $0xF7A, s1;
	s8 =	simm.s32 @!p0 $0x1BF5;
	p2 =	por !p2, p0  }
0x20: {  	[sflag:s8] =	ssyncset.s32 @!p0 $0xFFFFF086;
	s6 =	sadd.s32 @!p0 s3, s7;
	s7 =	simm.s32 @!p0 $0x108  }
0x21: {  	s3 =	sadd.s32 s3, s9;
	s6 =	sadd.s32 @!p0 $0x88, s6;
	s7 =	simm.s32 @p2 $0x1082  }
0x22: {  	[simem:s7], [sflag:s8] =	dma.local @!p0 [hbm:s6], $0xF7A  }
0x23: {  	s9 =	sor.u32 $0xD0000000, s2;
	s6 =	simm.s32 $0x108;
	_ =	swait.ge @!p0 [sflag:s8], $0x0  }
0x24: {  	s3 =	sadd.s32 $0x88, s3;
	s6 =	simm.s32 @!p1 $0x1082;
	[sflag:s4] =	ssyncset.s32 $0xFFFFF086  }
0x25: {  	[simem:s6], [sflag:s4] =	dma.local [hbm:s3], $0xF7A  }
0x26: {  	[smem:$0x3F99] =	sst s1;
	(tag) =	ssettag s2;
	_ =	strace s9  }
0x27: {  	s1 =	sld [smem:$0x3FA9]  }
0x28: {  	s2 =	sld [smem:$0x3FAA]  }
0x29: {  	s4 =	sld [smem:$0x3FAC]  }
0x2a: {  	p0 =	seq.s32 s5, $0x0;
	s5 =	sld [smem:$0x3FAD]  }
0x2b: {  	s6 =	sld [smem:$0x3FAE]  }
0x2c: {  	s7 =	sld [smem:$0x3FAF]  }
0x2d: {  	s3 =	simm.s32 $0x108;
	s8 =	sld [smem:$0x3FB0]  }
0x2e: {  	s3 =	simm.s32 @!p0 $0x1082;
	s9 =	sld [smem:$0x3FB1]  }
0x2f: {  	lr =	sadd.s32 s0, s3;
	s0 =	sld [smem:$0x3FA8]  }
0x30: {  	s3 =	sld [smem:$0x3FAB]  }
0x31: {  	[smem:$0x3FB4] =	sst s10  }
0x32: {  	s10 =	sld [smem:$0x3FB2];
	_ =	sdelay $0x3  }
0x33: {  	p0 =	seq.s32 s10, $0x1;
	s10 =	sld [smem:$0x3FB4];
	_ =	sdelay $0x3  }
0x34: {  	[smem:$0x3FB4] =	sst s10  }
0x35: {  	s10 =	sld [smem:$0x3FB3];
	_ =	sdelay $0x3  }
0x36: {  	p1 =	seq.s32 s10, $0x1;
	s10 =	sld [smem:$0x3FB4];
	_ =	sdelay $0x3  }
0x37: {  	[smem:$0x3FB4] =	sst s10  }
0x38: {  	s10 =	sld [smem:$0x3FB5]  }
0x39: {  	_ = 	snop;
	(pc) =	sbr.ind lr, $3  }
0x3a: {  	_ = 	snop  }
0x3b: {  	_ = 	snop  }
0x3c: {  	p2 =	seq.s32 s10, $0x1;
	s10 =	sld [smem:$0x3FB4]  }
0x3d: {  	_ =	shalt  }
0x3e: {  	_ =	shalt  }
0x3f: {  	_ =	shalt  }
0x40: {  	_ =	shalt  }
0x41: {  	_ =	shalt  }
0x42: {  	_ =	shalt  }
0x43: {  	_ =	shalt  }
0x44: {  	_ =	shalt  }
0x45: {  	_ =	shalt  }
0x46: {  	_ =	shalt  }
0x47: {  	_ =	shalt  }
0x48: {  	_ =	shalt  }
0x49: {  	_ =	shalt  }
0x4a: {  	_ =	shalt  }
0x4b: {  	_ =	shalt  }
0x4c: {  	_ =	shalt  }
0x4d: {  	_ =	shalt  }
0x4e: {  	_ =	shalt  }
0x4f: {  	_ =	shalt  }
0x50: {  	_ =	shalt  }
0x51: {  	_ =	shalt  }
0x52: {  	_ =	shalt  }
0x53: {  	_ =	shalt  }
0x54: {  	_ =	shalt  }
0x55: {  	_ =	shalt  }
0x56: {  	_ =	shalt  }
0x57: {  	_ =	shalt  }
0x58: {  	_ =	shalt  }
0x59: {  	_ =	shalt  }
0x5a: {  	_ =	shalt  }
0x5b: {  	_ =	shalt  }
0x5c: {  	_ =	shalt  }
0x5d: {  	_ =	shalt  }
0x5e: {  	_ =	shalt  }
0x5f: {  	_ =	shalt  }
0x60: {  	_ =	shalt  }
0x61: {  	_ =	shalt  }
0x62: {  	_ =	shalt  }
0x63: {  	_ =	shalt  }
0x64: {  	_ =	shalt  }
0x65: {  	_ =	shalt  }
0x66: {  	_ =	shalt  }
0x67: {  	_ =	shalt  }
0x68: {  	_ =	shalt  }
0x69: {  	_ =	shalt  }
0x6a: {  	_ =	shalt  }
0x6b: {  	_ =	shalt  }
0x6c: {  	_ =	shalt  }
0x6d: {  	_ =	shalt  }
0x6e: {  	_ =	shalt  }
0x6f: {  	_ =	shalt  }
0x70: {  	_ =	shalt  }
0x71: {  	_ =	shalt  }
0x72: {  	_ =	shalt  }
0x73: {  	_ =	shalt  }
0x74: {  	_ =	shalt  }
0x75: {  	_ =	shalt  }
0x76: {  	_ =	shalt  }
0x77: {  	_ =	shalt  }
0x78: {  	_ =	shalt  }
0x79: {  	_ =	shalt  }
0x7a: {  	_ =	shalt  }
0x7b: {  	_ =	shalt  }
0x7c: {  	_ =	shalt  }
0x7d: {  	_ =	shalt  }
0x7e: {  	_ =	shalt  }
0x7f: {  	_ =	shalt  }
0x80: {  	_ =	shalt  }
0x81: {  	_ =	shalt  }
0x82: {  	_ =	shalt  }
0x83: {  	_ =	shalt  }
0x84: {  	_ =	shalt  }
0x85: {  	_ =	shalt  }
0x86: {  	_ =	shalt  }
0x87: {  	_ =	shalt  }
.Lfunc_end0:
.L_simem_size_0:
called_computation.1_lowered:
.L_overlay_start_0:
0x88: {  	s2 =	sld [smem:$0x3FD9]  }
0x89: {  	s3 =	sld [smem:$0x3FFE];
	_ =	sdelay $0x1  }
0x8a: {  	s1 =	srdreg.scid  }
0x8b: {  	s0 =	sand.u32 $0x1, s1  }
0x8c: {  	s17 =	sshll.u32 s0, $0xA;
	s2 =	sadd.s32 s3, s2  }
0x8d: {  	s2 =	sadd.s32 s2, s17  }
0x8e: {  	[smem:$0x3FC0] =	sst s2  }
0x8f: {  	_ = 	snop  }
0x90: {  	s2 =	sld [smem:$0x3FD0];
	(tm) =	ssettm $0x1  }
0x91: {  	s18 =	sld [smem:$0x3FFB];
	_ =	sdelay $0x3  }
0x92: {  	_ =	strace s18  }
0x93: {  	s3 =	sld [smem:$0x3FFC];
	_ =	sdelay $0x3  }
0x94: {  	_ =	strace s3  }
0x95: {  	s3 =	sld [smem:$0x3FFD];
	_ =	sdelay $0x3  }
0x96: {  	_ =	strace s3  }
0x97: {  	_ =	strace $0x8FFFFFFF  }
0x98: {  	s19 =	sld [smem:$0x3FDB];
	_ =	sdelay $0x1  }
0x99: {  	s4 =	simm.s32 $_scs_section_size  }
0x9a: {  	s5 =	simm.s32 $_size__tile_overlayer_lowered;
	s6 =	simm.s32 $_tile_overlayer_lowered  }
0x9b: {  	s22 =	simm.s32 $0x1BFF;
	s21 =	sshll.u32 s6, $0x1;
	s3 =	sadd.s32 s4, s19  }
0x9c: {  	s7 =	simm.s32 $0x0;
	s20 =	sshll.u32 s5, $0x1;
	s5 =	sadd.s32 s21, s3  }
0x9d: {  	[timem:s7], [sflag:s22] =	dma.local [hbm:s5], s20  }
0x9e: {  	_ =	swait.ge [sflag:s22], s20  }
0x9f: {  	s4 =	ssub.s32 $0x0, s20;
	[sflag:s22] =	ssyncset.done $0x0  }
0xa0: {  	[sflag:s22] =	ssyncadd.s32 s4;
	_ =	sdelay $0x1  }
0xa1: {  	s23 =	simm.s32 $0x1B8B  }
0xa2: {  	_ =	swait.ge [sflag:s23], $0x1  }
0xa3: {  	[sflag:s23] =	ssyncset.done $0x0  }
0xa4: {  	s25 =	simm.s32 $0x1B8E;
	s24 =	sld [smem:$0x3FFE];
	[sflag:s23] =	ssyncadd.s32 $0xFFFFFFFF  }
0xa5: {  	s26 =	simm.s32 $execute0_lowered;
	[smem:$0x3FD2] =	sst s25  }
0xa6: {  	s5 =	sshll.u32 s26, $0x1;
	_ =	strace $0x80000049;
	[dreg:$0x1] =	wrdreg $0xFFFFFFFF  }
0xa7: {  	s28 =	simm.s32 $_size_execute0_lowered;
	s3 =	sadd.s32 s3, s5;
	[dreg:$0x0] =	wrdreg $0x0  }
0xa8: {  	s5 =	sshll.u32 s28, $0x1;
	[dreg:$0x2] =	wrdreg s3  }
0xa9: {  	[dreg:$0x3] =	wrdreg s5  }
0xaa: {  	[dreg:$0x4] =	wrdreg $0xC0  }
0xab: {  	_ =	task [dreg:s7], $0x5FFFF  }
0xac: {  	[dreg:$0x1] =	wrdreg $0xFFFFFFFF  }
0xad: {  	[dreg:$0x0] =	wrdreg $0x60  }
0xae: {  	[dreg:$0x2] =	wrdreg s2  }
0xaf: {  	[dreg:$0x3] =	wrdreg s24  }
0xb0: {  	[dreg:$0x4] =	wrdreg $0xC0000  }
0xb1: {  	[dreg:$0x5] =	wrdreg $0x9  }
0xb2: {  	_ =	task.clear_ibuf [dreg:s7], $0x6FFFF;
	_ =	strace $0x90000049  }
0xb3: {  	s29 =	simm.s32 $0x9;
	_ =	strace $0x8000004B  }
0xb4: {  	_ =	swait.ge [sflag:s29], $0x1  }
0xb5: {  	[sflag:s29] =	ssyncadd.s32 $0xFFFFFFFF  }
0xb6: {  	_ =	strace $0x9000004B  }
0xb7: {  	_ =	sfence  }
0xb8: {  	s30 =	sld [smem:$0x0];
	_ =	sdelay $0x2  }
0xb9: {  	s31 =	sshll.u32 s1, $0xD;
	s1 =	sshrl.u32 s1, $0x2  }
0xba: {  	s3 =	sand.u32 $0x4000, s31;
	s1 =	sadd.s32 s1, s30  }
0xbb: {  	s0 =	sor.u32 s3, s0;
	s1 =	sshll.u32 s1, $0x11  }
0xbc: {  	s0 =	sor.u32 s1, s0  }
0xbd: {  	s0 =	sadd.s32 $0x8F2B, s0  }
0xbe: {  	[sflag:s0] =	ssyncadd.remote.s32 $0x1  }
0xbf: {  	_ =	sfence.sel $0xFFFF  }
0xc0: {  	[dreg:$0x0] =	wrdreg $0xFFFFFFFF;
	(pc) =	sbr.abs _section_cstart, $3  }
0xc1: {  	[dreg:$0x1] =	wrdreg $0xFFFFFFFF  }
0xc2: {  	_ =	task.clear_ibuf [dreg:s7], $0x2FFFF;
	_ =	strace $0x9FFFFFFF  }
0xc3: {  	(tm) =	ssettm $0x7FFFFFFF  }
tec
execute0_lowered:
.L_overlay_start_1:
0x0: {  	(tag) =	ssettag $0x1  }
0x1: {  	s1 =	rddreg [dreg:$0x0];
	s10 =	stileid.u32  }
0x2: {  	s3 =	srdreg.scid;
	s8 =	smul.u32 $0x13C00, s10  }
0x3: {  	s0 =	rddreg [dreg:$0x1];
	s3 =	sand.u32 $0x1, s3;
	s26 =	smul.u32 $0x6400, s10  }
0x4: {  	s2 =	rddreg [dreg:$0x2];
	s7 =	smul.u32 $0x13C000, s3  }
0x5: {  	s4 =	simm.s32 $0x0;
	s9 =	smul.u32 $0x64000, s3;
	s3 =	ssub.s32 $0x2, s3  }
0x6: {  	s28 =	simm.s32 $0x1400;
	s10 =	smul.u32 $0x4F000, s10;
	s11 =	sshrl.u32 s3, $0x1  }
0x7: {  	s29 =	simm.s32 $0x32;
	s30 =	simm.s32 $0x5000;
	s3 =	ssub.s32 s3, s11  }
0x8: {  	[smem:$0x7FF] =	sst s4;
	s11 =	sshrl.u32 s10, $0x2;
	s14 =	smax.u32 s3, $0x1  }
0x9: {  	_ =	strace $0x8000004A;
	s20 =	sadd.s32 s11, s2;
	[dreg:$0x9] =	wrdreg s14  }
0xa: {  	s31 =	simm.s32 $0x80;
	s13 =	sadd.s32 $0x12C00, s20;
	[dreg:$0x6] =	wrdreg s20  }
0xb: {  	s5 =	sadd.s32 $0x1C800, s0;
	s15 =	sadd.s32 $0x1900, s20;
	[dreg:$0x7] =	wrdreg s13  }
0xc: {  	s6 =	sadd.s32 $0x3800, s0;
	s16 =	sadd.s32 $0x3200, s20;
	[dreg:$0xa] =	wrdreg s15  }
0xd: {  	s7 =	sadd.s32 s8, s7;
	s17 =	sadd.s32 $0x4B00, s20;
	[dreg:$0xb] =	wrdreg s16  }
0xe: {  	s7 =	sshrl.u32 s7, $0x3;
	s18 =	sadd.s32 $0x6400, s20;
	[dreg:$0xc] =	wrdreg s17  }
0xf: {  	s3 =	simm.s32 $0x100;
	s19 =	sadd.s32 $0x7D00, s20;
	[dreg:$0xd] =	wrdreg s18  }
0x10: {  	s11 =	simm.s32 $0x1;
	s21 =	sadd.s32 $0x9600, s20;
	[dreg:$0xe] =	wrdreg s19  }
0x11: {  	s0 =	sadd.s32 s7, s0;
	s22 =	sadd.s32 $0xAF00, s20;
	[dreg:$0xf] =	wrdreg s21  }
0x12: {  	s7 =	sadd.s32 s26, s9;
	s23 =	sadd.s32 $0xC800, s20;
	[dreg:$0x10] =	wrdreg s22  }
0x13: {  	s24 =	sadd.s32 $0xE100, s20;
	s25 =	sadd.s32 $0xFA00, s20;
	[dreg:$0x11] =	wrdreg s23  }
0x14: {  	s26 =	sadd.s32 $0x11300, s20;
	s9 =	simm.s32 $0xA400;
	[dreg:$0x12] =	wrdreg s24  }
0x15: {  	s14 =	simm.s32 $0x3;
	s8 =	sshrl.u32 s7, $0x3;
	[dreg:$0x13] =	wrdreg s25  }
0x16: {  	s0 =	sadd.s32 $0x35800, s0;
	[dreg:$0x14] =	wrdreg s26;
	s26 =	simm.s32 $0x6  }
0x17: {  	s13 =	simm.s32 $0x2;
	s15 =	simm.s32 $0x4;
	s16 =	simm.s32 $0x1380  }
.Ltmp0:
0x18: {  	s17 =	simm.s32 $0x2600;
	s18 =	simm.s32 $0x2700;
	(pc) =	sbr.rel .LBB2_1-.Ltmp0, $4  }
0x19: {  	s21 =	simm.s32 $0x5;
	s24 =	simm.s32 $0x4E80;
	s25 =	simm.s32 $0x4F00  }
0x1a: {  	s19 =	simm.s32 $0x0;
	s12 =	sadd.s32 s5, s8;
	[dreg:$0x8] =	wrdreg s0  }
0x1b: {  	s8 =	sadd.s32 s6, s8;
	s0 =	simm.s32 $0x6C00;
	[dreg:$0x4] =	wrdreg s12  }
0x1c: {  	v0 =	vimm.f32 $0.0e+00;
	[dreg:$0x5] =	wrdreg s8;
	s12 =	sadd.s32 $0x2800, s7;
	s8 =	simm.s32 $0x8800  }
.LBB2_11:
0x1d: {  	s10 =	stileid.u32;
	[bflag:$0x0] =	sbarrier.arrive $0xFFFF  }
0x1e: {  	s10 =	sshll.u32 s10, $0x6;
	s20 =	rddreg [dreg:$0x6]  }
0x1f: {  	s22 =	rddreg [dreg:$0x8];
	s10 =	sor.u32 $0x1C06, s10;
	s19 =	sshrl.u32 s20, $0x3  }
0x20: {  	[hbm:s22], [sflag:s10] =	dma.local [spmem:s19], $0x2780  }
0x21: {  	_ =	swait.ge [sflag:s26], $0x2780  }
0x22: {  	s22 =	rddreg [dreg:$0x15]  }
0x23: {  	s23 =	rddreg [dreg:$0x9];
	s19 =	sadd.s32 $0x1, s22  }
0x24: {  	p0 =	sne.s32 s19, s23  }
.Ltmp1:
0x25: {  	_ = 	snop;
	(pc) =	sbr.rel @!p0 .LBB2_12-.Ltmp1, $3  }
0x26: {  	_ =	sdelay $0x1  }
0x27: {  	[sflag:s26] =	ssyncset.done $0x0  }
0x28: {  	[sflag:s26] =	ssyncadd.s32 $0xFFFFD880  }
.LBB2_1:
0x29: {  	[dreg:$0x15] =	wrdreg s19  }
0x2a: {  	s10 =	rddreg [dreg:$0x4]  }
0x2b: {  	[tilespmem:s4], [sflag:$0x6] =	stream.linear.gather [hbm4b:s10+s4], $0x1400, $0x38;
	[tilespmem:$0x1FC00] =	vst v63  }
0x2c: {  	_ =	swait.ge [sflag:s26], $0x1400  }
0x2d: {  	[sflag:s26] =	ssyncset.done $0x0  }
0x2e: {  	s23 =	rddreg [dreg:$0x5];
	[sflag:s26] =	ssyncadd.s32 $0xFFFFEC00  }
0x2f: {  	[tilespmem:s28], [sflag:$0x6] =	stream.linear.gather [hbm4b:s23+s4], $0x1400, $0x38;
	[tilespmem:$0x1FC00] =	vst v63  }
0x30: {  	_ =	swait.ge [sflag:s26], $0x1400  }
0x31: {  	[sflag:s26] =	ssyncset.done $0x0  }
0x32: {  	[sflag:s26] =	ssyncadd.s32 $0xFFFFEC00  }
0x33: {  	[tilespmem:s30], [sflag:$0x1] =	stream.indirect.gather [hbm4b:s1+s29], $0x80, s4, s29, $0xb8;
	[tilespmem:$0x1FC00] =	vst v63  }
0x34: {  	_ = 	snop  }
0x35: {  	[tilespmem:s0], [sflag:$0x2] =	stream.indirect.gather [hbm4b:s1+s29], $0x80, s31, s29, $0xb8;
	[tilespmem:$0x1FC00] =	vst v63  }
0x36: {  	s19 =	simm.s32 $0x3C0;
	s10 =	simm.s32 $0x70  }
0x37: {  	[tilespmem:s8], [sflag:$0x3] =	stream.indirect.gather [hbm4b:s1+s29], $0x80, s3, s29, $0xb8;
	[tilespmem:$0x1FC00] =	vst v63  }
.LBB2_2:
0x38: {  	p0 =	sne.s32 s19, $0x63C0;
	[tilespmem:s10+$0xA400] =	vst v0  }
0x39: {  	[tilespmem:s10+$0xA390] =	vst v0  }
0x3a: {  	[tilespmem:s10+$0xA3A0] =	vst v0  }
.Ltmp2:
0x3b: {  	[tilespmem:s10+$0xA3B0] =	vst v0;
	(pc) =	sbr.rel @p0 .LBB2_2-.Ltmp2, $4  }
0x3c: {  	[tilespmem:s10+$0xA3C0] =	vst v0  }
0x3d: {  	[tilespmem:s10+$0xA3D0] =	vst v0  }
0x3e: {  	[tilespmem:s10+$0xA3E0] =	vst v0  }
0x3f: {  	[tilespmem:s10+$0xA3F0] =	vst v0;
	s10 =	sshra.s32 s19, $0x2;
	s19 =	sadd.s32 $0x200, s19  }
0x40: {  	[tilespmem:s10+$0xA400] =	vst v0  }
0x41: {  	[tilespmem:s10+$0xA390] =	vst v0  }
0x42: {  	[tilespmem:s10+$0xA3A0] =	vst v0  }
0x43: {  	[tilespmem:s10+$0xA3B0] =	vst v0  }
0x44: {  	[tilespmem:s10+$0xA3C0] =	vst v0  }
0x45: {  	[tilespmem:s10+$0xA3D0] =	vst v0  }
0x46: {  	[tilespmem:s10+$0xA3E0] =	vst v0  }
0x47: {  	[tilespmem:s10+$0xA3F0] =	vst v0  }
0x48: {  	[spmem:s20] =	stream.linear.scatter [tilespmem:s9], [sflag:$0x6], $0x1900, $0x38;
	[tilespmem:$0x1FC00] =	vst v63  }
0x49: {  	_ =	swait.ge [sflag:s26], $0x1900  }
0x4a: {  	[sflag:s26] =	ssyncset.done $0x0  }
0x4b: {  	s19 =	rddreg [dreg:$0xa];
	[sflag:s26] =	ssyncadd.s32 $0xFFFFE700  }
0x4c: {  	[spmem:s19] =	stream.linear.scatter [tilespmem:s9], [sflag:$0x6], $0x1900, $0x38;
	[tilespmem:$0x1FC00] =	vst v63  }
0x4d: {  	_ =	swait.ge [sflag:s26], $0x1900  }
0x4e: {  	[sflag:s26] =	ssyncset.done $0x0  }
0x4f: {  	s20 =	rddreg [dreg:$0xb];
	[sflag:s26] =	ssyncadd.s32 $0xFFFFE700  }
0x50: {  	[spmem:s20] =	stream.linear.scatter [tilespmem:s9], [sflag:$0x6], $0x1900, $0x38;
	[tilespmem:$0x1FC00] =	vst v63  }
0x51: {  	_ =	swait.ge [sflag:s26], $0x1900  }
0x52: {  	[sflag:s26] =	ssyncset.done $0x0  }
0x53: {  	s22 =	rddreg [dreg:$0xc];
	[sflag:s26] =	ssyncadd.s32 $0xFFFFE700  }
0x54: {  	[spmem:s22] =	stream.linear.scatter [tilespmem:s9], [sflag:$0x6], $0x1900, $0x38;
	[tilespmem:$0x1FC00] =	vst v63  }
0x55: {  	_ =	swait.ge [sflag:s26], $0x1900  }
0x56: {  	[sflag:s26] =	ssyncset.done $0x0  }
0x57: {  	s23 =	rddreg [dreg:$0xd];
	[sflag:s26] =	ssyncadd.s32 $0xFFFFE700  }
0x58: {  	[spmem:s23] =	stream.linear.scatter [tilespmem:s9], [sflag:$0x6], $0x1900, $0x38;
	[tilespmem:$0x1FC00] =	vst v63  }
0x59: {  	_ =	swait.ge [sflag:s26], $0x1900  }
0x5a: {  	[sflag:s26] =	ssyncset.done $0x0  }
0x5b: {  	s19 =	rddreg [dreg:$0xe];
	[sflag:s26] =	ssyncadd.s32 $0xFFFFE700  }
0x5c: {  	[spmem:s19] =	stream.linear.scatter [tilespmem:s9], [sflag:$0x6], $0x1900, $0x38;
	[tilespmem:$0x1FC00] =	vst v63  }
0x5d: {  	_ =	swait.ge [sflag:s26], $0x1900  }
0x5e: {  	[sflag:s26] =	ssyncset.done $0x0  }
0x5f: {  	s20 =	rddreg [dreg:$0xf];
	[sflag:s26] =	ssyncadd.s32 $0xFFFFE700  }
0x60: {  	[spmem:s20] =	stream.linear.scatter [tilespmem:s9], [sflag:$0x6], $0x1900, $0x38;
	[tilespmem:$0x1FC00] =	vst v63  }
0x61: {  	_ =	swait.ge [sflag:s26], $0x1900  }
0x62: {  	[sflag:s26] =	ssyncset.done $0x0  }
0x63: {  	s22 =	rddreg [dreg:$0x10];
	[sflag:s26] =	ssyncadd.s32 $0xFFFFE700  }
0x64: {  	[spmem:s22] =	stream.linear.scatter [tilespmem:s9], [sflag:$0x6], $0x1900, $0x38;
	[tilespmem:$0x1FC00] =	vst v63  }
0x65: {  	_ =	swait.ge [sflag:s26], $0x1900  }
0x66: {  	[sflag:s26] =	ssyncset.done $0x0  }
0x67: {  	s23 =	rddreg [dreg:$0x11];
	[sflag:s26] =	ssyncadd.s32 $0xFFFFE700  }
0x68: {  	[spmem:s23] =	stream.linear.scatter [tilespmem:s9], [sflag:$0x6], $0x1900, $0x38;
	[tilespmem:$0x1FC00] =	vst v63  }
0x69: {  	_ =	swait.ge [sflag:s26], $0x1900  }
0x6a: {  	[sflag:s26] =	ssyncset.done $0x0  }
0x6b: {  	s19 =	rddreg [dreg:$0x12];
	[sflag:s26] =	ssyncadd.s32 $0xFFFFE700  }
0x6c: {  	[spmem:s19] =	stream.linear.scatter [tilespmem:s9], [sflag:$0x6], $0x1900, $0x38;
	[tilespmem:$0x1FC00] =	vst v63  }
0x6d: {  	_ =	swait.ge [sflag:s26], $0x1900  }
0x6e: {  	[sflag:s26] =	ssyncset.done $0x0  }
0x6f: {  	s20 =	rddreg [dreg:$0x13];
	[sflag:s26] =	ssyncadd.s32 $0xFFFFE700  }
0x70: {  	[spmem:s20] =	stream.linear.scatter [tilespmem:s9], [sflag:$0x6], $0x1900, $0x38;
	[tilespmem:$0x1FC00] =	vst v63  }
0x71: {  	_ =	swait.ge [sflag:s26], $0x1900  }
0x72: {  	[sflag:s26] =	ssyncset.done $0x0  }
0x73: {  	s22 =	rddreg [dreg:$0x14];
	[sflag:s26] =	ssyncadd.s32 $0xFFFFE700  }
0x74: {  	[spmem:s22] =	stream.linear.scatter [tilespmem:s9], [sflag:$0x6], $0x1900, $0x38;
	[tilespmem:$0x1FC00] =	vst v63  }
0x75: {  	_ =	swait.ge [sflag:s26], $0x1900  }
0x76: {  	[sflag:s26] =	ssyncset.done $0x0  }
0x77: {  	s23 =	rddreg [dreg:$0x7];
	[sflag:s26] =	ssyncadd.s32 $0xFFFFE700  }
0x78: {  	[spmem:s23] =	stream.linear.scatter [tilespmem:s9], [sflag:$0x6], $0x1000, $0x38;
	[tilespmem:$0x1FC00] =	vst v63  }
.Ltmp3:
0x79: {  	_ =	swait.ge [sflag:s26], $0x1000;
	(pc) =	sbr.rel .LBB2_4-.Ltmp3, $4  }
0x7a: {  	[sflag:s26] =	ssyncset.done $0x0  }
0x7b: {  	[sflag:s26] =	ssyncadd.s32 $0xFFFFF000  }
0x7c: {  	[bflag:$0x0] =	sbarrier.arrive $0xFFFF  }
0x7d: {  	s10 =	simm.s32 $0x0  }
.LBB2_10:
0x7e: {  	s10 =	sadd.s32 $0x1, s10  }
0x7f: {  	p0 =	sne.s32 s10, $0x3  }
.Ltmp4:
0x80: {  	_ = 	snop;
	(pc) =	sbr.rel @!p0 .LBB2_11-.Ltmp4, $4  }
0x81: {  	[spmem:s2] =	stream.indirect.scatter.add.f32 [tilespmem:s9], [sflag:$0x6], $0x80, s19, s29, $0xb8;
	[tilespmem:$0x1FC00] =	vst v63  }
0x82: {  	_ =	swait.ge [sflag:s26], $0x1900  }
0x83: {  	[sflag:s26] =	ssyncset.done $0x0  }
0x84: {  	[sflag:s26] =	ssyncadd.s32 $0xFFFFE700  }
.LBB2_4:
0x85: {  	s19 =	sshllo.u32 s10, $0x1  }
0x86: {  	p0 =	sgt.u32 s19, $0x4  }
0x87: {  	s19 =	smul.u32 @!p0 $0x1400, s19;
	_ =	sdelay $0x1  }
0x88: {  	s19 =	sadd.s32 @!p0 s7, s19  }
0x89: {  	s19 =	sshrl.u32 @!p0 s19, $0x3  }
0x8a: {  	s22 =	simm.s32 @!p0 $0x0;
	s23 =	simm.s32 @!p0 $0x2800;
	s20 =	sadd.s32 @!p0 s5, s19  }
0x8b: {  	[tilespmem:s23], [sflag:$0x5] =	stream.linear.gather @!p0 [hbm4b:s20+s22], $0x1400, $0x38;
	[tilespmem:$0x1FC00] =	vst v63  }
0x8c: {  	s19 =	sadd.s32 @!p0 s6, s19;
	s20 =	simm.s32 @!p0 $0x3C00  }
0x8d: {  	[tilespmem:s20], [sflag:$0x5] =	stream.linear.gather @!p0 [hbm4b:s19+s22], $0x1400, $0x38;
	[tilespmem:$0x1FC00] =	vst v63  }
0x8e: {  	_ =	swait.ge [sflag:s11], $0x1900  }
0x8f: {  	[sflag:s11] =	ssyncset.done $0x0  }
0x90: {  	s22 =	simm.s32 $0x180;
	[sflag:s11] =	ssyncadd.s32 $0xFFFFE700  }
0x91: {  	[tilespmem:s9], [sflag:$0x4] =	stream.indirect.gather [hbm4b:s1+s29], $0x80, s22, s29, $0xb8;
	[tilespmem:$0x1FC00] =	vst v63  }
0x92: {  	s23 =	simm.s32 $0x1400  }
0x93: {  	[spmem:s2] =	stream.indirect.scatter.add.f32 [tilespmem:s30], [sflag:$0x6], $0x80, s23, s29, $0xb8;
	[tilespmem:$0x1FC00] =	vst v63  }
0x94: {  	_ =	swait.ge [sflag:s26], $0x1900  }
0x95: {  	[sflag:s26] =	ssyncset.done $0x0  }
0x96: {  	[sflag:s26] =	ssyncadd.s32 $0xFFFFE700  }
0x97: {  	_ =	swait.ge [sflag:s13], $0x1900  }
0x98: {  	[sflag:s13] =	ssyncset.done $0x0  }
0x99: {  	s20 =	simm.s32 $0x200;
	[sflag:s13] =	ssyncadd.s32 $0xFFFFE700  }
0x9a: {  	[tilespmem:s30], [sflag:$0x1] =	stream.indirect.gather [hbm4b:s1+s29], $0x80, s20, s29, $0xb8;
	[tilespmem:$0x1FC00] =	vst v63  }
0x9b: {  	s22 =	simm.s32 $0x1480  }
0x9c: {  	[spmem:s2] =	stream.indirect.scatter.add.f32 [tilespmem:s0], [sflag:$0x6], $0x80, s22, s29, $0xb8;
	[tilespmem:$0x1FC00] =	vst v63  }
0x9d: {  	_ =	swait.ge [sflag:s26], $0x1900  }
0x9e: {  	[sflag:s26] =	ssyncset.done $0x0  }
0x9f: {  	[sflag:s26] =	ssyncadd.s32 $0xFFFFE700  }
0xa0: {  	_ =	swait.ge [sflag:s14], $0x1900  }
0xa1: {  	[sflag:s14] =	ssyncset.done $0x0  }
0xa2: {  	s23 =	simm.s32 $0x280;
	[sflag:s14] =	ssyncadd.s32 $0xFFFFE700  }
0xa3: {  	[tilespmem:s0], [sflag:$0x2] =	stream.indirect.gather [hbm4b:s1+s29], $0x80, s23, s29, $0xb8;
	[tilespmem:$0x1FC00] =	vst v63  }
0xa4: {  	s20 =	simm.s32 $0x1500  }
0xa5: {  	[spmem:s2] =	stream.indirect.scatter.add.f32 [tilespmem:s8], [sflag:$0x6], $0x80, s20, s29, $0xb8;
	[tilespmem:$0x1FC00] =	vst v63  }
0xa6: {  	_ =	swait.ge [sflag:s26], $0x1900  }
0xa7: {  	[sflag:s26] =	ssyncset.done $0x0  }
0xa8: {  	[sflag:s26] =	ssyncadd.s32 $0xFFFFE700  }
0xa9: {  	_ =	swait.ge [sflag:s15], $0x1900  }
0xaa: {  	[sflag:s15] =	ssyncset.done $0x0  }
0xab: {  	s22 =	simm.s32 $0x300;
	[sflag:s15] =	ssyncadd.s32 $0xFFFFE700  }
0xac: {  	[tilespmem:s8], [sflag:$0x3] =	stream.indirect.gather [hbm4b:s1+s29], $0x80, s22, s29, $0xb8;
	[tilespmem:$0x1FC00] =	vst v63  }
0xad: {  	s23 =	simm.s32 $0x1580  }
0xae: {  	[spmem:s2] =	stream.indirect.scatter.add.f32 [tilespmem:s9], [sflag:$0x6], $0x80, s23, s29, $0xb8;
	[tilespmem:$0x1FC00] =	vst v63  }
0xaf: {  	_ =	swait.ge [sflag:s26], $0x1900  }
0xb0: {  	s19 =	simm.s32 $0x800;
	[sflag:s26] =	ssyncset.done $0x0  }
.LBB2_5:
0xb1: {  	p1 =	sne.s32 s19, $0x4000  }
0xb2: {  	[sflag:s26] =	ssyncadd.s32 $0xFFFFE700;
	s20 =	smov.u32 s19;
	s19 =	sadd.s32 $0x800, s19  }
0xb3: {  	_ = 	snop  }
0xb4: {  	_ =	swait.ge [sflag:s11], $0x1900  }
0xb5: {  	s20 =	sshra.s32 s20, $0x2;
	[sflag:s11] =	ssyncset.done $0x0  }
0xb6: {  	s22 =	sadd.s32 $0x180, s20;
	[sflag:s11] =	ssyncadd.s32 $0xFFFFE700  }
0xb7: {  	[tilespmem:s9], [sflag:$0x4] =	stream.indirect.gather [hbm4b:s1+s29], $0x80, s22, s29, $0xb8;
	[tilespmem:$0x1FC00] =	vst v63  }
0xb8: {  	s22 =	sadd.s32 $0x1400, s20  }
0xb9: {  	[spmem:s2] =	stream.indirect.scatter.add.f32 [tilespmem:s30], [sflag:$0x6], $0x80, s22, s29, $0xb8;
	[tilespmem:$0x1FC00] =	vst v63  }
0xba: {  	_ =	swait.ge [sflag:s26], $0x1900  }
0xbb: {  	[sflag:s26] =	ssyncset.done $0x0  }
0xbc: {  	[sflag:s26] =	ssyncadd.s32 $0xFFFFE700  }
0xbd: {  	_ =	swait.ge [sflag:s13], $0x1900  }
0xbe: {  	[sflag:s13] =	ssyncset.done $0x0  }
0xbf: {  	s22 =	sadd.s32 $0x200, s20;
	[sflag:s13] =	ssyncadd.s32 $0xFFFFE700  }
0xc0: {  	[tilespmem:s30], [sflag:$0x1] =	stream.indirect.gather [hbm4b:s1+s29], $0x80, s22, s29, $0xb8;
	[tilespmem:$0x1FC00] =	vst v63  }
0xc1: {  	s22 =	sadd.s32 $0x1480, s20  }
0xc2: {  	[spmem:s2] =	stream.indirect.scatter.add.f32 [tilespmem:s0], [sflag:$0x6], $0x80, s22, s29, $0xb8;
	[tilespmem:$0x1FC00] =	vst v63  }
0xc3: {  	_ =	swait.ge [sflag:s26], $0x1900  }
0xc4: {  	[sflag:s26] =	ssyncset.done $0x0  }
0xc5: {  	[sflag:s26] =	ssyncadd.s32 $0xFFFFE700  }
0xc6: {  	_ =	swait.ge [sflag:s14], $0x1900  }
0xc7: {  	[sflag:s14] =	ssyncset.done $0x0  }
0xc8: {  	s22 =	sadd.s32 $0x280, s20;
	[sflag:s14] =	ssyncadd.s32 $0xFFFFE700  }
0xc9: {  	[tilespmem:s0], [sflag:$0x2] =	stream.indirect.gather [hbm4b:s1+s29], $0x80, s22, s29, $0xb8;
	[tilespmem:$0x1FC00] =	vst v63  }
0xca: {  	s22 =	sadd.s32 $0x1500, s20  }
0xcb: {  	[spmem:s2] =	stream.indirect.scatter.add.f32 [tilespmem:s8], [sflag:$0x6], $0x80, s22, s29, $0xb8;
	[tilespmem:$0x1FC00] =	vst v63  }
0xcc: {  	_ =	swait.ge [sflag:s26], $0x1900  }
0xcd: {  	[sflag:s26] =	ssyncset.done $0x0  }
0xce: {  	[sflag:s26] =	ssyncadd.s32 $0xFFFFE700  }
0xcf: {  	_ =	swait.ge [sflag:s15], $0x1900  }
0xd0: {  	[sflag:s15] =	ssyncset.done $0x0  }
0xd1: {  	s22 =	sadd.s32 $0x300, s20;
	[sflag:s15] =	ssyncadd.s32 $0xFFFFE700  }
0xd2: {  	[tilespmem:s8], [sflag:$0x3] =	stream.indirect.gather [hbm4b:s1+s29], $0x80, s22, s29, $0xb8;
	[tilespmem:$0x1FC00] =	vst v63  }
.Ltmp5:
0xd3: {  	_ = 	snop;
	(pc) =	sbr.rel @p1 .LBB2_5-.Ltmp5, $4  }
0xd4: {  	s20 =	sadd.s32 $0x1580, s20  }
0xd5: {  	[spmem:s2] =	stream.indirect.scatter.add.f32 [tilespmem:s9], [sflag:$0x6], $0x80, s20, s29, $0xb8;
	[tilespmem:$0x1FC00] =	vst v63  }
0xd6: {  	_ =	swait.ge [sflag:s26], $0x1900  }
0xd7: {  	[sflag:s26] =	ssyncset.done $0x0  }
0xd8: {  	[sflag:s26] =	ssyncadd.s32 $0xFFFFE700;
	s19 =	simm.s32 @!p0 $0x5  }
0xd9: {  	_ =	swait.ge @!p0 [sflag:s19], $0x1400  }
0xda: {  	[sflag:s19] =	ssyncset.done @!p0 $0x0  }
0xdb: {  	[sflag:s19] =	ssyncadd.s32 @!p0 $0xFFFFEC00  }
0xdc: {  	_ =	swait.ge @!p0 [sflag:s19], $0x1400  }
0xdd: {  	[sflag:s19] =	ssyncset.done @!p0 $0x0  }
0xde: {  	[sflag:s19] =	ssyncadd.s32 @!p0 $0xFFFFEC00  }
0xdf: {  	_ =	swait.ge [sflag:s11], $0x1900  }
0xe0: {  	[sflag:s11] =	ssyncset.done $0x0  }
0xe1: {  	[sflag:s11] =	ssyncadd.s32 $0xFFFFE700  }
0xe2: {  	[tilespmem:s9], [sflag:$0x4] =	stream.indirect.gather [hbm4b:s1+s29], $0x80, s16, s29, $0xb8;
	[tilespmem:$0x1FC00] =	vst v63  }
0xe3: {  	_ = 	snop  }
0xe4: {  	[spmem:s2] =	stream.indirect.scatter.add.f32 [tilespmem:s30], [sflag:$0x6], $0x80, s17, s29, $0xb8;
	[tilespmem:$0x1FC00] =	vst v63  }
0xe5: {  	_ =	swait.ge [sflag:s26], $0x1900  }
0xe6: {  	[sflag:s26] =	ssyncset.done $0x0  }
0xe7: {  	[sflag:s26] =	ssyncadd.s32 $0xFFFFE700  }
0xe8: {  	_ =	swait.ge [sflag:s13], $0x1900  }
0xe9: {  	s20 =	simm.s32 @p0 $0x2680;
	[sflag:s13] =	ssyncset.done $0x0  }
0xea: {  	s22 =	simm.s32 @p0 $0x6C00;
	s19 =	simm.s32 @p0 $0x32;
	[sflag:s13] =	ssyncadd.s32 $0xFFFFE700  }
0xeb: {  	[spmem:s2] =	stream.indirect.scatter.add.f32 @p0 [tilespmem:s22], [sflag:$0x6], $0x80, s20, s19, $0xb8;
	[tilespmem:$0x1FC00] =	vst v63  }
0xec: {  	s19 =	simm.s32 @p0 $0x6  }
0xed: {  	_ =	swait.ge @p0 [sflag:s19], $0x1900  }
0xee: {  	[sflag:s19] =	ssyncset.done @p0 $0x0  }
0xef: {  	[sflag:s19] =	ssyncadd.s32 @p0 $0xFFFFE700;
	s19 =	simm.s32 @p0 $0x3  }
0xf0: {  	_ =	swait.ge @p0 [sflag:s19], $0x1900  }
0xf1: {  	s20 =	simm.s32 @!p0 $0x2800;
	[sflag:s19] =	ssyncset.done @p0 $0x0  }
0xf2: {  	s22 =	simm.s32 @!p0 $0x5000;
	[sflag:s19] =	ssyncadd.s32 @p0 $0xFFFFE700;
	s19 =	simm.s32 @!p0 $0x32  }
0xf3: {  	[tilespmem:s22], [sflag:$0x1] =	stream.indirect.gather @!p0 [hbm4b:s1+s19], $0x80, s20, s19, $0xb8;
	[tilespmem:$0x1FC00] =	vst v63  }
0xf4: {  	s20 =	simm.s32 @!p0 $0x2680;
	s22 =	simm.s32 @!p0 $0x6C00  }
0xf5: {  	[spmem:s2] =	stream.indirect.scatter.add.f32 @!p0 [tilespmem:s22], [sflag:$0x6], $0x80, s20, s19, $0xb8;
	[tilespmem:$0x1FC00] =	vst v63  }
0xf6: {  	s20 =	simm.s32 @!p0 $0x6  }
0xf7: {  	_ =	swait.ge @!p0 [sflag:s20], $0x1900  }
0xf8: {  	[sflag:s20] =	ssyncset.done @!p0 $0x0  }
0xf9: {  	[sflag:s20] =	ssyncadd.s32 @!p0 $0xFFFFE700;
	s20 =	simm.s32 @!p0 $0x3  }
0xfa: {  	_ =	swait.ge @!p0 [sflag:s20], $0x1900  }
0xfb: {  	[sflag:s20] =	ssyncset.done @!p0 $0x0  }
0xfc: {  	[sflag:s20] =	ssyncadd.s32 @!p0 $0xFFFFE700;
	s20 =	simm.s32 @!p0 $0x2880  }
0xfd: {  	[tilespmem:s22], [sflag:$0x2] =	stream.indirect.gather @!p0 [hbm4b:s1+s19], $0x80, s20, s19, $0xb8;
	[tilespmem:$0x1FC00] =	vst v63  }
0xfe: {  	_ = 	snop  }
0xff: {  	[spmem:s2] =	stream.indirect.scatter.add.f32 [tilespmem:s8], [sflag:$0x6], $0x80, s18, s29, $0xb8;
	[tilespmem:$0x1FC00] =	vst v63  }
0x100: {  	_ =	swait.ge [sflag:s26], $0x1900  }
.Ltmp6:
0x101: {  	[sflag:s26] =	ssyncset.done $0x0;
	(pc) =	sbr.rel @p0 .LBB2_10-.Ltmp6, $4  }
0x102: {  	[sflag:s26] =	ssyncadd.s32 $0xFFFFE700  }
0x103: {  	_ =	swait.ge [sflag:s15], $0x1900  }
0x104: {  	[sflag:s15] =	ssyncset.done $0x0  }
0x105: {  	s19 =	simm.s32 $0x2780;
	[sflag:s15] =	ssyncadd.s32 $0xFFFFE700  }
0x106: {  	s19 =	simm.s32 $0x2900  }
0x107: {  	[tilespmem:s8], [sflag:$0x3] =	stream.indirect.gather [hbm4b:s1+s29], $0x80, s19, s29, $0xb8;
	[tilespmem:$0x1FC00] =	vst v63  }
0x108: {  	s22 =	smul.u32 $0x2800, s10;
	s20 =	simm.s32 $0x2780  }
0x109: {  	[spmem:s2] =	stream.indirect.scatter.add.f32 [tilespmem:s9], [sflag:$0x6], $0x80, s20, s29, $0xb8;
	[tilespmem:$0x1FC00] =	vst v63  }
0x10a: {  	s19 =	sadd.s32 s22, s12;
	_ =	swait.ge [sflag:s26], $0x1900  }
0x10b: {  	s19 =	sshrl.u32 s19, $0x3;
	[sflag:s26] =	ssyncset.done $0x0  }
0x10c: {  	s22 =	simm.s32 $0x0;
	s23 =	sadd.s32 s5, s19;
	[sflag:s26] =	ssyncadd.s32 $0xFFFFE700  }
0x10d: {  	[tilespmem:s22], [sflag:$0x5] =	stream.linear.gather [hbm4b:s23+s22], $0x1400, $0x38;
	[tilespmem:$0x1FC00] =	vst v63  }
0x10e: {  	s19 =	sadd.s32 s6, s19  }
0x10f: {  	[tilespmem:s28], [sflag:$0x5] =	stream.linear.gather [hbm4b:s19+s22], $0x1400, $0x38;
	[tilespmem:$0x1FC00] =	vst v63  }
0x110: {  	_ =	swait.ge [sflag:s11], $0x1900  }
0x111: {  	[sflag:s11] =	ssyncset.done $0x0  }
0x112: {  	s22 =	simm.s32 $0x2980;
	[sflag:s11] =	ssyncadd.s32 $0xFFFFE700  }
0x113: {  	[tilespmem:s9], [sflag:$0x4] =	stream.indirect.gather [hbm4b:s1+s29], $0x80, s22, s29, $0xb8;
	[tilespmem:$0x1FC00] =	vst v63  }
0x114: {  	s23 =	simm.s32 $0x3C00  }
0x115: {  	[spmem:s2] =	stream.indirect.scatter.add.f32 [tilespmem:s30], [sflag:$0x6], $0x80, s23, s29, $0xb8;
	[tilespmem:$0x1FC00] =	vst v63  }
0x116: {  	_ =	swait.ge [sflag:s26], $0x1900  }
0x117: {  	[sflag:s26] =	ssyncset.done $0x0  }
0x118: {  	[sflag:s26] =	ssyncadd.s32 $0xFFFFE700  }
0x119: {  	_ =	swait.ge [sflag:s13], $0x1900  }
0x11a: {  	[sflag:s13] =	ssyncset.done $0x0  }
0x11b: {  	s20 =	simm.s32 $0x2A00;
	[sflag:s13] =	ssyncadd.s32 $0xFFFFE700  }
0x11c: {  	[tilespmem:s30], [sflag:$0x1] =	stream.indirect.gather [hbm4b:s1+s29], $0x80, s20, s29, $0xb8;
	[tilespmem:$0x1FC00] =	vst v63  }
0x11d: {  	s22 =	simm.s32 $0x3C80  }
0x11e: {  	[spmem:s2] =	stream.indirect.scatter.add.f32 [tilespmem:s0], [sflag:$0x6], $0x80, s22, s29, $0xb8;
	[tilespmem:$0x1FC00] =	vst v63  }
0x11f: {  	_ =	swait.ge [sflag:s26], $0x1900  }
0x120: {  	[sflag:s26] =	ssyncset.done $0x0  }
0x121: {  	[sflag:s26] =	ssyncadd.s32 $0xFFFFE700  }
0x122: {  	_ =	swait.ge [sflag:s14], $0x1900  }
0x123: {  	[sflag:s14] =	ssyncset.done $0x0  }
0x124: {  	s23 =	simm.s32 $0x2A80;
	[sflag:s14] =	ssyncadd.s32 $0xFFFFE700  }
0x125: {  	[tilespmem:s0], [sflag:$0x2] =	stream.indirect.gather [hbm4b:s1+s29], $0x80, s23, s29, $0xb8;
	[tilespmem:$0x1FC00] =	vst v63  }
0x126: {  	s20 =	simm.s32 $0x3D00  }
0x127: {  	[spmem:s2] =	stream.indirect.scatter.add.f32 [tilespmem:s8], [sflag:$0x6], $0x80, s20, s29, $0xb8;
	[tilespmem:$0x1FC00] =	vst v63  }
0x128: {  	_ =	swait.ge [sflag:s26], $0x1900  }
0x129: {  	[sflag:s26] =	ssyncset.done $0x0  }
0x12a: {  	[sflag:s26] =	ssyncadd.s32 $0xFFFFE700  }
0x12b: {  	_ =	swait.ge [sflag:s15], $0x1900  }
0x12c: {  	[sflag:s15] =	ssyncset.done $0x0  }
0x12d: {  	s22 =	simm.s32 $0x2B00;
	[sflag:s15] =	ssyncadd.s32 $0xFFFFE700  }
0x12e: {  	[tilespmem:s8], [sflag:$0x3] =	stream.indirect.gather [hbm4b:s1+s29], $0x80, s22, s29, $0xb8;
	[tilespmem:$0x1FC00] =	vst v63  }
0x12f: {  	s23 =	simm.s32 $0x3D80  }
0x130: {  	[spmem:s2] =	stream.indirect.scatter.add.f32 [tilespmem:s9], [sflag:$0x6], $0x80, s23, s29, $0xb8;
	[tilespmem:$0x1FC00] =	vst v63  }
0x131: {  	_ =	swait.ge [sflag:s26], $0x1900  }
0x132: {  	s19 =	simm.s32 $0x800;
	[sflag:s26] =	ssyncset.done $0x0  }
.LBB2_8:
0x133: {  	p0 =	sne.s32 s19, $0x4000  }
0x134: {  	[sflag:s26] =	ssyncadd.s32 $0xFFFFE700;
	s20 =	smov.u32 s19;
	s19 =	sadd.s32 $0x800, s19  }
0x135: {  	_ = 	snop  }
0x136: {  	_ =	swait.ge [sflag:s11], $0x1900  }
0x137: {  	s20 =	sshra.s32 s20, $0x2;
	[sflag:s11] =	ssyncset.done $0x0  }
0x138: {  	s22 =	sadd.s32 $0x2980, s20;
	[sflag:s11] =	ssyncadd.s32 $0xFFFFE700  }
0x139: {  	[tilespmem:s9], [sflag:$0x4] =	stream.indirect.gather [hbm4b:s1+s29], $0x80, s22, s29, $0xb8;
	[tilespmem:$0x1FC00] =	vst v63  }
0x13a: {  	s22 =	sadd.s32 $0x3C00, s20  }
0x13b: {  	[spmem:s2] =	stream.indirect.scatter.add.f32 [tilespmem:s30], [sflag:$0x6], $0x80, s22, s29, $0xb8;
	[tilespmem:$0x1FC00] =	vst v63  }
0x13c: {  	_ =	swait.ge [sflag:s26], $0x1900  }
0x13d: {  	[sflag:s26] =	ssyncset.done $0x0  }
0x13e: {  	[sflag:s26] =	ssyncadd.s32 $0xFFFFE700  }
0x13f: {  	_ =	swait.ge [sflag:s13], $0x1900  }
0x140: {  	[sflag:s13] =	ssyncset.done $0x0  }
0x141: {  	s22 =	sadd.s32 $0x2A00, s20;
	[sflag:s13] =	ssyncadd.s32 $0xFFFFE700  }
0x142: {  	[tilespmem:s30], [sflag:$0x1] =	stream.indirect.gather [hbm4b:s1+s29], $0x80, s22, s29, $0xb8;
	[tilespmem:$0x1FC00] =	vst v63  }
0x143: {  	s22 =	sadd.s32 $0x3C80, s20  }
0x144: {  	[spmem:s2] =	stream.indirect.scatter.add.f32 [tilespmem:s0], [sflag:$0x6], $0x80, s22, s29, $0xb8;
	[tilespmem:$0x1FC00] =	vst v63  }
0x145: {  	_ =	swait.ge [sflag:s26], $0x1900  }
0x146: {  	[sflag:s26] =	ssyncset.done $0x0  }
0x147: {  	[sflag:s26] =	ssyncadd.s32 $0xFFFFE700  }
0x148: {  	_ =	swait.ge [sflag:s14], $0x1900  }
0x149: {  	[sflag:s14] =	ssyncset.done $0x0  }
0x14a: {  	s22 =	sadd.s32 $0x2A80, s20;
	[sflag:s14] =	ssyncadd.s32 $0xFFFFE700  }
0x14b: {  	[tilespmem:s0], [sflag:$0x2] =	stream.indirect.gather [hbm4b:s1+s29], $0x80, s22, s29, $0xb8;
	[tilespmem:$0x1FC00] =	vst v63  }
0x14c: {  	s22 =	sadd.s32 $0x3D00, s20  }
0x14d: {  	[spmem:s2] =	stream.indirect.scatter.add.f32 [tilespmem:s8], [sflag:$0x6], $0x80, s22, s29, $0xb8;
	[tilespmem:$0x1FC00] =	vst v63  }
0x14e: {  	_ =	swait.ge [sflag:s26], $0x1900  }
0x14f: {  	[sflag:s26] =	ssyncset.done $0x0  }
0x150: {  	[sflag:s26] =	ssyncadd.s32 $0xFFFFE700  }
0x151: {  	_ =	swait.ge [sflag:s15], $0x1900  }
0x152: {  	[sflag:s15] =	ssyncset.done $0x0  }
0x153: {  	s22 =	sadd.s32 $0x2B00, s20;
	[sflag:s15] =	ssyncadd.s32 $0xFFFFE700  }
0x154: {  	[tilespmem:s8], [sflag:$0x3] =	stream.indirect.gather [hbm4b:s1+s29], $0x80, s22, s29, $0xb8;
	[tilespmem:$0x1FC00] =	vst v63  }
.Ltmp7:
0x155: {  	_ = 	snop;
	(pc) =	sbr.rel @p0 .LBB2_8-.Ltmp7, $4  }
0x156: {  	s20 =	sadd.s32 $0x3D80, s20  }
0x157: {  	[spmem:s2] =	stream.indirect.scatter.add.f32 [tilespmem:s9], [sflag:$0x6], $0x80, s20, s29, $0xb8;
	[tilespmem:$0x1FC00] =	vst v63  }
0x158: {  	_ =	swait.ge [sflag:s26], $0x1900  }
0x159: {  	[sflag:s26] =	ssyncset.done $0x0  }
0x15a: {  	[sflag:s26] =	ssyncadd.s32 $0xFFFFE700  }
0x15b: {  	_ =	swait.ge [sflag:s21], $0x1400  }
0x15c: {  	[sflag:s21] =	ssyncset.done $0x0  }
0x15d: {  	[sflag:s21] =	ssyncadd.s32 $0xFFFFEC00  }
0x15e: {  	_ =	swait.ge [sflag:s21], $0x1400  }
0x15f: {  	[sflag:s21] =	ssyncset.done $0x0  }
0x160: {  	[sflag:s21] =	ssyncadd.s32 $0xFFFFEC00  }
0x161: {  	_ =	swait.ge [sflag:s11], $0x1900  }
0x162: {  	[sflag:s11] =	ssyncset.done $0x0  }
0x163: {  	s19 =	simm.s32 $0x3B80;
	[sflag:s11] =	ssyncadd.s32 $0xFFFFE700  }
0x164: {  	[tilespmem:s9], [sflag:$0x4] =	stream.indirect.gather [hbm4b:s1+s29], $0x80, s19, s29, $0xb8;
	[tilespmem:$0x1FC00] =	vst v63  }
0x165: {  	s23 =	simm.s32 $0x4E00  }
0x166: {  	[spmem:s2] =	stream.indirect.scatter.add.f32 [tilespmem:s30], [sflag:$0x6], $0x80, s23, s29, $0xb8;
	[tilespmem:$0x1FC00] =	vst v63  }
0x167: {  	_ =	swait.ge [sflag:s26], $0x1900  }
0x168: {  	[sflag:s26] =	ssyncset.done $0x0  }
0x169: {  	[sflag:s26] =	ssyncadd.s32 $0xFFFFE700  }
0x16a: {  	_ =	swait.ge [sflag:s13], $0x1900  }
0x16b: {  	[sflag:s13] =	ssyncset.done $0x0  }
0x16c: {  	[sflag:s13] =	ssyncadd.s32 $0xFFFFE700  }
0x16d: {  	[tilespmem:s30], [sflag:$0x1] =	stream.indirect.gather [hbm4b:s1+s29], $0x80, s4, s29, $0xb8;
	[tilespmem:$0x1FC00] =	vst v63  }
0x16e: {  	_ = 	snop  }
0x16f: {  	[spmem:s2] =	stream.indirect.scatter.add.f32 [tilespmem:s0], [sflag:$0x6], $0x80, s24, s29, $0xb8;
	[tilespmem:$0x1FC00] =	vst v63  }
0x170: {  	_ =	swait.ge [sflag:s26], $0x1900  }
0x171: {  	[sflag:s26] =	ssyncset.done $0x0  }
0x172: {  	[sflag:s26] =	ssyncadd.s32 $0xFFFFE700  }
0x173: {  	_ =	swait.ge [sflag:s14], $0x1900  }
0x174: {  	[sflag:s14] =	ssyncset.done $0x0  }
0x175: {  	[sflag:s14] =	ssyncadd.s32 $0xFFFFE700  }
0x176: {  	[tilespmem:s0], [sflag:$0x2] =	stream.indirect.gather [hbm4b:s1+s29], $0x80, s31, s29, $0xb8;
	[tilespmem:$0x1FC00] =	vst v63  }
0x177: {  	_ = 	snop  }
0x178: {  	[spmem:s2] =	stream.indirect.scatter.add.f32 [tilespmem:s8], [sflag:$0x6], $0x80, s25, s29, $0xb8;
	[tilespmem:$0x1FC00] =	vst v63  }
0x179: {  	_ =	swait.ge [sflag:s26], $0x1900  }
0x17a: {  	[sflag:s26] =	ssyncset.done $0x0  }
.Ltmp8:
0x17b: {  	[sflag:s26] =	ssyncadd.s32 $0xFFFFE700;
	(pc) =	sbr.rel .LBB2_10-.Ltmp8, $4  }
0x17c: {  	_ =	swait.ge [sflag:s15], $0x1900  }
0x17d: {  	[sflag:s15] =	ssyncset.done $0x0  }
0x17e: {  	s19 =	simm.s32 $0x4F80;
	[sflag:s15] =	ssyncadd.s32 $0xFFFFE700  }
0x17f: {  	[tilespmem:s8], [sflag:$0x3] =	stream.indirect.gather [hbm4b:s1+s29], $0x80, s3, s29, $0xb8;
	[tilespmem:$0x1FC00] =	vst v63  }
.LBB2_12:
0x180: {  	_ =	sfence.sel $0x180000  }
0x181: {  	[bflag:$0x0] =	sbarrier.arrive $0xFFFF  }
0x182: {  	_ =	strace $0x9000004A  }
0x183: {  	s0 =	stileid.u32;
	[bflag:$0x2] =	sbarrier.arrive $0xFFFF  }
0x184: {  	p0 =	sne.s32 s0, $0x0;
	s0 =	rddreg [dreg:$0x3]  }
0x185: {  	s0 =	sadd.s32 @!p0 $0x100000, s0  }
0x186: {  	[sflag:s0] =	ssyncadd.tile.s32 @!p0 $0x1;
	_ =	shalt  }
.Lfunc_end2:
_tile_overlayer_lowered:
.L_overlay_start_2:
0x187: {  	(tag) =	ssettag $0x2  }
0x188: {  	s0 =	rddreg [dreg:$0x0];
	s2 =	stileid.u32  }
0x189: {  	s1 =	rddreg [dreg:$0x1];
	p0 =	sne.s32 s2, $0x0  }
0x18a: {  	s3 =	rddreg [dreg:$0x2];
	[bflag:$0x3] =	sbarrier.arrive $0xFFFF;
	s2 =	simm.s32 @!p0 $0x1C06  }
0x18b: {  	[timem:s3], [sflag:s2] =	dma.local @!p0 [hbm:s0], s1  }
0x18c: {  	s0 =	simm.s32 @!p0 $0x6  }
0x18d: {  	_ =	swait.ge @!p0 [sflag:s0], s1  }
0x18e: {  	s1 =	ssub.s32 @!p0 $0x0, s1;
	[sflag:s0] =	ssyncset.done @!p0 $0x0  }
0x18f: {  	[sflag:s0] =	ssyncadd.s32 @!p0 s1  }
0x190: {  	[bflag:$0x3] =	sbarrier.arrive $0xFFFF  }
0x191: {  	_ =	shalt  }

// kernel: kernel.16.cloned.1.call-start
scs
__scs_entry_jumppad:
0x0: {  	(pc) =	sbr.rel $0x88, $3  }
0x1: {  	(tag) =	ssettag $0x0;
	lr =	simm.s32 $0x1  }
0x2: {  	[smem:$0x3F99] =	sst lr;
	_ =	strace $0xD0000000  }
0x3: {  	_ = 	snop  }
0x4: {  	_ = 	snop  }
0x5: {  	_ = 	snop  }
0x6: {  	_ = 	snop  }
0x7: {  	_ = 	snop  }
__scs_overlays_trampoline_lowered:
0x8: {  	[smem:$0x3FA8] =	sst s0  }
0x9: {  	[smem:$0x3FA9] =	sst s1  }
0xa: {  	[smem:$0x3FAA] =	sst s2  }
0xb: {  	[smem:$0x3FAB] =	sst s3  }
0xc: {  	[smem:$0x3FAC] =	sst s4  }
0xd: {  	[smem:$0x3FAD] =	sst s5  }
0xe: {  	[smem:$0x3FAE] =	sst s6  }
0xf: {  	[smem:$0x3FAF] =	sst s7  }
0x10: {  	[smem:$0x3FB0] =	sst s8  }
0x11: {  	[smem:$0x3FB1] =	sst s9;
	s0 =	simm.s32 @!p0 $0x0  }
0x12: {  	s1 =	sld [smem:$0x3F97];
	s0 =	simm.s32 @p0 $0x1  }
0x13: {  	[smem:$0x3FB2] =	sst s0;
	s0 =	simm.s32 @!p1 $0x0  }
0x14: {  	s2 =	sld [smem:$0x3F96];
	s0 =	simm.s32 @p1 $0x1  }
0x15: {  	[smem:$0x3FB3] =	sst s0;
	s0 =	simm.s32 @!p2 $0x0  }
0x16: {  	s3 =	sld [smem:$0x3FDB];
	s0 =	simm.s32 @p2 $0x1  }
0x17: {  	s4 =	simm.s32 $0x1BF5;
	[smem:$0x3FB5] =	sst s0  }
0x18: {  	s0 =	sld [smem:$0x3F98];
	_ =	swait.ge [sflag:s4], $0x0  }
0x19: {  	s7 =	sld [smem:$0x3F99]  }
0x1a: {  	s8 =	sadd.s32 $0xFFFFE003, lr  }
0x1b: {  	s9 =	sadd.s32 $0xFFFFFEF7, lr;
	s5 =	simm.s32 $0xFFFFFFFF;
	p2 =	slt.u32 s8, $0xFFFFF086  }
0x1c: {  	p1 =	slt.u32 s9, $0xF7A;
	s5 =	simm.s32 @!p2 $0x0  }
0x1d: {  	s5 =	simm.s32 @p1 $0x1;
	p0 =	seq.s32 s7, s2  }
0x1e: {  	s7 =	smul.u32 @!p0 $0xF7A, s2;
	p2 =	seq.s32 @!p0 s5, $0x0  }
0x1f: {  	s9 =	smul.u32 $0xF7A, s1;
	s8 =	simm.s32 @!p0 $0x1BF5;
	p2 =	por !p2, p0  }
0x20: {  	[sflag:s8] =	ssyncset.s32 @!p0 $0xFFFFF086;
	s6 =	sadd.s32 @!p0 s3, s7;
	s7 =	simm.s32 @!p0 $0x108  }
0x21: {  	s3 =	sadd.s32 s3, s9;
	s6 =	sadd.s32 @!p0 $0x88, s6;
	s7 =	simm.s32 @p2 $0x1082  }
0x22: {  	[simem:s7], [sflag:s8] =	dma.local @!p0 [hbm:s6], $0xF7A  }
0x23: {  	s9 =	sor.u32 $0xD0000000, s2;
	s6 =	simm.s32 $0x108;
	_ =	swait.ge @!p0 [sflag:s8], $0x0  }
0x24: {  	s3 =	sadd.s32 $0x88, s3;
	s6 =	simm.s32 @!p1 $0x1082;
	[sflag:s4] =	ssyncset.s32 $0xFFFFF086  }
0x25: {  	[simem:s6], [sflag:s4] =	dma.local [hbm:s3], $0xF7A  }
0x26: {  	[smem:$0x3F99] =	sst s1;
	(tag) =	ssettag s2;
	_ =	strace s9  }
0x27: {  	s1 =	sld [smem:$0x3FA9]  }
0x28: {  	s2 =	sld [smem:$0x3FAA]  }
0x29: {  	s4 =	sld [smem:$0x3FAC]  }
0x2a: {  	p0 =	seq.s32 s5, $0x0;
	s5 =	sld [smem:$0x3FAD]  }
0x2b: {  	s6 =	sld [smem:$0x3FAE]  }
0x2c: {  	s7 =	sld [smem:$0x3FAF]  }
0x2d: {  	s3 =	simm.s32 $0x108;
	s8 =	sld [smem:$0x3FB0]  }
0x2e: {  	s3 =	simm.s32 @!p0 $0x1082;
	s9 =	sld [smem:$0x3FB1]  }
0x2f: {  	lr =	sadd.s32 s0, s3;
	s0 =	sld [smem:$0x3FA8]  }
0x30: {  	s3 =	sld [smem:$0x3FAB]  }
0x31: {  	[smem:$0x3FB4] =	sst s10  }
0x32: {  	s10 =	sld [smem:$0x3FB2];
	_ =	sdelay $0x3  }
0x33: {  	p0 =	seq.s32 s10, $0x1;
	s10 =	sld [smem:$0x3FB4];
	_ =	sdelay $0x3  }
0x34: {  	[smem:$0x3FB4] =	sst s10  }
0x35: {  	s10 =	sld [smem:$0x3FB3];
	_ =	sdelay $0x3  }
0x36: {  	p1 =	seq.s32 s10, $0x1;
	s10 =	sld [smem:$0x3FB4];
	_ =	sdelay $0x3  }
0x37: {  	[smem:$0x3FB4] =	sst s10  }
0x38: {  	s10 =	sld [smem:$0x3FB5]  }
0x39: {  	_ = 	snop;
	(pc) =	sbr.ind lr, $3  }
0x3a: {  	_ = 	snop  }
0x3b: {  	_ = 	snop  }
0x3c: {  	p2 =	seq.s32 s10, $0x1;
	s10 =	sld [smem:$0x3FB4]  }
0x3d: {  	_ =	shalt  }
0x3e: {  	_ =	shalt  }
0x3f: {  	_ =	shalt  }
0x40: {  	_ =	shalt  }
0x41: {  	_ =	shalt  }
0x42: {  	_ =	shalt  }
0x43: {  	_ =	shalt  }
0x44: {  	_ =	shalt  }
0x45: {  	_ =	shalt  }
0x46: {  	_ =	shalt  }
0x47: {  	_ =	shalt  }
0x48: {  	_ =	shalt  }
0x49: {  	_ =	shalt  }
0x4a: {  	_ =	shalt  }
0x4b: {  	_ =	shalt  }
0x4c: {  	_ =	shalt  }
0x4d: {  	_ =	shalt  }
0x4e: {  	_ =	shalt  }
0x4f: {  	_ =	shalt  }
0x50: {  	_ =	shalt  }
0x51: {  	_ =	shalt  }
0x52: {  	_ =	shalt  }
0x53: {  	_ =	shalt  }
0x54: {  	_ =	shalt  }
0x55: {  	_ =	shalt  }
0x56: {  	_ =	shalt  }
0x57: {  	_ =	shalt  }
0x58: {  	_ =	shalt  }
0x59: {  	_ =	shalt  }
0x5a: {  	_ =	shalt  }
0x5b: {  	_ =	shalt  }
0x5c: {  	_ =	shalt  }
0x5d: {  	_ =	shalt  }
0x5e: {  	_ =	shalt  }
0x5f: {  	_ =	shalt  }
0x60: {  	_ =	shalt  }
0x61: {  	_ =	shalt  }
0x62: {  	_ =	shalt  }
0x63: {  	_ =	shalt  }
0x64: {  	_ =	shalt  }
0x65: {  	_ =	shalt  }
0x66: {  	_ =	shalt  }
0x67: {  	_ =	shalt  }
0x68: {  	_ =	shalt  }
0x69: {  	_ =	shalt  }
0x6a: {  	_ =	shalt  }
0x6b: {  	_ =	shalt  }
0x6c: {  	_ =	shalt  }
0x6d: {  	_ =	shalt  }
0x6e: {  	_ =	shalt  }
0x6f: {  	_ =	shalt  }
0x70: {  	_ =	shalt  }
0x71: {  	_ =	shalt  }
0x72: {  	_ =	shalt  }
0x73: {  	_ =	shalt  }
0x74: {  	_ =	shalt  }
0x75: {  	_ =	shalt  }
0x76: {  	_ =	shalt  }
0x77: {  	_ =	shalt  }
0x78: {  	_ =	shalt  }
0x79: {  	_ =	shalt  }
0x7a: {  	_ =	shalt  }
0x7b: {  	_ =	shalt  }
0x7c: {  	_ =	shalt  }
0x7d: {  	_ =	shalt  }
0x7e: {  	_ =	shalt  }
0x7f: {  	_ =	shalt  }
0x80: {  	_ =	shalt  }
0x81: {  	_ =	shalt  }
0x82: {  	_ =	shalt  }
0x83: {  	_ =	shalt  }
0x84: {  	_ =	shalt  }
0x85: {  	_ =	shalt  }
0x86: {  	_ =	shalt  }
0x87: {  	_ =	shalt  }
.Lfunc_end0:
.L_simem_size_0:
called_computation.2_lowered:
.L_overlay_start_0:
0x88: {  	s2 =	sld [smem:$0x3FD9]  }
0x89: {  	s3 =	sld [smem:$0x3FFE];
	_ =	sdelay $0x1  }
0x8a: {  	s1 =	srdreg.scid  }
0x8b: {  	s0 =	sand.u32 $0x1, s1  }
0x8c: {  	s17 =	sshll.u32 s0, $0xA;
	s2 =	sadd.s32 s3, s2  }
0x8d: {  	s2 =	sadd.s32 s2, s17  }
0x8e: {  	[smem:$0x3FC0] =	sst s2  }
0x8f: {  	_ = 	snop  }
0x90: {  	s2 =	sld [smem:$0x3FD0];
	(tm) =	ssettm $0x1  }
0x91: {  	s18 =	sld [smem:$0x3FFB];
	_ =	sdelay $0x3  }
0x92: {  	_ =	strace s18  }
0x93: {  	s3 =	sld [smem:$0x3FFC];
	_ =	sdelay $0x3  }
0x94: {  	_ =	strace s3  }
0x95: {  	s3 =	sld [smem:$0x3FFD];
	_ =	sdelay $0x3  }
0x96: {  	_ =	strace s3  }
0x97: {  	_ =	strace $0x8FFFFFFF  }
0x98: {  	s19 =	sld [smem:$0x3FDB];
	_ =	sdelay $0x1  }
0x99: {  	s4 =	simm.s32 $_scs_section_size  }
0x9a: {  	s5 =	simm.s32 $_size__tile_overlayer_lowered;
	s6 =	simm.s32 $_tile_overlayer_lowered  }
0x9b: {  	s22 =	simm.s32 $0x1BFF;
	s21 =	sshll.u32 s6, $0x1;
	s3 =	sadd.s32 s4, s19  }
0x9c: {  	s7 =	simm.s32 $0x0;
	s20 =	sshll.u32 s5, $0x1;
	s5 =	sadd.s32 s21, s3  }
0x9d: {  	[timem:s7], [sflag:s22] =	dma.local [hbm:s5], s20  }
0x9e: {  	_ =	swait.ge [sflag:s22], s20  }
0x9f: {  	s4 =	ssub.s32 $0x0, s20;
	[sflag:s22] =	ssyncset.done $0x0  }
0xa0: {  	[sflag:s22] =	ssyncadd.s32 s4;
	_ =	sdelay $0x1  }
0xa1: {  	s23 =	simm.s32 $0x1B8B  }
0xa2: {  	_ =	swait.ge [sflag:s23], $0x1  }
0xa3: {  	[sflag:s23] =	ssyncset.done $0x0  }
0xa4: {  	s25 =	simm.s32 $0x1B8E;
	s24 =	sld [smem:$0x3FFE];
	[sflag:s23] =	ssyncadd.s32 $0xFFFFFFFF  }
0xa5: {  	s26 =	simm.s32 $execute0_lowered;
	[smem:$0x3FD2] =	sst s25  }
0xa6: {  	s5 =	sshll.u32 s26, $0x1;
	_ =	strace $0x8000004C;
	[dreg:$0x1] =	wrdreg $0xFFFFFFFF  }
0xa7: {  	s28 =	simm.s32 $_size_execute0_lowered;
	s3 =	sadd.s32 s3, s5;
	[dreg:$0x0] =	wrdreg $0x0  }
0xa8: {  	s5 =	sshll.u32 s28, $0x1;
	[dreg:$0x2] =	wrdreg s3  }
0xa9: {  	[dreg:$0x3] =	wrdreg s5  }
0xaa: {  	[dreg:$0x4] =	wrdreg $0xC0  }
0xab: {  	_ =	task [dreg:s7], $0x5FFFF  }
0xac: {  	[dreg:$0x1] =	wrdreg $0xFFFFFFFF  }
0xad: {  	[dreg:$0x0] =	wrdreg $0x60  }
0xae: {  	[dreg:$0x2] =	wrdreg s2  }
0xaf: {  	[dreg:$0x3] =	wrdreg s24  }
0xb0: {  	[dreg:$0x4] =	wrdreg $0xC0000  }
0xb1: {  	[dreg:$0x5] =	wrdreg $0x9  }
0xb2: {  	_ =	task.clear_ibuf [dreg:s7], $0x6FFFF;
	_ =	strace $0x9000004C  }
0xb3: {  	s29 =	simm.s32 $0x9;
	_ =	strace $0x8000004E  }
0xb4: {  	_ =	swait.ge [sflag:s29], $0x1  }
0xb5: {  	[sflag:s29] =	ssyncadd.s32 $0xFFFFFFFF  }
0xb6: {  	_ =	strace $0x9000004E  }
0xb7: {  	_ =	sfence  }
0xb8: {  	s30 =	sld [smem:$0x0];
	_ =	sdelay $0x2  }
0xb9: {  	s31 =	sshll.u32 s1, $0xD;
	s1 =	sshrl.u32 s1, $0x2  }
0xba: {  	s3 =	sand.u32 $0x4000, s31;
	s1 =	sadd.s32 s1, s30  }
0xbb: {  	s0 =	sor.u32 s3, s0;
	s1 =	sshll.u32 s1, $0x11  }
0xbc: {  	s0 =	sor.u32 s1, s0  }
0xbd: {  	s0 =	sadd.s32 $0x8F2B, s0  }
0xbe: {  	[sflag:s0] =	ssyncadd.remote.s32 $0x1  }
0xbf: {  	_ =	sfence.sel $0xFFFF  }
0xc0: {  	[dreg:$0x0] =	wrdreg $0xFFFFFFFF;
	(pc) =	sbr.abs _section_cstart, $3  }
0xc1: {  	[dreg:$0x1] =	wrdreg $0xFFFFFFFF  }
0xc2: {  	_ =	task.clear_ibuf [dreg:s7], $0x2FFFF;
	_ =	strace $0x9FFFFFFF  }
0xc3: {  	(tm) =	ssettm $0x7FFFFFFF  }
tec
execute0_lowered:
.L_overlay_start_1:
0x0: {  	(tag) =	ssettag $0x1  }
0x1: {  	s1 =	rddreg [dreg:$0x0];
	s10 =	stileid.u32  }
0x2: {  	s3 =	srdreg.scid;
	s8 =	smul.u32 $0x13C00, s10  }
0x3: {  	s0 =	rddreg [dreg:$0x1];
	s3 =	sand.u32 $0x1, s3;
	s26 =	smul.u32 $0x6400, s10  }
0x4: {  	s2 =	rddreg [dreg:$0x2];
	s7 =	smul.u32 $0x13C000, s3  }
0x5: {  	s4 =	simm.s32 $0x0;
	s9 =	smul.u32 $0x64000, s3;
	s3 =	ssub.s32 $0x2, s3  }
0x6: {  	s28 =	simm.s32 $0x1400;
	s10 =	smul.u32 $0x4F000, s10;
	s11 =	sshrl.u32 s3, $0x1  }
0x7: {  	s29 =	simm.s32 $0x32;
	s30 =	simm.s32 $0x5000;
	s3 =	ssub.s32 s3, s11  }
0x8: {  	[smem:$0x7FF] =	sst s4;
	s11 =	sshrl.u32 s10, $0x2;
	s14 =	smax.u32 s3, $0x1  }
0x9: {  	_ =	strace $0x8000004D;
	s20 =	sadd.s32 s11, s2;
	[dreg:$0x9] =	wrdreg s14  }
0xa: {  	s31 =	simm.s32 $0x80;
	s13 =	sadd.s32 $0x12C00, s20;
	[dreg:$0x6] =	wrdreg s20  }
0xb: {  	s5 =	sadd.s32 $0x1C800, s0;
	s15 =	sadd.s32 $0x1900, s20;
	[dreg:$0x7] =	wrdreg s13  }
0xc: {  	s6 =	sadd.s32 $0x3800, s0;
	s16 =	sadd.s32 $0x3200, s20;
	[dreg:$0xa] =	wrdreg s15  }
0xd: {  	s7 =	sadd.s32 s8, s7;
	s17 =	sadd.s32 $0x4B00, s20;
	[dreg:$0xb] =	wrdreg s16  }
0xe: {  	s7 =	sshrl.u32 s7, $0x3;
	s18 =	sadd.s32 $0x6400, s20;
	[dreg:$0xc] =	wrdreg s17  }
0xf: {  	s3 =	simm.s32 $0x100;
	s19 =	sadd.s32 $0x7D00, s20;
	[dreg:$0xd] =	wrdreg s18  }
0x10: {  	s11 =	simm.s32 $0x1;
	s21 =	sadd.s32 $0x9600, s20;
	[dreg:$0xe] =	wrdreg s19  }
0x11: {  	s0 =	sadd.s32 s7, s0;
	s22 =	sadd.s32 $0xAF00, s20;
	[dreg:$0xf] =	wrdreg s21  }
0x12: {  	s7 =	sadd.s32 s26, s9;
	s23 =	sadd.s32 $0xC800, s20;
	[dreg:$0x10] =	wrdreg s22  }
0x13: {  	s24 =	sadd.s32 $0xE100, s20;
	s25 =	sadd.s32 $0xFA00, s20;
	[dreg:$0x11] =	wrdreg s23  }
0x14: {  	s26 =	sadd.s32 $0x11300, s20;
	s9 =	simm.s32 $0xA400;
	[dreg:$0x12] =	wrdreg s24  }
0x15: {  	s14 =	simm.s32 $0x3;
	s8 =	sshrl.u32 s7, $0x3;
	[dreg:$0x13] =	wrdreg s25  }
0x16: {  	s0 =	sadd.s32 $0x35800, s0;
	[dreg:$0x14] =	wrdreg s26;
	s26 =	simm.s32 $0x6  }
0x17: {  	s13 =	simm.s32 $0x2;
	s15 =	simm.s32 $0x4;
	s16 =	simm.s32 $0x1380  }
.Ltmp0:
0x18: {  	s17 =	simm.s32 $0x2600;
	s18 =	simm.s32 $0x2700;
	(pc) =	sbr.rel .LBB2_1-.Ltmp0, $4  }
0x19: {  	s21 =	simm.s32 $0x5;
	s24 =	simm.s32 $0x4E80;
	s25 =	simm.s32 $0x4F00  }
0x1a: {  	s19 =	simm.s32 $0x0;
	s12 =	sadd.s32 s5, s8;
	[dreg:$0x8] =	wrdreg s0  }
0x1b: {  	s8 =	sadd.s32 s6, s8;
	s0 =	simm.s32 $0x6C00;
	[dreg:$0x4] =	wrdreg s12  }
0x1c: {  	v0 =	vimm.f32 $0.0e+00;
	[dreg:$0x5] =	wrdreg s8;
	s12 =	sadd.s32 $0x2800, s7;
	s8 =	simm.s32 $0x8800  }
.LBB2_11:
0x1d: {  	s10 =	stileid.u32;
	[bflag:$0x0] =	sbarrier.arrive $0xFFFF  }
0x1e: {  	s10 =	sshll.u32 s10, $0x6;
	s20 =	rddreg [dreg:$0x6]  }
0x1f: {  	s22 =	rddreg [dreg:$0x8];
	s10 =	sor.u32 $0x1C06, s10;
	s19 =	sshrl.u32 s20, $0x3  }
0x20: {  	[hbm:s22], [sflag:s10] =	dma.local [spmem:s19], $0x2780  }
0x21: {  	_ =	swait.ge [sflag:s26], $0x2780  }
0x22: {  	s22 =	rddreg [dreg:$0x15]  }
0x23: {  	s23 =	rddreg [dreg:$0x9];
	s19 =	sadd.s32 $0x1, s22  }
0x24: {  	p0 =	sne.s32 s19, s23  }
.Ltmp1:
0x25: {  	_ = 	snop;
	(pc) =	sbr.rel @!p0 .LBB2_12-.Ltmp1, $3  }
0x26: {  	_ =	sdelay $0x1  }
0x27: {  	[sflag:s26] =	ssyncset.done $0x0  }
0x28: {  	[sflag:s26] =	ssyncadd.s32 $0xFFFFD880  }
.LBB2_1:
0x29: {  	[dreg:$0x15] =	wrdreg s19  }
0x2a: {  	s10 =	rddreg [dreg:$0x4]  }
0x2b: {  	[tilespmem:s4], [sflag:$0x6] =	stream.linear.gather [hbm4b:s10+s4], $0x1400, $0x38;
	[tilespmem:$0x1FC00] =	vst v63  }
0x2c: {  	_ =	swait.ge [sflag:s26], $0x1400  }
0x2d: {  	[sflag:s26] =	ssyncset.done $0x0  }
0x2e: {  	s23 =	rddreg [dreg:$0x5];
	[sflag:s26] =	ssyncadd.s32 $0xFFFFEC00  }
0x2f: {  	[tilespmem:s28], [sflag:$0x6] =	stream.linear.gather [hbm4b:s23+s4], $0x1400, $0x38;
	[tilespmem:$0x1FC00] =	vst v63  }
0x30: {  	_ =	swait.ge [sflag:s26], $0x1400  }
0x31: {  	[sflag:s26] =	ssyncset.done $0x0  }
0x32: {  	[sflag:s26] =	ssyncadd.s32 $0xFFFFEC00  }
0x33: {  	[tilespmem:s30], [sflag:$0x1] =	stream.indirect.gather [hbm4b:s1+s29], $0x80, s4, s29, $0xb8;
	[tilespmem:$0x1FC00] =	vst v63  }
0x34: {  	_ = 	snop  }
0x35: {  	[tilespmem:s0], [sflag:$0x2] =	stream.indirect.gather [hbm4b:s1+s29], $0x80, s31, s29, $0xb8;
	[tilespmem:$0x1FC00] =	vst v63  }
0x36: {  	s19 =	simm.s32 $0x3C0;
	s10 =	simm.s32 $0x70  }
0x37: {  	[tilespmem:s8], [sflag:$0x3] =	stream.indirect.gather [hbm4b:s1+s29], $0x80, s3, s29, $0xb8;
	[tilespmem:$0x1FC00] =	vst v63  }
.LBB2_2:
0x38: {  	p0 =	sne.s32 s19, $0x63C0;
	[tilespmem:s10+$0xA400] =	vst v0  }
0x39: {  	[tilespmem:s10+$0xA390] =	vst v0  }
0x3a: {  	[tilespmem:s10+$0xA3A0] =	vst v0  }
.Ltmp2:
0x3b: {  	[tilespmem:s10+$0xA3B0] =	vst v0;
	(pc) =	sbr.rel @p0 .LBB2_2-.Ltmp2, $4  }
0x3c: {  	[tilespmem:s10+$0xA3C0] =	vst v0  }
0x3d: {  	[tilespmem:s10+$0xA3D0] =	vst v0  }
0x3e: {  	[tilespmem:s10+$0xA3E0] =	vst v0  }
0x3f: {  	[tilespmem:s10+$0xA3F0] =	vst v0;
	s10 =	sshra.s32 s19, $0x2;
	s19 =	sadd.s32 $0x200, s19  }
0x40: {  	[tilespmem:s10+$0xA400] =	vst v0  }
0x41: {  	[tilespmem:s10+$0xA390] =	vst v0  }
0x42: {  	[tilespmem:s10+$0xA3A0] =	vst v0  }
0x43: {  	[tilespmem:s10+$0xA3B0] =	vst v0  }
0x44: {  	[tilespmem:s10+$0xA3C0] =	vst v0  }
0x45: {  	[tilespmem:s10+$0xA3D0] =	vst v0  }
0x46: {  	[tilespmem:s10+$0xA3E0] =	vst v0  }
0x47: {  	[tilespmem:s10+$0xA3F0] =	vst v0  }
0x48: {  	[spmem:s20] =	stream.linear.scatter [tilespmem:s9], [sflag:$0x6], $0x1900, $0x38;
	[tilespmem:$0x1FC00] =	vst v63  }
0x49: {  	_ =	swait.ge [sflag:s26], $0x1900  }
0x4a: {  	[sflag:s26] =	ssyncset.done $0x0  }
0x4b: {  	s19 =	rddreg [dreg:$0xa];
	[sflag:s26] =	ssyncadd.s32 $0xFFFFE700  }
0x4c: {  	[spmem:s19] =	stream.linear.scatter [tilespmem:s9], [sflag:$0x6], $0x1900, $0x38;
	[tilespmem:$0x1FC00] =	vst v63  }
0x4d: {  	_ =	swait.ge [sflag:s26], $0x1900  }
0x4e: {  	[sflag:s26] =	ssyncset.done $0x0  }
0x4f: {  	s20 =	rddreg [dreg:$0xb];
	[sflag:s26] =	ssyncadd.s32 $0xFFFFE700  }
0x50: {  	[spmem:s20] =	stream.linear.scatter [tilespmem:s9], [sflag:$0x6], $0x1900, $0x38;
	[tilespmem:$0x1FC00] =	vst v63  }
0x51: {  	_ =	swait.ge [sflag:s26], $0x1900  }
0x52: {  	[sflag:s26] =	ssyncset.done $0x0  }
0x53: {  	s22 =	rddreg [dreg:$0xc];
	[sflag:s26] =	ssyncadd.s32 $0xFFFFE700  }
0x54: {  	[spmem:s22] =	stream.linear.scatter [tilespmem:s9], [sflag:$0x6], $0x1900, $0x38;
	[tilespmem:$0x1FC00] =	vst v63  }
0x55: {  	_ =	swait.ge [sflag:s26], $0x1900  }
0x56: {  	[sflag:s26] =	ssyncset.done $0x0  }
0x57: {  	s23 =	rddreg [dreg:$0xd];
	[sflag:s26] =	ssyncadd.s32 $0xFFFFE700  }
0x58: {  	[spmem:s23] =	stream.linear.scatter [tilespmem:s9], [sflag:$0x6], $0x1900, $0x38;
	[tilespmem:$0x1FC00] =	vst v63  }
0x59: {  	_ =	swait.ge [sflag:s26], $0x1900  }
0x5a: {  	[sflag:s26] =	ssyncset.done $0x0  }
0x5b: {  	s19 =	rddreg [dreg:$0xe];
	[sflag:s26] =	ssyncadd.s32 $0xFFFFE700  }
0x5c: {  	[spmem:s19] =	stream.linear.scatter [tilespmem:s9], [sflag:$0x6], $0x1900, $0x38;
	[tilespmem:$0x1FC00] =	vst v63  }
0x5d: {  	_ =	swait.ge [sflag:s26], $0x1900  }
0x5e: {  	[sflag:s26] =	ssyncset.done $0x0  }
0x5f: {  	s20 =	rddreg [dreg:$0xf];
	[sflag:s26] =	ssyncadd.s32 $0xFFFFE700  }
0x60: {  	[spmem:s20] =	stream.linear.scatter [tilespmem:s9], [sflag:$0x6], $0x1900, $0x38;
	[tilespmem:$0x1FC00] =	vst v63  }
0x61: {  	_ =	swait.ge [sflag:s26], $0x1900  }
0x62: {  	[sflag:s26] =	ssyncset.done $0x0  }
0x63: {  	s22 =	rddreg [dreg:$0x10];
	[sflag:s26] =	ssyncadd.s32 $0xFFFFE700  }
0x64: {  	[spmem:s22] =	stream.linear.scatter [tilespmem:s9], [sflag:$0x6], $0x1900, $0x38;
	[tilespmem:$0x1FC00] =	vst v63  }
0x65: {  	_ =	swait.ge [sflag:s26], $0x1900  }
0x66: {  	[sflag:s26] =	ssyncset.done $0x0  }
0x67: {  	s23 =	rddreg [dreg:$0x11];
	[sflag:s26] =	ssyncadd.s32 $0xFFFFE700  }
0x68: {  	[spmem:s23] =	stream.linear.scatter [tilespmem:s9], [sflag:$0x6], $0x1900, $0x38;
	[tilespmem:$0x1FC00] =	vst v63  }
0x69: {  	_ =	swait.ge [sflag:s26], $0x1900  }
0x6a: {  	[sflag:s26] =	ssyncset.done $0x0  }
0x6b: {  	s19 =	rddreg [dreg:$0x12];
	[sflag:s26] =	ssyncadd.s32 $0xFFFFE700  }
0x6c: {  	[spmem:s19] =	stream.linear.scatter [tilespmem:s9], [sflag:$0x6], $0x1900, $0x38;
	[tilespmem:$0x1FC00] =	vst v63  }
0x6d: {  	_ =	swait.ge [sflag:s26], $0x1900  }
0x6e: {  	[sflag:s26] =	ssyncset.done $0x0  }
0x6f: {  	s20 =	rddreg [dreg:$0x13];
	[sflag:s26] =	ssyncadd.s32 $0xFFFFE700  }
0x70: {  	[spmem:s20] =	stream.linear.scatter [tilespmem:s9], [sflag:$0x6], $0x1900, $0x38;
	[tilespmem:$0x1FC00] =	vst v63  }
0x71: {  	_ =	swait.ge [sflag:s26], $0x1900  }
0x72: {  	[sflag:s26] =	ssyncset.done $0x0  }
0x73: {  	s22 =	rddreg [dreg:$0x14];
	[sflag:s26] =	ssyncadd.s32 $0xFFFFE700  }
0x74: {  	[spmem:s22] =	stream.linear.scatter [tilespmem:s9], [sflag:$0x6], $0x1900, $0x38;
	[tilespmem:$0x1FC00] =	vst v63  }
0x75: {  	_ =	swait.ge [sflag:s26], $0x1900  }
0x76: {  	[sflag:s26] =	ssyncset.done $0x0  }
0x77: {  	s23 =	rddreg [dreg:$0x7];
	[sflag:s26] =	ssyncadd.s32 $0xFFFFE700  }
0x78: {  	[spmem:s23] =	stream.linear.scatter [tilespmem:s9], [sflag:$0x6], $0x1000, $0x38;
	[tilespmem:$0x1FC00] =	vst v63  }
.Ltmp3:
0x79: {  	_ =	swait.ge [sflag:s26], $0x1000;
	(pc) =	sbr.rel .LBB2_4-.Ltmp3, $4  }
0x7a: {  	[sflag:s26] =	ssyncset.done $0x0  }
0x7b: {  	[sflag:s26] =	ssyncadd.s32 $0xFFFFF000  }
0x7c: {  	[bflag:$0x0] =	sbarrier.arrive $0xFFFF  }
0x7d: {  	s10 =	simm.s32 $0x0  }
.LBB2_10:
0x7e: {  	s10 =	sadd.s32 $0x1, s10  }
0x7f: {  	p0 =	sne.s32 s10, $0x3  }
.Ltmp4:
0x80: {  	_ = 	snop;
	(pc) =	sbr.rel @!p0 .LBB2_11-.Ltmp4, $4  }
0x81: {  	[spmem:s2] =	stream.indirect.scatter.add.f32 [tilespmem:s9], [sflag:$0x6], $0x80, s19, s29, $0xb8;
	[tilespmem:$0x1FC00] =	vst v63  }
0x82: {  	_ =	swait.ge [sflag:s26], $0x1900  }
0x83: {  	[sflag:s26] =	ssyncset.done $0x0  }
0x84: {  	[sflag:s26] =	ssyncadd.s32 $0xFFFFE700  }
.LBB2_4:
0x85: {  	s19 =	sshllo.u32 s10, $0x1  }
0x86: {  	p0 =	sgt.u32 s19, $0x4  }
0x87: {  	s19 =	smul.u32 @!p0 $0x1400, s19;
	_ =	sdelay $0x1  }
0x88: {  	s19 =	sadd.s32 @!p0 s7, s19  }
0x89: {  	s19 =	sshrl.u32 @!p0 s19, $0x3  }
0x8a: {  	s22 =	simm.s32 @!p0 $0x0;
	s23 =	simm.s32 @!p0 $0x2800;
	s20 =	sadd.s32 @!p0 s5, s19  }
0x8b: {  	[tilespmem:s23], [sflag:$0x5] =	stream.linear.gather @!p0 [hbm4b:s20+s22], $0x1400, $0x38;
	[tilespmem:$0x1FC00] =	vst v63  }
0x8c: {  	s19 =	sadd.s32 @!p0 s6, s19;
	s20 =	simm.s32 @!p0 $0x3C00  }
0x8d: {  	[tilespmem:s20], [sflag:$0x5] =	stream.linear.gather @!p0 [hbm4b:s19+s22], $0x1400, $0x38;
	[tilespmem:$0x1FC00] =	vst v63  }
0x8e: {  	_ =	swait.ge [sflag:s11], $0x1900  }
0x8f: {  	[sflag:s11] =	ssyncset.done $0x0  }
0x90: {  	s22 =	simm.s32 $0x180;
	[sflag:s11] =	ssyncadd.s32 $0xFFFFE700  }
0x91: {  	[tilespmem:s9], [sflag:$0x4] =	stream.indirect.gather [hbm4b:s1+s29], $0x80, s22, s29, $0xb8;
	[tilespmem:$0x1FC00] =	vst v63  }
0x92: {  	s23 =	simm.s32 $0x1400  }
0x93: {  	[spmem:s2] =	stream.indirect.scatter.add.f32 [tilespmem:s30], [sflag:$0x6], $0x80, s23, s29, $0xb8;
	[tilespmem:$0x1FC00] =	vst v63  }
0x94: {  	_ =	swait.ge [sflag:s26], $0x1900  }
0x95: {  	[sflag:s26] =	ssyncset.done $0x0  }
0x96: {  	[sflag:s26] =	ssyncadd.s32 $0xFFFFE700  }
0x97: {  	_ =	swait.ge [sflag:s13], $0x1900  }
0x98: {  	[sflag:s13] =	ssyncset.done $0x0  }
0x99: {  	s20 =	simm.s32 $0x200;
	[sflag:s13] =	ssyncadd.s32 $0xFFFFE700  }
0x9a: {  	[tilespmem:s30], [sflag:$0x1] =	stream.indirect.gather [hbm4b:s1+s29], $0x80, s20, s29, $0xb8;
	[tilespmem:$0x1FC00] =	vst v63  }
0x9b: {  	s22 =	simm.s32 $0x1480  }
0x9c: {  	[spmem:s2] =	stream.indirect.scatter.add.f32 [tilespmem:s0], [sflag:$0x6], $0x80, s22, s29, $0xb8;
	[tilespmem:$0x1FC00] =	vst v63  }
0x9d: {  	_ =	swait.ge [sflag:s26], $0x1900  }
0x9e: {  	[sflag:s26] =	ssyncset.done $0x0  }
0x9f: {  	[sflag:s26] =	ssyncadd.s32 $0xFFFFE700  }
0xa0: {  	_ =	swait.ge [sflag:s14], $0x1900  }
0xa1: {  	[sflag:s14] =	ssyncset.done $0x0  }
0xa2: {  	s23 =	simm.s32 $0x280;
	[sflag:s14] =	ssyncadd.s32 $0xFFFFE700  }
0xa3: {  	[tilespmem:s0], [sflag:$0x2] =	stream.indirect.gather [hbm4b:s1+s29], $0x80, s23, s29, $0xb8;
	[tilespmem:$0x1FC00] =	vst v63  }
0xa4: {  	s20 =	simm.s32 $0x1500  }
0xa5: {  	[spmem:s2] =	stream.indirect.scatter.add.f32 [tilespmem:s8], [sflag:$0x6], $0x80, s20, s29, $0xb8;
	[tilespmem:$0x1FC00] =	vst v63  }
0xa6: {  	_ =	swait.ge [sflag:s26], $0x1900  }
0xa7: {  	[sflag:s26] =	ssyncset.done $0x0  }
0xa8: {  	[sflag:s26] =	ssyncadd.s32 $0xFFFFE700  }
0xa9: {  	_ =	swait.ge [sflag:s15], $0x1900  }
0xaa: {  	[sflag:s15] =	ssyncset.done $0x0  }
0xab: {  	s22 =	simm.s32 $0x300;
	[sflag:s15] =	ssyncadd.s32 $0xFFFFE700  }
0xac: {  	[tilespmem:s8], [sflag:$0x3] =	stream.indirect.gather [hbm4b:s1+s29], $0x80, s22, s29, $0xb8;
	[tilespmem:$0x1FC00] =	vst v63  }
0xad: {  	s23 =	simm.s32 $0x1580  }
0xae: {  	[spmem:s2] =	stream.indirect.scatter.add.f32 [tilespmem:s9], [sflag:$0x6], $0x80, s23, s29, $0xb8;
	[tilespmem:$0x1FC00] =	vst v63  }
0xaf: {  	_ =	swait.ge [sflag:s26], $0x1900  }
0xb0: {  	s19 =	simm.s32 $0x800;
	[sflag:s26] =	ssyncset.done $0x0  }
.LBB2_5:
0xb1: {  	p1 =	sne.s32 s19, $0x4000  }
0xb2: {  	[sflag:s26] =	ssyncadd.s32 $0xFFFFE700;
	s20 =	smov.u32 s19;
	s19 =	sadd.s32 $0x800, s19  }
0xb3: {  	_ = 	snop  }
0xb4: {  	_ =	swait.ge [sflag:s11], $0x1900  }
0xb5: {  	s20 =	sshra.s32 s20, $0x2;
	[sflag:s11] =	ssyncset.done $0x0  }
0xb6: {  	s22 =	sadd.s32 $0x180, s20;
	[sflag:s11] =	ssyncadd.s32 $0xFFFFE700  }
0xb7: {  	[tilespmem:s9], [sflag:$0x4] =	stream.indirect.gather [hbm4b:s1+s29], $0x80, s22, s29, $0xb8;
	[tilespmem:$0x1FC00] =	vst v63  }
0xb8: {  	s22 =	sadd.s32 $0x1400, s20  }
0xb9: {  	[spmem:s2] =	stream.indirect.scatter.add.f32 [tilespmem:s30], [sflag:$0x6], $0x80, s22, s29, $0xb8;
	[tilespmem:$0x1FC00] =	vst v63  }
0xba: {  	_ =	swait.ge [sflag:s26], $0x1900  }
0xbb: {  	[sflag:s26] =	ssyncset.done $0x0  }
0xbc: {  	[sflag:s26] =	ssyncadd.s32 $0xFFFFE700  }
0xbd: {  	_ =	swait.ge [sflag:s13], $0x1900  }
0xbe: {  	[sflag:s13] =	ssyncset.done $0x0  }
0xbf: {  	s22 =	sadd.s32 $0x200, s20;
	[sflag:s13] =	ssyncadd.s32 $0xFFFFE700  }
0xc0: {  	[tilespmem:s30], [sflag:$0x1] =	stream.indirect.gather [hbm4b:s1+s29], $0x80, s22, s29, $0xb8;
	[tilespmem:$0x1FC00] =	vst v63  }
0xc1: {  	s22 =	sadd.s32 $0x1480, s20  }
0xc2: {  	[spmem:s2] =	stream.indirect.scatter.add.f32 [tilespmem:s0], [sflag:$0x6], $0x80, s22, s29, $0xb8;
	[tilespmem:$0x1FC00] =	vst v63  }
0xc3: {  	_ =	swait.ge [sflag:s26], $0x1900  }
0xc4: {  	[sflag:s26] =	ssyncset.done $0x0  }
0xc5: {  	[sflag:s26] =	ssyncadd.s32 $0xFFFFE700  }
0xc6: {  	_ =	swait.ge [sflag:s14], $0x1900  }
0xc7: {  	[sflag:s14] =	ssyncset.done $0x0  }
0xc8: {  	s22 =	sadd.s32 $0x280, s20;
	[sflag:s14] =	ssyncadd.s32 $0xFFFFE700  }
0xc9: {  	[tilespmem:s0], [sflag:$0x2] =	stream.indirect.gather [hbm4b:s1+s29], $0x80, s22, s29, $0xb8;
	[tilespmem:$0x1FC00] =	vst v63  }
0xca: {  	s22 =	sadd.s32 $0x1500, s20  }
0xcb: {  	[spmem:s2] =	stream.indirect.scatter.add.f32 [tilespmem:s8], [sflag:$0x6], $0x80, s22, s29, $0xb8;
	[tilespmem:$0x1FC00] =	vst v63  }
0xcc: {  	_ =	swait.ge [sflag:s26], $0x1900  }
0xcd: {  	[sflag:s26] =	ssyncset.done $0x0  }
0xce: {  	[sflag:s26] =	ssyncadd.s32 $0xFFFFE700  }
0xcf: {  	_ =	swait.ge [sflag:s15], $0x1900  }
0xd0: {  	[sflag:s15] =	ssyncset.done $0x0  }
0xd1: {  	s22 =	sadd.s32 $0x300, s20;
	[sflag:s15] =	ssyncadd.s32 $0xFFFFE700  }
0xd2: {  	[tilespmem:s8], [sflag:$0x3] =	stream.indirect.gather [hbm4b:s1+s29], $0x80, s22, s29, $0xb8;
	[tilespmem:$0x1FC00] =	vst v63  }
.Ltmp5:
0xd3: {  	_ = 	snop;
	(pc) =	sbr.rel @p1 .LBB2_5-.Ltmp5, $4  }
0xd4: {  	s20 =	sadd.s32 $0x1580, s20  }
0xd5: {  	[spmem:s2] =	stream.indirect.scatter.add.f32 [tilespmem:s9], [sflag:$0x6], $0x80, s20, s29, $0xb8;
	[tilespmem:$0x1FC00] =	vst v63  }
0xd6: {  	_ =	swait.ge [sflag:s26], $0x1900  }
0xd7: {  	[sflag:s26] =	ssyncset.done $0x0  }
0xd8: {  	[sflag:s26] =	ssyncadd.s32 $0xFFFFE700;
	s19 =	simm.s32 @!p0 $0x5  }
0xd9: {  	_ =	swait.ge @!p0 [sflag:s19], $0x1400  }
0xda: {  	[sflag:s19] =	ssyncset.done @!p0 $0x0  }
0xdb: {  	[sflag:s19] =	ssyncadd.s32 @!p0 $0xFFFFEC00  }
0xdc: {  	_ =	swait.ge @!p0 [sflag:s19], $0x1400  }
0xdd: {  	[sflag:s19] =	ssyncset.done @!p0 $0x0  }
0xde: {  	[sflag:s19] =	ssyncadd.s32 @!p0 $0xFFFFEC00  }
0xdf: {  	_ =	swait.ge [sflag:s11], $0x1900  }
0xe0: {  	[sflag:s11] =	ssyncset.done $0x0  }
0xe1: {  	[sflag:s11] =	ssyncadd.s32 $0xFFFFE700  }
0xe2: {  	[tilespmem:s9], [sflag:$0x4] =	stream.indirect.gather [hbm4b:s1+s29], $0x80, s16, s29, $0xb8;
	[tilespmem:$0x1FC00] =	vst v63  }
0xe3: {  	_ = 	snop  }
0xe4: {  	[spmem:s2] =	stream.indirect.scatter.add.f32 [tilespmem:s30], [sflag:$0x6], $0x80, s17, s29, $0xb8;
	[tilespmem:$0x1FC00] =	vst v63  }
0xe5: {  	_ =	swait.ge [sflag:s26], $0x1900  }
0xe6: {  	[sflag:s26] =	ssyncset.done $0x0  }
0xe7: {  	[sflag:s26] =	ssyncadd.s32 $0xFFFFE700  }
0xe8: {  	_ =	swait.ge [sflag:s13], $0x1900  }
0xe9: {  	s20 =	simm.s32 @p0 $0x2680;
	[sflag:s13] =	ssyncset.done $0x0  }
0xea: {  	s22 =	simm.s32 @p0 $0x6C00;
	s19 =	simm.s32 @p0 $0x32;
	[sflag:s13] =	ssyncadd.s32 $0xFFFFE700  }
0xeb: {  	[spmem:s2] =	stream.indirect.scatter.add.f32 @p0 [tilespmem:s22], [sflag:$0x6], $0x80, s20, s19, $0xb8;
	[tilespmem:$0x1FC00] =	vst v63  }
0xec: {  	s19 =	simm.s32 @p0 $0x6  }
0xed: {  	_ =	swait.ge @p0 [sflag:s19], $0x1900  }
0xee: {  	[sflag:s19] =	ssyncset.done @p0 $0x0  }
0xef: {  	[sflag:s19] =	ssyncadd.s32 @p0 $0xFFFFE700;
	s19 =	simm.s32 @p0 $0x3  }
0xf0: {  	_ =	swait.ge @p0 [sflag:s19], $0x1900  }
0xf1: {  	s20 =	simm.s32 @!p0 $0x2800;
	[sflag:s19] =	ssyncset.done @p0 $0x0  }
0xf2: {  	s22 =	simm.s32 @!p0 $0x5000;
	[sflag:s19] =	ssyncadd.s32 @p0 $0xFFFFE700;
	s19 =	simm.s32 @!p0 $0x32  }
0xf3: {  	[tilespmem:s22], [sflag:$0x1] =	stream.indirect.gather @!p0 [hbm4b:s1+s19], $0x80, s20, s19, $0xb8;
	[tilespmem:$0x1FC00] =	vst v63  }
0xf4: {  	s20 =	simm.s32 @!p0 $0x2680;
	s22 =	simm.s32 @!p0 $0x6C00  }
0xf5: {  	[spmem:s2] =	stream.indirect.scatter.add.f32 @!p0 [tilespmem:s22], [sflag:$0x6], $0x80, s20, s19, $0xb8;
	[tilespmem:$0x1FC00] =	vst v63  }
0xf6: {  	s20 =	simm.s32 @!p0 $0x6  }
0xf7: {  	_ =	swait.ge @!p0 [sflag:s20], $0x1900  }
0xf8: {  	[sflag:s20] =	ssyncset.done @!p0 $0x0  }
0xf9: {  	[sflag:s20] =	ssyncadd.s32 @!p0 $0xFFFFE700;
	s20 =	simm.s32 @!p0 $0x3  }
0xfa: {  	_ =	swait.ge @!p0 [sflag:s20], $0x1900  }
0xfb: {  	[sflag:s20] =	ssyncset.done @!p0 $0x0  }
0xfc: {  	[sflag:s20] =	ssyncadd.s32 @!p0 $0xFFFFE700;
	s20 =	simm.s32 @!p0 $0x2880  }
0xfd: {  	[tilespmem:s22], [sflag:$0x2] =	stream.indirect.gather @!p0 [hbm4b:s1+s19], $0x80, s20, s19, $0xb8;
	[tilespmem:$0x1FC00] =	vst v63  }
0xfe: {  	_ = 	snop  }
0xff: {  	[spmem:s2] =	stream.indirect.scatter.add.f32 [tilespmem:s8], [sflag:$0x6], $0x80, s18, s29, $0xb8;
	[tilespmem:$0x1FC00] =	vst v63  }
0x100: {  	_ =	swait.ge [sflag:s26], $0x1900  }
.Ltmp6:
0x101: {  	[sflag:s26] =	ssyncset.done $0x0;
	(pc) =	sbr.rel @p0 .LBB2_10-.Ltmp6, $4  }
0x102: {  	[sflag:s26] =	ssyncadd.s32 $0xFFFFE700  }
0x103: {  	_ =	swait.ge [sflag:s15], $0x1900  }
0x104: {  	[sflag:s15] =	ssyncset.done $0x0  }
0x105: {  	s19 =	simm.s32 $0x2780;
	[sflag:s15] =	ssyncadd.s32 $0xFFFFE700  }
0x106: {  	s19 =	simm.s32 $0x2900  }
0x107: {  	[tilespmem:s8], [sflag:$0x3] =	stream.indirect.gather [hbm4b:s1+s29], $0x80, s19, s29, $0xb8;
	[tilespmem:$0x1FC00] =	vst v63  }
0x108: {  	s22 =	smul.u32 $0x2800, s10;
	s20 =	simm.s32 $0x2780  }
0x109: {  	[spmem:s2] =	stream.indirect.scatter.add.f32 [tilespmem:s9], [sflag:$0x6], $0x80, s20, s29, $0xb8;
	[tilespmem:$0x1FC00] =	vst v63  }
0x10a: {  	s19 =	sadd.s32 s22, s12;
	_ =	swait.ge [sflag:s26], $0x1900  }
0x10b: {  	s19 =	sshrl.u32 s19, $0x3;
	[sflag:s26] =	ssyncset.done $0x0  }
0x10c: {  	s22 =	simm.s32 $0x0;
	s23 =	sadd.s32 s5, s19;
	[sflag:s26] =	ssyncadd.s32 $0xFFFFE700  }
0x10d: {  	[tilespmem:s22], [sflag:$0x5] =	stream.linear.gather [hbm4b:s23+s22], $0x1400, $0x38;
	[tilespmem:$0x1FC00] =	vst v63  }
0x10e: {  	s19 =	sadd.s32 s6, s19  }
0x10f: {  	[tilespmem:s28], [sflag:$0x5] =	stream.linear.gather [hbm4b:s19+s22], $0x1400, $0x38;
	[tilespmem:$0x1FC00] =	vst v63  }
0x110: {  	_ =	swait.ge [sflag:s11], $0x1900  }
0x111: {  	[sflag:s11] =	ssyncset.done $0x0  }
0x112: {  	s22 =	simm.s32 $0x2980;
	[sflag:s11] =	ssyncadd.s32 $0xFFFFE700  }
0x113: {  	[tilespmem:s9], [sflag:$0x4] =	stream.indirect.gather [hbm4b:s1+s29], $0x80, s22, s29, $0xb8;
	[tilespmem:$0x1FC00] =	vst v63  }
0x114: {  	s23 =	simm.s32 $0x3C00  }
0x115: {  	[spmem:s2] =	stream.indirect.scatter.add.f32 [tilespmem:s30], [sflag:$0x6], $0x80, s23, s29, $0xb8;
	[tilespmem:$0x1FC00] =	vst v63  }
0x116: {  	_ =	swait.ge [sflag:s26], $0x1900  }
0x117: {  	[sflag:s26] =	ssyncset.done $0x0  }
0x118: {  	[sflag:s26] =	ssyncadd.s32 $0xFFFFE700  }
0x119: {  	_ =	swait.ge [sflag:s13], $0x1900  }
0x11a: {  	[sflag:s13] =	ssyncset.done $0x0  }
0x11b: {  	s20 =	simm.s32 $0x2A00;
	[sflag:s13] =	ssyncadd.s32 $0xFFFFE700  }
0x11c: {  	[tilespmem:s30], [sflag:$0x1] =	stream.indirect.gather [hbm4b:s1+s29], $0x80, s20, s29, $0xb8;
	[tilespmem:$0x1FC00] =	vst v63  }
0x11d: {  	s22 =	simm.s32 $0x3C80  }
0x11e: {  	[spmem:s2] =	stream.indirect.scatter.add.f32 [tilespmem:s0], [sflag:$0x6], $0x80, s22, s29, $0xb8;
	[tilespmem:$0x1FC00] =	vst v63  }
0x11f: {  	_ =	swait.ge [sflag:s26], $0x1900  }
0x120: {  	[sflag:s26] =	ssyncset.done $0x0  }
0x121: {  	[sflag:s26] =	ssyncadd.s32 $0xFFFFE700  }
0x122: {  	_ =	swait.ge [sflag:s14], $0x1900  }
0x123: {  	[sflag:s14] =	ssyncset.done $0x0  }
0x124: {  	s23 =	simm.s32 $0x2A80;
	[sflag:s14] =	ssyncadd.s32 $0xFFFFE700  }
0x125: {  	[tilespmem:s0], [sflag:$0x2] =	stream.indirect.gather [hbm4b:s1+s29], $0x80, s23, s29, $0xb8;
	[tilespmem:$0x1FC00] =	vst v63  }
0x126: {  	s20 =	simm.s32 $0x3D00  }
0x127: {  	[spmem:s2] =	stream.indirect.scatter.add.f32 [tilespmem:s8], [sflag:$0x6], $0x80, s20, s29, $0xb8;
	[tilespmem:$0x1FC00] =	vst v63  }
0x128: {  	_ =	swait.ge [sflag:s26], $0x1900  }
0x129: {  	[sflag:s26] =	ssyncset.done $0x0  }
0x12a: {  	[sflag:s26] =	ssyncadd.s32 $0xFFFFE700  }
0x12b: {  	_ =	swait.ge [sflag:s15], $0x1900  }
0x12c: {  	[sflag:s15] =	ssyncset.done $0x0  }
0x12d: {  	s22 =	simm.s32 $0x2B00;
	[sflag:s15] =	ssyncadd.s32 $0xFFFFE700  }
0x12e: {  	[tilespmem:s8], [sflag:$0x3] =	stream.indirect.gather [hbm4b:s1+s29], $0x80, s22, s29, $0xb8;
	[tilespmem:$0x1FC00] =	vst v63  }
0x12f: {  	s23 =	simm.s32 $0x3D80  }
0x130: {  	[spmem:s2] =	stream.indirect.scatter.add.f32 [tilespmem:s9], [sflag:$0x6], $0x80, s23, s29, $0xb8;
	[tilespmem:$0x1FC00] =	vst v63  }
0x131: {  	_ =	swait.ge [sflag:s26], $0x1900  }
0x132: {  	s19 =	simm.s32 $0x800;
	[sflag:s26] =	ssyncset.done $0x0  }
.LBB2_8:
0x133: {  	p0 =	sne.s32 s19, $0x4000  }
0x134: {  	[sflag:s26] =	ssyncadd.s32 $0xFFFFE700;
	s20 =	smov.u32 s19;
	s19 =	sadd.s32 $0x800, s19  }
0x135: {  	_ = 	snop  }
0x136: {  	_ =	swait.ge [sflag:s11], $0x1900  }
0x137: {  	s20 =	sshra.s32 s20, $0x2;
	[sflag:s11] =	ssyncset.done $0x0  }
0x138: {  	s22 =	sadd.s32 $0x2980, s20;
	[sflag:s11] =	ssyncadd.s32 $0xFFFFE700  }
0x139: {  	[tilespmem:s9], [sflag:$0x4] =	stream.indirect.gather [hbm4b:s1+s29], $0x80, s22, s29, $0xb8;
	[tilespmem:$0x1FC00] =	vst v63  }
0x13a: {  	s22 =	sadd.s32 $0x3C00, s20  }
0x13b: {  	[spmem:s2] =	stream.indirect.scatter.add.f32 [tilespmem:s30], [sflag:$0x6], $0x80, s22, s29, $0xb8;
	[tilespmem:$0x1FC00] =	vst v63  }
0x13c: {  	_ =	swait.ge [sflag:s26], $0x1900  }
0x13d: {  	[sflag:s26] =	ssyncset.done $0x0  }
0x13e: {  	[sflag:s26] =	ssyncadd.s32 $0xFFFFE700  }
0x13f: {  	_ =	swait.ge [sflag:s13], $0x1900  }
0x140: {  	[sflag:s13] =	ssyncset.done $0x0  }
0x141: {  	s22 =	sadd.s32 $0x2A00, s20;
	[sflag:s13] =	ssyncadd.s32 $0xFFFFE700  }
0x142: {  	[tilespmem:s30], [sflag:$0x1] =	stream.indirect.gather [hbm4b:s1+s29], $0x80, s22, s29, $0xb8;
	[tilespmem:$0x1FC00] =	vst v63  }
0x143: {  	s22 =	sadd.s32 $0x3C80, s20  }
0x144: {  	[spmem:s2] =	stream.indirect.scatter.add.f32 [tilespmem:s0], [sflag:$0x6], $0x80, s22, s29, $0xb8;
	[tilespmem:$0x1FC00] =	vst v63  }
0x145: {  	_ =	swait.ge [sflag:s26], $0x1900  }
0x146: {  	[sflag:s26] =	ssyncset.done $0x0  }
0x147: {  	[sflag:s26] =	ssyncadd.s32 $0xFFFFE700  }
0x148: {  	_ =	swait.ge [sflag:s14], $0x1900  }
0x149: {  	[sflag:s14] =	ssyncset.done $0x0  }
0x14a: {  	s22 =	sadd.s32 $0x2A80, s20;
	[sflag:s14] =	ssyncadd.s32 $0xFFFFE700  }
0x14b: {  	[tilespmem:s0], [sflag:$0x2] =	stream.indirect.gather [hbm4b:s1+s29], $0x80, s22, s29, $0xb8;
	[tilespmem:$0x1FC00] =	vst v63  }
0x14c: {  	s22 =	sadd.s32 $0x3D00, s20  }
0x14d: {  	[spmem:s2] =	stream.indirect.scatter.add.f32 [tilespmem:s8], [sflag:$0x6], $0x80, s22, s29, $0xb8;
	[tilespmem:$0x1FC00] =	vst v63  }
0x14e: {  	_ =	swait.ge [sflag:s26], $0x1900  }
0x14f: {  	[sflag:s26] =	ssyncset.done $0x0  }
0x150: {  	[sflag:s26] =	ssyncadd.s32 $0xFFFFE700  }
0x151: {  	_ =	swait.ge [sflag:s15], $0x1900  }
0x152: {  	[sflag:s15] =	ssyncset.done $0x0  }
0x153: {  	s22 =	sadd.s32 $0x2B00, s20;
	[sflag:s15] =	ssyncadd.s32 $0xFFFFE700  }
0x154: {  	[tilespmem:s8], [sflag:$0x3] =	stream.indirect.gather [hbm4b:s1+s29], $0x80, s22, s29, $0xb8;
	[tilespmem:$0x1FC00] =	vst v63  }
.Ltmp7:
0x155: {  	_ = 	snop;
	(pc) =	sbr.rel @p0 .LBB2_8-.Ltmp7, $4  }
0x156: {  	s20 =	sadd.s32 $0x3D80, s20  }
0x157: {  	[spmem:s2] =	stream.indirect.scatter.add.f32 [tilespmem:s9], [sflag:$0x6], $0x80, s20, s29, $0xb8;
	[tilespmem:$0x1FC00] =	vst v63  }
0x158: {  	_ =	swait.ge [sflag:s26], $0x1900  }
0x159: {  	[sflag:s26] =	ssyncset.done $0x0  }
0x15a: {  	[sflag:s26] =	ssyncadd.s32 $0xFFFFE700  }
0x15b: {  	_ =	swait.ge [sflag:s21], $0x1400  }
0x15c: {  	[sflag:s21] =	ssyncset.done $0x0  }
0x15d: {  	[sflag:s21] =	ssyncadd.s32 $0xFFFFEC00  }
0x15e: {  	_ =	swait.ge [sflag:s21], $0x1400  }
0x15f: {  	[sflag:s21] =	ssyncset.done $0x0  }
0x160: {  	[sflag:s21] =	ssyncadd.s32 $0xFFFFEC00  }
0x161: {  	_ =	swait.ge [sflag:s11], $0x1900  }
0x162: {  	[sflag:s11] =	ssyncset.done $0x0  }
0x163: {  	s19 =	simm.s32 $0x3B80;
	[sflag:s11] =	ssyncadd.s32 $0xFFFFE700  }
0x164: {  	[tilespmem:s9], [sflag:$0x4] =	stream.indirect.gather [hbm4b:s1+s29], $0x80, s19, s29, $0xb8;
	[tilespmem:$0x1FC00] =	vst v63  }
0x165: {  	s23 =	simm.s32 $0x4E00  }
0x166: {  	[spmem:s2] =	stream.indirect.scatter.add.f32 [tilespmem:s30], [sflag:$0x6], $0x80, s23, s29, $0xb8;
	[tilespmem:$0x1FC00] =	vst v63  }
0x167: {  	_ =	swait.ge [sflag:s26], $0x1900  }
0x168: {  	[sflag:s26] =	ssyncset.done $0x0  }
0x169: {  	[sflag:s26] =	ssyncadd.s32 $0xFFFFE700  }
0x16a: {  	_ =	swait.ge [sflag:s13], $0x1900  }
0x16b: {  	[sflag:s13] =	ssyncset.done $0x0  }
0x16c: {  	[sflag:s13] =	ssyncadd.s32 $0xFFFFE700  }
0x16d: {  	[tilespmem:s30], [sflag:$0x1] =	stream.indirect.gather [hbm4b:s1+s29], $0x80, s4, s29, $0xb8;
	[tilespmem:$0x1FC00] =	vst v63  }
0x16e: {  	_ = 	snop  }
0x16f: {  	[spmem:s2] =	stream.indirect.scatter.add.f32 [tilespmem:s0], [sflag:$0x6], $0x80, s24, s29, $0xb8;
	[tilespmem:$0x1FC00] =	vst v63  }
0x170: {  	_ =	swait.ge [sflag:s26], $0x1900  }
0x171: {  	[sflag:s26] =	ssyncset.done $0x0  }
0x172: {  	[sflag:s26] =	ssyncadd.s32 $0xFFFFE700  }
0x173: {  	_ =	swait.ge [sflag:s14], $0x1900  }
0x174: {  	[sflag:s14] =	ssyncset.done $0x0  }
0x175: {  	[sflag:s14] =	ssyncadd.s32 $0xFFFFE700  }
0x176: {  	[tilespmem:s0], [sflag:$0x2] =	stream.indirect.gather [hbm4b:s1+s29], $0x80, s31, s29, $0xb8;
	[tilespmem:$0x1FC00] =	vst v63  }
0x177: {  	_ = 	snop  }
0x178: {  	[spmem:s2] =	stream.indirect.scatter.add.f32 [tilespmem:s8], [sflag:$0x6], $0x80, s25, s29, $0xb8;
	[tilespmem:$0x1FC00] =	vst v63  }
0x179: {  	_ =	swait.ge [sflag:s26], $0x1900  }
0x17a: {  	[sflag:s26] =	ssyncset.done $0x0  }
.Ltmp8:
0x17b: {  	[sflag:s26] =	ssyncadd.s32 $0xFFFFE700;
	(pc) =	sbr.rel .LBB2_10-.Ltmp8, $4  }
0x17c: {  	_ =	swait.ge [sflag:s15], $0x1900  }
0x17d: {  	[sflag:s15] =	ssyncset.done $0x0  }
0x17e: {  	s19 =	simm.s32 $0x4F80;
	[sflag:s15] =	ssyncadd.s32 $0xFFFFE700  }
0x17f: {  	[tilespmem:s8], [sflag:$0x3] =	stream.indirect.gather [hbm4b:s1+s29], $0x80, s3, s29, $0xb8;
	[tilespmem:$0x1FC00] =	vst v63  }
.LBB2_12:
0x180: {  	_ =	sfence.sel $0x180000  }
0x181: {  	[bflag:$0x0] =	sbarrier.arrive $0xFFFF  }
0x182: {  	_ =	strace $0x9000004D  }
0x183: {  	s0 =	stileid.u32;
	[bflag:$0x2] =	sbarrier.arrive $0xFFFF  }
0x184: {  	p0 =	sne.s32 s0, $0x0;
	s0 =	rddreg [dreg:$0x3]  }
0x185: {  	s0 =	sadd.s32 @!p0 $0x100000, s0  }
0x186: {  	[sflag:s0] =	ssyncadd.tile.s32 @!p0 $0x1;
	_ =	shalt  }
.Lfunc_end2:
_tile_overlayer_lowered:
.L_overlay_start_2:
0x187: {  	(tag) =	ssettag $0x2  }
0x188: {  	s0 =	rddreg [dreg:$0x0];
	s2 =	stileid.u32  }
0x189: {  	s1 =	rddreg [dreg:$0x1];
	p0 =	sne.s32 s2, $0x0  }
0x18a: {  	s3 =	rddreg [dreg:$0x2];
	[bflag:$0x3] =	sbarrier.arrive $0xFFFF;
	s2 =	simm.s32 @!p0 $0x1C06  }
0x18b: {  	[timem:s3], [sflag:s2] =	dma.local @!p0 [hbm:s0], s1  }
0x18c: {  	s0 =	simm.s32 @!p0 $0x6  }
0x18d: {  	_ =	swait.ge @!p0 [sflag:s0], s1  }
0x18e: {  	s1 =	ssub.s32 @!p0 $0x0, s1;
	[sflag:s0] =	ssyncset.done @!p0 $0x0  }
0x18f: {  	[sflag:s0] =	ssyncadd.s32 @!p0 s1  }
0x190: {  	[bflag:$0x3] =	sbarrier.arrive $0xFFFF  }
0x191: {  	_ =	shalt  }

// kernel: kernel.19.cloned.1.call-start
scs
__scs_entry_jumppad:
0x0: {  	(pc) =	sbr.rel $0x88, $3  }
0x1: {  	(tag) =	ssettag $0x0;
	lr =	simm.s32 $0x1  }
0x2: {  	[smem:$0x3F99] =	sst lr;
	_ =	strace $0xD0000000  }
0x3: {  	_ = 	snop  }
0x4: {  	_ = 	snop  }
0x5: {  	_ = 	snop  }
0x6: {  	_ = 	snop  }
0x7: {  	_ = 	snop  }
__scs_overlays_trampoline_lowered:
0x8: {  	[smem:$0x3FA8] =	sst s0  }
0x9: {  	[smem:$0x3FA9] =	sst s1  }
0xa: {  	[smem:$0x3FAA] =	sst s2  }
0xb: {  	[smem:$0x3FAB] =	sst s3  }
0xc: {  	[smem:$0x3FAC] =	sst s4  }
0xd: {  	[smem:$0x3FAD] =	sst s5  }
0xe: {  	[smem:$0x3FAE] =	sst s6  }
0xf: {  	[smem:$0x3FAF] =	sst s7  }
0x10: {  	[smem:$0x3FB0] =	sst s8  }
0x11: {  	[smem:$0x3FB1] =	sst s9;
	s0 =	simm.s32 @!p0 $0x0  }
0x12: {  	s1 =	sld [smem:$0x3F97];
	s0 =	simm.s32 @p0 $0x1  }
0x13: {  	[smem:$0x3FB2] =	sst s0;
	s0 =	simm.s32 @!p1 $0x0  }
0x14: {  	s2 =	sld [smem:$0x3F96];
	s0 =	simm.s32 @p1 $0x1  }
0x15: {  	[smem:$0x3FB3] =	sst s0;
	s0 =	simm.s32 @!p2 $0x0  }
0x16: {  	s3 =	sld [smem:$0x3FDB];
	s0 =	simm.s32 @p2 $0x1  }
0x17: {  	s4 =	simm.s32 $0x1BF5;
	[smem:$0x3FB5] =	sst s0  }
0x18: {  	s0 =	sld [smem:$0x3F98];
	_ =	swait.ge [sflag:s4], $0x0  }
0x19: {  	s7 =	sld [smem:$0x3F99]  }
0x1a: {  	s8 =	sadd.s32 $0xFFFFE003, lr  }
0x1b: {  	s9 =	sadd.s32 $0xFFFFFEF7, lr;
	s5 =	simm.s32 $0xFFFFFFFF;
	p2 =	slt.u32 s8, $0xFFFFF086  }
0x1c: {  	p1 =	slt.u32 s9, $0xF7A;
	s5 =	simm.s32 @!p2 $0x0  }
0x1d: {  	s5 =	simm.s32 @p1 $0x1;
	p0 =	seq.s32 s7, s2  }
0x1e: {  	s7 =	smul.u32 @!p0 $0xF7A, s2;
	p2 =	seq.s32 @!p0 s5, $0x0  }
0x1f: {  	s9 =	smul.u32 $0xF7A, s1;
	s8 =	simm.s32 @!p0 $0x1BF5;
	p2 =	por !p2, p0  }
0x20: {  	[sflag:s8] =	ssyncset.s32 @!p0 $0xFFFFF086;
	s6 =	sadd.s32 @!p0 s3, s7;
	s7 =	simm.s32 @!p0 $0x108  }
0x21: {  	s3 =	sadd.s32 s3, s9;
	s6 =	sadd.s32 @!p0 $0x88, s6;
	s7 =	simm.s32 @p2 $0x1082  }
0x22: {  	[simem:s7], [sflag:s8] =	dma.local @!p0 [hbm:s6], $0xF7A  }
0x23: {  	s9 =	sor.u32 $0xD0000000, s2;
	s6 =	simm.s32 $0x108;
	_ =	swait.ge @!p0 [sflag:s8], $0x0  }
0x24: {  	s3 =	sadd.s32 $0x88, s3;
	s6 =	simm.s32 @!p1 $0x1082;
	[sflag:s4] =	ssyncset.s32 $0xFFFFF086  }
0x25: {  	[simem:s6], [sflag:s4] =	dma.local [hbm:s3], $0xF7A  }
0x26: {  	[smem:$0x3F99] =	sst s1;
	(tag) =	ssettag s2;
	_ =	strace s9  }
0x27: {  	s1 =	sld [smem:$0x3FA9]  }
0x28: {  	s2 =	sld [smem:$0x3FAA]  }
0x29: {  	s4 =	sld [smem:$0x3FAC]  }
0x2a: {  	p0 =	seq.s32 s5, $0x0;
	s5 =	sld [smem:$0x3FAD]  }
0x2b: {  	s6 =	sld [smem:$0x3FAE]  }
0x2c: {  	s7 =	sld [smem:$0x3FAF]  }
0x2d: {  	s3 =	simm.s32 $0x108;
	s8 =	sld [smem:$0x3FB0]  }
0x2e: {  	s3 =	simm.s32 @!p0 $0x1082;
	s9 =	sld [smem:$0x3FB1]  }
0x2f: {  	lr =	sadd.s32 s0, s3;
	s0 =	sld [smem:$0x3FA8]  }
0x30: {  	s3 =	sld [smem:$0x3FAB]  }
0x31: {  	[smem:$0x3FB4] =	sst s10  }
0x32: {  	s10 =	sld [smem:$0x3FB2];
	_ =	sdelay $0x3  }
0x33: {  	p0 =	seq.s32 s10, $0x1;
	s10 =	sld [smem:$0x3FB4];
	_ =	sdelay $0x3  }
0x34: {  	[smem:$0x3FB4] =	sst s10  }
0x35: {  	s10 =	sld [smem:$0x3FB3];
	_ =	sdelay $0x3  }
0x36: {  	p1 =	seq.s32 s10, $0x1;
	s10 =	sld [smem:$0x3FB4];
	_ =	sdelay $0x3  }
0x37: {  	[smem:$0x3FB4] =	sst s10  }
0x38: {  	s10 =	sld [smem:$0x3FB5]  }
0x39: {  	_ = 	snop;
	(pc) =	sbr.ind lr, $3  }
0x3a: {  	_ = 	snop  }
0x3b: {  	_ = 	snop  }
0x3c: {  	p2 =	seq.s32 s10, $0x1;
	s10 =	sld [smem:$0x3FB4]  }
0x3d: {  	_ =	shalt  }
0x3e: {  	_ =	shalt  }
0x3f: {  	_ =	shalt  }
0x40: {  	_ =	shalt  }
0x41: {  	_ =	shalt  }
0x42: {  	_ =	shalt  }
0x43: {  	_ =	shalt  }
0x44: {  	_ =	shalt  }
0x45: {  	_ =	shalt  }
0x46: {  	_ =	shalt  }
0x47: {  	_ =	shalt  }
0x48: {  	_ =	shalt  }
0x49: {  	_ =	shalt  }
0x4a: {  	_ =	shalt  }
0x4b: {  	_ =	shalt  }
0x4c: {  	_ =	shalt  }
0x4d: {  	_ =	shalt  }
0x4e: {  	_ =	shalt  }
0x4f: {  	_ =	shalt  }
0x50: {  	_ =	shalt  }
0x51: {  	_ =	shalt  }
0x52: {  	_ =	shalt  }
0x53: {  	_ =	shalt  }
0x54: {  	_ =	shalt  }
0x55: {  	_ =	shalt  }
0x56: {  	_ =	shalt  }
0x57: {  	_ =	shalt  }
0x58: {  	_ =	shalt  }
0x59: {  	_ =	shalt  }
0x5a: {  	_ =	shalt  }
0x5b: {  	_ =	shalt  }
0x5c: {  	_ =	shalt  }
0x5d: {  	_ =	shalt  }
0x5e: {  	_ =	shalt  }
0x5f: {  	_ =	shalt  }
0x60: {  	_ =	shalt  }
0x61: {  	_ =	shalt  }
0x62: {  	_ =	shalt  }
0x63: {  	_ =	shalt  }
0x64: {  	_ =	shalt  }
0x65: {  	_ =	shalt  }
0x66: {  	_ =	shalt  }
0x67: {  	_ =	shalt  }
0x68: {  	_ =	shalt  }
0x69: {  	_ =	shalt  }
0x6a: {  	_ =	shalt  }
0x6b: {  	_ =	shalt  }
0x6c: {  	_ =	shalt  }
0x6d: {  	_ =	shalt  }
0x6e: {  	_ =	shalt  }
0x6f: {  	_ =	shalt  }
0x70: {  	_ =	shalt  }
0x71: {  	_ =	shalt  }
0x72: {  	_ =	shalt  }
0x73: {  	_ =	shalt  }
0x74: {  	_ =	shalt  }
0x75: {  	_ =	shalt  }
0x76: {  	_ =	shalt  }
0x77: {  	_ =	shalt  }
0x78: {  	_ =	shalt  }
0x79: {  	_ =	shalt  }
0x7a: {  	_ =	shalt  }
0x7b: {  	_ =	shalt  }
0x7c: {  	_ =	shalt  }
0x7d: {  	_ =	shalt  }
0x7e: {  	_ =	shalt  }
0x7f: {  	_ =	shalt  }
0x80: {  	_ =	shalt  }
0x81: {  	_ =	shalt  }
0x82: {  	_ =	shalt  }
0x83: {  	_ =	shalt  }
0x84: {  	_ =	shalt  }
0x85: {  	_ =	shalt  }
0x86: {  	_ =	shalt  }
0x87: {  	_ =	shalt  }
.Lfunc_end0:
.L_simem_size_0:
called_computation.3_lowered:
.L_overlay_start_0:
0x88: {  	s2 =	sld [smem:$0x3FD9]  }
0x89: {  	s3 =	sld [smem:$0x3FFE];
	_ =	sdelay $0x1  }
0x8a: {  	s1 =	srdreg.scid  }
0x8b: {  	s0 =	sand.u32 $0x1, s1  }
0x8c: {  	s17 =	sshll.u32 s0, $0xA;
	s2 =	sadd.s32 s3, s2  }
0x8d: {  	s2 =	sadd.s32 s2, s17  }
0x8e: {  	[smem:$0x3FC0] =	sst s2  }
0x8f: {  	_ = 	snop  }
0x90: {  	s2 =	sld [smem:$0x3FD0];
	(tm) =	ssettm $0x1  }
0x91: {  	s18 =	sld [smem:$0x3FFB];
	_ =	sdelay $0x3  }
0x92: {  	_ =	strace s18  }
0x93: {  	s3 =	sld [smem:$0x3FFC];
	_ =	sdelay $0x3  }
0x94: {  	_ =	strace s3  }
0x95: {  	s3 =	sld [smem:$0x3FFD];
	_ =	sdelay $0x3  }
0x96: {  	_ =	strace s3  }
0x97: {  	_ =	strace $0x8FFFFFFF  }
0x98: {  	s19 =	sld [smem:$0x3FDB];
	_ =	sdelay $0x1  }
0x99: {  	s4 =	simm.s32 $_scs_section_size  }
0x9a: {  	s5 =	simm.s32 $_size__tile_overlayer_lowered;
	s6 =	simm.s32 $_tile_overlayer_lowered  }
0x9b: {  	s22 =	simm.s32 $0x1BFF;
	s21 =	sshll.u32 s6, $0x1;
	s3 =	sadd.s32 s4, s19  }
0x9c: {  	s7 =	simm.s32 $0x0;
	s20 =	sshll.u32 s5, $0x1;
	s5 =	sadd.s32 s21, s3  }
0x9d: {  	[timem:s7], [sflag:s22] =	dma.local [hbm:s5], s20  }
0x9e: {  	_ =	swait.ge [sflag:s22], s20  }
0x9f: {  	s4 =	ssub.s32 $0x0, s20;
	[sflag:s22] =	ssyncset.done $0x0  }
0xa0: {  	[sflag:s22] =	ssyncadd.s32 s4;
	_ =	sdelay $0x1  }
0xa1: {  	s23 =	simm.s32 $0x1B8B  }
0xa2: {  	_ =	swait.ge [sflag:s23], $0x1  }
0xa3: {  	[sflag:s23] =	ssyncset.done $0x0  }
0xa4: {  	s25 =	simm.s32 $0x1B8E;
	s24 =	sld [smem:$0x3FFE];
	[sflag:s23] =	ssyncadd.s32 $0xFFFFFFFF  }
0xa5: {  	s26 =	simm.s32 $execute0_lowered;
	[smem:$0x3FD2] =	sst s25  }
0xa6: {  	s5 =	sshll.u32 s26, $0x1;
	_ =	strace $0x8000004F;
	[dreg:$0x1] =	wrdreg $0xFFFFFFFF  }
0xa7: {  	s28 =	simm.s32 $_size_execute0_lowered;
	s3 =	sadd.s32 s3, s5;
	[dreg:$0x0] =	wrdreg $0x0  }
0xa8: {  	s5 =	sshll.u32 s28, $0x1;
	[dreg:$0x2] =	wrdreg s3  }
0xa9: {  	[dreg:$0x3] =	wrdreg s5  }
0xaa: {  	[dreg:$0x4] =	wrdreg $0xC0  }
0xab: {  	_ =	task [dreg:s7], $0x5FFFF  }
0xac: {  	[dreg:$0x1] =	wrdreg $0xFFFFFFFF  }
0xad: {  	[dreg:$0x0] =	wrdreg $0x60  }
0xae: {  	[dreg:$0x2] =	wrdreg s2  }
0xaf: {  	[dreg:$0x3] =	wrdreg s24  }
0xb0: {  	[dreg:$0x4] =	wrdreg $0xC0000  }
0xb1: {  	[dreg:$0x5] =	wrdreg $0x9  }
0xb2: {  	_ =	task.clear_ibuf [dreg:s7], $0x6FFFF;
	_ =	strace $0x9000004F  }
0xb3: {  	s29 =	simm.s32 $0x9;
	_ =	strace $0x80000051  }
0xb4: {  	_ =	swait.ge [sflag:s29], $0x1  }
0xb5: {  	[sflag:s29] =	ssyncadd.s32 $0xFFFFFFFF  }
0xb6: {  	_ =	strace $0x90000051  }
0xb7: {  	_ =	sfence  }
0xb8: {  	s30 =	sld [smem:$0x0];
	_ =	sdelay $0x2  }
0xb9: {  	s31 =	sshll.u32 s1, $0xD;
	s1 =	sshrl.u32 s1, $0x2  }
0xba: {  	s3 =	sand.u32 $0x4000, s31;
	s1 =	sadd.s32 s1, s30  }
0xbb: {  	s0 =	sor.u32 s3, s0;
	s1 =	sshll.u32 s1, $0x11  }
0xbc: {  	s0 =	sor.u32 s1, s0  }
0xbd: {  	s0 =	sadd.s32 $0x8F2B, s0  }
0xbe: {  	[sflag:s0] =	ssyncadd.remote.s32 $0x1  }
0xbf: {  	_ =	sfence.sel $0xFFFF  }
0xc0: {  	[dreg:$0x0] =	wrdreg $0xFFFFFFFF;
	(pc) =	sbr.abs _section_cstart, $3  }
0xc1: {  	[dreg:$0x1] =	wrdreg $0xFFFFFFFF  }
0xc2: {  	_ =	task.clear_ibuf [dreg:s7], $0x2FFFF;
	_ =	strace $0x9FFFFFFF  }
0xc3: {  	(tm) =	ssettm $0x7FFFFFFF  }
tec
execute0_lowered:
.L_overlay_start_1:
0x0: {  	(tag) =	ssettag $0x1  }
0x1: {  	s1 =	rddreg [dreg:$0x0];
	s10 =	stileid.u32  }
0x2: {  	s3 =	srdreg.scid;
	s8 =	smul.u32 $0x13C00, s10  }
0x3: {  	s0 =	rddreg [dreg:$0x1];
	s3 =	sand.u32 $0x1, s3;
	s26 =	smul.u32 $0x6400, s10  }
0x4: {  	s2 =	rddreg [dreg:$0x2];
	s7 =	smul.u32 $0x13C000, s3  }
0x5: {  	s4 =	simm.s32 $0x0;
	s9 =	smul.u32 $0x64000, s3;
	s3 =	ssub.s32 $0x2, s3  }
0x6: {  	s28 =	simm.s32 $0x1400;
	s10 =	smul.u32 $0x4F000, s10;
	s11 =	sshrl.u32 s3, $0x1  }
0x7: {  	s29 =	simm.s32 $0x32;
	s30 =	simm.s32 $0x5000;
	s3 =	ssub.s32 s3, s11  }
0x8: {  	[smem:$0x7FF] =	sst s4;
	s11 =	sshrl.u32 s10, $0x2;
	s14 =	smax.u32 s3, $0x1  }
0x9: {  	_ =	strace $0x80000050;
	s20 =	sadd.s32 s11, s2;
	[dreg:$0x9] =	wrdreg s14  }
0xa: {  	s31 =	simm.s32 $0x80;
	s13 =	sadd.s32 $0x12C00, s20;
	[dreg:$0x6] =	wrdreg s20  }
0xb: {  	s5 =	sadd.s32 $0x1C800, s0;
	s15 =	sadd.s32 $0x1900, s20;
	[dreg:$0x7] =	wrdreg s13  }
0xc: {  	s6 =	sadd.s32 $0x3800, s0;
	s16 =	sadd.s32 $0x3200, s20;
	[dreg:$0xa] =	wrdreg s15  }
0xd: {  	s7 =	sadd.s32 s8, s7;
	s17 =	sadd.s32 $0x4B00, s20;
	[dreg:$0xb] =	wrdreg s16  }
0xe: {  	s7 =	sshrl.u32 s7, $0x3;
	s18 =	sadd.s32 $0x6400, s20;
	[dreg:$0xc] =	wrdreg s17  }
0xf: {  	s3 =	simm.s32 $0x100;
	s19 =	sadd.s32 $0x7D00, s20;
	[dreg:$0xd] =	wrdreg s18  }
0x10: {  	s11 =	simm.s32 $0x1;
	s21 =	sadd.s32 $0x9600, s20;
	[dreg:$0xe] =	wrdreg s19  }
0x11: {  	s0 =	sadd.s32 s7, s0;
	s22 =	sadd.s32 $0xAF00, s20;
	[dreg:$0xf] =	wrdreg s21  }
0x12: {  	s7 =	sadd.s32 s26, s9;
	s23 =	sadd.s32 $0xC800, s20;
	[dreg:$0x10] =	wrdreg s22  }
0x13: {  	s24 =	sadd.s32 $0xE100, s20;
	s25 =	sadd.s32 $0xFA00, s20;
	[dreg:$0x11] =	wrdreg s23  }
0x14: {  	s26 =	sadd.s32 $0x11300, s20;
	s9 =	simm.s32 $0xA400;
	[dreg:$0x12] =	wrdreg s24  }
0x15: {  	s14 =	simm.s32 $0x3;
	s8 =	sshrl.u32 s7, $0x3;
	[dreg:$0x13] =	wrdreg s25  }
0x16: {  	s0 =	sadd.s32 $0x35800, s0;
	[dreg:$0x14] =	wrdreg s26;
	s26 =	simm.s32 $0x6  }
0x17: {  	s13 =	simm.s32 $0x2;
	s15 =	simm.s32 $0x4;
	s16 =	simm.s32 $0x1380  }
.Ltmp0:
0x18: {  	s17 =	simm.s32 $0x2600;
	s18 =	simm.s32 $0x2700;
	(pc) =	sbr.rel .LBB2_1-.Ltmp0, $4  }
0x19: {  	s21 =	simm.s32 $0x5;
	s24 =	simm.s32 $0x4E80;
	s25 =	simm.s32 $0x4F00  }
0x1a: {  	s19 =	simm.s32 $0x0;
	s12 =	sadd.s32 s5, s8;
	[dreg:$0x8] =	wrdreg s0  }
0x1b: {  	s8 =	sadd.s32 s6, s8;
	s0 =	simm.s32 $0x6C00;
	[dreg:$0x4] =	wrdreg s12  }
0x1c: {  	v0 =	vimm.f32 $0.0e+00;
	[dreg:$0x5] =	wrdreg s8;
	s12 =	sadd.s32 $0x2800, s7;
	s8 =	simm.s32 $0x8800  }
.LBB2_11:
0x1d: {  	s10 =	stileid.u32;
	[bflag:$0x0] =	sbarrier.arrive $0xFFFF  }
0x1e: {  	s10 =	sshll.u32 s10, $0x6;
	s20 =	rddreg [dreg:$0x6]  }
0x1f: {  	s22 =	rddreg [dreg:$0x8];
	s10 =	sor.u32 $0x1C06, s10;
	s19 =	sshrl.u32 s20, $0x3  }
0x20: {  	[hbm:s22], [sflag:s10] =	dma.local [spmem:s19], $0x2780  }
0x21: {  	_ =	swait.ge [sflag:s26], $0x2780  }
0x22: {  	s22 =	rddreg [dreg:$0x15]  }
0x23: {  	s23 =	rddreg [dreg:$0x9];
	s19 =	sadd.s32 $0x1, s22  }
0x24: {  	p0 =	sne.s32 s19, s23  }
.Ltmp1:
0x25: {  	_ = 	snop;
	(pc) =	sbr.rel @!p0 .LBB2_12-.Ltmp1, $3  }
0x26: {  	_ =	sdelay $0x1  }
0x27: {  	[sflag:s26] =	ssyncset.done $0x0  }
0x28: {  	[sflag:s26] =	ssyncadd.s32 $0xFFFFD880  }
.LBB2_1:
0x29: {  	[dreg:$0x15] =	wrdreg s19  }
0x2a: {  	s10 =	rddreg [dreg:$0x4]  }
0x2b: {  	[tilespmem:s4], [sflag:$0x6] =	stream.linear.gather [hbm4b:s10+s4], $0x1400, $0x38;
	[tilespmem:$0x1FC00] =	vst v63  }
0x2c: {  	_ =	swait.ge [sflag:s26], $0x1400  }
0x2d: {  	[sflag:s26] =	ssyncset.done $0x0  }
0x2e: {  	s23 =	rddreg [dreg:$0x5];
	[sflag:s26] =	ssyncadd.s32 $0xFFFFEC00  }
0x2f: {  	[tilespmem:s28], [sflag:$0x6] =	stream.linear.gather [hbm4b:s23+s4], $0x1400, $0x38;
	[tilespmem:$0x1FC00] =	vst v63  }
0x30: {  	_ =	swait.ge [sflag:s26], $0x1400  }
0x31: {  	[sflag:s26] =	ssyncset.done $0x0  }
0x32: {  	[sflag:s26] =	ssyncadd.s32 $0xFFFFEC00  }
0x33: {  	[tilespmem:s30], [sflag:$0x1] =	stream.indirect.gather [hbm4b:s1+s29], $0x80, s4, s29, $0xb8;
	[tilespmem:$0x1FC00] =	vst v63  }
0x34: {  	_ = 	snop  }
0x35: {  	[tilespmem:s0], [sflag:$0x2] =	stream.indirect.gather [hbm4b:s1+s29], $0x80, s31, s29, $0xb8;
	[tilespmem:$0x1FC00] =	vst v63  }
0x36: {  	s19 =	simm.s32 $0x3C0;
	s10 =	simm.s32 $0x70  }
0x37: {  	[tilespmem:s8], [sflag:$0x3] =	stream.indirect.gather [hbm4b:s1+s29], $0x80, s3, s29, $0xb8;
	[tilespmem:$0x1FC00] =	vst v63  }
.LBB2_2:
0x38: {  	p0 =	sne.s32 s19, $0x63C0;
	[tilespmem:s10+$0xA400] =	vst v0  }
0x39: {  	[tilespmem:s10+$0xA390] =	vst v0  }
0x3a: {  	[tilespmem:s10+$0xA3A0] =	vst v0  }
.Ltmp2:
0x3b: {  	[tilespmem:s10+$0xA3B0] =	vst v0;
	(pc) =	sbr.rel @p0 .LBB2_2-.Ltmp2, $4  }
0x3c: {  	[tilespmem:s10+$0xA3C0] =	vst v0  }
0x3d: {  	[tilespmem:s10+$0xA3D0] =	vst v0  }
0x3e: {  	[tilespmem:s10+$0xA3E0] =	vst v0  }
0x3f: {  	[tilespmem:s10+$0xA3F0] =	vst v0;
	s10 =	sshra.s32 s19, $0x2;
	s19 =	sadd.s32 $0x200, s19  }
0x40: {  	[tilespmem:s10+$0xA400] =	vst v0  }
0x41: {  	[tilespmem:s10+$0xA390] =	vst v0  }
0x42: {  	[tilespmem:s10+$0xA3A0] =	vst v0  }
0x43: {  	[tilespmem:s10+$0xA3B0] =	vst v0  }
0x44: {  	[tilespmem:s10+$0xA3C0] =	vst v0  }
0x45: {  	[tilespmem:s10+$0xA3D0] =	vst v0  }
0x46: {  	[tilespmem:s10+$0xA3E0] =	vst v0  }
0x47: {  	[tilespmem:s10+$0xA3F0] =	vst v0  }
0x48: {  	[spmem:s20] =	stream.linear.scatter [tilespmem:s9], [sflag:$0x6], $0x1900, $0x38;
	[tilespmem:$0x1FC00] =	vst v63  }
0x49: {  	_ =	swait.ge [sflag:s26], $0x1900  }
0x4a: {  	[sflag:s26] =	ssyncset.done $0x0  }
0x4b: {  	s19 =	rddreg [dreg:$0xa];
	[sflag:s26] =	ssyncadd.s32 $0xFFFFE700  }
0x4c: {  	[spmem:s19] =	stream.linear.scatter [tilespmem:s9], [sflag:$0x6], $0x1900, $0x38;
	[tilespmem:$0x1FC00] =	vst v63  }
0x4d: {  	_ =	swait.ge [sflag:s26], $0x1900  }
0x4e: {  	[sflag:s26] =	ssyncset.done $0x0  }
0x4f: {  	s20 =	rddreg [dreg:$0xb];
	[sflag:s26] =	ssyncadd.s32 $0xFFFFE700  }
0x50: {  	[spmem:s20] =	stream.linear.scatter [tilespmem:s9], [sflag:$0x6], $0x1900, $0x38;
	[tilespmem:$0x1FC00] =	vst v63  }
0x51: {  	_ =	swait.ge [sflag:s26], $0x1900  }
0x52: {  	[sflag:s26] =	ssyncset.done $0x0  }
0x53: {  	s22 =	rddreg [dreg:$0xc];
	[sflag:s26] =	ssyncadd.s32 $0xFFFFE700  }
0x54: {  	[spmem:s22] =	stream.linear.scatter [tilespmem:s9], [sflag:$0x6], $0x1900, $0x38;
	[tilespmem:$0x1FC00] =	vst v63  }
0x55: {  	_ =	swait.ge [sflag:s26], $0x1900  }
0x56: {  	[sflag:s26] =	ssyncset.done $0x0  }
0x57: {  	s23 =	rddreg [dreg:$0xd];
	[sflag:s26] =	ssyncadd.s32 $0xFFFFE700  }
0x58: {  	[spmem:s23] =	stream.linear.scatter [tilespmem:s9], [sflag:$0x6], $0x1900, $0x38;
	[tilespmem:$0x1FC00] =	vst v63  }
0x59: {  	_ =	swait.ge [sflag:s26], $0x1900  }
0x5a: {  	[sflag:s26] =	ssyncset.done $0x0  }
0x5b: {  	s19 =	rddreg [dreg:$0xe];
	[sflag:s26] =	ssyncadd.s32 $0xFFFFE700  }
0x5c: {  	[spmem:s19] =	stream.linear.scatter [tilespmem:s9], [sflag:$0x6], $0x1900, $0x38;
	[tilespmem:$0x1FC00] =	vst v63  }
0x5d: {  	_ =	swait.ge [sflag:s26], $0x1900  }
0x5e: {  	[sflag:s26] =	ssyncset.done $0x0  }
0x5f: {  	s20 =	rddreg [dreg:$0xf];
	[sflag:s26] =	ssyncadd.s32 $0xFFFFE700  }
0x60: {  	[spmem:s20] =	stream.linear.scatter [tilespmem:s9], [sflag:$0x6], $0x1900, $0x38;
	[tilespmem:$0x1FC00] =	vst v63  }
0x61: {  	_ =	swait.ge [sflag:s26], $0x1900  }
0x62: {  	[sflag:s26] =	ssyncset.done $0x0  }
0x63: {  	s22 =	rddreg [dreg:$0x10];
	[sflag:s26] =	ssyncadd.s32 $0xFFFFE700  }
0x64: {  	[spmem:s22] =	stream.linear.scatter [tilespmem:s9], [sflag:$0x6], $0x1900, $0x38;
	[tilespmem:$0x1FC00] =	vst v63  }
0x65: {  	_ =	swait.ge [sflag:s26], $0x1900  }
0x66: {  	[sflag:s26] =	ssyncset.done $0x0  }
0x67: {  	s23 =	rddreg [dreg:$0x11];
	[sflag:s26] =	ssyncadd.s32 $0xFFFFE700  }
0x68: {  	[spmem:s23] =	stream.linear.scatter [tilespmem:s9], [sflag:$0x6], $0x1900, $0x38;
	[tilespmem:$0x1FC00] =	vst v63  }
0x69: {  	_ =	swait.ge [sflag:s26], $0x1900  }
0x6a: {  	[sflag:s26] =	ssyncset.done $0x0  }
0x6b: {  	s19 =	rddreg [dreg:$0x12];
	[sflag:s26] =	ssyncadd.s32 $0xFFFFE700  }
0x6c: {  	[spmem:s19] =	stream.linear.scatter [tilespmem:s9], [sflag:$0x6], $0x1900, $0x38;
	[tilespmem:$0x1FC00] =	vst v63  }
0x6d: {  	_ =	swait.ge [sflag:s26], $0x1900  }
0x6e: {  	[sflag:s26] =	ssyncset.done $0x0  }
0x6f: {  	s20 =	rddreg [dreg:$0x13];
	[sflag:s26] =	ssyncadd.s32 $0xFFFFE700  }
0x70: {  	[spmem:s20] =	stream.linear.scatter [tilespmem:s9], [sflag:$0x6], $0x1900, $0x38;
	[tilespmem:$0x1FC00] =	vst v63  }
0x71: {  	_ =	swait.ge [sflag:s26], $0x1900  }
0x72: {  	[sflag:s26] =	ssyncset.done $0x0  }
0x73: {  	s22 =	rddreg [dreg:$0x14];
	[sflag:s26] =	ssyncadd.s32 $0xFFFFE700  }
0x74: {  	[spmem:s22] =	stream.linear.scatter [tilespmem:s9], [sflag:$0x6], $0x1900, $0x38;
	[tilespmem:$0x1FC00] =	vst v63  }
0x75: {  	_ =	swait.ge [sflag:s26], $0x1900  }
0x76: {  	[sflag:s26] =	ssyncset.done $0x0  }
0x77: {  	s23 =	rddreg [dreg:$0x7];
	[sflag:s26] =	ssyncadd.s32 $0xFFFFE700  }
0x78: {  	[spmem:s23] =	stream.linear.scatter [tilespmem:s9], [sflag:$0x6], $0x1000, $0x38;
	[tilespmem:$0x1FC00] =	vst v63  }
.Ltmp3:
0x79: {  	_ =	swait.ge [sflag:s26], $0x1000;
	(pc) =	sbr.rel .LBB2_4-.Ltmp3, $4  }
0x7a: {  	[sflag:s26] =	ssyncset.done $0x0  }
0x7b: {  	[sflag:s26] =	ssyncadd.s32 $0xFFFFF000  }
0x7c: {  	[bflag:$0x0] =	sbarrier.arrive $0xFFFF  }
0x7d: {  	s10 =	simm.s32 $0x0  }
.LBB2_10:
0x7e: {  	s10 =	sadd.s32 $0x1, s10  }
0x7f: {  	p0 =	sne.s32 s10, $0x3  }
.Ltmp4:
0x80: {  	_ = 	snop;
	(pc) =	sbr.rel @!p0 .LBB2_11-.Ltmp4, $4  }
0x81: {  	[spmem:s2] =	stream.indirect.scatter.add.f32 [tilespmem:s9], [sflag:$0x6], $0x80, s19, s29, $0xb8;
	[tilespmem:$0x1FC00] =	vst v63  }
0x82: {  	_ =	swait.ge [sflag:s26], $0x1900  }
0x83: {  	[sflag:s26] =	ssyncset.done $0x0  }
0x84: {  	[sflag:s26] =	ssyncadd.s32 $0xFFFFE700  }
.LBB2_4:
0x85: {  	s19 =	sshllo.u32 s10, $0x1  }
0x86: {  	p0 =	sgt.u32 s19, $0x4  }
0x87: {  	s19 =	smul.u32 @!p0 $0x1400, s19;
	_ =	sdelay $0x1  }
0x88: {  	s19 =	sadd.s32 @!p0 s7, s19  }
0x89: {  	s19 =	sshrl.u32 @!p0 s19, $0x3  }
0x8a: {  	s22 =	simm.s32 @!p0 $0x0;
	s23 =	simm.s32 @!p0 $0x2800;
	s20 =	sadd.s32 @!p0 s5, s19  }
0x8b: {  	[tilespmem:s23], [sflag:$0x5] =	stream.linear.gather @!p0 [hbm4b:s20+s22], $0x1400, $0x38;
	[tilespmem:$0x1FC00] =	vst v63  }
0x8c: {  	s19 =	sadd.s32 @!p0 s6, s19;
	s20 =	simm.s32 @!p0 $0x3C00  }
0x8d: {  	[tilespmem:s20], [sflag:$0x5] =	stream.linear.gather @!p0 [hbm4b:s19+s22], $0x1400, $0x38;
	[tilespmem:$0x1FC00] =	vst v63  }
0x8e: {  	_ =	swait.ge [sflag:s11], $0x1900  }
0x8f: {  	[sflag:s11] =	ssyncset.done $0x0  }
0x90: {  	s22 =	simm.s32 $0x180;
	[sflag:s11] =	ssyncadd.s32 $0xFFFFE700  }
0x91: {  	[tilespmem:s9], [sflag:$0x4] =	stream.indirect.gather [hbm4b:s1+s29], $0x80, s22, s29, $0xb8;
	[tilespmem:$0x1FC00] =	vst v63  }
0x92: {  	s23 =	simm.s32 $0x1400  }
0x93: {  	[spmem:s2] =	stream.indirect.scatter.add.f32 [tilespmem:s30], [sflag:$0x6], $0x80, s23, s29, $0xb8;
	[tilespmem:$0x1FC00] =	vst v63  }
0x94: {  	_ =	swait.ge [sflag:s26], $0x1900  }
0x95: {  	[sflag:s26] =	ssyncset.done $0x0  }
0x96: {  	[sflag:s26] =	ssyncadd.s32 $0xFFFFE700  }
0x97: {  	_ =	swait.ge [sflag:s13], $0x1900  }
0x98: {  	[sflag:s13] =	ssyncset.done $0x0  }
0x99: {  	s20 =	simm.s32 $0x200;
	[sflag:s13] =	ssyncadd.s32 $0xFFFFE700  }
0x9a: {  	[tilespmem:s30], [sflag:$0x1] =	stream.indirect.gather [hbm4b:s1+s29], $0x80, s20, s29, $0xb8;
	[tilespmem:$0x1FC00] =	vst v63  }
0x9b: {  	s22 =	simm.s32 $0x1480  }
0x9c: {  	[spmem:s2] =	stream.indirect.scatter.add.f32 [tilespmem:s0], [sflag:$0x6], $0x80, s22, s29, $0xb8;
	[tilespmem:$0x1FC00] =	vst v63  }
0x9d: {  	_ =	swait.ge [sflag:s26], $0x1900  }
0x9e: {  	[sflag:s26] =	ssyncset.done $0x0  }
0x9f: {  	[sflag:s26] =	ssyncadd.s32 $0xFFFFE700  }
0xa0: {  	_ =	swait.ge [sflag:s14], $0x1900  }
0xa1: {  	[sflag:s14] =	ssyncset.done $0x0  }
0xa2: {  	s23 =	simm.s32 $0x280;
	[sflag:s14] =	ssyncadd.s32 $0xFFFFE700  }
0xa3: {  	[tilespmem:s0], [sflag:$0x2] =	stream.indirect.gather [hbm4b:s1+s29], $0x80, s23, s29, $0xb8;
	[tilespmem:$0x1FC00] =	vst v63  }
0xa4: {  	s20 =	simm.s32 $0x1500  }
0xa5: {  	[spmem:s2] =	stream.indirect.scatter.add.f32 [tilespmem:s8], [sflag:$0x6], $0x80, s20, s29, $0xb8;
	[tilespmem:$0x1FC00] =	vst v63  }
0xa6: {  	_ =	swait.ge [sflag:s26], $0x1900  }
0xa7: {  	[sflag:s26] =	ssyncset.done $0x0  }
0xa8: {  	[sflag:s26] =	ssyncadd.s32 $0xFFFFE700  }
0xa9: {  	_ =	swait.ge [sflag:s15], $0x1900  }
0xaa: {  	[sflag:s15] =	ssyncset.done $0x0  }
0xab: {  	s22 =	simm.s32 $0x300;
	[sflag:s15] =	ssyncadd.s32 $0xFFFFE700  }
0xac: {  	[tilespmem:s8], [sflag:$0x3] =	stream.indirect.gather [hbm4b:s1+s29], $0x80, s22, s29, $0xb8;
	[tilespmem:$0x1FC00] =	vst v63  }
0xad: {  	s23 =	simm.s32 $0x1580  }
0xae: {  	[spmem:s2] =	stream.indirect.scatter.add.f32 [tilespmem:s9], [sflag:$0x6], $0x80, s23, s29, $0xb8;
	[tilespmem:$0x1FC00] =	vst v63  }
0xaf: {  	_ =	swait.ge [sflag:s26], $0x1900  }
0xb0: {  	s19 =	simm.s32 $0x800;
	[sflag:s26] =	ssyncset.done $0x0  }
.LBB2_5:
0xb1: {  	p1 =	sne.s32 s19, $0x4000  }
0xb2: {  	[sflag:s26] =	ssyncadd.s32 $0xFFFFE700;
	s20 =	smov.u32 s19;
	s19 =	sadd.s32 $0x800, s19  }
0xb3: {  	_ = 	snop  }
0xb4: {  	_ =	swait.ge [sflag:s11], $0x1900  }
0xb5: {  	s20 =	sshra.s32 s20, $0x2;
	[sflag:s11] =	ssyncset.done $0x0  }
0xb6: {  	s22 =	sadd.s32 $0x180, s20;
	[sflag:s11] =	ssyncadd.s32 $0xFFFFE700  }
0xb7: {  	[tilespmem:s9], [sflag:$0x4] =	stream.indirect.gather [hbm4b:s1+s29], $0x80, s22, s29, $0xb8;
	[tilespmem:$0x1FC00] =	vst v63  }
0xb8: {  	s22 =	sadd.s32 $0x1400, s20  }
0xb9: {  	[spmem:s2] =	stream.indirect.scatter.add.f32 [tilespmem:s30], [sflag:$0x6], $0x80, s22, s29, $0xb8;
	[tilespmem:$0x1FC00] =	vst v63  }
0xba: {  	_ =	swait.ge [sflag:s26], $0x1900  }
0xbb: {  	[sflag:s26] =	ssyncset.done $0x0  }
0xbc: {  	[sflag:s26] =	ssyncadd.s32 $0xFFFFE700  }
0xbd: {  	_ =	swait.ge [sflag:s13], $0x1900  }
0xbe: {  	[sflag:s13] =	ssyncset.done $0x0  }
0xbf: {  	s22 =	sadd.s32 $0x200, s20;
	[sflag:s13] =	ssyncadd.s32 $0xFFFFE700  }
0xc0: {  	[tilespmem:s30], [sflag:$0x1] =	stream.indirect.gather [hbm4b:s1+s29], $0x80, s22, s29, $0xb8;
	[tilespmem:$0x1FC00] =	vst v63  }
0xc1: {  	s22 =	sadd.s32 $0x1480, s20  }
0xc2: {  	[spmem:s2] =	stream.indirect.scatter.add.f32 [tilespmem:s0], [sflag:$0x6], $0x80, s22, s29, $0xb8;
	[tilespmem:$0x1FC00] =	vst v63  }
0xc3: {  	_ =	swait.ge [sflag:s26], $0x1900  }
0xc4: {  	[sflag:s26] =	ssyncset.done $0x0  }
0xc5: {  	[sflag:s26] =	ssyncadd.s32 $0xFFFFE700  }
0xc6: {  	_ =	swait.ge [sflag:s14], $0x1900  }
0xc7: {  	[sflag:s14] =	ssyncset.done $0x0  }
0xc8: {  	s22 =	sadd.s32 $0x280, s20;
	[sflag:s14] =	ssyncadd.s32 $0xFFFFE700  }
0xc9: {  	[tilespmem:s0], [sflag:$0x2] =	stream.indirect.gather [hbm4b:s1+s29], $0x80, s22, s29, $0xb8;
	[tilespmem:$0x1FC00] =	vst v63  }
0xca: {  	s22 =	sadd.s32 $0x1500, s20  }
0xcb: {  	[spmem:s2] =	stream.indirect.scatter.add.f32 [tilespmem:s8], [sflag:$0x6], $0x80, s22, s29, $0xb8;
	[tilespmem:$0x1FC00] =	vst v63  }
0xcc: {  	_ =	swait.ge [sflag:s26], $0x1900  }
0xcd: {  	[sflag:s26] =	ssyncset.done $0x0  }
0xce: {  	[sflag:s26] =	ssyncadd.s32 $0xFFFFE700  }
0xcf: {  	_ =	swait.ge [sflag:s15], $0x1900  }
0xd0: {  	[sflag:s15] =	ssyncset.done $0x0  }
0xd1: {  	s22 =	sadd.s32 $0x300, s20;
	[sflag:s15] =	ssyncadd.s32 $0xFFFFE700  }
0xd2: {  	[tilespmem:s8], [sflag:$0x3] =	stream.indirect.gather [hbm4b:s1+s29], $0x80, s22, s29, $0xb8;
	[tilespmem:$0x1FC00] =	vst v63  }
.Ltmp5:
0xd3: {  	_ = 	snop;
	(pc) =	sbr.rel @p1 .LBB2_5-.Ltmp5, $4  }
0xd4: {  	s20 =	sadd.s32 $0x1580, s20  }
0xd5: {  	[spmem:s2] =	stream.indirect.scatter.add.f32 [tilespmem:s9], [sflag:$0x6], $0x80, s20, s29, $0xb8;
	[tilespmem:$0x1FC00] =	vst v63  }
0xd6: {  	_ =	swait.ge [sflag:s26], $0x1900  }
0xd7: {  	[sflag:s26] =	ssyncset.done $0x0  }
0xd8: {  	[sflag:s26] =	ssyncadd.s32 $0xFFFFE700;
	s19 =	simm.s32 @!p0 $0x5  }
0xd9: {  	_ =	swait.ge @!p0 [sflag:s19], $0x1400  }
0xda: {  	[sflag:s19] =	ssyncset.done @!p0 $0x0  }
0xdb: {  	[sflag:s19] =	ssyncadd.s32 @!p0 $0xFFFFEC00  }
0xdc: {  	_ =	swait.ge @!p0 [sflag:s19], $0x1400  }
0xdd: {  	[sflag:s19] =	ssyncset.done @!p0 $0x0  }
0xde: {  	[sflag:s19] =	ssyncadd.s32 @!p0 $0xFFFFEC00  }
0xdf: {  	_ =	swait.ge [sflag:s11], $0x1900  }
0xe0: {  	[sflag:s11] =	ssyncset.done $0x0  }
0xe1: {  	[sflag:s11] =	ssyncadd.s32 $0xFFFFE700  }
0xe2: {  	[tilespmem:s9], [sflag:$0x4] =	stream.indirect.gather [hbm4b:s1+s29], $0x80, s16, s29, $0xb8;
	[tilespmem:$0x1FC00] =	vst v63  }
0xe3: {  	_ = 	snop  }
0xe4: {  	[spmem:s2] =	stream.indirect.scatter.add.f32 [tilespmem:s30], [sflag:$0x6], $0x80, s17, s29, $0xb8;
	[tilespmem:$0x1FC00] =	vst v63  }
0xe5: {  	_ =	swait.ge [sflag:s26], $0x1900  }
0xe6: {  	[sflag:s26] =	ssyncset.done $0x0  }
0xe7: {  	[sflag:s26] =	ssyncadd.s32 $0xFFFFE700  }
0xe8: {  	_ =	swait.ge [sflag:s13], $0x1900  }
0xe9: {  	s20 =	simm.s32 @p0 $0x2680;
	[sflag:s13] =	ssyncset.done $0x0  }
0xea: {  	s22 =	simm.s32 @p0 $0x6C00;
	s19 =	simm.s32 @p0 $0x32;
	[sflag:s13] =	ssyncadd.s32 $0xFFFFE700  }
0xeb: {  	[spmem:s2] =	stream.indirect.scatter.add.f32 @p0 [tilespmem:s22], [sflag:$0x6], $0x80, s20, s19, $0xb8;
	[tilespmem:$0x1FC00] =	vst v63  }
0xec: {  	s19 =	simm.s32 @p0 $0x6  }
0xed: {  	_ =	swait.ge @p0 [sflag:s19], $0x1900  }
0xee: {  	[sflag:s19] =	ssyncset.done @p0 $0x0  }
0xef: {  	[sflag:s19] =	ssyncadd.s32 @p0 $0xFFFFE700;
	s19 =	simm.s32 @p0 $0x3  }
0xf0: {  	_ =	swait.ge @p0 [sflag:s19], $0x1900  }
0xf1: {  	s20 =	simm.s32 @!p0 $0x2800;
	[sflag:s19] =	ssyncset.done @p0 $0x0  }
0xf2: {  	s22 =	simm.s32 @!p0 $0x5000;
	[sflag:s19] =	ssyncadd.s32 @p0 $0xFFFFE700;
	s19 =	simm.s32 @!p0 $0x32  }
0xf3: {  	[tilespmem:s22], [sflag:$0x1] =	stream.indirect.gather @!p0 [hbm4b:s1+s19], $0x80, s20, s19, $0xb8;
	[tilespmem:$0x1FC00] =	vst v63  }
0xf4: {  	s20 =	simm.s32 @!p0 $0x2680;
	s22 =	simm.s32 @!p0 $0x6C00  }
0xf5: {  	[spmem:s2] =	stream.indirect.scatter.add.f32 @!p0 [tilespmem:s22], [sflag:$0x6], $0x80, s20, s19, $0xb8;
	[tilespmem:$0x1FC00] =	vst v63  }
0xf6: {  	s20 =	simm.s32 @!p0 $0x6  }
0xf7: {  	_ =	swait.ge @!p0 [sflag:s20], $0x1900  }
0xf8: {  	[sflag:s20] =	ssyncset.done @!p0 $0x0  }
0xf9: {  	[sflag:s20] =	ssyncadd.s32 @!p0 $0xFFFFE700;
	s20 =	simm.s32 @!p0 $0x3  }
0xfa: {  	_ =	swait.ge @!p0 [sflag:s20], $0x1900  }
0xfb: {  	[sflag:s20] =	ssyncset.done @!p0 $0x0  }
0xfc: {  	[sflag:s20] =	ssyncadd.s32 @!p0 $0xFFFFE700;
	s20 =	simm.s32 @!p0 $0x2880  }
0xfd: {  	[tilespmem:s22], [sflag:$0x2] =	stream.indirect.gather @!p0 [hbm4b:s1+s19], $0x80, s20, s19, $0xb8;
	[tilespmem:$0x1FC00] =	vst v63  }
0xfe: {  	_ = 	snop  }
0xff: {  	[spmem:s2] =	stream.indirect.scatter.add.f32 [tilespmem:s8], [sflag:$0x6], $0x80, s18, s29, $0xb8;
	[tilespmem:$0x1FC00] =	vst v63  }
0x100: {  	_ =	swait.ge [sflag:s26], $0x1900  }
.Ltmp6:
0x101: {  	[sflag:s26] =	ssyncset.done $0x0;
	(pc) =	sbr.rel @p0 .LBB2_10-.Ltmp6, $4  }
0x102: {  	[sflag:s26] =	ssyncadd.s32 $0xFFFFE700  }
0x103: {  	_ =	swait.ge [sflag:s15], $0x1900  }
0x104: {  	[sflag:s15] =	ssyncset.done $0x0  }
0x105: {  	s19 =	simm.s32 $0x2780;
	[sflag:s15] =	ssyncadd.s32 $0xFFFFE700  }
0x106: {  	s19 =	simm.s32 $0x2900  }
0x107: {  	[tilespmem:s8], [sflag:$0x3] =	stream.indirect.gather [hbm4b:s1+s29], $0x80, s19, s29, $0xb8;
	[tilespmem:$0x1FC00] =	vst v63  }
0x108: {  	s22 =	smul.u32 $0x2800, s10;
	s20 =	simm.s32 $0x2780  }
0x109: {  	[spmem:s2] =	stream.indirect.scatter.add.f32 [tilespmem:s9], [sflag:$0x6], $0x80, s20, s29, $0xb8;
	[tilespmem:$0x1FC00] =	vst v63  }
0x10a: {  	s19 =	sadd.s32 s22, s12;
	_ =	swait.ge [sflag:s26], $0x1900  }
0x10b: {  	s19 =	sshrl.u32 s19, $0x3;
	[sflag:s26] =	ssyncset.done $0x0  }
0x10c: {  	s22 =	simm.s32 $0x0;
	s23 =	sadd.s32 s5, s19;
	[sflag:s26] =	ssyncadd.s32 $0xFFFFE700  }
0x10d: {  	[tilespmem:s22], [sflag:$0x5] =	stream.linear.gather [hbm4b:s23+s22], $0x1400, $0x38;
	[tilespmem:$0x1FC00] =	vst v63  }
0x10e: {  	s19 =	sadd.s32 s6, s19  }
0x10f: {  	[tilespmem:s28], [sflag:$0x5] =	stream.linear.gather [hbm4b:s19+s22], $0x1400, $0x38;
	[tilespmem:$0x1FC00] =	vst v63  }
0x110: {  	_ =	swait.ge [sflag:s11], $0x1900  }
0x111: {  	[sflag:s11] =	ssyncset.done $0x0  }
0x112: {  	s22 =	simm.s32 $0x2980;
	[sflag:s11] =	ssyncadd.s32 $0xFFFFE700  }
0x113: {  	[tilespmem:s9], [sflag:$0x4] =	stream.indirect.gather [hbm4b:s1+s29], $0x80, s22, s29, $0xb8;
	[tilespmem:$0x1FC00] =	vst v63  }
0x114: {  	s23 =	simm.s32 $0x3C00  }
0x115: {  	[spmem:s2] =	stream.indirect.scatter.add.f32 [tilespmem:s30], [sflag:$0x6], $0x80, s23, s29, $0xb8;
	[tilespmem:$0x1FC00] =	vst v63  }
0x116: {  	_ =	swait.ge [sflag:s26], $0x1900  }
0x117: {  	[sflag:s26] =	ssyncset.done $0x0  }
0x118: {  	[sflag:s26] =	ssyncadd.s32 $0xFFFFE700  }
0x119: {  	_ =	swait.ge [sflag:s13], $0x1900  }
0x11a: {  	[sflag:s13] =	ssyncset.done $0x0  }
0x11b: {  	s20 =	simm.s32 $0x2A00;
	[sflag:s13] =	ssyncadd.s32 $0xFFFFE700  }
0x11c: {  	[tilespmem:s30], [sflag:$0x1] =	stream.indirect.gather [hbm4b:s1+s29], $0x80, s20, s29, $0xb8;
	[tilespmem:$0x1FC00] =	vst v63  }
0x11d: {  	s22 =	simm.s32 $0x3C80  }
0x11e: {  	[spmem:s2] =	stream.indirect.scatter.add.f32 [tilespmem:s0], [sflag:$0x6], $0x80, s22, s29, $0xb8;
	[tilespmem:$0x1FC00] =	vst v63  }
0x11f: {  	_ =	swait.ge [sflag:s26], $0x1900  }
0x120: {  	[sflag:s26] =	ssyncset.done $0x0  }
0x121: {  	[sflag:s26] =	ssyncadd.s32 $0xFFFFE700  }
0x122: {  	_ =	swait.ge [sflag:s14], $0x1900  }
0x123: {  	[sflag:s14] =	ssyncset.done $0x0  }
0x124: {  	s23 =	simm.s32 $0x2A80;
	[sflag:s14] =	ssyncadd.s32 $0xFFFFE700  }
0x125: {  	[tilespmem:s0], [sflag:$0x2] =	stream.indirect.gather [hbm4b:s1+s29], $0x80, s23, s29, $0xb8;
	[tilespmem:$0x1FC00] =	vst v63  }
0x126: {  	s20 =	simm.s32 $0x3D00  }
0x127: {  	[spmem:s2] =	stream.indirect.scatter.add.f32 [tilespmem:s8], [sflag:$0x6], $0x80, s20, s29, $0xb8;
	[tilespmem:$0x1FC00] =	vst v63  }
0x128: {  	_ =	swait.ge [sflag:s26], $0x1900  }
0x129: {  	[sflag:s26] =	ssyncset.done $0x0  }
0x12a: {  	[sflag:s26] =	ssyncadd.s32 $0xFFFFE700  }
0x12b: {  	_ =	swait.ge [sflag:s15], $0x1900  }
0x12c: {  	[sflag:s15] =	ssyncset.done $0x0  }
0x12d: {  	s22 =	simm.s32 $0x2B00;
	[sflag:s15] =	ssyncadd.s32 $0xFFFFE700  }
0x12e: {  	[tilespmem:s8], [sflag:$0x3] =	stream.indirect.gather [hbm4b:s1+s29], $0x80, s22, s29, $0xb8;
	[tilespmem:$0x1FC00] =	vst v63  }
0x12f: {  	s23 =	simm.s32 $0x3D80  }
0x130: {  	[spmem:s2] =	stream.indirect.scatter.add.f32 [tilespmem:s9], [sflag:$0x6], $0x80, s23, s29, $0xb8;
	[tilespmem:$0x1FC00] =	vst v63  }
0x131: {  	_ =	swait.ge [sflag:s26], $0x1900  }
0x132: {  	s19 =	simm.s32 $0x800;
	[sflag:s26] =	ssyncset.done $0x0  }
.LBB2_8:
0x133: {  	p0 =	sne.s32 s19, $0x4000  }
0x134: {  	[sflag:s26] =	ssyncadd.s32 $0xFFFFE700;
	s20 =	smov.u32 s19;
	s19 =	sadd.s32 $0x800, s19  }
0x135: {  	_ = 	snop  }
0x136: {  	_ =	swait.ge [sflag:s11], $0x1900  }
0x137: {  	s20 =	sshra.s32 s20, $0x2;
	[sflag:s11] =	ssyncset.done $0x0  }
0x138: {  	s22 =	sadd.s32 $0x2980, s20;
	[sflag:s11] =	ssyncadd.s32 $0xFFFFE700  }
0x139: {  	[tilespmem:s9], [sflag:$0x4] =	stream.indirect.gather [hbm4b:s1+s29], $0x80, s22, s29, $0xb8;
	[tilespmem:$0x1FC00] =	vst v63  }
0x13a: {  	s22 =	sadd.s32 $0x3C00, s20  }
0x13b: {  	[spmem:s2] =	stream.indirect.scatter.add.f32 [tilespmem:s30], [sflag:$0x6], $0x80, s22, s29, $0xb8;
	[tilespmem:$0x1FC00] =	vst v63  }
0x13c: {  	_ =	swait.ge [sflag:s26], $0x1900  }
0x13d: {  	[sflag:s26] =	ssyncset.done $0x0  }
0x13e: {  	[sflag:s26] =	ssyncadd.s32 $0xFFFFE700  }
0x13f: {  	_ =	swait.ge [sflag:s13], $0x1900  }
0x140: {  	[sflag:s13] =	ssyncset.done $0x0  }
0x141: {  	s22 =	sadd.s32 $0x2A00, s20;
	[sflag:s13] =	ssyncadd.s32 $0xFFFFE700  }
0x142: {  	[tilespmem:s30], [sflag:$0x1] =	stream.indirect.gather [hbm4b:s1+s29], $0x80, s22, s29, $0xb8;
	[tilespmem:$0x1FC00] =	vst v63  }
0x143: {  	s22 =	sadd.s32 $0x3C80, s20  }
0x144: {  	[spmem:s2] =	stream.indirect.scatter.add.f32 [tilespmem:s0], [sflag:$0x6], $0x80, s22, s29, $0xb8;
	[tilespmem:$0x1FC00] =	vst v63  }
0x145: {  	_ =	swait.ge [sflag:s26], $0x1900  }
0x146: {  	[sflag:s26] =	ssyncset.done $0x0  }
0x147: {  	[sflag:s26] =	ssyncadd.s32 $0xFFFFE700  }
0x148: {  	_ =	swait.ge [sflag:s14], $0x1900  }
0x149: {  	[sflag:s14] =	ssyncset.done $0x0  }
0x14a: {  	s22 =	sadd.s32 $0x2A80, s20;
	[sflag:s14] =	ssyncadd.s32 $0xFFFFE700  }
0x14b: {  	[tilespmem:s0], [sflag:$0x2] =	stream.indirect.gather [hbm4b:s1+s29], $0x80, s22, s29, $0xb8;
	[tilespmem:$0x1FC00] =	vst v63  }
0x14c: {  	s22 =	sadd.s32 $0x3D00, s20  }
0x14d: {  	[spmem:s2] =	stream.indirect.scatter.add.f32 [tilespmem:s8], [sflag:$0x6], $0x80, s22, s29, $0xb8;
	[tilespmem:$0x1FC00] =	vst v63  }
0x14e: {  	_ =	swait.ge [sflag:s26], $0x1900  }
0x14f: {  	[sflag:s26] =	ssyncset.done $0x0  }
0x150: {  	[sflag:s26] =	ssyncadd.s32 $0xFFFFE700  }
0x151: {  	_ =	swait.ge [sflag:s15], $0x1900  }
0x152: {  	[sflag:s15] =	ssyncset.done $0x0  }
0x153: {  	s22 =	sadd.s32 $0x2B00, s20;
	[sflag:s15] =	ssyncadd.s32 $0xFFFFE700  }
0x154: {  	[tilespmem:s8], [sflag:$0x3] =	stream.indirect.gather [hbm4b:s1+s29], $0x80, s22, s29, $0xb8;
	[tilespmem:$0x1FC00] =	vst v63  }
.Ltmp7:
0x155: {  	_ = 	snop;
	(pc) =	sbr.rel @p0 .LBB2_8-.Ltmp7, $4  }
0x156: {  	s20 =	sadd.s32 $0x3D80, s20  }
0x157: {  	[spmem:s2] =	stream.indirect.scatter.add.f32 [tilespmem:s9], [sflag:$0x6], $0x80, s20, s29, $0xb8;
	[tilespmem:$0x1FC00] =	vst v63  }
0x158: {  	_ =	swait.ge [sflag:s26], $0x1900  }
0x159: {  	[sflag:s26] =	ssyncset.done $0x0  }
0x15a: {  	[sflag:s26] =	ssyncadd.s32 $0xFFFFE700  }
0x15b: {  	_ =	swait.ge [sflag:s21], $0x1400  }
0x15c: {  	[sflag:s21] =	ssyncset.done $0x0  }
0x15d: {  	[sflag:s21] =	ssyncadd.s32 $0xFFFFEC00  }
0x15e: {  	_ =	swait.ge [sflag:s21], $0x1400  }
0x15f: {  	[sflag:s21] =	ssyncset.done $0x0  }
0x160: {  	[sflag:s21] =	ssyncadd.s32 $0xFFFFEC00  }
0x161: {  	_ =	swait.ge [sflag:s11], $0x1900  }
0x162: {  	[sflag:s11] =	ssyncset.done $0x0  }
0x163: {  	s19 =	simm.s32 $0x3B80;
	[sflag:s11] =	ssyncadd.s32 $0xFFFFE700  }
0x164: {  	[tilespmem:s9], [sflag:$0x4] =	stream.indirect.gather [hbm4b:s1+s29], $0x80, s19, s29, $0xb8;
	[tilespmem:$0x1FC00] =	vst v63  }
0x165: {  	s23 =	simm.s32 $0x4E00  }
0x166: {  	[spmem:s2] =	stream.indirect.scatter.add.f32 [tilespmem:s30], [sflag:$0x6], $0x80, s23, s29, $0xb8;
	[tilespmem:$0x1FC00] =	vst v63  }
0x167: {  	_ =	swait.ge [sflag:s26], $0x1900  }
0x168: {  	[sflag:s26] =	ssyncset.done $0x0  }
0x169: {  	[sflag:s26] =	ssyncadd.s32 $0xFFFFE700  }
0x16a: {  	_ =	swait.ge [sflag:s13], $0x1900  }
0x16b: {  	[sflag:s13] =	ssyncset.done $0x0  }
0x16c: {  	[sflag:s13] =	ssyncadd.s32 $0xFFFFE700  }
0x16d: {  	[tilespmem:s30], [sflag:$0x1] =	stream.indirect.gather [hbm4b:s1+s29], $0x80, s4, s29, $0xb8;
	[tilespmem:$0x1FC00] =	vst v63  }
0x16e: {  	_ = 	snop  }
0x16f: {  	[spmem:s2] =	stream.indirect.scatter.add.f32 [tilespmem:s0], [sflag:$0x6], $0x80, s24, s29, $0xb8;
	[tilespmem:$0x1FC00] =	vst v63  }
0x170: {  	_ =	swait.ge [sflag:s26], $0x1900  }
0x171: {  	[sflag:s26] =	ssyncset.done $0x0  }
0x172: {  	[sflag:s26] =	ssyncadd.s32 $0xFFFFE700  }
0x173: {  	_ =	swait.ge [sflag:s14], $0x1900  }
0x174: {  	[sflag:s14] =	ssyncset.done $0x0  }
0x175: {  	[sflag:s14] =	ssyncadd.s32 $0xFFFFE700  }
0x176: {  	[tilespmem:s0], [sflag:$0x2] =	stream.indirect.gather [hbm4b:s1+s29], $0x80, s31, s29, $0xb8;
	[tilespmem:$0x1FC00] =	vst v63  }
0x177: {  	_ = 	snop  }
0x178: {  	[spmem:s2] =	stream.indirect.scatter.add.f32 [tilespmem:s8], [sflag:$0x6], $0x80, s25, s29, $0xb8;
	[tilespmem:$0x1FC00] =	vst v63  }
0x179: {  	_ =	swait.ge [sflag:s26], $0x1900  }
0x17a: {  	[sflag:s26] =	ssyncset.done $0x0  }
.Ltmp8:
0x17b: {  	[sflag:s26] =	ssyncadd.s32 $0xFFFFE700;
	(pc) =	sbr.rel .LBB2_10-.Ltmp8, $4  }
0x17c: {  	_ =	swait.ge [sflag:s15], $0x1900  }
0x17d: {  	[sflag:s15] =	ssyncset.done $0x0  }
0x17e: {  	s19 =	simm.s32 $0x4F80;
	[sflag:s15] =	ssyncadd.s32 $0xFFFFE700  }
0x17f: {  	[tilespmem:s8], [sflag:$0x3] =	stream.indirect.gather [hbm4b:s1+s29], $0x80, s3, s29, $0xb8;
	[tilespmem:$0x1FC00] =	vst v63  }
.LBB2_12:
0x180: {  	_ =	sfence.sel $0x180000  }
0x181: {  	[bflag:$0x0] =	sbarrier.arrive $0xFFFF  }
0x182: {  	_ =	strace $0x90000050  }
0x183: {  	s0 =	stileid.u32;
	[bflag:$0x2] =	sbarrier.arrive $0xFFFF  }
0x184: {  	p0 =	sne.s32 s0, $0x0;
	s0 =	rddreg [dreg:$0x3]  }
0x185: {  	s0 =	sadd.s32 @!p0 $0x100000, s0  }
0x186: {  	[sflag:s0] =	ssyncadd.tile.s32 @!p0 $0x1;
	_ =	shalt  }
.Lfunc_end2:
_tile_overlayer_lowered:
.L_overlay_start_2:
0x187: {  	(tag) =	ssettag $0x2  }
0x188: {  	s0 =	rddreg [dreg:$0x0];
	s2 =	stileid.u32  }
0x189: {  	s1 =	rddreg [dreg:$0x1];
	p0 =	sne.s32 s2, $0x0  }
0x18a: {  	s3 =	rddreg [dreg:$0x2];
	[bflag:$0x3] =	sbarrier.arrive $0xFFFF;
	s2 =	simm.s32 @!p0 $0x1C06  }
0x18b: {  	[timem:s3], [sflag:s2] =	dma.local @!p0 [hbm:s0], s1  }
0x18c: {  	s0 =	simm.s32 @!p0 $0x6  }
0x18d: {  	_ =	swait.ge @!p0 [sflag:s0], s1  }
0x18e: {  	s1 =	ssub.s32 @!p0 $0x0, s1;
	[sflag:s0] =	ssyncset.done @!p0 $0x0  }
0x18f: {  	[sflag:s0] =	ssyncadd.s32 @!p0 s1  }
0x190: {  	[bflag:$0x3] =	sbarrier.arrive $0xFFFF  }
0x191: {  	_ =	shalt  }

</sc_bundles>
